<compile_context>
chip_gen: v7x
topology: tpu7x:2x2x1
jax: 0.10.2.dev20260603
libtpu: 0.0.44.dev20260713+nightly
codegen_flags: <defaults>
</compile_context>

<pallas_src>
import functools

import jax
import jax.numpy as jnp
from jax import lax
from jax.experimental import pallas as pl
from jax.experimental.pallas import tpu as pltpu
import jax.experimental.pallas.tpu_sc as plsc

N = 10000
NP = 10240
DF = 128
HID = 64
H1 = 8
NCLS = 40
R = 512
GRID = NP // R

T1W = 80
T2W = 48
T2R = 48
ADW = 16

NC = 2
NS = 16
CH = 128
KK = 1
ROWS_PER_TILE = NP // NS
ZR = 64


def _tc1_body(x_ref, w1_ref, am_ref, bm_ref, th_ref, ta_ref, ad_ref, m_ref):
    i = pl.program_id(0)
    h = jnp.dot(x_ref[...], w1_ref[...], preferred_element_type=jnp.float32)
    asrc = jnp.dot(h, am_ref[...], preferred_element_type=jnp.float32)
    adst = jnp.dot(h, bm_ref[...], preferred_element_type=jnp.float32)
    th_ref[...] = h.astype(jnp.bfloat16)
    ta_ref[...] = jnp.concatenate([asrc, asrc], axis=1)
    ad_ref[...] = jnp.concatenate([adst, adst], axis=1)
    bm = jnp.concatenate(
        [jnp.max(asrc, axis=0, keepdims=True),
         jnp.max(adst, axis=0, keepdims=True)], axis=1)

    @pl.when(i == 0)
    def _():
        m_ref[...] = bm

    @pl.when(i > 0)
    def _():
        m_ref[...] = jnp.maximum(m_ref[...], bm)


def _tc1(x_pad, w1, am, bm):
    return pl.pallas_call(
        _tc1_body,
        grid=(GRID,),
        in_specs=[
            pl.BlockSpec((R, DF), lambda i: (i, 0)),
            pl.BlockSpec((DF, HID), lambda i: (0, 0)),
            pl.BlockSpec((HID, H1), lambda i: (0, 0)),
            pl.BlockSpec((HID, H1), lambda i: (0, 0)),
        ],
        out_specs=[
            pl.BlockSpec((R, HID), lambda i: (i, 0)),
            pl.BlockSpec((R, ADW), lambda i: (i, 0)),
            pl.BlockSpec((R, ADW), lambda i: (i, 0)),
            pl.BlockSpec((1, 16), lambda i: (0, 0)),
        ],
        out_shape=[
            jax.ShapeDtypeStruct((NP, HID), jnp.bfloat16),
            jax.ShapeDtypeStruct((NP, ADW), jnp.float32),
            jax.ShapeDtypeStruct((NP, ADW), jnp.float32),
            jax.ShapeDtypeStruct((1, 16), jnp.float32),
        ],
    )(x_pad, w1, am, bm)


def _tc2_body(acc_ref, b1_ref, g1_ref, be1_ref, w2_ref, as2_ref, ad2_ref,
              sel_ref, t2_ref, ad_ref, m_ref):
    i = pl.program_id(0)
    p = acc_ref[0] + acc_ref[1]
    num = p[:, :HID]
    den = p[:, HID:HID + H1]
    rinv = 1.0 / (den + 1e-16)
    rexp = jnp.dot(rinv, sel_ref[...], preferred_element_type=jnp.float32)
    h = num * rexp + b1_ref[...]
    mu = jnp.mean(h, axis=1, keepdims=True)
    var = jnp.mean((h - mu) ** 2, axis=1, keepdims=True)
    hn = (h - mu) * lax.rsqrt(var + 1e-5) * g1_ref[...] + be1_ref[...]
    he = jnp.where(hn > 0, hn, jnp.exp(hn) - 1.0)
    h2 = jnp.dot(he, w2_ref[...], preferred_element_type=jnp.float32)
    s2 = jnp.dot(h2, as2_ref[...], preferred_element_type=jnp.float32)
    d2 = jnp.dot(h2, ad2_ref[...], preferred_element_type=jnp.float32)
    t2_ref[...] = jnp.concatenate([h2, s2[:, :8]], axis=1)
    ad_ref[...] = d2
    bm = jnp.concatenate(
        [jnp.max(s2[:, :8], axis=0, keepdims=True),
         jnp.max(d2[:, :8], axis=0, keepdims=True)], axis=1)

    @pl.when(i == 0)
    def _():
        m_ref[...] = bm

    @pl.when(i > 0)
    def _():
        m_ref[...] = jnp.maximum(m_ref[...], bm)


def _tc2(pacc, b1, g1, be1, w2, as2t, ad2t, sel):
    return pl.pallas_call(
        _tc2_body,
        grid=(GRID,),
        in_specs=[
            pl.BlockSpec((NC, R, T1W), lambda i: (0, i, 0)),
            pl.BlockSpec((1, HID), lambda i: (0, 0)),
            pl.BlockSpec((1, HID), lambda i: (0, 0)),
            pl.BlockSpec((1, HID), lambda i: (0, 0)),
            pl.BlockSpec((HID, NCLS), lambda i: (0, 0)),
            pl.BlockSpec((NCLS, 16), lambda i: (0, 0)),
            pl.BlockSpec((NCLS, 16), lambda i: (0, 0)),
            pl.BlockSpec((H1, HID), lambda i: (0, 0)),
        ],
        out_specs=[
            pl.BlockSpec((R, T2R), lambda i: (i, 0)),
            pl.BlockSpec((R, ADW), lambda i: (i, 0)),
            pl.BlockSpec((1, 16), lambda i: (0, 0)),
        ],
        out_shape=[
            jax.ShapeDtypeStruct((NP, T2R), jnp.float32),
            jax.ShapeDtypeStruct((NP, ADW), jnp.float32),
            jax.ShapeDtypeStruct((1, 16), jnp.float32),
        ],
    )(pacc, b1, g1, be1, w2, as2t, ad2t, sel)


def _tc3_body(acc_ref, b2_ref, g2_ref, be2_ref, out_ref):
    p = acc_ref[0] + acc_ref[1]
    num = p[:, :NCLS]
    den = p[:, NCLS:NCLS + 1]
    o = num * (1.0 / (den + 1e-16)) + b2_ref[...]
    mu = jnp.mean(o, axis=1, keepdims=True)
    var = jnp.mean((o - mu) ** 2, axis=1, keepdims=True)
    out_ref[...] = (o - mu) * lax.rsqrt(var + 1e-5) * g2_ref[...] + be2_ref[...]


def _tc3(pacc, b2, g2, be2):
    return pl.pallas_call(
        _tc3_body,
        grid=(GRID,),
        in_specs=[
            pl.BlockSpec((NC, R, T2W), lambda i: (0, i, 0)),
            pl.BlockSpec((1, NCLS), lambda i: (0, 0)),
            pl.BlockSpec((1, NCLS), lambda i: (0, 0)),
            pl.BlockSpec((1, NCLS), lambda i: (0, 0)),
        ],
        out_specs=pl.BlockSpec((R, NCLS), lambda i: (i, 0)),
        out_shape=jax.ShapeDtypeStruct((NP, NCLS), jnp.float32),
    )(pacc, b2, g2, be2)


def _zero_acc(acc, zbuf, sid, width):
    def zrow(r, _):
        for c in range(width // 16):
            zbuf[r, pl.ds(16 * c, 16)] = jnp.zeros((16,), jnp.float32)
        return 0

    lax.fori_loop(0, ZR, zrow, 0)
    base = sid * ROWS_PER_TILE
    for k in range(ROWS_PER_TILE // ZR):
        pltpu.sync_copy(zbuf, acc.at[pl.ds(base + k * ZR, ZR)])


def _writeback(acc, out, cid, sid):
    base = sid * ROWS_PER_TILE
    pltpu.sync_copy(acc.at[pl.ds(base, ROWS_PER_TILE)],
                    out.at[cid, pl.ds(base, ROWS_PER_TILE)])


def _sc_mesh():
    return plsc.VectorSubcoreMesh(core_axis_name="c", subcore_axis_name="s")


def _sc_pipeline(nb, rowbase, src2d, dst2d, src_gathers, dst_gathers, acc,
                 idxs_all, idxd_all, contrib, semg, semsc,
                 compute_chunk):
    pltpu.sync_copy(src2d.at[pl.ds(rowbase, nb)], idxs_all)
    pltpu.sync_copy(dst2d.at[pl.ds(rowbase, nb)], idxd_all)

    def issue_gather(j, b):
        for kk in range(KK):
            for tab, buf in src_gathers:
                pltpu.async_copy(tab.at[idxs_all.at[KK * j + kk]],
                                 buf.at[b, pl.ds(kk * CH, CH)], semg.at[b])
            for tab, buf in dst_gathers:
                pltpu.async_copy(tab.at[idxd_all.at[KK * j + kk]],
                                 buf.at[b, pl.ds(kk * CH, CH)], semg.at[b])

    def wait_gather(j, b):
        for kk in range(KK):
            for tab, buf in src_gathers:
                pltpu.make_async_copy(tab.at[idxs_all.at[KK * j + kk]],
                                      buf.at[b, pl.ds(kk * CH, CH)],
                                      semg.at[b]).wait()
            for tab, buf in dst_gathers:
                pltpu.make_async_copy(tab.at[idxd_all.at[KK * j + kk]],
                                      buf.at[b, pl.ds(kk * CH, CH)],
                                      semg.at[b]).wait()

    def issue_scatter(j, b):
        for kk in range(KK):
            pltpu.async_copy(contrib.at[b, pl.ds(kk * CH, CH)],
                             acc.at[idxd_all.at[KK * j + kk]], semsc.at[b],
                             add=True)

    def wait_scatter(j, b):
        for kk in range(KK):
            pltpu.make_async_copy(contrib.at[b, pl.ds(kk * CH, CH)],
                                  acc.at[idxd_all.at[KK * j + kk]],
                                  semsc.at[b]).wait()

    nsteps = nb // KK
    issue_gather(0, 0)
    npairs = nsteps // 2

    def body(k, _):
        a = 2 * k
        issue_gather(a + 1, 1)

        @pl.when(k > 0)
        def _():
            wait_scatter(a - 2, 0)

        wait_gather(a, 0)
        compute_chunk(0)
        issue_scatter(a, 0)

        @pl.when(a + 2 < nsteps)
        def _():
            issue_gather(a + 2, 0)

        @pl.when(k > 0)
        def _():
            wait_scatter(a - 1, 1)

        wait_gather(a + 1, 1)
        compute_chunk(1)
        issue_scatter(a + 1, 1)
        return 0

    lax.fori_loop(0, npairs, body, 0)
    last = 2 * npairs
    if nsteps % 2 == 1:
        wait_scatter(last - 2, 0)
        wait_gather(last, 0)
        compute_chunk(0)
        issue_scatter(last, 0)
        wait_scatter(last - 1, 1)
        wait_scatter(last, 0)
    else:
        wait_scatter(last - 2, 0)
        wait_scatter(last - 1, 1)


def _make_sc1(ep):
    per_tile = ep // (NC * NS)
    nb = per_tile // CH

    @functools.partial(
        pl.kernel,
        out_type=jax.ShapeDtypeStruct((NC, NP, T1W), jnp.float32),
        mesh=_sc_mesh(),
        compiler_params=pltpu.CompilerParams(
            needs_layout_passes=False, use_tc_tiling_on_sc=False),
        scratch_types=[
            pltpu.VMEM_SHARED((NP, T1W), jnp.float32),
            pltpu.VMEM((nb, CH), jnp.int32),
            pltpu.VMEM((nb, CH), jnp.int32),
            pltpu.VMEM((2, KK * CH, HID), jnp.bfloat16),
            pltpu.VMEM((2, KK * CH, ADW), jnp.float32),
            pltpu.VMEM((2, KK * CH, ADW), jnp.float32),
            pltpu.VMEM((2, KK * CH, T1W), jnp.float32),
            pltpu.VMEM((16,), jnp.float32),
            pltpu.VMEM((ZR, T1W), jnp.float32),
            pltpu.SemaphoreType.DMA((2,)),
            pltpu.SemaphoreType.DMA((2,)),
        ],
    )
    def sc1(src_hbm, dst_hbm, th_hbm, ta_hbm, ad_hbm, m_hbm, out_hbm,
            acc, idxs_all, idxd_all, rowsh, rowsa, adst, contrib, mv, zbuf,
            semg, semsc):
        cid = lax.axis_index("c")
        sid = lax.axis_index("s")
        _zero_acc(acc, zbuf, sid, T1W)

        pltpu.sync_copy(m_hbm, mv)
        io = lax.iota(jnp.int32, 16)
        hio = jnp.where(io < 8, io, io - 8)
        ca = plsc.load_gather(mv, [hio])
        cb = plsc.load_gather(mv, [hio + 8])
        z0 = ca + cb
        cvec = jnp.where(z0 > 0, z0, z0 * 0.2)

        plsc.subcore_barrier()

        def compute_chunk(b):
            @plsc.parallel_loop(0, KK * CH, 1, unroll=8)
            def _(e):
                za = rowsa[b, e, pl.ds(0, 16)]
                zb = adst[b, e, pl.ds(0, 16)]
                z = za + zb
                lr = jnp.where(z > 0, z, z * 0.2)
                w = jnp.exp(lr - cvec)
                contrib[b, e, pl.ds(HID, 16)] = w
                for g in range(2):
                    hpk = rowsh[b, e, pl.ds(32 * g, 32)]
                    ha, hb = plsc.unpack(
                        hpk, format=plsc.PackFormat.INTERLEAVED)
                    contrib[b, e, pl.ds(32 * g, 16)] = ha * w
                    contrib[b, e, pl.ds(32 * g + 16, 16)] = hb * w

        rowbase = cid * (ep // NC // CH) + sid * nb
        _sc_pipeline(nb, rowbase, src_hbm, dst_hbm,
                     [(th_hbm, rowsh), (ta_hbm, rowsa)], [(ad_hbm, adst)],
                     acc, idxs_all, idxd_all, contrib, semg, semsc,
                     compute_chunk)
        plsc.subcore_barrier()
        _writeback(acc, out_hbm, cid, sid)

    return sc1


def _make_sc2(ep):
    per_tile = ep // (NC * NS)
    nb = per_tile // CH

    @functools.partial(
        pl.kernel,
        out_type=jax.ShapeDtypeStruct((NC, NP, T2W), jnp.float32),
        mesh=_sc_mesh(),
        compiler_params=pltpu.CompilerParams(
            needs_layout_passes=False, use_tc_tiling_on_sc=False),
        scratch_types=[
            pltpu.VMEM_SHARED((NP, T2W), jnp.float32),
            pltpu.VMEM((nb, CH), jnp.int32),
            pltpu.VMEM((nb, CH), jnp.int32),
            pltpu.VMEM((2, KK * CH, T2R), jnp.float32),
            pltpu.VMEM((2, KK * CH, ADW), jnp.float32),
            pltpu.VMEM((2, KK * CH, T2W), jnp.float32),
            pltpu.VMEM((16,), jnp.float32),
            pltpu.VMEM((KK * CH, 16), jnp.float32),
            pltpu.VMEM((ZR, T2W), jnp.float32),
            pltpu.SemaphoreType.DMA((2,)),
            pltpu.SemaphoreType.DMA((2,)),
        ],
    )
    def sc2(src_hbm, dst_hbm, t2_hbm, ad_hbm, m_hbm, out_hbm,
            acc, idxs_all, idxd_all, rows, adst, contrib, mv, wtmp, zbuf,
            semg, semsc):
        cid = lax.axis_index("c")
        sid = lax.axis_index("s")
        _zero_acc(acc, zbuf, sid, T2W)

        pltpu.sync_copy(m_hbm, mv)
        io = lax.iota(jnp.int32, 16)
        ms = plsc.load_gather(mv, [jnp.zeros((16,), jnp.int32)])
        md = plsc.load_gather(mv, [jnp.full((16,), 8, jnp.int32)])
        z0 = ms + md
        cvec = jnp.where(z0 > 0, z0, z0 * 0.2)

        plsc.subcore_barrier()

        def compute_chunk(b):
            @plsc.parallel_loop(0, KK * CH, 1, unroll=8)
            def _(e):
                za = rows[b, e, pl.ds(32, 16)]
                zb = adst[b, e, pl.ds(0, 16)]
                z = za + zb
                lr = jnp.where(z > 0, z, z * 0.2)
                w0 = jnp.exp(lr - cvec)
                wtmp[e, pl.ds(0, 16)] = w0
                w = plsc.load_gather(wtmp.at[e],
                                     [jnp.full((16,), 8, jnp.int32)])
                contrib[b, e, pl.ds(0, 16)] = rows[b, e, pl.ds(0, 16)] * w
                contrib[b, e, pl.ds(16, 16)] = rows[b, e, pl.ds(16, 16)] * w
                v2 = jnp.where(io < 8, rows[b, e, pl.ds(32, 16)] * w, w)
                contrib[b, e, pl.ds(32, 16)] = v2

        rowbase = cid * (ep // NC // CH) + sid * nb
        _sc_pipeline(nb, rowbase, src_hbm, dst_hbm,
                     [(t2_hbm, rows)], [(ad_hbm, adst)],
                     acc, idxs_all, idxd_all, contrib, semg, semsc,
                     compute_chunk)
        plsc.subcore_barrier()
        _writeback(acc, out_hbm, cid, sid)

    return sc2


def kernel(x, edge_index, W1, att_src1, att_dst1, bias1, gamma1, beta1,
           W2, att_src2, att_dst2, bias2, gamma2, beta2):
    n, e = x.shape[0], edge_index.shape[1]
    loop = jnp.arange(n, dtype=edge_index.dtype)
    src = jnp.concatenate([edge_index[0], loop])
    dst = jnp.concatenate([edge_index[1], loop])
    el = e + n
    unit = NC * NS * CH * KK
    ep = ((el + unit - 1) // unit) * unit
    pad = jnp.full((ep - el,), NP - 1, edge_index.dtype)
    srcp = jnp.concatenate([src, pad]).reshape(-1, CH)
    dstp = jnp.concatenate([dst, pad]).reshape(-1, CH)

    x_pad = jnp.pad(x, ((0, NP - n), (0, 0)))

    q = jnp.arange(HID)
    cq = (q % H1) * 8 + q // H1
    r = q % 32
    pos = (q // 32) * 32 + jnp.where(r % 2 == 0, r // 2, 16 + r // 2)
    pcol = cq[pos]
    selp = ((q % H1)[:, None] ==
            jnp.arange(H1)[None, :]).astype(jnp.float32)
    selk = ((pcol // 8)[:, None] ==
            jnp.arange(H1)[None, :]).astype(jnp.float32)
    w1p = W1[:, pcol]
    am = att_src1.reshape(HID)[pcol][:, None] * selk
    bm = att_dst1.reshape(HID)[pcol][:, None] * selk
    selp8 = selp.T
    as2t = jnp.tile(att_src2.reshape(NCLS, 1), (1, 16))
    ad2t = jnp.tile(att_dst2.reshape(NCLS, 1), (1, 16))

    t1h, t1a, ad1, m1 = _tc1(x_pad, w1p, am, bm)
    pacc1 = _make_sc1(ep)(srcp, dstp, t1h, t1a, ad1, m1.reshape(16))
    t2, ad2, m2 = _tc2(pacc1, bias1[cq].reshape(1, HID),
                       gamma1[cq].reshape(1, HID),
                       beta1[cq].reshape(1, HID), W2[cq, :], as2t, ad2t,
                       selp8)
    pacc2 = _make_sc2(ep)(srcp, dstp, t2, ad2, m2.reshape(16))
    out = _tc3(pacc2, bias2.reshape(1, NCLS), gamma2.reshape(1, NCLS),
               beta2.reshape(1, NCLS))
    return out[:N]

# --- scband reference (transcript-rebuilt; emitter-appended) ---
"""Pipeline reference for scband-gat-8057358648126 (READ-ONLY COPY).

The authoritative reference and input builder live on the scoring server;
editing this copy changes nothing except your own understanding.
"""

import jax, jax.numpy as jnp
import numpy as np

N = 10000
E = 320000
D_FEAT = 128
N_HID = 8
N_HEAD = 8
N_CLASS = 40
N_HEAD_LAST = 1


def layer_norm(x, g, b, eps=1e-5):
    mu = x.mean(-1, keepdims=True)
    var = ((x - mu) ** 2).mean(-1, keepdims=True)
    return (x - mu) / jnp.sqrt(var + eps) * g + b


def gat_conv(x, src, dst, W, att_src, att_dst, bias, heads, out_ch, concat):
    n = x.shape[0]
    loop = jnp.arange(n, dtype=src.dtype)
    src = jnp.concatenate([src, loop])
    dst = jnp.concatenate([dst, loop])
    h = (x @ W).reshape(n, heads, out_ch)
    a_src = (h * att_src).sum(-1)
    a_dst = (h * att_dst).sum(-1)
    e = jax.nn.leaky_relu(a_src[src] + a_dst[dst], 0.2)
    emax = jax.lax.stop_gradient(jax.ops.segment_max(e, dst, num_segments=n))
    ex = jnp.exp(e - emax[dst])
    denom = jax.ops.segment_sum(ex, dst, num_segments=n)
    alpha = ex / (denom[dst] + 1e-16)
    out = jax.ops.segment_sum(h[src] * alpha[:, :, None], dst, num_segments=n)
    if concat:
        out = out.reshape(n, heads * out_ch)
    else:
        out = out.mean(axis=1)
    return out + bias


def setup_inputs(seed: int = 0):
    key = jax.random.key(seed)
    ks = jax.random.split(key, 14)
    hid = N_HEAD * N_HID
    return {
        "x": jax.random.normal(ks[0], (N, D_FEAT), jnp.float32),
        "edge_index": jax.random.randint(ks[1], (2, E), 0, N, dtype=jnp.int32),
        "W1": jax.random.normal(ks[2], (D_FEAT, hid), jnp.float32) * 0.1,
        "att_src1": jax.random.normal(ks[3], (N_HEAD, N_HID), jnp.float32) * 0.1,
        "att_dst1": jax.random.normal(ks[4], (N_HEAD, N_HID), jnp.float32) * 0.1,
        "bias1": jnp.zeros((hid,), jnp.float32),
        "gamma1": jnp.ones((hid,), jnp.float32),
        "beta1": jnp.zeros((hid,), jnp.float32),
        "W2": jax.random.normal(ks[5], (hid, N_HEAD_LAST * N_CLASS), jnp.float32) * 0.1,
        "att_src2": jax.random.normal(ks[6], (N_HEAD_LAST, N_CLASS), jnp.float32) * 0.1,
        "att_dst2": jax.random.normal(ks[7], (N_HEAD_LAST, N_CLASS), jnp.float32) * 0.1,
        "bias2": jnp.zeros((N_CLASS,), jnp.float32),
        "gamma2": jnp.ones((N_CLASS,), jnp.float32),
        "beta2": jnp.zeros((N_CLASS,), jnp.float32),
    }


def reference(x, edge_index, W1, att_src1, att_dst1, bias1, gamma1, beta1, W2, att_src2, att_dst2, bias2, gamma2, beta2):
    # Transductive GAT, num_layer=2, eval mode (dropout inactive)
    src, dst = edge_index[0], edge_index[1]
    h = gat_conv(x, src, dst, W1, att_src1, att_dst1, bias1, N_HEAD, N_HID, True)
    h = layer_norm(h, gamma1, beta1)
    h = jax.nn.elu(h)
    h = gat_conv(h, src, dst, W2, att_src2, att_dst2, bias2, N_HEAD_LAST, N_CLASS, False)
    h = layer_norm(h, gamma2, beta2)
    return h

if __name__ == "__main__":
    import jax
    _d = setup_inputs()
    print(jax.jit(kernel)(*tuple(_d.values())))

</pallas_src>

<mosaic_0001>
#map = affine_map<(d0, d1) -> (0, 0)>
#map1 = affine_map<(d0, d1) -> (0)>
#map2 = affine_map<(d0, d1) -> (0, 0, 0)>
module attributes {stable_mosaic.version = 14 : i64} {
  func.func @sc1(%arg0: i32, %arg1: i32, %arg2: memref<2592x128xi32, #tpu.memory_space<hbm>>, %arg3: memref<2592x128xi32, #tpu.memory_space<hbm>>, %arg4: memref<10240x64xbf16, #tpu.memory_space<hbm>>, %arg5: memref<10240x16xf32, #tpu.memory_space<hbm>>, %arg6: memref<10240x16xf32, #tpu.memory_space<hbm>>, %arg7: memref<16xf32, #tpu.memory_space<hbm>>, %arg8: memref<2x10240x80xf32, #tpu.memory_space<hbm>>, %arg9: memref<10240x80xf32, #tpu.memory_space<vmem_shared>>, %arg10: memref<81x128xi32, #tpu.memory_space<vmem>>, %arg11: memref<81x128xi32, #tpu.memory_space<vmem>>, %arg12: memref<2x128x64xbf16, #tpu.memory_space<vmem>>, %arg13: memref<2x128x16xf32, #tpu.memory_space<vmem>>, %arg14: memref<2x128x16xf32, #tpu.memory_space<vmem>>, %arg15: memref<2x128x80xf32, #tpu.memory_space<vmem>>, %arg16: memref<16xf32, #tpu.memory_space<vmem>>, %arg17: memref<64x80xf32, #tpu.memory_space<vmem>>, %arg18: memref<2x!tpu.dma_semaphore, #tpu.memory_space<semaphore_mem>>, %arg19: memref<2x!tpu.dma_semaphore, #tpu.memory_space<semaphore_mem>>) attributes {dimension_semantics = [#tpu.dimension_semantics<core_parallel>, #tpu.dimension_semantics<subcore_parallel>], iteration_bounds = array<i64: 2, 16>, scalar_prefetch = 0 : i64, scratch_operands = 11 : i64, tpu.core_type = #tpu.core_type<sc_vector_subcore>, window_params = [{transform_indices = #map}, {transform_indices = #map}, {transform_indices = #map}, {transform_indices = #map}, {transform_indices = #map}, {transform_indices = #map1}, {transform_indices = #map2}]} {
    %scan3A = arith.constant 0 : i32
    %scan3A_0 = arith.constant 0 : i32
    %scan3A_1 = arith.constant 64 : i32
    %scan3A_2 = arith.addi %scan3A_0, %scan3A_1 : i32
    %scan3A_3 = arith.constant 1 : i32
    %scan3A_4 = scf.for %scan3A_206 = %scan3A_0 to %scan3A_2 step %scan3A_3 iter_args(%scan3A_207 = %scan3A) -> (i32)  : i32 {
      %broadcast_in_dim3A = arith.constant 0.000000e+00 : f32
      %broadcast_in_dim3A_208 = vector.broadcast %broadcast_in_dim3A : f32 to vector<16xf32>
      %swap3A = arith.index_cast %scan3A_206 : i32 to index
      %swap3A_209 = arith.constant 0 : index
      %swap3A_210 = tpu.vector_load %arg17[%swap3A, %swap3A_209] {strides = array<i32>} : memref<64x80xf32, #tpu.memory_space<vmem>>, vector<16xf32>,
      tpu.vector_store %arg17[%swap3A, %swap3A_209], %broadcast_in_dim3A_208 {strides = array<i32>} : memref<64x80xf32, #tpu.memory_space<vmem>>, vector<16xf32>,
      %broadcast_in_dim3A_211 = arith.constant 0.000000e+00 : f32
      %broadcast_in_dim3A_212 = vector.broadcast %broadcast_in_dim3A_211 : f32 to vector<16xf32>
      %swap3A_213 = arith.index_cast %scan3A_206 : i32 to index
      %swap3A_214 = arith.constant 16 : index
      %swap3A_215 = tpu.vector_load %arg17[%swap3A_213, %swap3A_214] {strides = array<i32>} : memref<64x80xf32, #tpu.memory_space<vmem>>, vector<16xf32>,
      tpu.vector_store %arg17[%swap3A_213, %swap3A_214], %broadcast_in_dim3A_212 {strides = array<i32>} : memref<64x80xf32, #tpu.memory_space<vmem>>, vector<16xf32>,
      %broadcast_in_dim3A_216 = arith.constant 0.000000e+00 : f32
      %broadcast_in_dim3A_217 = vector.broadcast %broadcast_in_dim3A_216 : f32 to vector<16xf32>
      %swap3A_218 = arith.index_cast %scan3A_206 : i32 to index
      %swap3A_219 = arith.constant 32 : index
      %swap3A_220 = tpu.vector_load %arg17[%swap3A_218, %swap3A_219] {strides = array<i32>} : memref<64x80xf32, #tpu.memory_space<vmem>>, vector<16xf32>,
      tpu.vector_store %arg17[%swap3A_218, %swap3A_219], %broadcast_in_dim3A_217 {strides = array<i32>} : memref<64x80xf32, #tpu.memory_space<vmem>>, vector<16xf32>,
      %broadcast_in_dim3A_221 = arith.constant 0.000000e+00 : f32
      %broadcast_in_dim3A_222 = vector.broadcast %broadcast_in_dim3A_221 : f32 to vector<16xf32>
      %swap3A_223 = arith.index_cast %scan3A_206 : i32 to index
      %swap3A_224 = arith.constant 48 : index
      %swap3A_225 = tpu.vector_load %arg17[%swap3A_223, %swap3A_224] {strides = array<i32>} : memref<64x80xf32, #tpu.memory_space<vmem>>, vector<16xf32>,
      tpu.vector_store %arg17[%swap3A_223, %swap3A_224], %broadcast_in_dim3A_222 {strides = array<i32>} : memref<64x80xf32, #tpu.memory_space<vmem>>, vector<16xf32>,
      %broadcast_in_dim3A_226 = arith.constant 0.000000e+00 : f32
      %broadcast_in_dim3A_227 = vector.broadcast %broadcast_in_dim3A_226 : f32 to vector<16xf32>
      %swap3A_228 = arith.index_cast %scan3A_206 : i32 to index
      %swap3A_229 = arith.constant 64 : index
      %swap3A_230 = tpu.vector_load %arg17[%swap3A_228, %swap3A_229] {strides = array<i32>} : memref<64x80xf32, #tpu.memory_space<vmem>>, vector<16xf32>,
      tpu.vector_store %arg17[%swap3A_228, %swap3A_229], %broadcast_in_dim3A_227 {strides = array<i32>} : memref<64x80xf32, #tpu.memory_space<vmem>>, vector<16xf32>,
      %scan3A_231 = arith.constant 0 : i32
      scf.yield %scan3A_231 : i32
    }
    %scan3A_5 = arith.constant 64 : i32
    %mul3A = arith.constant 640 : i32
    %mul3A_6 = arith.muli %arg1, %mul3A : i32
    %add3A = arith.constant 0 : i32
    %add3A_7 = arith.addi %mul3A_6, %add3A : i32
    "tpu.region"() ({
      %run_scoped3A = tpu.sem_alloc : memref<!tpu.dma_semaphore, #tpu.memory_space<semaphore_mem>>
      %dma_start3A_206 = arith.constant 0 : i32
      %dma_start3A_207 = tpu.memref_slice %arg9[%add3A_7, %dma_start3A_206] : memref<10240x80xf32, #tpu.memory_space<vmem_shared>> -> memref<64x80xf32, #tpu.memory_space<vmem_shared>>
      %dma_start3A_208 = arith.constant 0 : i32
      %dma_start3A_209 = tpu.memref_slice %arg9[%add3A_7, %dma_start3A_208] : memref<10240x80xf32, #tpu.memory_space<vmem_shared>> -> memref<64x80xf32, #tpu.memory_space<vmem_shared>>
      tpu.enqueue_dma source(%arg17 : memref<64x80xf32, #tpu.memory_space<vmem>>) target(%dma_start3A_209 : memref<64x80xf32, #tpu.memory_space<vmem_shared>>) target_semaphore(%run_scoped3A : memref<!tpu.dma_semaphore, #tpu.memory_space<semaphore_mem>>)
      %dma_wait3A_210 = arith.constant 0 : i32
      %dma_wait3A_211 = tpu.memref_slice %arg9[%add3A_7, %dma_wait3A_210] : memref<10240x80xf32, #tpu.memory_space<vmem_shared>> -> memref<64x80xf32, #tpu.memory_space<vmem_shared>>
      %dma_wait3A_212 = arith.constant 0 : i32
      %dma_wait3A_213 = tpu.memref_slice %arg9[%add3A_7, %dma_wait3A_212] : memref<10240x80xf32, #tpu.memory_space<vmem_shared>> -> memref<64x80xf32, #tpu.memory_space<vmem_shared>>
      tpu.wait_dma2 semaphore(%run_scoped3A : memref<!tpu.dma_semaphore, #tpu.memory_space<semaphore_mem>>) src(%arg17 : memref<64x80xf32, #tpu.memory_space<vmem>>) dst(%dma_wait3A_213 : memref<64x80xf32, #tpu.memory_space<vmem_shared>>)
      tpu.yield
    }) : () -> ()
    %add3A_8 = arith.constant 64 : i32
    %add3A_9 = arith.addi %mul3A_6, %add3A_8 : i32
    "tpu.region"() ({
      %run_scoped3A = tpu.sem_alloc : memref<!tpu.dma_semaphore, #tpu.memory_space<semaphore_mem>>
      %dma_start3A_206 = arith.constant 0 : i32
      %dma_start3A_207 = tpu.memref_slice %arg9[%add3A_9, %dma_start3A_206] : memref<10240x80xf32, #tpu.memory_space<vmem_shared>> -> memref<64x80xf32, #tpu.memory_space<vmem_shared>>
      %dma_start3A_208 = arith.constant 0 : i32
      %dma_start3A_209 = tpu.memref_slice %arg9[%add3A_9, %dma_start3A_208] : memref<10240x80xf32, #tpu.memory_space<vmem_shared>> -> memref<64x80xf32, #tpu.memory_space<vmem_shared>>
      tpu.enqueue_dma source(%arg17 : memref<64x80xf32, #tpu.memory_space<vmem>>) target(%dma_start3A_209 : memref<64x80xf32, #tpu.memory_space<vmem_shared>>) target_semaphore(%run_scoped3A : memref<!tpu.dma_semaphore, #tpu.memory_space<semaphore_mem>>)
      %dma_wait3A_210 = arith.constant 0 : i32
      %dma_wait3A_211 = tpu.memref_slice %arg9[%add3A_9, %dma_wait3A_210] : memref<10240x80xf32, #tpu.memory_space<vmem_shared>> -> memref<64x80xf32, #tpu.memory_space<vmem_shared>>
      %dma_wait3A_212 = arith.constant 0 : i32
      %dma_wait3A_213 = tpu.memref_slice %arg9[%add3A_9, %dma_wait3A_212] : memref<10240x80xf32, #tpu.memory_space<vmem_shared>> -> memref<64x80xf32, #tpu.memory_space<vmem_shared>>
      tpu.wait_dma2 semaphore(%run_scoped3A : memref<!tpu.dma_semaphore, #tpu.memory_space<semaphore_mem>>) src(%arg17 : memref<64x80xf32, #tpu.memory_space<vmem>>) dst(%dma_wait3A_213 : memref<64x80xf32, #tpu.memory_space<vmem_shared>>)
      tpu.yield
    }) : () -> ()
    %add3A_10 = arith.constant 128 : i32
    %add3A_11 = arith.addi %mul3A_6, %add3A_10 : i32
    "tpu.region"() ({
      %run_scoped3A = tpu.sem_alloc : memref<!tpu.dma_semaphore, #tpu.memory_space<semaphore_mem>>
      %dma_start3A_206 = arith.constant 0 : i32
      %dma_start3A_207 = tpu.memref_slice %arg9[%add3A_11, %dma_start3A_206] : memref<10240x80xf32, #tpu.memory_space<vmem_shared>> -> memref<64x80xf32, #tpu.memory_space<vmem_shared>>
      %dma_start3A_208 = arith.constant 0 : i32
      %dma_start3A_209 = tpu.memref_slice %arg9[%add3A_11, %dma_start3A_208] : memref<10240x80xf32, #tpu.memory_space<vmem_shared>> -> memref<64x80xf32, #tpu.memory_space<vmem_shared>>
      tpu.enqueue_dma source(%arg17 : memref<64x80xf32, #tpu.memory_space<vmem>>) target(%dma_start3A_209 : memref<64x80xf32, #tpu.memory_space<vmem_shared>>) target_semaphore(%run_scoped3A : memref<!tpu.dma_semaphore, #tpu.memory_space<semaphore_mem>>)
      %dma_wait3A_210 = arith.constant 0 : i32
      %dma_wait3A_211 = tpu.memref_slice %arg9[%add3A_11, %dma_wait3A_210] : memref<10240x80xf32, #tpu.memory_space<vmem_shared>> -> memref<64x80xf32, #tpu.memory_space<vmem_shared>>
      %dma_wait3A_212 = arith.constant 0 : i32
      %dma_wait3A_213 = tpu.memref_slice %arg9[%add3A_11, %dma_wait3A_212] : memref<10240x80xf32, #tpu.memory_space<vmem_shared>> -> memref<64x80xf32, #tpu.memory_space<vmem_shared>>
      tpu.wait_dma2 semaphore(%run_scoped3A : memref<!tpu.dma_semaphore, #tpu.memory_space<semaphore_mem>>) src(%arg17 : memref<64x80xf32, #tpu.memory_space<vmem>>) dst(%dma_wait3A_213 : memref<64x80xf32, #tpu.memory_space<vmem_shared>>)
      tpu.yield
    }) : () -> ()
    %add3A_12 = arith.constant 192 : i32
    %add3A_13 = arith.addi %mul3A_6, %add3A_12 : i32
    "tpu.region"() ({
      %run_scoped3A = tpu.sem_alloc : memref<!tpu.dma_semaphore, #tpu.memory_space<semaphore_mem>>
      %dma_start3A_206 = arith.constant 0 : i32
      %dma_start3A_207 = tpu.memref_slice %arg9[%add3A_13, %dma_start3A_206] : memref<10240x80xf32, #tpu.memory_space<vmem_shared>> -> memref<64x80xf32, #tpu.memory_space<vmem_shared>>
      %dma_start3A_208 = arith.constant 0 : i32
      %dma_start3A_209 = tpu.memref_slice %arg9[%add3A_13, %dma_start3A_208] : memref<10240x80xf32, #tpu.memory_space<vmem_shared>> -> memref<64x80xf32, #tpu.memory_space<vmem_shared>>
      tpu.enqueue_dma source(%arg17 : memref<64x80xf32, #tpu.memory_space<vmem>>) target(%dma_start3A_209 : memref<64x80xf32, #tpu.memory_space<vmem_shared>>) target_semaphore(%run_scoped3A : memref<!tpu.dma_semaphore, #tpu.memory_space<semaphore_mem>>)
      %dma_wait3A_210 = arith.constant 0 : i32
      %dma_wait3A_211 = tpu.memref_slice %arg9[%add3A_13, %dma_wait3A_210] : memref<10240x80xf32, #tpu.memory_space<vmem_shared>> -> memref<64x80xf32, #tpu.memory_space<vmem_shared>>
      %dma_wait3A_212 = arith.constant 0 : i32
      %dma_wait3A_213 = tpu.memref_slice %arg9[%add3A_13, %dma_wait3A_212] : memref<10240x80xf32, #tpu.memory_space<vmem_shared>> -> memref<64x80xf32, #tpu.memory_space<vmem_shared>>
      tpu.wait_dma2 semaphore(%run_scoped3A : memref<!tpu.dma_semaphore, #tpu.memory_space<semaphore_mem>>) src(%arg17 : memref<64x80xf32, #tpu.memory_space<vmem>>) dst(%dma_wait3A_213 : memref<64x80xf32, #tpu.memory_space<vmem_shared>>)
      tpu.yield
    }) : () -> ()
    %add3A_14 = arith.constant 256 : i32
    %add3A_15 = arith.addi %mul3A_6, %add3A_14 : i32
    "tpu.region"() ({
      %run_scoped3A = tpu.sem_alloc : memref<!tpu.dma_semaphore, #tpu.memory_space<semaphore_mem>>
      %dma_start3A_206 = arith.constant 0 : i32
      %dma_start3A_207 = tpu.memref_slice %arg9[%add3A_15, %dma_start3A_206] : memref<10240x80xf32, #tpu.memory_space<vmem_shared>> -> memref<64x80xf32, #tpu.memory_space<vmem_shared>>
      %dma_start3A_208 = arith.constant 0 : i32
      %dma_start3A_209 = tpu.memref_slice %arg9[%add3A_15, %dma_start3A_208] : memref<10240x80xf32, #tpu.memory_space<vmem_shared>> -> memref<64x80xf32, #tpu.memory_space<vmem_shared>>
      tpu.enqueue_dma source(%arg17 : memref<64x80xf32, #tpu.memory_space<vmem>>) target(%dma_start3A_209 : memref<64x80xf32, #tpu.memory_space<vmem_shared>>) target_semaphore(%run_scoped3A : memref<!tpu.dma_semaphore, #tpu.memory_space<semaphore_mem>>)
      %dma_wait3A_210 = arith.constant 0 : i32
      %dma_wait3A_211 = tpu.memref_slice %arg9[%add3A_15, %dma_wait3A_210] : memref<10240x80xf32, #tpu.memory_space<vmem_shared>> -> memref<64x80xf32, #tpu.memory_space<vmem_shared>>
      %dma_wait3A_212 = arith.constant 0 : i32
      %dma_wait3A_213 = tpu.memref_slice %arg9[%add3A_15, %dma_wait3A_212] : memref<10240x80xf32, #tpu.memory_space<vmem_shared>> -> memref<64x80xf32, #tpu.memory_space<vmem_shared>>
      tpu.wait_dma2 semaphore(%run_scoped3A : memref<!tpu.dma_semaphore, #tpu.memory_space<semaphore_mem>>) src(%arg17 : memref<64x80xf32, #tpu.memory_space<vmem>>) dst(%dma_wait3A_213 : memref<64x80xf32, #tpu.memory_space<vmem_shared>>)
      tpu.yield
    }) : () -> ()
    %add3A_16 = arith.constant 320 : i32
    %add3A_17 = arith.addi %mul3A_6, %add3A_16 : i32
    "tpu.region"() ({
      %run_scoped3A = tpu.sem_alloc : memref<!tpu.dma_semaphore, #tpu.memory_space<semaphore_mem>>
      %dma_start3A_206 = arith.constant 0 : i32
      %dma_start3A_207 = tpu.memref_slice %arg9[%add3A_17, %dma_start3A_206] : memref<10240x80xf32, #tpu.memory_space<vmem_shared>> -> memref<64x80xf32, #tpu.memory_space<vmem_shared>>
      %dma_start3A_208 = arith.constant 0 : i32
      %dma_start3A_209 = tpu.memref_slice %arg9[%add3A_17, %dma_start3A_208] : memref<10240x80xf32, #tpu.memory_space<vmem_shared>> -> memref<64x80xf32, #tpu.memory_space<vmem_shared>>
      tpu.enqueue_dma source(%arg17 : memref<64x80xf32, #tpu.memory_space<vmem>>) target(%dma_start3A_209 : memref<64x80xf32, #tpu.memory_space<vmem_shared>>) target_semaphore(%run_scoped3A : memref<!tpu.dma_semaphore, #tpu.memory_space<semaphore_mem>>)
      %dma_wait3A_210 = arith.constant 0 : i32
      %dma_wait3A_211 = tpu.memref_slice %arg9[%add3A_17, %dma_wait3A_210] : memref<10240x80xf32, #tpu.memory_space<vmem_shared>> -> memref<64x80xf32, #tpu.memory_space<vmem_shared>>
      %dma_wait3A_212 = arith.constant 0 : i32
      %dma_wait3A_213 = tpu.memref_slice %arg9[%add3A_17, %dma_wait3A_212] : memref<10240x80xf32, #tpu.memory_space<vmem_shared>> -> memref<64x80xf32, #tpu.memory_space<vmem_shared>>
      tpu.wait_dma2 semaphore(%run_scoped3A : memref<!tpu.dma_semaphore, #tpu.memory_space<semaphore_mem>>) src(%arg17 : memref<64x80xf32, #tpu.memory_space<vmem>>) dst(%dma_wait3A_213 : memref<64x80xf32, #tpu.memory_space<vmem_shared>>)
      tpu.yield
    }) : () -> ()
    %add3A_18 = arith.constant 384 : i32
    %add3A_19 = arith.addi %mul3A_6, %add3A_18 : i32
    "tpu.region"() ({
      %run_scoped3A = tpu.sem_alloc : memref<!tpu.dma_semaphore, #tpu.memory_space<semaphore_mem>>
      %dma_start3A_206 = arith.constant 0 : i32
      %dma_start3A_207 = tpu.memref_slice %arg9[%add3A_19, %dma_start3A_206] : memref<10240x80xf32, #tpu.memory_space<vmem_shared>> -> memref<64x80xf32, #tpu.memory_space<vmem_shared>>
      %dma_start3A_208 = arith.constant 0 : i32
      %dma_start3A_209 = tpu.memref_slice %arg9[%add3A_19, %dma_start3A_208] : memref<10240x80xf32, #tpu.memory_space<vmem_shared>> -> memref<64x80xf32, #tpu.memory_space<vmem_shared>>
      tpu.enqueue_dma source(%arg17 : memref<64x80xf32, #tpu.memory_space<vmem>>) target(%dma_start3A_209 : memref<64x80xf32, #tpu.memory_space<vmem_shared>>) target_semaphore(%run_scoped3A : memref<!tpu.dma_semaphore, #tpu.memory_space<semaphore_mem>>)
      %dma_wait3A_210 = arith.constant 0 : i32
      %dma_wait3A_211 = tpu.memref_slice %arg9[%add3A_19, %dma_wait3A_210] : memref<10240x80xf32, #tpu.memory_space<vmem_shared>> -> memref<64x80xf32, #tpu.memory_space<vmem_shared>>
      %dma_wait3A_212 = arith.constant 0 : i32
      %dma_wait3A_213 = tpu.memref_slice %arg9[%add3A_19, %dma_wait3A_212] : memref<10240x80xf32, #tpu.memory_space<vmem_shared>> -> memref<64x80xf32, #tpu.memory_space<vmem_shared>>
      tpu.wait_dma2 semaphore(%run_scoped3A : memref<!tpu.dma_semaphore, #tpu.memory_space<semaphore_mem>>) src(%arg17 : memref<64x80xf32, #tpu.memory_space<vmem>>) dst(%dma_wait3A_213 : memref<64x80xf32, #tpu.memory_space<vmem_shared>>)
      tpu.yield
    }) : () -> ()
    %add3A_20 = arith.constant 448 : i32
    %add3A_21 = arith.addi %mul3A_6, %add3A_20 : i32
    "tpu.region"() ({
      %run_scoped3A = tpu.sem_alloc : memref<!tpu.dma_semaphore, #tpu.memory_space<semaphore_mem>>
      %dma_start3A_206 = arith.constant 0 : i32
      %dma_start3A_207 = tpu.memref_slice %arg9[%add3A_21, %dma_start3A_206] : memref<10240x80xf32, #tpu.memory_space<vmem_shared>> -> memref<64x80xf32, #tpu.memory_space<vmem_shared>>
      %dma_start3A_208 = arith.constant 0 : i32
      %dma_start3A_209 = tpu.memref_slice %arg9[%add3A_21, %dma_start3A_208] : memref<10240x80xf32, #tpu.memory_space<vmem_shared>> -> memref<64x80xf32, #tpu.memory_space<vmem_shared>>
      tpu.enqueue_dma source(%arg17 : memref<64x80xf32, #tpu.memory_space<vmem>>) target(%dma_start3A_209 : memref<64x80xf32, #tpu.memory_space<vmem_shared>>) target_semaphore(%run_scoped3A : memref<!tpu.dma_semaphore, #tpu.memory_space<semaphore_mem>>)
      %dma_wait3A_210 = arith.constant 0 : i32
      %dma_wait3A_211 = tpu.memref_slice %arg9[%add3A_21, %dma_wait3A_210] : memref<10240x80xf32, #tpu.memory_space<vmem_shared>> -> memref<64x80xf32, #tpu.memory_space<vmem_shared>>
      %dma_wait3A_212 = arith.constant 0 : i32
      %dma_wait3A_213 = tpu.memref_slice %arg9[%add3A_21, %dma_wait3A_212] : memref<10240x80xf32, #tpu.memory_space<vmem_shared>> -> memref<64x80xf32, #tpu.memory_space<vmem_shared>>
      tpu.wait_dma2 semaphore(%run_scoped3A : memref<!tpu.dma_semaphore, #tpu.memory_space<semaphore_mem>>) src(%arg17 : memref<64x80xf32, #tpu.memory_space<vmem>>) dst(%dma_wait3A_213 : memref<64x80xf32, #tpu.memory_space<vmem_shared>>)
      tpu.yield
    }) : () -> ()
    %add3A_22 = arith.constant 512 : i32
    %add3A_23 = arith.addi %mul3A_6, %add3A_22 : i32
    "tpu.region"() ({
      %run_scoped3A = tpu.sem_alloc : memref<!tpu.dma_semaphore, #tpu.memory_space<semaphore_mem>>
      %dma_start3A_206 = arith.constant 0 : i32
      %dma_start3A_207 = tpu.memref_slice %arg9[%add3A_23, %dma_start3A_206] : memref<10240x80xf32, #tpu.memory_space<vmem_shared>> -> memref<64x80xf32, #tpu.memory_space<vmem_shared>>
      %dma_start3A_208 = arith.constant 0 : i32
      %dma_start3A_209 = tpu.memref_slice %arg9[%add3A_23, %dma_start3A_208] : memref<10240x80xf32, #tpu.memory_space<vmem_shared>> -> memref<64x80xf32, #tpu.memory_space<vmem_shared>>
      tpu.enqueue_dma source(%arg17 : memref<64x80xf32, #tpu.memory_space<vmem>>) target(%dma_start3A_209 : memref<64x80xf32, #tpu.memory_space<vmem_shared>>) target_semaphore(%run_scoped3A : memref<!tpu.dma_semaphore, #tpu.memory_space<semaphore_mem>>)
      %dma_wait3A_210 = arith.constant 0 : i32
      %dma_wait3A_211 = tpu.memref_slice %arg9[%add3A_23, %dma_wait3A_210] : memref<10240x80xf32, #tpu.memory_space<vmem_shared>> -> memref<64x80xf32, #tpu.memory_space<vmem_shared>>
      %dma_wait3A_212 = arith.constant 0 : i32
      %dma_wait3A_213 = tpu.memref_slice %arg9[%add3A_23, %dma_wait3A_212] : memref<10240x80xf32, #tpu.memory_space<vmem_shared>> -> memref<64x80xf32, #tpu.memory_space<vmem_shared>>
      tpu.wait_dma2 semaphore(%run_scoped3A : memref<!tpu.dma_semaphore, #tpu.memory_space<semaphore_mem>>) src(%arg17 : memref<64x80xf32, #tpu.memory_space<vmem>>) dst(%dma_wait3A_213 : memref<64x80xf32, #tpu.memory_space<vmem_shared>>)
      tpu.yield
    }) : () -> ()
    %add3A_24 = arith.constant 576 : i32
    %add3A_25 = arith.addi %mul3A_6, %add3A_24 : i32
    "tpu.region"() ({
      %run_scoped3A = tpu.sem_alloc : memref<!tpu.dma_semaphore, #tpu.memory_space<semaphore_mem>>
      %dma_start3A_206 = arith.constant 0 : i32
      %dma_start3A_207 = tpu.memref_slice %arg9[%add3A_25, %dma_start3A_206] : memref<10240x80xf32, #tpu.memory_space<vmem_shared>> -> memref<64x80xf32, #tpu.memory_space<vmem_shared>>
      %dma_start3A_208 = arith.constant 0 : i32
      %dma_start3A_209 = tpu.memref_slice %arg9[%add3A_25, %dma_start3A_208] : memref<10240x80xf32, #tpu.memory_space<vmem_shared>> -> memref<64x80xf32, #tpu.memory_space<vmem_shared>>
      tpu.enqueue_dma source(%arg17 : memref<64x80xf32, #tpu.memory_space<vmem>>) target(%dma_start3A_209 : memref<64x80xf32, #tpu.memory_space<vmem_shared>>) target_semaphore(%run_scoped3A : memref<!tpu.dma_semaphore, #tpu.memory_space<semaphore_mem>>)
      %dma_wait3A_210 = arith.constant 0 : i32
      %dma_wait3A_211 = tpu.memref_slice %arg9[%add3A_25, %dma_wait3A_210] : memref<10240x80xf32, #tpu.memory_space<vmem_shared>> -> memref<64x80xf32, #tpu.memory_space<vmem_shared>>
      %dma_wait3A_212 = arith.constant 0 : i32
      %dma_wait3A_213 = tpu.memref_slice %arg9[%add3A_25, %dma_wait3A_212] : memref<10240x80xf32, #tpu.memory_space<vmem_shared>> -> memref<64x80xf32, #tpu.memory_space<vmem_shared>>
      tpu.wait_dma2 semaphore(%run_scoped3A : memref<!tpu.dma_semaphore, #tpu.memory_space<semaphore_mem>>) src(%arg17 : memref<64x80xf32, #tpu.memory_space<vmem>>) dst(%dma_wait3A_213 : memref<64x80xf32, #tpu.memory_space<vmem_shared>>)
      tpu.yield
    }) : () -> ()
    "tpu.region"() ({
      %run_scoped3A = tpu.sem_alloc : memref<!tpu.dma_semaphore, #tpu.memory_space<semaphore_mem>>
      tpu.enqueue_dma source(%arg7 : memref<16xf32, #tpu.memory_space<hbm>>) target(%arg16 : memref<16xf32, #tpu.memory_space<vmem>>) target_semaphore(%run_scoped3A : memref<!tpu.dma_semaphore, #tpu.memory_space<semaphore_mem>>)
      tpu.wait_dma2 semaphore(%run_scoped3A : memref<!tpu.dma_semaphore, #tpu.memory_space<semaphore_mem>>) src(%arg7 : memref<16xf32, #tpu.memory_space<hbm>>) dst(%arg16 : memref<16xf32, #tpu.memory_space<vmem>>)
      tpu.yield
    }) : () -> ()
    %iota3A = tpu.iota {dimensions = array<i32: 0>} : vector<16xi32>
    %lt3A = arith.constant 8 : i32
    %lt3A_26 = vector.broadcast %lt3A : i32 to vector<16xi32>
    %lt3A_27 = arith.cmpi slt, %iota3A, %lt3A_26 : vector<16xi32>
    %sub3A = arith.constant 8 : i32
    %sub3A_28 = vector.broadcast %sub3A : i32 to vector<16xi32>
    %sub3A_29 = arith.subi %iota3A, %sub3A_28 : vector<16xi32>
    %select_n3A = arith.select %lt3A_27, %iota3A, %sub3A_29 : vector<16xi1>, vector<16xi32>
    %gather3A = tpu.vector_load_idx %arg16[%select_n3A] : memref<16xf32, #tpu.memory_space<vmem>>[vector<16xi32>], vector<16xf32>,
    %add3A_30 = arith.constant 8 : i32
    %add3A_31 = vector.broadcast %add3A_30 : i32 to vector<16xi32>
    %add3A_32 = arith.addi %select_n3A, %add3A_31 : vector<16xi32>
    %gather3A_33 = tpu.vector_load_idx %arg16[%add3A_32] : memref<16xf32, #tpu.memory_space<vmem>>[vector<16xi32>], vector<16xf32>,
    %add3A_34 = arith.addf %gather3A, %gather3A_33 : vector<16xf32>
    %gt3A = arith.constant 0.000000e+00 : f32
    %gt3A_35 = vector.broadcast %gt3A : f32 to vector<16xf32>
    %gt3A_36 = arith.cmpf ogt, %add3A_34, %gt3A_35 : vector<16xf32>
    %mul3A_37 = arith.constant 2.000000e-01 : f32
    %mul3A_38 = vector.broadcast %mul3A_37 : f32 to vector<16xf32>
    %mul3A_39 = arith.mulf %add3A_34, %mul3A_38 : vector<16xf32>
    %select_n3A_40 = arith.select %gt3A_36, %add3A_34, %mul3A_39 : vector<16xi1>, vector<16xf32>
    %barrier3A = arith.constant 0 : index
    tpu.barrier barrier_id(%barrier3A)
    %mul3A_41 = arith.constant 1296 : i32
    %mul3A_42 = arith.muli %arg0, %mul3A_41 : i32
    %mul3A_43 = arith.constant 81 : i32
    %mul3A_44 = arith.muli %arg1, %mul3A_43 : i32
    %add3A_45 = arith.addi %mul3A_42, %mul3A_44 : i32
    "tpu.region"() ({
      %run_scoped3A = tpu.sem_alloc : memref<!tpu.dma_semaphore, #tpu.memory_space<semaphore_mem>>
      %dma_start3A_206 = arith.constant 0 : i32
      %dma_start3A_207 = tpu.memref_slice %arg2[%add3A_45, %dma_start3A_206] : memref<2592x128xi32, #tpu.memory_space<hbm>> -> memref<81x128xi32, #tpu.memory_space<hbm>>
      %dma_start3A_208 = arith.constant 0 : i32
      %dma_start3A_209 = tpu.memref_slice %arg2[%add3A_45, %dma_start3A_208] : memref<2592x128xi32, #tpu.memory_space<hbm>> -> memref<81x128xi32, #tpu.memory_space<hbm>>
      tpu.enqueue_dma source(%dma_start3A_209 : memref<81x128xi32, #tpu.memory_space<hbm>>) target(%arg10 : memref<81x128xi32, #tpu.memory_space<vmem>>) target_semaphore(%run_scoped3A : memref<!tpu.dma_semaphore, #tpu.memory_space<semaphore_mem>>)
      %dma_wait3A_210 = arith.constant 0 : i32
      %dma_wait3A_211 = tpu.memref_slice %arg2[%add3A_45, %dma_wait3A_210] : memref<2592x128xi32, #tpu.memory_space<hbm>> -> memref<81x128xi32, #tpu.memory_space<hbm>>
      %dma_wait3A_212 = arith.constant 0 : i32
      %dma_wait3A_213 = tpu.memref_slice %arg2[%add3A_45, %dma_wait3A_212] : memref<2592x128xi32, #tpu.memory_space<hbm>> -> memref<81x128xi32, #tpu.memory_space<hbm>>
      tpu.wait_dma2 semaphore(%run_scoped3A : memref<!tpu.dma_semaphore, #tpu.memory_space<semaphore_mem>>) src(%dma_wait3A_213 : memref<81x128xi32, #tpu.memory_space<hbm>>) dst(%arg10 : memref<81x128xi32, #tpu.memory_space<vmem>>)
      tpu.yield
    }) : () -> ()
    "tpu.region"() ({
      %run_scoped3A = tpu.sem_alloc : memref<!tpu.dma_semaphore, #tpu.memory_space<semaphore_mem>>
      %dma_start3A_206 = arith.constant 0 : i32
      %dma_start3A_207 = tpu.memref_slice %arg3[%add3A_45, %dma_start3A_206] : memref<2592x128xi32, #tpu.memory_space<hbm>> -> memref<81x128xi32, #tpu.memory_space<hbm>>
      %dma_start3A_208 = arith.constant 0 : i32
      %dma_start3A_209 = tpu.memref_slice %arg3[%add3A_45, %dma_start3A_208] : memref<2592x128xi32, #tpu.memory_space<hbm>> -> memref<81x128xi32, #tpu.memory_space<hbm>>
      tpu.enqueue_dma source(%dma_start3A_209 : memref<81x128xi32, #tpu.memory_space<hbm>>) target(%arg11 : memref<81x128xi32, #tpu.memory_space<vmem>>) target_semaphore(%run_scoped3A : memref<!tpu.dma_semaphore, #tpu.memory_space<semaphore_mem>>)
      %dma_wait3A_210 = arith.constant 0 : i32
      %dma_wait3A_211 = tpu.memref_slice %arg3[%add3A_45, %dma_wait3A_210] : memref<2592x128xi32, #tpu.memory_space<hbm>> -> memref<81x128xi32, #tpu.memory_space<hbm>>
      %dma_wait3A_212 = arith.constant 0 : i32
      %dma_wait3A_213 = tpu.memref_slice %arg3[%add3A_45, %dma_wait3A_212] : memref<2592x128xi32, #tpu.memory_space<hbm>> -> memref<81x128xi32, #tpu.memory_space<hbm>>
      tpu.wait_dma2 semaphore(%run_scoped3A : memref<!tpu.dma_semaphore, #tpu.memory_space<semaphore_mem>>) src(%dma_wait3A_213 : memref<81x128xi32, #tpu.memory_space<hbm>>) dst(%arg11 : memref<81x128xi32, #tpu.memory_space<vmem>>)
      tpu.yield
    }) : () -> ()
    %dma_start3A = arith.constant 0 : i32
    %dma_start3A_46 = arith.constant 0 : i32
    %dma_start3A_47 = arith.constant 0 : i32
    %dma_start3A_48 = arith.constant 0 : i32
    %dma_start3A_49 = arith.constant 0 : i32
    %dma_start3A_50 = tpu.memref_slice %arg12[%dma_start3A_46, %dma_start3A_48, %dma_start3A_49] : memref<2x128x64xbf16, #tpu.memory_space<vmem>> -> memref<1x128x64xbf16, #tpu.memory_space<vmem>>
    %dma_start3A_51 = tpu.memref_squeeze %dma_start3A_50 : memref<1x128x64xbf16, #tpu.memory_space<vmem>> -> memref<128x64xbf16, #tpu.memory_space<vmem>>
    %dma_start3A_52 = arith.constant 0 : i32
    %dma_start3A_53 = tpu.memref_slice %arg10[%dma_start3A, %dma_start3A_52] : memref<81x128xi32, #tpu.memory_space<vmem>> -> memref<1x128xi32, #tpu.memory_space<vmem>>
    %dma_start3A_54 = tpu.memref_squeeze %dma_start3A_53 : memref<1x128xi32, #tpu.memory_space<vmem>> -> memref<128xi32, #tpu.memory_space<vmem>>
    %dma_start3A_55 = arith.constant 0 : i32
    %dma_start3A_56 = arith.constant 0 : i32
    %dma_start3A_57 = tpu.memref_slice %arg4[%dma_start3A_55, %dma_start3A_56] : memref<10240x64xbf16, #tpu.memory_space<hbm>> -> memref<10240x64xbf16, #tpu.memory_space<hbm>>
    %dma_start3A_58 = tpu.memref_slice %arg18[%dma_start3A_47] : memref<2x!tpu.dma_semaphore, #tpu.memory_space<semaphore_mem>> -> memref<1x!tpu.dma_semaphore, #tpu.memory_space<semaphore_mem>>
    %dma_start3A_59 = tpu.memref_squeeze %dma_start3A_58 : memref<1x!tpu.dma_semaphore, #tpu.memory_space<semaphore_mem>> -> memref<!tpu.dma_semaphore, #tpu.memory_space<semaphore_mem>>
    tpu.enqueue_indirect_dma source(%dma_start3A_57 : memref<10240x64xbf16, #tpu.memory_space<hbm>>) target(%dma_start3A_51 : memref<128x64xbf16, #tpu.memory_space<vmem>>) offsets(%dma_start3A_54 : memref<128xi32, #tpu.memory_space<vmem>>) semaphore(%dma_start3A_59 : memref<!tpu.dma_semaphore, #tpu.memory_space<semaphore_mem>>)
    %dma_start3A_60 = arith.constant 0 : i32
    %dma_start3A_61 = arith.constant 0 : i32
    %dma_start3A_62 = arith.constant 0 : i32
    %dma_start3A_63 = arith.constant 0 : i32
    %dma_start3A_64 = arith.constant 0 : i32
    %dma_start3A_65 = tpu.memref_slice %arg13[%dma_start3A_61, %dma_start3A_63, %dma_start3A_64] : memref<2x128x16xf32, #tpu.memory_space<vmem>> -> memref<1x128x16xf32, #tpu.memory_space<vmem>>
    %dma_start3A_66 = tpu.memref_squeeze %dma_start3A_65 : memref<1x128x16xf32, #tpu.memory_space<vmem>> -> memref<128x16xf32, #tpu.memory_space<vmem>>
    %dma_start3A_67 = arith.constant 0 : i32
    %dma_start3A_68 = tpu.memref_slice %arg10[%dma_start3A_60, %dma_start3A_67] : memref<81x128xi32, #tpu.memory_space<vmem>> -> memref<1x128xi32, #tpu.memory_space<vmem>>
    %dma_start3A_69 = tpu.memref_squeeze %dma_start3A_68 : memref<1x128xi32, #tpu.memory_space<vmem>> -> memref<128xi32, #tpu.memory_space<vmem>>
    %dma_start3A_70 = arith.constant 0 : i32
    %dma_start3A_71 = arith.constant 0 : i32
    %dma_start3A_72 = tpu.memref_slice %arg5[%dma_start3A_70, %dma_start3A_71] : memref<10240x16xf32, #tpu.memory_space<hbm>> -> memref<10240x16xf32, #tpu.memory_space<hbm>>
    %dma_start3A_73 = tpu.memref_slice %arg18[%dma_start3A_62] : memref<2x!tpu.dma_semaphore, #tpu.memory_space<semaphore_mem>> -> memref<1x!tpu.dma_semaphore, #tpu.memory_space<semaphore_mem>>
    %dma_start3A_74 = tpu.memref_squeeze %dma_start3A_73 : memref<1x!tpu.dma_semaphore, #tpu.memory_space<semaphore_mem>> -> memref<!tpu.dma_semaphore, #tpu.memory_space<semaphore_mem>>
    tpu.enqueue_indirect_dma source(%dma_start3A_72 : memref<10240x16xf32, #tpu.memory_space<hbm>>) target(%dma_start3A_66 : memref<128x16xf32, #tpu.memory_space<vmem>>) offsets(%dma_start3A_69 : memref<128xi32, #tpu.memory_space<vmem>>) semaphore(%dma_start3A_74 : memref<!tpu.dma_semaphore, #tpu.memory_space<semaphore_mem>>)
    %dma_start3A_75 = arith.constant 0 : i32
    %dma_start3A_76 = arith.constant 0 : i32
    %dma_start3A_77 = arith.constant 0 : i32
    %dma_start3A_78 = arith.constant 0 : i32
    %dma_start3A_79 = arith.constant 0 : i32
    %dma_start3A_80 = tpu.memref_slice %arg14[%dma_start3A_76, %dma_start3A_78, %dma_start3A_79] : memref<2x128x16xf32, #tpu.memory_space<vmem>> -> memref<1x128x16xf32, #tpu.memory_space<vmem>>
    %dma_start3A_81 = tpu.memref_squeeze %dma_start3A_80 : memref<1x128x16xf32, #tpu.memory_space<vmem>> -> memref<128x16xf32, #tpu.memory_space<vmem>>
    %dma_start3A_82 = arith.constant 0 : i32
    %dma_start3A_83 = tpu.memref_slice %arg11[%dma_start3A_75, %dma_start3A_82] : memref<81x128xi32, #tpu.memory_space<vmem>> -> memref<1x128xi32, #tpu.memory_space<vmem>>
    %dma_start3A_84 = tpu.memref_squeeze %dma_start3A_83 : memref<1x128xi32, #tpu.memory_space<vmem>> -> memref<128xi32, #tpu.memory_space<vmem>>
    %dma_start3A_85 = arith.constant 0 : i32
    %dma_start3A_86 = arith.constant 0 : i32
    %dma_start3A_87 = tpu.memref_slice %arg6[%dma_start3A_85, %dma_start3A_86] : memref<10240x16xf32, #tpu.memory_space<hbm>> -> memref<10240x16xf32, #tpu.memory_space<hbm>>
    %dma_start3A_88 = tpu.memref_slice %arg18[%dma_start3A_77] : memref<2x!tpu.dma_semaphore, #tpu.memory_space<semaphore_mem>> -> memref<1x!tpu.dma_semaphore, #tpu.memory_space<semaphore_mem>>
    %dma_start3A_89 = tpu.memref_squeeze %dma_start3A_88 : memref<1x!tpu.dma_semaphore, #tpu.memory_space<semaphore_mem>> -> memref<!tpu.dma_semaphore, #tpu.memory_space<semaphore_mem>>
    tpu.enqueue_indirect_dma source(%dma_start3A_87 : memref<10240x16xf32, #tpu.memory_space<hbm>>) target(%dma_start3A_81 : memref<128x16xf32, #tpu.memory_space<vmem>>) offsets(%dma_start3A_84 : memref<128xi32, #tpu.memory_space<vmem>>) semaphore(%dma_start3A_89 : memref<!tpu.dma_semaphore, #tpu.memory_space<semaphore_mem>>)
    %scan3A_90 = arith.constant 0 : i32
    %scan3A_91 = arith.constant 0 : i32
    %scan3A_92 = arith.constant 40 : i32
    %scan3A_93 = arith.addi %scan3A_91, %scan3A_92 : i32
    %scan3A_94 = arith.constant 1 : i32
    %scan3A_95 = scf.for %scan3A_206 = %scan3A_91 to %scan3A_93 step %scan3A_94 iter_args(%scan3A_207 = %scan3A_90) -> (i32)  : i32 {
      %mul3A_208 = arith.constant 2 : i32
      %mul3A_209 = arith.muli %mul3A_208, %scan3A_206 : i32
      %add3A_210 = arith.constant 1 : i32
      %add3A_211 = arith.addi %mul3A_209, %add3A_210 : i32
      %mul3A_212 = arith.constant 1 : i32
      %mul3A_213 = arith.muli %mul3A_212, %add3A_211 : i32
      %add3A_214 = arith.constant 0 : i32
      %add3A_215 = arith.addi %mul3A_213, %add3A_214 : i32
      %dma_start3A_216 = arith.constant 1 : i32
      %dma_start3A_217 = arith.constant 1 : i32
      %dma_start3A_218 = arith.constant 0 : i32
      %dma_start3A_219 = arith.constant 0 : i32
      %dma_start3A_220 = tpu.memref_slice %arg12[%dma_start3A_216, %dma_start3A_218, %dma_start3A_219] : memref<2x128x64xbf16, #tpu.memory_space<vmem>> -> memref<1x128x64xbf16, #tpu.memory_space<vmem>>
      %dma_start3A_221 = tpu.memref_squeeze %dma_start3A_220 : memref<1x128x64xbf16, #tpu.memory_space<vmem>> -> memref<128x64xbf16, #tpu.memory_space<vmem>>
      %dma_start3A_222 = arith.constant 0 : i32
      %dma_start3A_223 = tpu.memref_slice %arg10[%add3A_215, %dma_start3A_222] : memref<81x128xi32, #tpu.memory_space<vmem>> -> memref<1x128xi32, #tpu.memory_space<vmem>>
      %dma_start3A_224 = tpu.memref_squeeze %dma_start3A_223 : memref<1x128xi32, #tpu.memory_space<vmem>> -> memref<128xi32, #tpu.memory_space<vmem>>
      %dma_start3A_225 = arith.constant 0 : i32
      %dma_start3A_226 = arith.constant 0 : i32
      %dma_start3A_227 = tpu.memref_slice %arg4[%dma_start3A_225, %dma_start3A_226] : memref<10240x64xbf16, #tpu.memory_space<hbm>> -> memref<10240x64xbf16, #tpu.memory_space<hbm>>
      %dma_start3A_228 = tpu.memref_slice %arg18[%dma_start3A_217] : memref<2x!tpu.dma_semaphore, #tpu.memory_space<semaphore_mem>> -> memref<1x!tpu.dma_semaphore, #tpu.memory_space<semaphore_mem>>
      %dma_start3A_229 = tpu.memref_squeeze %dma_start3A_228 : memref<1x!tpu.dma_semaphore, #tpu.memory_space<semaphore_mem>> -> memref<!tpu.dma_semaphore, #tpu.memory_space<semaphore_mem>>
      tpu.enqueue_indirect_dma source(%dma_start3A_227 : memref<10240x64xbf16, #tpu.memory_space<hbm>>) target(%dma_start3A_221 : memref<128x64xbf16, #tpu.memory_space<vmem>>) offsets(%dma_start3A_224 : memref<128xi32, #tpu.memory_space<vmem>>) semaphore(%dma_start3A_229 : memref<!tpu.dma_semaphore, #tpu.memory_space<semaphore_mem>>)
      %mul3A_230 = arith.constant 1 : i32
      %mul3A_231 = arith.muli %mul3A_230, %add3A_211 : i32
      %add3A_232 = arith.constant 0 : i32
      %add3A_233 = arith.addi %mul3A_231, %add3A_232 : i32
      %dma_start3A_234 = arith.constant 1 : i32
      %dma_start3A_235 = arith.constant 1 : i32
      %dma_start3A_236 = arith.constant 0 : i32
      %dma_start3A_237 = arith.constant 0 : i32
      %dma_start3A_238 = tpu.memref_slice %arg13[%dma_start3A_234, %dma_start3A_236, %dma_start3A_237] : memref<2x128x16xf32, #tpu.memory_space<vmem>> -> memref<1x128x16xf32, #tpu.memory_space<vmem>>
      %dma_start3A_239 = tpu.memref_squeeze %dma_start3A_238 : memref<1x128x16xf32, #tpu.memory_space<vmem>> -> memref<128x16xf32, #tpu.memory_space<vmem>>
      %dma_start3A_240 = arith.constant 0 : i32
      %dma_start3A_241 = tpu.memref_slice %arg10[%add3A_233, %dma_start3A_240] : memref<81x128xi32, #tpu.memory_space<vmem>> -> memref<1x128xi32, #tpu.memory_space<vmem>>
      %dma_start3A_242 = tpu.memref_squeeze %dma_start3A_241 : memref<1x128xi32, #tpu.memory_space<vmem>> -> memref<128xi32, #tpu.memory_space<vmem>>
      %dma_start3A_243 = arith.constant 0 : i32
      %dma_start3A_244 = arith.constant 0 : i32
      %dma_start3A_245 = tpu.memref_slice %arg5[%dma_start3A_243, %dma_start3A_244] : memref<10240x16xf32, #tpu.memory_space<hbm>> -> memref<10240x16xf32, #tpu.memory_space<hbm>>
      %dma_start3A_246 = tpu.memref_slice %arg18[%dma_start3A_235] : memref<2x!tpu.dma_semaphore, #tpu.memory_space<semaphore_mem>> -> memref<1x!tpu.dma_semaphore, #tpu.memory_space<semaphore_mem>>
      %dma_start3A_247 = tpu.memref_squeeze %dma_start3A_246 : memref<1x!tpu.dma_semaphore, #tpu.memory_space<semaphore_mem>> -> memref<!tpu.dma_semaphore, #tpu.memory_space<semaphore_mem>>
      tpu.enqueue_indirect_dma source(%dma_start3A_245 : memref<10240x16xf32, #tpu.memory_space<hbm>>) target(%dma_start3A_239 : memref<128x16xf32, #tpu.memory_space<vmem>>) offsets(%dma_start3A_242 : memref<128xi32, #tpu.memory_space<vmem>>) semaphore(%dma_start3A_247 : memref<!tpu.dma_semaphore, #tpu.memory_space<semaphore_mem>>)
      %mul3A_248 = arith.constant 1 : i32
      %mul3A_249 = arith.muli %mul3A_248, %add3A_211 : i32
      %add3A_250 = arith.constant 0 : i32
      %add3A_251 = arith.addi %mul3A_249, %add3A_250 : i32
      %dma_start3A_252 = arith.constant 1 : i32
      %dma_start3A_253 = arith.constant 1 : i32
      %dma_start3A_254 = arith.constant 0 : i32
      %dma_start3A_255 = arith.constant 0 : i32
      %dma_start3A_256 = tpu.memref_slice %arg14[%dma_start3A_252, %dma_start3A_254, %dma_start3A_255] : memref<2x128x16xf32, #tpu.memory_space<vmem>> -> memref<1x128x16xf32, #tpu.memory_space<vmem>>
      %dma_start3A_257 = tpu.memref_squeeze %dma_start3A_256 : memref<1x128x16xf32, #tpu.memory_space<vmem>> -> memref<128x16xf32, #tpu.memory_space<vmem>>
      %dma_start3A_258 = arith.constant 0 : i32
      %dma_start3A_259 = tpu.memref_slice %arg11[%add3A_251, %dma_start3A_258] : memref<81x128xi32, #tpu.memory_space<vmem>> -> memref<1x128xi32, #tpu.memory_space<vmem>>
      %dma_start3A_260 = tpu.memref_squeeze %dma_start3A_259 : memref<1x128xi32, #tpu.memory_space<vmem>> -> memref<128xi32, #tpu.memory_space<vmem>>
      %dma_start3A_261 = arith.constant 0 : i32
      %dma_start3A_262 = arith.constant 0 : i32
      %dma_start3A_263 = tpu.memref_slice %arg6[%dma_start3A_261, %dma_start3A_262] : memref<10240x16xf32, #tpu.memory_space<hbm>> -> memref<10240x16xf32, #tpu.memory_space<hbm>>
      %dma_start3A_264 = tpu.memref_slice %arg18[%dma_start3A_253] : memref<2x!tpu.dma_semaphore, #tpu.memory_space<semaphore_mem>> -> memref<1x!tpu.dma_semaphore, #tpu.memory_space<semaphore_mem>>
      %dma_start3A_265 = tpu.memref_squeeze %dma_start3A_264 : memref<1x!tpu.dma_semaphore, #tpu.memory_space<semaphore_mem>> -> memref<!tpu.dma_semaphore, #tpu.memory_space<semaphore_mem>>
      tpu.enqueue_indirect_dma source(%dma_start3A_263 : memref<10240x16xf32, #tpu.memory_space<hbm>>) target(%dma_start3A_257 : memref<128x16xf32, #tpu.memory_space<vmem>>) offsets(%dma_start3A_260 : memref<128xi32, #tpu.memory_space<vmem>>) semaphore(%dma_start3A_265 : memref<!tpu.dma_semaphore, #tpu.memory_space<semaphore_mem>>)
      %gt3A_266 = arith.constant 0 : i32
      %gt3A_267 = arith.cmpi sgt, %scan3A_206, %gt3A_266 : i32
      %convert_element_type3A = arith.extui %gt3A_267 : i1 to i32
      %cond3A = arith.constant 0 : i32
      %cond3A_268 = arith.cmpi ne, %convert_element_type3A, %cond3A : i32
      scf.if %cond3A_268 {
        %sub3A_436 = arith.constant 2 : i32
        %sub3A_437 = arith.subi %mul3A_209, %sub3A_436 : i32
        %mul3A_438 = arith.constant 1 : i32
        %mul3A_439 = arith.muli %mul3A_438, %sub3A_437 : i32
        %add3A_440 = arith.constant 0 : i32
        %add3A_441 = arith.addi %mul3A_439, %add3A_440 : i32
        %dma_wait3A_442 = arith.constant 0 : i32
        %dma_wait3A_443 = arith.constant 0 : i32
        %dma_wait3A_444 = arith.constant 0 : i32
        %dma_wait3A_445 = arith.constant 0 : i32
        %dma_wait3A_446 = tpu.memref_slice %arg15[%dma_wait3A_442, %dma_wait3A_444, %dma_wait3A_445] : memref<2x128x80xf32, #tpu.memory_space<vmem>> -> memref<1x128x80xf32, #tpu.memory_space<vmem>>
        %dma_wait3A_447 = tpu.memref_squeeze %dma_wait3A_446 : memref<1x128x80xf32, #tpu.memory_space<vmem>> -> memref<128x80xf32, #tpu.memory_space<vmem>>
        %dma_wait3A_448 = arith.constant 0 : i32
        %dma_wait3A_449 = tpu.memref_slice %arg11[%add3A_441, %dma_wait3A_448] : memref<81x128xi32, #tpu.memory_space<vmem>> -> memref<1x128xi32, #tpu.memory_space<vmem>>
        %dma_wait3A_450 = tpu.memref_squeeze %dma_wait3A_449 : memref<1x128xi32, #tpu.memory_space<vmem>> -> memref<128xi32, #tpu.memory_space<vmem>>
        %dma_wait3A_451 = arith.constant 0 : i32
        %dma_wait3A_452 = arith.constant 0 : i32
        %dma_wait3A_453 = tpu.memref_slice %arg9[%dma_wait3A_451, %dma_wait3A_452] : memref<10240x80xf32, #tpu.memory_space<vmem_shared>> -> memref<10240x80xf32, #tpu.memory_space<vmem_shared>>
        %dma_wait3A_454 = tpu.memref_slice %arg19[%dma_wait3A_443] : memref<2x!tpu.dma_semaphore, #tpu.memory_space<semaphore_mem>> -> memref<1x!tpu.dma_semaphore, #tpu.memory_space<semaphore_mem>>
        %dma_wait3A_455 = tpu.memref_squeeze %dma_wait3A_454 : memref<1x!tpu.dma_semaphore, #tpu.memory_space<semaphore_mem>> -> memref<!tpu.dma_semaphore, #tpu.memory_space<semaphore_mem>>
        tpu.wait_indirect_dma semaphore(%dma_wait3A_455 : memref<!tpu.dma_semaphore, #tpu.memory_space<semaphore_mem>>) src(%dma_wait3A_447 : memref<128x80xf32, #tpu.memory_space<vmem>>) dst(%dma_wait3A_453 : memref<10240x80xf32, #tpu.memory_space<vmem_shared>>)
      } else {
      }
      %mul3A_269 = arith.constant 1 : i32
      %mul3A_270 = arith.muli %mul3A_269, %mul3A_209 : i32
      %add3A_271 = arith.constant 0 : i32
      %add3A_272 = arith.addi %mul3A_270, %add3A_271 : i32
      %dma_wait3A_273 = arith.constant 0 : i32
      %dma_wait3A_274 = arith.constant 0 : i32
      %dma_wait3A_275 = arith.constant 0 : i32
      %dma_wait3A_276 = arith.constant 0 : i32
      %dma_wait3A_277 = tpu.memref_slice %arg12[%dma_wait3A_273, %dma_wait3A_275, %dma_wait3A_276] : memref<2x128x64xbf16, #tpu.memory_space<vmem>> -> memref<1x128x64xbf16, #tpu.memory_space<vmem>>
      %dma_wait3A_278 = tpu.memref_squeeze %dma_wait3A_277 : memref<1x128x64xbf16, #tpu.memory_space<vmem>> -> memref<128x64xbf16, #tpu.memory_space<vmem>>
      %dma_wait3A_279 = arith.constant 0 : i32
      %dma_wait3A_280 = tpu.memref_slice %arg10[%add3A_272, %dma_wait3A_279] : memref<81x128xi32, #tpu.memory_space<vmem>> -> memref<1x128xi32, #tpu.memory_space<vmem>>
      %dma_wait3A_281 = tpu.memref_squeeze %dma_wait3A_280 : memref<1x128xi32, #tpu.memory_space<vmem>> -> memref<128xi32, #tpu.memory_space<vmem>>
      %dma_wait3A_282 = arith.constant 0 : i32
      %dma_wait3A_283 = arith.constant 0 : i32
      %dma_wait3A_284 = tpu.memref_slice %arg4[%dma_wait3A_282, %dma_wait3A_283] : memref<10240x64xbf16, #tpu.memory_space<hbm>> -> memref<10240x64xbf16, #tpu.memory_space<hbm>>
      %dma_wait3A_285 = tpu.memref_slice %arg18[%dma_wait3A_274] : memref<2x!tpu.dma_semaphore, #tpu.memory_space<semaphore_mem>> -> memref<1x!tpu.dma_semaphore, #tpu.memory_space<semaphore_mem>>
      %dma_wait3A_286 = tpu.memref_squeeze %dma_wait3A_285 : memref<1x!tpu.dma_semaphore, #tpu.memory_space<semaphore_mem>> -> memref<!tpu.dma_semaphore, #tpu.memory_space<semaphore_mem>>
      tpu.wait_indirect_dma semaphore(%dma_wait3A_286 : memref<!tpu.dma_semaphore, #tpu.memory_space<semaphore_mem>>) src(%dma_wait3A_284 : memref<10240x64xbf16, #tpu.memory_space<hbm>>) dst(%dma_wait3A_278 : memref<128x64xbf16, #tpu.memory_space<vmem>>)
      %mul3A_287 = arith.constant 1 : i32
      %mul3A_288 = arith.muli %mul3A_287, %mul3A_209 : i32
      %add3A_289 = arith.constant 0 : i32
      %add3A_290 = arith.addi %mul3A_288, %add3A_289 : i32
      %dma_wait3A_291 = arith.constant 0 : i32
      %dma_wait3A_292 = arith.constant 0 : i32
      %dma_wait3A_293 = arith.constant 0 : i32
      %dma_wait3A_294 = arith.constant 0 : i32
      %dma_wait3A_295 = tpu.memref_slice %arg13[%dma_wait3A_291, %dma_wait3A_293, %dma_wait3A_294] : memref<2x128x16xf32, #tpu.memory_space<vmem>> -> memref<1x128x16xf32, #tpu.memory_space<vmem>>
      %dma_wait3A_296 = tpu.memref_squeeze %dma_wait3A_295 : memref<1x128x16xf32, #tpu.memory_space<vmem>> -> memref<128x16xf32, #tpu.memory_space<vmem>>
      %dma_wait3A_297 = arith.constant 0 : i32
      %dma_wait3A_298 = tpu.memref_slice %arg10[%add3A_290, %dma_wait3A_297] : memref<81x128xi32, #tpu.memory_space<vmem>> -> memref<1x128xi32, #tpu.memory_space<vmem>>
      %dma_wait3A_299 = tpu.memref_squeeze %dma_wait3A_298 : memref<1x128xi32, #tpu.memory_space<vmem>> -> memref<128xi32, #tpu.memory_space<vmem>>
      %dma_wait3A_300 = arith.constant 0 : i32
      %dma_wait3A_301 = arith.constant 0 : i32
      %dma_wait3A_302 = tpu.memref_slice %arg5[%dma_wait3A_300, %dma_wait3A_301] : memref<10240x16xf32, #tpu.memory_space<hbm>> -> memref<10240x16xf32, #tpu.memory_space<hbm>>
      %dma_wait3A_303 = tpu.memref_slice %arg18[%dma_wait3A_292] : memref<2x!tpu.dma_semaphore, #tpu.memory_space<semaphore_mem>> -> memref<1x!tpu.dma_semaphore, #tpu.memory_space<semaphore_mem>>
      %dma_wait3A_304 = tpu.memref_squeeze %dma_wait3A_303 : memref<1x!tpu.dma_semaphore, #tpu.memory_space<semaphore_mem>> -> memref<!tpu.dma_semaphore, #tpu.memory_space<semaphore_mem>>
      tpu.wait_indirect_dma semaphore(%dma_wait3A_304 : memref<!tpu.dma_semaphore, #tpu.memory_space<semaphore_mem>>) src(%dma_wait3A_302 : memref<10240x16xf32, #tpu.memory_space<hbm>>) dst(%dma_wait3A_296 : memref<128x16xf32, #tpu.memory_space<vmem>>)
      %mul3A_305 = arith.constant 1 : i32
      %mul3A_306 = arith.muli %mul3A_305, %mul3A_209 : i32
      %add3A_307 = arith.constant 0 : i32
      %add3A_308 = arith.addi %mul3A_306, %add3A_307 : i32
      %dma_wait3A_309 = arith.constant 0 : i32
      %dma_wait3A_310 = arith.constant 0 : i32
      %dma_wait3A_311 = arith.constant 0 : i32
      %dma_wait3A_312 = arith.constant 0 : i32
      %dma_wait3A_313 = tpu.memref_slice %arg14[%dma_wait3A_309, %dma_wait3A_311, %dma_wait3A_312] : memref<2x128x16xf32, #tpu.memory_space<vmem>> -> memref<1x128x16xf32, #tpu.memory_space<vmem>>
      %dma_wait3A_314 = tpu.memref_squeeze %dma_wait3A_313 : memref<1x128x16xf32, #tpu.memory_space<vmem>> -> memref<128x16xf32, #tpu.memory_space<vmem>>
      %dma_wait3A_315 = arith.constant 0 : i32
      %dma_wait3A_316 = tpu.memref_slice %arg11[%add3A_308, %dma_wait3A_315] : memref<81x128xi32, #tpu.memory_space<vmem>> -> memref<1x128xi32, #tpu.memory_space<vmem>>
      %dma_wait3A_317 = tpu.memref_squeeze %dma_wait3A_316 : memref<1x128xi32, #tpu.memory_space<vmem>> -> memref<128xi32, #tpu.memory_space<vmem>>
      %dma_wait3A_318 = arith.constant 0 : i32
      %dma_wait3A_319 = arith.constant 0 : i32
      %dma_wait3A_320 = tpu.memref_slice %arg6[%dma_wait3A_318, %dma_wait3A_319] : memref<10240x16xf32, #tpu.memory_space<hbm>> -> memref<10240x16xf32, #tpu.memory_space<hbm>>
      %dma_wait3A_321 = tpu.memref_slice %arg18[%dma_wait3A_310] : memref<2x!tpu.dma_semaphore, #tpu.memory_space<semaphore_mem>> -> memref<1x!tpu.dma_semaphore, #tpu.memory_space<semaphore_mem>>
      %dma_wait3A_322 = tpu.memref_squeeze %dma_wait3A_321 : memref<1x!tpu.dma_semaphore, #tpu.memory_space<semaphore_mem>> -> memref<!tpu.dma_semaphore, #tpu.memory_space<semaphore_mem>>
      tpu.wait_indirect_dma semaphore(%dma_wait3A_322 : memref<!tpu.dma_semaphore, #tpu.memory_space<semaphore_mem>>) src(%dma_wait3A_320 : memref<10240x16xf32, #tpu.memory_space<hbm>>) dst(%dma_wait3A_314 : memref<128x16xf32, #tpu.memory_space<vmem>>)
      %parallel_loop3A_323 = arith.constant 0 : i32
      %parallel_loop3A_324 = arith.constant 128 : i32
      %parallel_loop3A_325 = arith.constant 1 : i32
      scf.for %parallel_loop3A_436 = %parallel_loop3A_323 to %parallel_loop3A_324 step %parallel_loop3A_325  : i32 {
        %parallel_loop3A_437 = arith.constant 0 : i32
        %parallel_loop3A_438 = arith.index_cast %parallel_loop3A_437 : i32 to index
        %parallel_loop3A_439 = arith.index_cast %parallel_loop3A_436 : i32 to index
        %parallel_loop3A_440 = arith.constant 0 : index
        %parallel_loop3A_441 = tpu.vector_load %arg13[%parallel_loop3A_438, %parallel_loop3A_439, %parallel_loop3A_440] {strides = array<i32>} : memref<2x128x16xf32, #tpu.memory_space<vmem>>, vector<16xf32>,
        %parallel_loop3A_442 = arith.constant 0 : i32
        %parallel_loop3A_443 = arith.index_cast %parallel_loop3A_442 : i32 to index
        %parallel_loop3A_444 = arith.index_cast %parallel_loop3A_436 : i32 to index
        %parallel_loop3A_445 = arith.constant 0 : index
        %parallel_loop3A_446 = tpu.vector_load %arg14[%parallel_loop3A_443, %parallel_loop3A_444, %parallel_loop3A_445] {strides = array<i32>} : memref<2x128x16xf32, #tpu.memory_space<vmem>>, vector<16xf32>,
        %parallel_loop3A_447 = arith.addf %parallel_loop3A_441, %parallel_loop3A_446 : vector<16xf32>
        %parallel_loop3A_448 = arith.constant 0.000000e+00 : f32
        %parallel_loop3A_449 = vector.broadcast %parallel_loop3A_448 : f32 to vector<16xf32>
        %parallel_loop3A_450 = arith.cmpf ogt, %parallel_loop3A_447, %parallel_loop3A_449 : vector<16xf32>
        %parallel_loop3A_451 = arith.constant 2.000000e-01 : f32
        %parallel_loop3A_452 = vector.broadcast %parallel_loop3A_451 : f32 to vector<16xf32>
        %parallel_loop3A_453 = arith.mulf %parallel_loop3A_447, %parallel_loop3A_452 : vector<16xf32>
        %parallel_loop3A_454 = arith.select %parallel_loop3A_450, %parallel_loop3A_447, %parallel_loop3A_453 : vector<16xi1>, vector<16xf32>
        %parallel_loop3A_455 = arith.subf %parallel_loop3A_454, %select_n3A_40 : vector<16xf32>
        %parallel_loop3A_456 = math.exp %parallel_loop3A_455 : vector<16xf32>
        %parallel_loop3A_457 = arith.constant 0 : i32
        %parallel_loop3A_458 = arith.index_cast %parallel_loop3A_457 : i32 to index
        %parallel_loop3A_459 = arith.index_cast %parallel_loop3A_436 : i32 to index
        %parallel_loop3A_460 = arith.constant 64 : index
        %parallel_loop3A_461 = tpu.vector_load %arg15[%parallel_loop3A_458, %parallel_loop3A_459, %parallel_loop3A_460] {strides = array<i32>} : memref<2x128x80xf32, #tpu.memory_space<vmem>>, vector<16xf32>,
        tpu.vector_store %arg15[%parallel_loop3A_458, %parallel_loop3A_459, %parallel_loop3A_460], %parallel_loop3A_456 {strides = array<i32>} : memref<2x128x80xf32, #tpu.memory_space<vmem>>, vector<16xf32>,
        %parallel_loop3A_462 = arith.constant 0 : i32
        %parallel_loop3A_463 = arith.index_cast %parallel_loop3A_462 : i32 to index
        %parallel_loop3A_464 = arith.index_cast %parallel_loop3A_436 : i32 to index
        %parallel_loop3A_465 = arith.constant 0 : index
        %parallel_loop3A_466 = tpu.vector_load %arg12[%parallel_loop3A_463, %parallel_loop3A_464, %parallel_loop3A_465] {strides = array<i32>} : memref<2x128x64xbf16, #tpu.memory_space<vmem>>, vector<32xbf16>,
        %parallel_loop3A_467 = tpu.unpack_subelements %parallel_loop3A_466, 0 {pack_format = #tpu.pack_format<interleaved>} : vector<32xbf16> -> vector<16xf32>
        %parallel_loop3A_468 = tpu.unpack_subelements %parallel_loop3A_466, 1 {pack_format = #tpu.pack_format<interleaved>} : vector<32xbf16> -> vector<16xf32>
        %parallel_loop3A_469 = arith.mulf %parallel_loop3A_467, %parallel_loop3A_456 : vector<16xf32>
        %parallel_loop3A_470 = arith.constant 0 : i32
        %parallel_loop3A_471 = arith.index_cast %parallel_loop3A_470 : i32 to index
        %parallel_loop3A_472 = arith.index_cast %parallel_loop3A_436 : i32 to index
        %parallel_loop3A_473 = arith.constant 0 : index
        %parallel_loop3A_474 = tpu.vector_load %arg15[%parallel_loop3A_471, %parallel_loop3A_472, %parallel_loop3A_473] {strides = array<i32>} : memref<2x128x80xf32, #tpu.memory_space<vmem>>, vector<16xf32>,
        tpu.vector_store %arg15[%parallel_loop3A_471, %parallel_loop3A_472, %parallel_loop3A_473], %parallel_loop3A_469 {strides = array<i32>} : memref<2x128x80xf32, #tpu.memory_space<vmem>>, vector<16xf32>,
        %parallel_loop3A_475 = arith.mulf %parallel_loop3A_468, %parallel_loop3A_456 : vector<16xf32>
        %parallel_loop3A_476 = arith.constant 0 : i32
        %parallel_loop3A_477 = arith.index_cast %parallel_loop3A_476 : i32 to index
        %parallel_loop3A_478 = arith.index_cast %parallel_loop3A_436 : i32 to index
        %parallel_loop3A_479 = arith.constant 16 : index
        %parallel_loop3A_480 = tpu.vector_load %arg15[%parallel_loop3A_477, %parallel_loop3A_478, %parallel_loop3A_479] {strides = array<i32>} : memref<2x128x80xf32, #tpu.memory_space<vmem>>, vector<16xf32>,
        tpu.vector_store %arg15[%parallel_loop3A_477, %parallel_loop3A_478, %parallel_loop3A_479], %parallel_loop3A_475 {strides = array<i32>} : memref<2x128x80xf32, #tpu.memory_space<vmem>>, vector<16xf32>,
        %parallel_loop3A_481 = arith.constant 0 : i32
        %parallel_loop3A_482 = arith.index_cast %parallel_loop3A_481 : i32 to index
        %parallel_loop3A_483 = arith.index_cast %parallel_loop3A_436 : i32 to index
        %parallel_loop3A_484 = arith.constant 32 : index
        %parallel_loop3A_485 = tpu.vector_load %arg12[%parallel_loop3A_482, %parallel_loop3A_483, %parallel_loop3A_484] {strides = array<i32>} : memref<2x128x64xbf16, #tpu.memory_space<vmem>>, vector<32xbf16>,
        %parallel_loop3A_486 = tpu.unpack_subelements %parallel_loop3A_485, 0 {pack_format = #tpu.pack_format<interleaved>} : vector<32xbf16> -> vector<16xf32>
        %parallel_loop3A_487 = tpu.unpack_subelements %parallel_loop3A_485, 1 {pack_format = #tpu.pack_format<interleaved>} : vector<32xbf16> -> vector<16xf32>
        %parallel_loop3A_488 = arith.mulf %parallel_loop3A_486, %parallel_loop3A_456 : vector<16xf32>
        %parallel_loop3A_489 = arith.constant 0 : i32
        %parallel_loop3A_490 = arith.index_cast %parallel_loop3A_489 : i32 to index
        %parallel_loop3A_491 = arith.index_cast %parallel_loop3A_436 : i32 to index
        %parallel_loop3A_492 = arith.constant 32 : index
        %parallel_loop3A_493 = tpu.vector_load %arg15[%parallel_loop3A_490, %parallel_loop3A_491, %parallel_loop3A_492] {strides = array<i32>} : memref<2x128x80xf32, #tpu.memory_space<vmem>>, vector<16xf32>,
        tpu.vector_store %arg15[%parallel_loop3A_490, %parallel_loop3A_491, %parallel_loop3A_492], %parallel_loop3A_488 {strides = array<i32>} : memref<2x128x80xf32, #tpu.memory_space<vmem>>, vector<16xf32>,
        %parallel_loop3A_494 = arith.mulf %parallel_loop3A_487, %parallel_loop3A_456 : vector<16xf32>
        %parallel_loop3A_495 = arith.constant 0 : i32
        %parallel_loop3A_496 = arith.index_cast %parallel_loop3A_495 : i32 to index
        %parallel_loop3A_497 = arith.index_cast %parallel_loop3A_436 : i32 to index
        %parallel_loop3A_498 = arith.constant 48 : index
        %parallel_loop3A_499 = tpu.vector_load %arg15[%parallel_loop3A_496, %parallel_loop3A_497, %parallel_loop3A_498] {strides = array<i32>} : memref<2x128x80xf32, #tpu.memory_space<vmem>>, vector<16xf32>,
        tpu.vector_store %arg15[%parallel_loop3A_496, %parallel_loop3A_497, %parallel_loop3A_498], %parallel_loop3A_494 {strides = array<i32>} : memref<2x128x80xf32, #tpu.memory_space<vmem>>, vector<16xf32>,
      } {sc.loop_unroll_factor = 8 : i64, sc.parallel_access}
      %mul3A_326 = arith.constant 1 : i32
      %mul3A_327 = arith.muli %mul3A_326, %mul3A_209 : i32
      %add3A_328 = arith.constant 0 : i32
      %add3A_329 = arith.addi %mul3A_327, %add3A_328 : i32
      %dma_start3A_330 = arith.constant 0 : i32
      %dma_start3A_331 = arith.constant 0 : i32
      %dma_start3A_332 = arith.constant 0 : i32
      %dma_start3A_333 = arith.constant 0 : i32
      %dma_start3A_334 = tpu.memref_slice %arg15[%dma_start3A_330, %dma_start3A_332, %dma_start3A_333] : memref<2x128x80xf32, #tpu.memory_space<vmem>> -> memref<1x128x80xf32, #tpu.memory_space<vmem>>
      %dma_start3A_335 = tpu.memref_squeeze %dma_start3A_334 : memref<1x128x80xf32, #tpu.memory_space<vmem>> -> memref<128x80xf32, #tpu.memory_space<vmem>>
      %dma_start3A_336 = arith.constant 0 : i32
      %dma_start3A_337 = tpu.memref_slice %arg11[%add3A_329, %dma_start3A_336] : memref<81x128xi32, #tpu.memory_space<vmem>> -> memref<1x128xi32, #tpu.memory_space<vmem>>
      %dma_start3A_338 = tpu.memref_squeeze %dma_start3A_337 : memref<1x128xi32, #tpu.memory_space<vmem>> -> memref<128xi32, #tpu.memory_space<vmem>>
      %dma_start3A_339 = arith.constant 0 : i32
      %dma_start3A_340 = arith.constant 0 : i32
      %dma_start3A_341 = tpu.memref_slice %arg9[%dma_start3A_339, %dma_start3A_340] : memref<10240x80xf32, #tpu.memory_space<vmem_shared>> -> memref<10240x80xf32, #tpu.memory_space<vmem_shared>>
      %dma_start3A_342 = tpu.memref_slice %arg19[%dma_start3A_331] : memref<2x!tpu.dma_semaphore, #tpu.memory_space<semaphore_mem>> -> memref<1x!tpu.dma_semaphore, #tpu.memory_space<semaphore_mem>>
      %dma_start3A_343 = tpu.memref_squeeze %dma_start3A_342 : memref<1x!tpu.dma_semaphore, #tpu.memory_space<semaphore_mem>> -> memref<!tpu.dma_semaphore, #tpu.memory_space<semaphore_mem>>
      tpu.enqueue_indirect_dma source(%dma_start3A_335 : memref<128x80xf32, #tpu.memory_space<vmem>>) target(%dma_start3A_341 : memref<10240x80xf32, #tpu.memory_space<vmem_shared>>) offsets(%dma_start3A_338 : memref<128xi32, #tpu.memory_space<vmem>>) semaphore(%dma_start3A_343 : memref<!tpu.dma_semaphore, #tpu.memory_space<semaphore_mem>>) {add = true}
      %add3A_344 = arith.constant 2 : i32
      %add3A_345 = arith.addi %mul3A_209, %add3A_344 : i32
      %lt3A_346 = arith.constant 81 : i32
      %lt3A_347 = arith.cmpi slt, %add3A_345, %lt3A_346 : i32
      %convert_element_type3A_348 = arith.extui %lt3A_347 : i1 to i32
      %cond3A_349 = arith.constant 0 : i32
      %cond3A_350 = arith.cmpi ne, %convert_element_type3A_348, %cond3A_349 : i32
      scf.if %cond3A_350 {
        %add3A_436 = arith.constant 2 : i32
        %add3A_437 = arith.addi %mul3A_209, %add3A_436 : i32
        %mul3A_438 = arith.constant 1 : i32
        %mul3A_439 = arith.muli %mul3A_438, %add3A_437 : i32
        %add3A_440 = arith.constant 0 : i32
        %add3A_441 = arith.addi %mul3A_439, %add3A_440 : i32
        %dma_start3A_442 = arith.constant 0 : i32
        %dma_start3A_443 = arith.constant 0 : i32
        %dma_start3A_444 = arith.constant 0 : i32
        %dma_start3A_445 = arith.constant 0 : i32
        %dma_start3A_446 = tpu.memref_slice %arg12[%dma_start3A_442, %dma_start3A_444, %dma_start3A_445] : memref<2x128x64xbf16, #tpu.memory_space<vmem>> -> memref<1x128x64xbf16, #tpu.memory_space<vmem>>
        %dma_start3A_447 = tpu.memref_squeeze %dma_start3A_446 : memref<1x128x64xbf16, #tpu.memory_space<vmem>> -> memref<128x64xbf16, #tpu.memory_space<vmem>>
        %dma_start3A_448 = arith.constant 0 : i32
        %dma_start3A_449 = tpu.memref_slice %arg10[%add3A_441, %dma_start3A_448] : memref<81x128xi32, #tpu.memory_space<vmem>> -> memref<1x128xi32, #tpu.memory_space<vmem>>
        %dma_start3A_450 = tpu.memref_squeeze %dma_start3A_449 : memref<1x128xi32, #tpu.memory_space<vmem>> -> memref<128xi32, #tpu.memory_space<vmem>>
        %dma_start3A_451 = arith.constant 0 : i32
        %dma_start3A_452 = arith.constant 0 : i32
        %dma_start3A_453 = tpu.memref_slice %arg4[%dma_start3A_451, %dma_start3A_452] : memref<10240x64xbf16, #tpu.memory_space<hbm>> -> memref<10240x64xbf16, #tpu.memory_space<hbm>>
        %dma_start3A_454 = tpu.memref_slice %arg18[%dma_start3A_443] : memref<2x!tpu.dma_semaphore, #tpu.memory_space<semaphore_mem>> -> memref<1x!tpu.dma_semaphore, #tpu.memory_space<semaphore_mem>>
        %dma_start3A_455 = tpu.memref_squeeze %dma_start3A_454 : memref<1x!tpu.dma_semaphore, #tpu.memory_space<semaphore_mem>> -> memref<!tpu.dma_semaphore, #tpu.memory_space<semaphore_mem>>
        tpu.enqueue_indirect_dma source(%dma_start3A_453 : memref<10240x64xbf16, #tpu.memory_space<hbm>>) target(%dma_start3A_447 : memref<128x64xbf16, #tpu.memory_space<vmem>>) offsets(%dma_start3A_450 : memref<128xi32, #tpu.memory_space<vmem>>) semaphore(%dma_start3A_455 : memref<!tpu.dma_semaphore, #tpu.memory_space<semaphore_mem>>)
        %mul3A_456 = arith.constant 1 : i32
        %mul3A_457 = arith.muli %mul3A_456, %add3A_437 : i32
        %add3A_458 = arith.constant 0 : i32
        %add3A_459 = arith.addi %mul3A_457, %add3A_458 : i32
        %dma_start3A_460 = arith.constant 0 : i32
        %dma_start3A_461 = arith.constant 0 : i32
        %dma_start3A_462 = arith.constant 0 : i32
        %dma_start3A_463 = arith.constant 0 : i32
        %dma_start3A_464 = tpu.memref_slice %arg13[%dma_start3A_460, %dma_start3A_462, %dma_start3A_463] : memref<2x128x16xf32, #tpu.memory_space<vmem>> -> memref<1x128x16xf32, #tpu.memory_space<vmem>>
        %dma_start3A_465 = tpu.memref_squeeze %dma_start3A_464 : memref<1x128x16xf32, #tpu.memory_space<vmem>> -> memref<128x16xf32, #tpu.memory_space<vmem>>
        %dma_start3A_466 = arith.constant 0 : i32
        %dma_start3A_467 = tpu.memref_slice %arg10[%add3A_459, %dma_start3A_466] : memref<81x128xi32, #tpu.memory_space<vmem>> -> memref<1x128xi32, #tpu.memory_space<vmem>>
        %dma_start3A_468 = tpu.memref_squeeze %dma_start3A_467 : memref<1x128xi32, #tpu.memory_space<vmem>> -> memref<128xi32, #tpu.memory_space<vmem>>
        %dma_start3A_469 = arith.constant 0 : i32
        %dma_start3A_470 = arith.constant 0 : i32
        %dma_start3A_471 = tpu.memref_slice %arg5[%dma_start3A_469, %dma_start3A_470] : memref<10240x16xf32, #tpu.memory_space<hbm>> -> memref<10240x16xf32, #tpu.memory_space<hbm>>
        %dma_start3A_472 = tpu.memref_slice %arg18[%dma_start3A_461] : memref<2x!tpu.dma_semaphore, #tpu.memory_space<semaphore_mem>> -> memref<1x!tpu.dma_semaphore, #tpu.memory_space<semaphore_mem>>
        %dma_start3A_473 = tpu.memref_squeeze %dma_start3A_472 : memref<1x!tpu.dma_semaphore, #tpu.memory_space<semaphore_mem>> -> memref<!tpu.dma_semaphore, #tpu.memory_space<semaphore_mem>>
        tpu.enqueue_indirect_dma source(%dma_start3A_471 : memref<10240x16xf32, #tpu.memory_space<hbm>>) target(%dma_start3A_465 : memref<128x16xf32, #tpu.memory_space<vmem>>) offsets(%dma_start3A_468 : memref<128xi32, #tpu.memory_space<vmem>>) semaphore(%dma_start3A_473 : memref<!tpu.dma_semaphore, #tpu.memory_space<semaphore_mem>>)
        %mul3A_474 = arith.constant 1 : i32
        %mul3A_475 = arith.muli %mul3A_474, %add3A_437 : i32
        %add3A_476 = arith.constant 0 : i32
        %add3A_477 = arith.addi %mul3A_475, %add3A_476 : i32
        %dma_start3A_478 = arith.constant 0 : i32
        %dma_start3A_479 = arith.constant 0 : i32
        %dma_start3A_480 = arith.constant 0 : i32
        %dma_start3A_481 = arith.constant 0 : i32
        %dma_start3A_482 = tpu.memref_slice %arg14[%dma_start3A_478, %dma_start3A_480, %dma_start3A_481] : memref<2x128x16xf32, #tpu.memory_space<vmem>> -> memref<1x128x16xf32, #tpu.memory_space<vmem>>
        %dma_start3A_483 = tpu.memref_squeeze %dma_start3A_482 : memref<1x128x16xf32, #tpu.memory_space<vmem>> -> memref<128x16xf32, #tpu.memory_space<vmem>>
        %dma_start3A_484 = arith.constant 0 : i32
        %dma_start3A_485 = tpu.memref_slice %arg11[%add3A_477, %dma_start3A_484] : memref<81x128xi32, #tpu.memory_space<vmem>> -> memref<1x128xi32, #tpu.memory_space<vmem>>
        %dma_start3A_486 = tpu.memref_squeeze %dma_start3A_485 : memref<1x128xi32, #tpu.memory_space<vmem>> -> memref<128xi32, #tpu.memory_space<vmem>>
        %dma_start3A_487 = arith.constant 0 : i32
        %dma_start3A_488 = arith.constant 0 : i32
        %dma_start3A_489 = tpu.memref_slice %arg6[%dma_start3A_487, %dma_start3A_488] : memref<10240x16xf32, #tpu.memory_space<hbm>> -> memref<10240x16xf32, #tpu.memory_space<hbm>>
        %dma_start3A_490 = tpu.memref_slice %arg18[%dma_start3A_479] : memref<2x!tpu.dma_semaphore, #tpu.memory_space<semaphore_mem>> -> memref<1x!tpu.dma_semaphore, #tpu.memory_space<semaphore_mem>>
        %dma_start3A_491 = tpu.memref_squeeze %dma_start3A_490 : memref<1x!tpu.dma_semaphore, #tpu.memory_space<semaphore_mem>> -> memref<!tpu.dma_semaphore, #tpu.memory_space<semaphore_mem>>
        tpu.enqueue_indirect_dma source(%dma_start3A_489 : memref<10240x16xf32, #tpu.memory_space<hbm>>) target(%dma_start3A_483 : memref<128x16xf32, #tpu.memory_space<vmem>>) offsets(%dma_start3A_486 : memref<128xi32, #tpu.memory_space<vmem>>) semaphore(%dma_start3A_491 : memref<!tpu.dma_semaphore, #tpu.memory_space<semaphore_mem>>)
      } else {
      }
      %gt3A_351 = arith.constant 0 : i32
      %gt3A_352 = arith.cmpi sgt, %scan3A_206, %gt3A_351 : i32
      %convert_element_type3A_353 = arith.extui %gt3A_352 : i1 to i32
      %cond3A_354 = arith.constant 0 : i32
      %cond3A_355 = arith.cmpi ne, %convert_element_type3A_353, %cond3A_354 : i32
      scf.if %cond3A_355 {
        %sub3A_436 = arith.constant 1 : i32
        %sub3A_437 = arith.subi %mul3A_209, %sub3A_436 : i32
        %mul3A_438 = arith.constant 1 : i32
        %mul3A_439 = arith.muli %mul3A_438, %sub3A_437 : i32
        %add3A_440 = arith.constant 0 : i32
        %add3A_441 = arith.addi %mul3A_439, %add3A_440 : i32
        %dma_wait3A_442 = arith.constant 1 : i32
        %dma_wait3A_443 = arith.constant 1 : i32
        %dma_wait3A_444 = arith.constant 0 : i32
        %dma_wait3A_445 = arith.constant 0 : i32
        %dma_wait3A_446 = tpu.memref_slice %arg15[%dma_wait3A_442, %dma_wait3A_444, %dma_wait3A_445] : memref<2x128x80xf32, #tpu.memory_space<vmem>> -> memref<1x128x80xf32, #tpu.memory_space<vmem>>
        %dma_wait3A_447 = tpu.memref_squeeze %dma_wait3A_446 : memref<1x128x80xf32, #tpu.memory_space<vmem>> -> memref<128x80xf32, #tpu.memory_space<vmem>>
        %dma_wait3A_448 = arith.constant 0 : i32
        %dma_wait3A_449 = tpu.memref_slice %arg11[%add3A_441, %dma_wait3A_448] : memref<81x128xi32, #tpu.memory_space<vmem>> -> memref<1x128xi32, #tpu.memory_space<vmem>>
        %dma_wait3A_450 = tpu.memref_squeeze %dma_wait3A_449 : memref<1x128xi32, #tpu.memory_space<vmem>> -> memref<128xi32, #tpu.memory_space<vmem>>
        %dma_wait3A_451 = arith.constant 0 : i32
        %dma_wait3A_452 = arith.constant 0 : i32
        %dma_wait3A_453 = tpu.memref_slice %arg9[%dma_wait3A_451, %dma_wait3A_452] : memref<10240x80xf32, #tpu.memory_space<vmem_shared>> -> memref<10240x80xf32, #tpu.memory_space<vmem_shared>>
        %dma_wait3A_454 = tpu.memref_slice %arg19[%dma_wait3A_443] : memref<2x!tpu.dma_semaphore, #tpu.memory_space<semaphore_mem>> -> memref<1x!tpu.dma_semaphore, #tpu.memory_space<semaphore_mem>>
        %dma_wait3A_455 = tpu.memref_squeeze %dma_wait3A_454 : memref<1x!tpu.dma_semaphore, #tpu.memory_space<semaphore_mem>> -> memref<!tpu.dma_semaphore, #tpu.memory_space<semaphore_mem>>
        tpu.wait_indirect_dma semaphore(%dma_wait3A_455 : memref<!tpu.dma_semaphore, #tpu.memory_space<semaphore_mem>>) src(%dma_wait3A_447 : memref<128x80xf32, #tpu.memory_space<vmem>>) dst(%dma_wait3A_453 : memref<10240x80xf32, #tpu.memory_space<vmem_shared>>)
      } else {
      }
      %add3A_356 = arith.constant 1 : i32
      %add3A_357 = arith.addi %mul3A_209, %add3A_356 : i32
      %mul3A_358 = arith.constant 1 : i32
      %mul3A_359 = arith.muli %mul3A_358, %add3A_357 : i32
      %add3A_360 = arith.constant 0 : i32
      %add3A_361 = arith.addi %mul3A_359, %add3A_360 : i32
      %dma_wait3A_362 = arith.constant 1 : i32
      %dma_wait3A_363 = arith.constant 1 : i32
      %dma_wait3A_364 = arith.constant 0 : i32
      %dma_wait3A_365 = arith.constant 0 : i32
      %dma_wait3A_366 = tpu.memref_slice %arg12[%dma_wait3A_362, %dma_wait3A_364, %dma_wait3A_365] : memref<2x128x64xbf16, #tpu.memory_space<vmem>> -> memref<1x128x64xbf16, #tpu.memory_space<vmem>>
      %dma_wait3A_367 = tpu.memref_squeeze %dma_wait3A_366 : memref<1x128x64xbf16, #tpu.memory_space<vmem>> -> memref<128x64xbf16, #tpu.memory_space<vmem>>
      %dma_wait3A_368 = arith.constant 0 : i32
      %dma_wait3A_369 = tpu.memref_slice %arg10[%add3A_361, %dma_wait3A_368] : memref<81x128xi32, #tpu.memory_space<vmem>> -> memref<1x128xi32, #tpu.memory_space<vmem>>
      %dma_wait3A_370 = tpu.memref_squeeze %dma_wait3A_369 : memref<1x128xi32, #tpu.memory_space<vmem>> -> memref<128xi32, #tpu.memory_space<vmem>>
      %dma_wait3A_371 = arith.constant 0 : i32
      %dma_wait3A_372 = arith.constant 0 : i32
      %dma_wait3A_373 = tpu.memref_slice %arg4[%dma_wait3A_371, %dma_wait3A_372] : memref<10240x64xbf16, #tpu.memory_space<hbm>> -> memref<10240x64xbf16, #tpu.memory_space<hbm>>
      %dma_wait3A_374 = tpu.memref_slice %arg18[%dma_wait3A_363] : memref<2x!tpu.dma_semaphore, #tpu.memory_space<semaphore_mem>> -> memref<1x!tpu.dma_semaphore, #tpu.memory_space<semaphore_mem>>
      %dma_wait3A_375 = tpu.memref_squeeze %dma_wait3A_374 : memref<1x!tpu.dma_semaphore, #tpu.memory_space<semaphore_mem>> -> memref<!tpu.dma_semaphore, #tpu.memory_space<semaphore_mem>>
      tpu.wait_indirect_dma semaphore(%dma_wait3A_375 : memref<!tpu.dma_semaphore, #tpu.memory_space<semaphore_mem>>) src(%dma_wait3A_373 : memref<10240x64xbf16, #tpu.memory_space<hbm>>) dst(%dma_wait3A_367 : memref<128x64xbf16, #tpu.memory_space<vmem>>)
      %mul3A_376 = arith.constant 1 : i32
      %mul3A_377 = arith.muli %mul3A_376, %add3A_357 : i32
      %add3A_378 = arith.constant 0 : i32
      %add3A_379 = arith.addi %mul3A_377, %add3A_378 : i32
      %dma_wait3A_380 = arith.constant 1 : i32
      %dma_wait3A_381 = arith.constant 1 : i32
      %dma_wait3A_382 = arith.constant 0 : i32
      %dma_wait3A_383 = arith.constant 0 : i32
      %dma_wait3A_384 = tpu.memref_slice %arg13[%dma_wait3A_380, %dma_wait3A_382, %dma_wait3A_383] : memref<2x128x16xf32, #tpu.memory_space<vmem>> -> memref<1x128x16xf32, #tpu.memory_space<vmem>>
      %dma_wait3A_385 = tpu.memref_squeeze %dma_wait3A_384 : memref<1x128x16xf32, #tpu.memory_space<vmem>> -> memref<128x16xf32, #tpu.memory_space<vmem>>
      %dma_wait3A_386 = arith.constant 0 : i32
      %dma_wait3A_387 = tpu.memref_slice %arg10[%add3A_379, %dma_wait3A_386] : memref<81x128xi32, #tpu.memory_space<vmem>> -> memref<1x128xi32, #tpu.memory_space<vmem>>
      %dma_wait3A_388 = tpu.memref_squeeze %dma_wait3A_387 : memref<1x128xi32, #tpu.memory_space<vmem>> -> memref<128xi32, #tpu.memory_space<vmem>>
      %dma_wait3A_389 = arith.constant 0 : i32
      %dma_wait3A_390 = arith.constant 0 : i32
      %dma_wait3A_391 = tpu.memref_slice %arg5[%dma_wait3A_389, %dma_wait3A_390] : memref<10240x16xf32, #tpu.memory_space<hbm>> -> memref<10240x16xf32, #tpu.memory_space<hbm>>
      %dma_wait3A_392 = tpu.memref_slice %arg18[%dma_wait3A_381] : memref<2x!tpu.dma_semaphore, #tpu.memory_space<semaphore_mem>> -> memref<1x!tpu.dma_semaphore, #tpu.memory_space<semaphore_mem>>
      %dma_wait3A_393 = tpu.memref_squeeze %dma_wait3A_392 : memref<1x!tpu.dma_semaphore, #tpu.memory_space<semaphore_mem>> -> memref<!tpu.dma_semaphore, #tpu.memory_space<semaphore_mem>>
      tpu.wait_indirect_dma semaphore(%dma_wait3A_393 : memref<!tpu.dma_semaphore, #tpu.memory_space<semaphore_mem>>) src(%dma_wait3A_391 : memref<10240x16xf32, #tpu.memory_space<hbm>>) dst(%dma_wait3A_385 : memref<128x16xf32, #tpu.memory_space<vmem>>)
      %mul3A_394 = arith.constant 1 : i32
      %mul3A_395 = arith.muli %mul3A_394, %add3A_357 : i32
      %add3A_396 = arith.constant 0 : i32
      %add3A_397 = arith.addi %mul3A_395, %add3A_396 : i32
      %dma_wait3A_398 = arith.constant 1 : i32
      %dma_wait3A_399 = arith.constant 1 : i32
      %dma_wait3A_400 = arith.constant 0 : i32
      %dma_wait3A_401 = arith.constant 0 : i32
      %dma_wait3A_402 = tpu.memref_slice %arg14[%dma_wait3A_398, %dma_wait3A_400, %dma_wait3A_401] : memref<2x128x16xf32, #tpu.memory_space<vmem>> -> memref<1x128x16xf32, #tpu.memory_space<vmem>>
      %dma_wait3A_403 = tpu.memref_squeeze %dma_wait3A_402 : memref<1x128x16xf32, #tpu.memory_space<vmem>> -> memref<128x16xf32, #tpu.memory_space<vmem>>
      %dma_wait3A_404 = arith.constant 0 : i32
      %dma_wait3A_405 = tpu.memref_slice %arg11[%add3A_397, %dma_wait3A_404] : memref<81x128xi32, #tpu.memory_space<vmem>> -> memref<1x128xi32, #tpu.memory_space<vmem>>
      %dma_wait3A_406 = tpu.memref_squeeze %dma_wait3A_405 : memref<1x128xi32, #tpu.memory_space<vmem>> -> memref<128xi32, #tpu.memory_space<vmem>>
      %dma_wait3A_407 = arith.constant 0 : i32
      %dma_wait3A_408 = arith.constant 0 : i32
      %dma_wait3A_409 = tpu.memref_slice %arg6[%dma_wait3A_407, %dma_wait3A_408] : memref<10240x16xf32, #tpu.memory_space<hbm>> -> memref<10240x16xf32, #tpu.memory_space<hbm>>
      %dma_wait3A_410 = tpu.memref_slice %arg18[%dma_wait3A_399] : memref<2x!tpu.dma_semaphore, #tpu.memory_space<semaphore_mem>> -> memref<1x!tpu.dma_semaphore, #tpu.memory_space<semaphore_mem>>
      %dma_wait3A_411 = tpu.memref_squeeze %dma_wait3A_410 : memref<1x!tpu.dma_semaphore, #tpu.memory_space<semaphore_mem>> -> memref<!tpu.dma_semaphore, #tpu.memory_space<semaphore_mem>>
      tpu.wait_indirect_dma semaphore(%dma_wait3A_411 : memref<!tpu.dma_semaphore, #tpu.memory_space<semaphore_mem>>) src(%dma_wait3A_409 : memref<10240x16xf32, #tpu.memory_space<hbm>>) dst(%dma_wait3A_403 : memref<128x16xf32, #tpu.memory_space<vmem>>)
      %parallel_loop3A_412 = arith.constant 0 : i32
      %parallel_loop3A_413 = arith.constant 128 : i32
      %parallel_loop3A_414 = arith.constant 1 : i32
      scf.for %parallel_loop3A_436 = %parallel_loop3A_412 to %parallel_loop3A_413 step %parallel_loop3A_414  : i32 {
        %parallel_loop3A_437 = arith.constant 1 : i32
        %parallel_loop3A_438 = arith.index_cast %parallel_loop3A_437 : i32 to index
        %parallel_loop3A_439 = arith.index_cast %parallel_loop3A_436 : i32 to index
        %parallel_loop3A_440 = arith.constant 0 : index
        %parallel_loop3A_441 = tpu.vector_load %arg13[%parallel_loop3A_438, %parallel_loop3A_439, %parallel_loop3A_440] {strides = array<i32>} : memref<2x128x16xf32, #tpu.memory_space<vmem>>, vector<16xf32>,
        %parallel_loop3A_442 = arith.constant 1 : i32
        %parallel_loop3A_443 = arith.index_cast %parallel_loop3A_442 : i32 to index
        %parallel_loop3A_444 = arith.index_cast %parallel_loop3A_436 : i32 to index
        %parallel_loop3A_445 = arith.constant 0 : index
        %parallel_loop3A_446 = tpu.vector_load %arg14[%parallel_loop3A_443, %parallel_loop3A_444, %parallel_loop3A_445] {strides = array<i32>} : memref<2x128x16xf32, #tpu.memory_space<vmem>>, vector<16xf32>,
        %parallel_loop3A_447 = arith.addf %parallel_loop3A_441, %parallel_loop3A_446 : vector<16xf32>
        %parallel_loop3A_448 = arith.constant 0.000000e+00 : f32
        %parallel_loop3A_449 = vector.broadcast %parallel_loop3A_448 : f32 to vector<16xf32>
        %parallel_loop3A_450 = arith.cmpf ogt, %parallel_loop3A_447, %parallel_loop3A_449 : vector<16xf32>
        %parallel_loop3A_451 = arith.constant 2.000000e-01 : f32
        %parallel_loop3A_452 = vector.broadcast %parallel_loop3A_451 : f32 to vector<16xf32>
        %parallel_loop3A_453 = arith.mulf %parallel_loop3A_447, %parallel_loop3A_452 : vector<16xf32>
        %parallel_loop3A_454 = arith.select %parallel_loop3A_450, %parallel_loop3A_447, %parallel_loop3A_453 : vector<16xi1>, vector<16xf32>
        %parallel_loop3A_455 = arith.subf %parallel_loop3A_454, %select_n3A_40 : vector<16xf32>
        %parallel_loop3A_456 = math.exp %parallel_loop3A_455 : vector<16xf32>
        %parallel_loop3A_457 = arith.constant 1 : i32
        %parallel_loop3A_458 = arith.index_cast %parallel_loop3A_457 : i32 to index
        %parallel_loop3A_459 = arith.index_cast %parallel_loop3A_436 : i32 to index
        %parallel_loop3A_460 = arith.constant 64 : index
        %parallel_loop3A_461 = tpu.vector_load %arg15[%parallel_loop3A_458, %parallel_loop3A_459, %parallel_loop3A_460] {strides = array<i32>} : memref<2x128x80xf32, #tpu.memory_space<vmem>>, vector<16xf32>,
        tpu.vector_store %arg15[%parallel_loop3A_458, %parallel_loop3A_459, %parallel_loop3A_460], %parallel_loop3A_456 {strides = array<i32>} : memref<2x128x80xf32, #tpu.memory_space<vmem>>, vector<16xf32>,
        %parallel_loop3A_462 = arith.constant 1 : i32
        %parallel_loop3A_463 = arith.index_cast %parallel_loop3A_462 : i32 to index
        %parallel_loop3A_464 = arith.index_cast %parallel_loop3A_436 : i32 to index
        %parallel_loop3A_465 = arith.constant 0 : index
        %parallel_loop3A_466 = tpu.vector_load %arg12[%parallel_loop3A_463, %parallel_loop3A_464, %parallel_loop3A_465] {strides = array<i32>} : memref<2x128x64xbf16, #tpu.memory_space<vmem>>, vector<32xbf16>,
        %parallel_loop3A_467 = tpu.unpack_subelements %parallel_loop3A_466, 0 {pack_format = #tpu.pack_format<interleaved>} : vector<32xbf16> -> vector<16xf32>
        %parallel_loop3A_468 = tpu.unpack_subelements %parallel_loop3A_466, 1 {pack_format = #tpu.pack_format<interleaved>} : vector<32xbf16> -> vector<16xf32>
        %parallel_loop3A_469 = arith.mulf %parallel_loop3A_467, %parallel_loop3A_456 : vector<16xf32>
        %parallel_loop3A_470 = arith.constant 1 : i32
        %parallel_loop3A_471 = arith.index_cast %parallel_loop3A_470 : i32 to index
        %parallel_loop3A_472 = arith.index_cast %parallel_loop3A_436 : i32 to index
        %parallel_loop3A_473 = arith.constant 0 : index
        %parallel_loop3A_474 = tpu.vector_load %arg15[%parallel_loop3A_471, %parallel_loop3A_472, %parallel_loop3A_473] {strides = array<i32>} : memref<2x128x80xf32, #tpu.memory_space<vmem>>, vector<16xf32>,
        tpu.vector_store %arg15[%parallel_loop3A_471, %parallel_loop3A_472, %parallel_loop3A_473], %parallel_loop3A_469 {strides = array<i32>} : memref<2x128x80xf32, #tpu.memory_space<vmem>>, vector<16xf32>,
        %parallel_loop3A_475 = arith.mulf %parallel_loop3A_468, %parallel_loop3A_456 : vector<16xf32>
        %parallel_loop3A_476 = arith.constant 1 : i32
        %parallel_loop3A_477 = arith.index_cast %parallel_loop3A_476 : i32 to index
        %parallel_loop3A_478 = arith.index_cast %parallel_loop3A_436 : i32 to index
        %parallel_loop3A_479 = arith.constant 16 : index
        %parallel_loop3A_480 = tpu.vector_load %arg15[%parallel_loop3A_477, %parallel_loop3A_478, %parallel_loop3A_479] {strides = array<i32>} : memref<2x128x80xf32, #tpu.memory_space<vmem>>, vector<16xf32>,
        tpu.vector_store %arg15[%parallel_loop3A_477, %parallel_loop3A_478, %parallel_loop3A_479], %parallel_loop3A_475 {strides = array<i32>} : memref<2x128x80xf32, #tpu.memory_space<vmem>>, vector<16xf32>,
        %parallel_loop3A_481 = arith.constant 1 : i32
        %parallel_loop3A_482 = arith.index_cast %parallel_loop3A_481 : i32 to index
        %parallel_loop3A_483 = arith.index_cast %parallel_loop3A_436 : i32 to index
        %parallel_loop3A_484 = arith.constant 32 : index
        %parallel_loop3A_485 = tpu.vector_load %arg12[%parallel_loop3A_482, %parallel_loop3A_483, %parallel_loop3A_484] {strides = array<i32>} : memref<2x128x64xbf16, #tpu.memory_space<vmem>>, vector<32xbf16>,
        %parallel_loop3A_486 = tpu.unpack_subelements %parallel_loop3A_485, 0 {pack_format = #tpu.pack_format<interleaved>} : vector<32xbf16> -> vector<16xf32>
        %parallel_loop3A_487 = tpu.unpack_subelements %parallel_loop3A_485, 1 {pack_format = #tpu.pack_format<interleaved>} : vector<32xbf16> -> vector<16xf32>
        %parallel_loop3A_488 = arith.mulf %parallel_loop3A_486, %parallel_loop3A_456 : vector<16xf32>
        %parallel_loop3A_489 = arith.constant 1 : i32
        %parallel_loop3A_490 = arith.index_cast %parallel_loop3A_489 : i32 to index
        %parallel_loop3A_491 = arith.index_cast %parallel_loop3A_436 : i32 to index
        %parallel_loop3A_492 = arith.constant 32 : index
        %parallel_loop3A_493 = tpu.vector_load %arg15[%parallel_loop3A_490, %parallel_loop3A_491, %parallel_loop3A_492] {strides = array<i32>} : memref<2x128x80xf32, #tpu.memory_space<vmem>>, vector<16xf32>,
        tpu.vector_store %arg15[%parallel_loop3A_490, %parallel_loop3A_491, %parallel_loop3A_492], %parallel_loop3A_488 {strides = array<i32>} : memref<2x128x80xf32, #tpu.memory_space<vmem>>, vector<16xf32>,
        %parallel_loop3A_494 = arith.mulf %parallel_loop3A_487, %parallel_loop3A_456 : vector<16xf32>
        %parallel_loop3A_495 = arith.constant 1 : i32
        %parallel_loop3A_496 = arith.index_cast %parallel_loop3A_495 : i32 to index
        %parallel_loop3A_497 = arith.index_cast %parallel_loop3A_436 : i32 to index
        %parallel_loop3A_498 = arith.constant 48 : index
        %parallel_loop3A_499 = tpu.vector_load %arg15[%parallel_loop3A_496, %parallel_loop3A_497, %parallel_loop3A_498] {strides = array<i32>} : memref<2x128x80xf32, #tpu.memory_space<vmem>>, vector<16xf32>,
        tpu.vector_store %arg15[%parallel_loop3A_496, %parallel_loop3A_497, %parallel_loop3A_498], %parallel_loop3A_494 {strides = array<i32>} : memref<2x128x80xf32, #tpu.memory_space<vmem>>, vector<16xf32>,
      } {sc.loop_unroll_factor = 8 : i64, sc.parallel_access}
      %add3A_415 = arith.constant 1 : i32
      %add3A_416 = arith.addi %mul3A_209, %add3A_415 : i32
      %mul3A_417 = arith.constant 1 : i32
      %mul3A_418 = arith.muli %mul3A_417, %add3A_416 : i32
      %add3A_419 = arith.constant 0 : i32
      %add3A_420 = arith.addi %mul3A_418, %add3A_419 : i32
      %dma_start3A_421 = arith.constant 1 : i32
      %dma_start3A_422 = arith.constant 1 : i32
      %dma_start3A_423 = arith.constant 0 : i32
      %dma_start3A_424 = arith.constant 0 : i32
      %dma_start3A_425 = tpu.memref_slice %arg15[%dma_start3A_421, %dma_start3A_423, %dma_start3A_424] : memref<2x128x80xf32, #tpu.memory_space<vmem>> -> memref<1x128x80xf32, #tpu.memory_space<vmem>>
      %dma_start3A_426 = tpu.memref_squeeze %dma_start3A_425 : memref<1x128x80xf32, #tpu.memory_space<vmem>> -> memref<128x80xf32, #tpu.memory_space<vmem>>
      %dma_start3A_427 = arith.constant 0 : i32
      %dma_start3A_428 = tpu.memref_slice %arg11[%add3A_420, %dma_start3A_427] : memref<81x128xi32, #tpu.memory_space<vmem>> -> memref<1x128xi32, #tpu.memory_space<vmem>>
      %dma_start3A_429 = tpu.memref_squeeze %dma_start3A_428 : memref<1x128xi32, #tpu.memory_space<vmem>> -> memref<128xi32, #tpu.memory_space<vmem>>
      %dma_start3A_430 = arith.constant 0 : i32
      %dma_start3A_431 = arith.constant 0 : i32
      %dma_start3A_432 = tpu.memref_slice %arg9[%dma_start3A_430, %dma_start3A_431] : memref<10240x80xf32, #tpu.memory_space<vmem_shared>> -> memref<10240x80xf32, #tpu.memory_space<vmem_shared>>
      %dma_start3A_433 = tpu.memref_slice %arg19[%dma_start3A_422] : memref<2x!tpu.dma_semaphore, #tpu.memory_space<semaphore_mem>> -> memref<1x!tpu.dma_semaphore, #tpu.memory_space<semaphore_mem>>
      %dma_start3A_434 = tpu.memref_squeeze %dma_start3A_433 : memref<1x!tpu.dma_semaphore, #tpu.memory_space<semaphore_mem>> -> memref<!tpu.dma_semaphore, #tpu.memory_space<semaphore_mem>>
      tpu.enqueue_indirect_dma source(%dma_start3A_426 : memref<128x80xf32, #tpu.memory_space<vmem>>) target(%dma_start3A_432 : memref<10240x80xf32, #tpu.memory_space<vmem_shared>>) offsets(%dma_start3A_429 : memref<128xi32, #tpu.memory_space<vmem>>) semaphore(%dma_start3A_434 : memref<!tpu.dma_semaphore, #tpu.memory_space<semaphore_mem>>) {add = true}
      %scan3A_435 = arith.constant 0 : i32
      scf.yield %scan3A_435 : i32
    }
    %scan3A_96 = arith.constant 40 : i32
    %dma_wait3A = arith.constant 0 : i32
    %dma_wait3A_97 = arith.constant 78 : i32
    %dma_wait3A_98 = arith.constant 0 : i32
    %dma_wait3A_99 = arith.constant 0 : i32
    %dma_wait3A_100 = arith.constant 0 : i32
    %dma_wait3A_101 = tpu.memref_slice %arg15[%dma_wait3A, %dma_wait3A_99, %dma_wait3A_100] : memref<2x128x80xf32, #tpu.memory_space<vmem>> -> memref<1x128x80xf32, #tpu.memory_space<vmem>>
    %dma_wait3A_102 = tpu.memref_squeeze %dma_wait3A_101 : memref<1x128x80xf32, #tpu.memory_space<vmem>> -> memref<128x80xf32, #tpu.memory_space<vmem>>
    %dma_wait3A_103 = arith.constant 0 : i32
    %dma_wait3A_104 = tpu.memref_slice %arg11[%dma_wait3A_97, %dma_wait3A_103] : memref<81x128xi32, #tpu.memory_space<vmem>> -> memref<1x128xi32, #tpu.memory_space<vmem>>
    %dma_wait3A_105 = tpu.memref_squeeze %dma_wait3A_104 : memref<1x128xi32, #tpu.memory_space<vmem>> -> memref<128xi32, #tpu.memory_space<vmem>>
    %dma_wait3A_106 = arith.constant 0 : i32
    %dma_wait3A_107 = arith.constant 0 : i32
    %dma_wait3A_108 = tpu.memref_slice %arg9[%dma_wait3A_106, %dma_wait3A_107] : memref<10240x80xf32, #tpu.memory_space<vmem_shared>> -> memref<10240x80xf32, #tpu.memory_space<vmem_shared>>
    %dma_wait3A_109 = tpu.memref_slice %arg19[%dma_wait3A_98] : memref<2x!tpu.dma_semaphore, #tpu.memory_space<semaphore_mem>> -> memref<1x!tpu.dma_semaphore, #tpu.memory_space<semaphore_mem>>
    %dma_wait3A_110 = tpu.memref_squeeze %dma_wait3A_109 : memref<1x!tpu.dma_semaphore, #tpu.memory_space<semaphore_mem>> -> memref<!tpu.dma_semaphore, #tpu.memory_space<semaphore_mem>>
    tpu.wait_indirect_dma semaphore(%dma_wait3A_110 : memref<!tpu.dma_semaphore, #tpu.memory_space<semaphore_mem>>) src(%dma_wait3A_102 : memref<128x80xf32, #tpu.memory_space<vmem>>) dst(%dma_wait3A_108 : memref<10240x80xf32, #tpu.memory_space<vmem_shared>>)
    %dma_wait3A_111 = arith.constant 80 : i32
    %dma_wait3A_112 = arith.constant 0 : i32
    %dma_wait3A_113 = arith.constant 0 : i32
    %dma_wait3A_114 = arith.constant 0 : i32
    %dma_wait3A_115 = arith.constant 0 : i32
    %dma_wait3A_116 = tpu.memref_slice %arg12[%dma_wait3A_112, %dma_wait3A_114, %dma_wait3A_115] : memref<2x128x64xbf16, #tpu.memory_space<vmem>> -> memref<1x128x64xbf16, #tpu.memory_space<vmem>>
    %dma_wait3A_117 = tpu.memref_squeeze %dma_wait3A_116 : memref<1x128x64xbf16, #tpu.memory_space<vmem>> -> memref<128x64xbf16, #tpu.memory_space<vmem>>
    %dma_wait3A_118 = arith.constant 0 : i32
    %dma_wait3A_119 = tpu.memref_slice %arg10[%dma_wait3A_111, %dma_wait3A_118] : memref<81x128xi32, #tpu.memory_space<vmem>> -> memref<1x128xi32, #tpu.memory_space<vmem>>
    %dma_wait3A_120 = tpu.memref_squeeze %dma_wait3A_119 : memref<1x128xi32, #tpu.memory_space<vmem>> -> memref<128xi32, #tpu.memory_space<vmem>>
    %dma_wait3A_121 = arith.constant 0 : i32
    %dma_wait3A_122 = arith.constant 0 : i32
    %dma_wait3A_123 = tpu.memref_slice %arg4[%dma_wait3A_121, %dma_wait3A_122] : memref<10240x64xbf16, #tpu.memory_space<hbm>> -> memref<10240x64xbf16, #tpu.memory_space<hbm>>
    %dma_wait3A_124 = tpu.memref_slice %arg18[%dma_wait3A_113] : memref<2x!tpu.dma_semaphore, #tpu.memory_space<semaphore_mem>> -> memref<1x!tpu.dma_semaphore, #tpu.memory_space<semaphore_mem>>
    %dma_wait3A_125 = tpu.memref_squeeze %dma_wait3A_124 : memref<1x!tpu.dma_semaphore, #tpu.memory_space<semaphore_mem>> -> memref<!tpu.dma_semaphore, #tpu.memory_space<semaphore_mem>>
    tpu.wait_indirect_dma semaphore(%dma_wait3A_125 : memref<!tpu.dma_semaphore, #tpu.memory_space<semaphore_mem>>) src(%dma_wait3A_123 : memref<10240x64xbf16, #tpu.memory_space<hbm>>) dst(%dma_wait3A_117 : memref<128x64xbf16, #tpu.memory_space<vmem>>)
    %dma_wait3A_126 = arith.constant 80 : i32
    %dma_wait3A_127 = arith.constant 0 : i32
    %dma_wait3A_128 = arith.constant 0 : i32
    %dma_wait3A_129 = arith.constant 0 : i32
    %dma_wait3A_130 = arith.constant 0 : i32
    %dma_wait3A_131 = tpu.memref_slice %arg13[%dma_wait3A_127, %dma_wait3A_129, %dma_wait3A_130] : memref<2x128x16xf32, #tpu.memory_space<vmem>> -> memref<1x128x16xf32, #tpu.memory_space<vmem>>
    %dma_wait3A_132 = tpu.memref_squeeze %dma_wait3A_131 : memref<1x128x16xf32, #tpu.memory_space<vmem>> -> memref<128x16xf32, #tpu.memory_space<vmem>>
    %dma_wait3A_133 = arith.constant 0 : i32
    %dma_wait3A_134 = tpu.memref_slice %arg10[%dma_wait3A_126, %dma_wait3A_133] : memref<81x128xi32, #tpu.memory_space<vmem>> -> memref<1x128xi32, #tpu.memory_space<vmem>>
    %dma_wait3A_135 = tpu.memref_squeeze %dma_wait3A_134 : memref<1x128xi32, #tpu.memory_space<vmem>> -> memref<128xi32, #tpu.memory_space<vmem>>
    %dma_wait3A_136 = arith.constant 0 : i32
    %dma_wait3A_137 = arith.constant 0 : i32
    %dma_wait3A_138 = tpu.memref_slice %arg5[%dma_wait3A_136, %dma_wait3A_137] : memref<10240x16xf32, #tpu.memory_space<hbm>> -> memref<10240x16xf32, #tpu.memory_space<hbm>>
    %dma_wait3A_139 = tpu.memref_slice %arg18[%dma_wait3A_128] : memref<2x!tpu.dma_semaphore, #tpu.memory_space<semaphore_mem>> -> memref<1x!tpu.dma_semaphore, #tpu.memory_space<semaphore_mem>>
    %dma_wait3A_140 = tpu.memref_squeeze %dma_wait3A_139 : memref<1x!tpu.dma_semaphore, #tpu.memory_space<semaphore_mem>> -> memref<!tpu.dma_semaphore, #tpu.memory_space<semaphore_mem>>
    tpu.wait_indirect_dma semaphore(%dma_wait3A_140 : memref<!tpu.dma_semaphore, #tpu.memory_space<semaphore_mem>>) src(%dma_wait3A_138 : memref<10240x16xf32, #tpu.memory_space<hbm>>) dst(%dma_wait3A_132 : memref<128x16xf32, #tpu.memory_space<vmem>>)
    %dma_wait3A_141 = arith.constant 80 : i32
    %dma_wait3A_142 = arith.constant 0 : i32
    %dma_wait3A_143 = arith.constant 0 : i32
    %dma_wait3A_144 = arith.constant 0 : i32
    %dma_wait3A_145 = arith.constant 0 : i32
    %dma_wait3A_146 = tpu.memref_slice %arg14[%dma_wait3A_142, %dma_wait3A_144, %dma_wait3A_145] : memref<2x128x16xf32, #tpu.memory_space<vmem>> -> memref<1x128x16xf32, #tpu.memory_space<vmem>>
    %dma_wait3A_147 = tpu.memref_squeeze %dma_wait3A_146 : memref<1x128x16xf32, #tpu.memory_space<vmem>> -> memref<128x16xf32, #tpu.memory_space<vmem>>
    %dma_wait3A_148 = arith.constant 0 : i32
    %dma_wait3A_149 = tpu.memref_slice %arg11[%dma_wait3A_141, %dma_wait3A_148] : memref<81x128xi32, #tpu.memory_space<vmem>> -> memref<1x128xi32, #tpu.memory_space<vmem>>
    %dma_wait3A_150 = tpu.memref_squeeze %dma_wait3A_149 : memref<1x128xi32, #tpu.memory_space<vmem>> -> memref<128xi32, #tpu.memory_space<vmem>>
    %dma_wait3A_151 = arith.constant 0 : i32
    %dma_wait3A_152 = arith.constant 0 : i32
    %dma_wait3A_153 = tpu.memref_slice %arg6[%dma_wait3A_151, %dma_wait3A_152] : memref<10240x16xf32, #tpu.memory_space<hbm>> -> memref<10240x16xf32, #tpu.memory_space<hbm>>
    %dma_wait3A_154 = tpu.memref_slice %arg18[%dma_wait3A_143] : memref<2x!tpu.dma_semaphore, #tpu.memory_space<semaphore_mem>> -> memref<1x!tpu.dma_semaphore, #tpu.memory_space<semaphore_mem>>
    %dma_wait3A_155 = tpu.memref_squeeze %dma_wait3A_154 : memref<1x!tpu.dma_semaphore, #tpu.memory_space<semaphore_mem>> -> memref<!tpu.dma_semaphore, #tpu.memory_space<semaphore_mem>>
    tpu.wait_indirect_dma semaphore(%dma_wait3A_155 : memref<!tpu.dma_semaphore, #tpu.memory_space<semaphore_mem>>) src(%dma_wait3A_153 : memref<10240x16xf32, #tpu.memory_space<hbm>>) dst(%dma_wait3A_147 : memref<128x16xf32, #tpu.memory_space<vmem>>)
    %parallel_loop3A = arith.constant 0 : i32
    %parallel_loop3A_156 = arith.constant 128 : i32
    %parallel_loop3A_157 = arith.constant 1 : i32
    scf.for %parallel_loop3A_206 = %parallel_loop3A to %parallel_loop3A_156 step %parallel_loop3A_157  : i32 {
      %parallel_loop3A_207 = arith.constant 0 : i32
      %parallel_loop3A_208 = arith.index_cast %parallel_loop3A_207 : i32 to index
      %parallel_loop3A_209 = arith.index_cast %parallel_loop3A_206 : i32 to index
      %parallel_loop3A_210 = arith.constant 0 : index
      %parallel_loop3A_211 = tpu.vector_load %arg13[%parallel_loop3A_208, %parallel_loop3A_209, %parallel_loop3A_210] {strides = array<i32>} : memref<2x128x16xf32, #tpu.memory_space<vmem>>, vector<16xf32>,
      %parallel_loop3A_212 = arith.constant 0 : i32
      %parallel_loop3A_213 = arith.index_cast %parallel_loop3A_212 : i32 to index
      %parallel_loop3A_214 = arith.index_cast %parallel_loop3A_206 : i32 to index
      %parallel_loop3A_215 = arith.constant 0 : index
      %parallel_loop3A_216 = tpu.vector_load %arg14[%parallel_loop3A_213, %parallel_loop3A_214, %parallel_loop3A_215] {strides = array<i32>} : memref<2x128x16xf32, #tpu.memory_space<vmem>>, vector<16xf32>,
      %parallel_loop3A_217 = arith.addf %parallel_loop3A_211, %parallel_loop3A_216 : vector<16xf32>
      %parallel_loop3A_218 = arith.constant 0.000000e+00 : f32
      %parallel_loop3A_219 = vector.broadcast %parallel_loop3A_218 : f32 to vector<16xf32>
      %parallel_loop3A_220 = arith.cmpf ogt, %parallel_loop3A_217, %parallel_loop3A_219 : vector<16xf32>
      %parallel_loop3A_221 = arith.constant 2.000000e-01 : f32
      %parallel_loop3A_222 = vector.broadcast %parallel_loop3A_221 : f32 to vector<16xf32>
      %parallel_loop3A_223 = arith.mulf %parallel_loop3A_217, %parallel_loop3A_222 : vector<16xf32>
      %parallel_loop3A_224 = arith.select %parallel_loop3A_220, %parallel_loop3A_217, %parallel_loop3A_223 : vector<16xi1>, vector<16xf32>
      %parallel_loop3A_225 = arith.subf %parallel_loop3A_224, %select_n3A_40 : vector<16xf32>
      %parallel_loop3A_226 = math.exp %parallel_loop3A_225 : vector<16xf32>
      %parallel_loop3A_227 = arith.constant 0 : i32
      %parallel_loop3A_228 = arith.index_cast %parallel_loop3A_227 : i32 to index
      %parallel_loop3A_229 = arith.index_cast %parallel_loop3A_206 : i32 to index
      %parallel_loop3A_230 = arith.constant 64 : index
      %parallel_loop3A_231 = tpu.vector_load %arg15[%parallel_loop3A_228, %parallel_loop3A_229, %parallel_loop3A_230] {strides = array<i32>} : memref<2x128x80xf32, #tpu.memory_space<vmem>>, vector<16xf32>,
      tpu.vector_store %arg15[%parallel_loop3A_228, %parallel_loop3A_229, %parallel_loop3A_230], %parallel_loop3A_226 {strides = array<i32>} : memref<2x128x80xf32, #tpu.memory_space<vmem>>, vector<16xf32>,
      %parallel_loop3A_232 = arith.constant 0 : i32
      %parallel_loop3A_233 = arith.index_cast %parallel_loop3A_232 : i32 to index
      %parallel_loop3A_234 = arith.index_cast %parallel_loop3A_206 : i32 to index
      %parallel_loop3A_235 = arith.constant 0 : index
      %parallel_loop3A_236 = tpu.vector_load %arg12[%parallel_loop3A_233, %parallel_loop3A_234, %parallel_loop3A_235] {strides = array<i32>} : memref<2x128x64xbf16, #tpu.memory_space<vmem>>, vector<32xbf16>,
      %parallel_loop3A_237 = tpu.unpack_subelements %parallel_loop3A_236, 0 {pack_format = #tpu.pack_format<interleaved>} : vector<32xbf16> -> vector<16xf32>
      %parallel_loop3A_238 = tpu.unpack_subelements %parallel_loop3A_236, 1 {pack_format = #tpu.pack_format<interleaved>} : vector<32xbf16> -> vector<16xf32>
      %parallel_loop3A_239 = arith.mulf %parallel_loop3A_237, %parallel_loop3A_226 : vector<16xf32>
      %parallel_loop3A_240 = arith.constant 0 : i32
      %parallel_loop3A_241 = arith.index_cast %parallel_loop3A_240 : i32 to index
      %parallel_loop3A_242 = arith.index_cast %parallel_loop3A_206 : i32 to index
      %parallel_loop3A_243 = arith.constant 0 : index
      %parallel_loop3A_244 = tpu.vector_load %arg15[%parallel_loop3A_241, %parallel_loop3A_242, %parallel_loop3A_243] {strides = array<i32>} : memref<2x128x80xf32, #tpu.memory_space<vmem>>, vector<16xf32>,
      tpu.vector_store %arg15[%parallel_loop3A_241, %parallel_loop3A_242, %parallel_loop3A_243], %parallel_loop3A_239 {strides = array<i32>} : memref<2x128x80xf32, #tpu.memory_space<vmem>>, vector<16xf32>,
      %parallel_loop3A_245 = arith.mulf %parallel_loop3A_238, %parallel_loop3A_226 : vector<16xf32>
      %parallel_loop3A_246 = arith.constant 0 : i32
      %parallel_loop3A_247 = arith.index_cast %parallel_loop3A_246 : i32 to index
      %parallel_loop3A_248 = arith.index_cast %parallel_loop3A_206 : i32 to index
      %parallel_loop3A_249 = arith.constant 16 : index
      %parallel_loop3A_250 = tpu.vector_load %arg15[%parallel_loop3A_247, %parallel_loop3A_248, %parallel_loop3A_249] {strides = array<i32>} : memref<2x128x80xf32, #tpu.memory_space<vmem>>, vector<16xf32>,
      tpu.vector_store %arg15[%parallel_loop3A_247, %parallel_loop3A_248, %parallel_loop3A_249], %parallel_loop3A_245 {strides = array<i32>} : memref<2x128x80xf32, #tpu.memory_space<vmem>>, vector<16xf32>,
      %parallel_loop3A_251 = arith.constant 0 : i32
      %parallel_loop3A_252 = arith.index_cast %parallel_loop3A_251 : i32 to index
      %parallel_loop3A_253 = arith.index_cast %parallel_loop3A_206 : i32 to index
      %parallel_loop3A_254 = arith.constant 32 : index
      %parallel_loop3A_255 = tpu.vector_load %arg12[%parallel_loop3A_252, %parallel_loop3A_253, %parallel_loop3A_254] {strides = array<i32>} : memref<2x128x64xbf16, #tpu.memory_space<vmem>>, vector<32xbf16>,
      %parallel_loop3A_256 = tpu.unpack_subelements %parallel_loop3A_255, 0 {pack_format = #tpu.pack_format<interleaved>} : vector<32xbf16> -> vector<16xf32>
      %parallel_loop3A_257 = tpu.unpack_subelements %parallel_loop3A_255, 1 {pack_format = #tpu.pack_format<interleaved>} : vector<32xbf16> -> vector<16xf32>
      %parallel_loop3A_258 = arith.mulf %parallel_loop3A_256, %parallel_loop3A_226 : vector<16xf32>
      %parallel_loop3A_259 = arith.constant 0 : i32
      %parallel_loop3A_260 = arith.index_cast %parallel_loop3A_259 : i32 to index
      %parallel_loop3A_261 = arith.index_cast %parallel_loop3A_206 : i32 to index
      %parallel_loop3A_262 = arith.constant 32 : index
      %parallel_loop3A_263 = tpu.vector_load %arg15[%parallel_loop3A_260, %parallel_loop3A_261, %parallel_loop3A_262] {strides = array<i32>} : memref<2x128x80xf32, #tpu.memory_space<vmem>>, vector<16xf32>,
      tpu.vector_store %arg15[%parallel_loop3A_260, %parallel_loop3A_261, %parallel_loop3A_262], %parallel_loop3A_258 {strides = array<i32>} : memref<2x128x80xf32, #tpu.memory_space<vmem>>, vector<16xf32>,
      %parallel_loop3A_264 = arith.mulf %parallel_loop3A_257, %parallel_loop3A_226 : vector<16xf32>
      %parallel_loop3A_265 = arith.constant 0 : i32
      %parallel_loop3A_266 = arith.index_cast %parallel_loop3A_265 : i32 to index
      %parallel_loop3A_267 = arith.index_cast %parallel_loop3A_206 : i32 to index
      %parallel_loop3A_268 = arith.constant 48 : index
      %parallel_loop3A_269 = tpu.vector_load %arg15[%parallel_loop3A_266, %parallel_loop3A_267, %parallel_loop3A_268] {strides = array<i32>} : memref<2x128x80xf32, #tpu.memory_space<vmem>>, vector<16xf32>,
      tpu.vector_store %arg15[%parallel_loop3A_266, %parallel_loop3A_267, %parallel_loop3A_268], %parallel_loop3A_264 {strides = array<i32>} : memref<2x128x80xf32, #tpu.memory_space<vmem>>, vector<16xf32>,
    } {sc.loop_unroll_factor = 8 : i64, sc.parallel_access}
    %dma_start3A_158 = arith.constant 0 : i32
    %dma_start3A_159 = arith.constant 80 : i32
    %dma_start3A_160 = arith.constant 0 : i32
    %dma_start3A_161 = arith.constant 0 : i32
    %dma_start3A_162 = arith.constant 0 : i32
    %dma_start3A_163 = tpu.memref_slice %arg15[%dma_start3A_158, %dma_start3A_161, %dma_start3A_162] : memref<2x128x80xf32, #tpu.memory_space<vmem>> -> memref<1x128x80xf32, #tpu.memory_space<vmem>>
    %dma_start3A_164 = tpu.memref_squeeze %dma_start3A_163 : memref<1x128x80xf32, #tpu.memory_space<vmem>> -> memref<128x80xf32, #tpu.memory_space<vmem>>
    %dma_start3A_165 = arith.constant 0 : i32
    %dma_start3A_166 = tpu.memref_slice %arg11[%dma_start3A_159, %dma_start3A_165] : memref<81x128xi32, #tpu.memory_space<vmem>> -> memref<1x128xi32, #tpu.memory_space<vmem>>
    %dma_start3A_167 = tpu.memref_squeeze %dma_start3A_166 : memref<1x128xi32, #tpu.memory_space<vmem>> -> memref<128xi32, #tpu.memory_space<vmem>>
    %dma_start3A_168 = arith.constant 0 : i32
    %dma_start3A_169 = arith.constant 0 : i32
    %dma_start3A_170 = tpu.memref_slice %arg9[%dma_start3A_168, %dma_start3A_169] : memref<10240x80xf32, #tpu.memory_space<vmem_shared>> -> memref<10240x80xf32, #tpu.memory_space<vmem_shared>>
    %dma_start3A_171 = tpu.memref_slice %arg19[%dma_start3A_160] : memref<2x!tpu.dma_semaphore, #tpu.memory_space<semaphore_mem>> -> memref<1x!tpu.dma_semaphore, #tpu.memory_space<semaphore_mem>>
    %dma_start3A_172 = tpu.memref_squeeze %dma_start3A_171 : memref<1x!tpu.dma_semaphore, #tpu.memory_space<semaphore_mem>> -> memref<!tpu.dma_semaphore, #tpu.memory_space<semaphore_mem>>
    tpu.enqueue_indirect_dma source(%dma_start3A_164 : memref<128x80xf32, #tpu.memory_space<vmem>>) target(%dma_start3A_170 : memref<10240x80xf32, #tpu.memory_space<vmem_shared>>) offsets(%dma_start3A_167 : memref<128xi32, #tpu.memory_space<vmem>>) semaphore(%dma_start3A_172 : memref<!tpu.dma_semaphore, #tpu.memory_space<semaphore_mem>>) {add = true}
    %dma_wait3A_173 = arith.constant 1 : i32
    %dma_wait3A_174 = arith.constant 79 : i32
    %dma_wait3A_175 = arith.constant 1 : i32
    %dma_wait3A_176 = arith.constant 0 : i32
    %dma_wait3A_177 = arith.constant 0 : i32
    %dma_wait3A_178 = tpu.memref_slice %arg15[%dma_wait3A_173, %dma_wait3A_176, %dma_wait3A_177] : memref<2x128x80xf32, #tpu.memory_space<vmem>> -> memref<1x128x80xf32, #tpu.memory_space<vmem>>
    %dma_wait3A_179 = tpu.memref_squeeze %dma_wait3A_178 : memref<1x128x80xf32, #tpu.memory_space<vmem>> -> memref<128x80xf32, #tpu.memory_space<vmem>>
    %dma_wait3A_180 = arith.constant 0 : i32
    %dma_wait3A_181 = tpu.memref_slice %arg11[%dma_wait3A_174, %dma_wait3A_180] : memref<81x128xi32, #tpu.memory_space<vmem>> -> memref<1x128xi32, #tpu.memory_space<vmem>>
    %dma_wait3A_182 = tpu.memref_squeeze %dma_wait3A_181 : memref<1x128xi32, #tpu.memory_space<vmem>> -> memref<128xi32, #tpu.memory_space<vmem>>
    %dma_wait3A_183 = arith.constant 0 : i32
    %dma_wait3A_184 = arith.constant 0 : i32
    %dma_wait3A_185 = tpu.memref_slice %arg9[%dma_wait3A_183, %dma_wait3A_184] : memref<10240x80xf32, #tpu.memory_space<vmem_shared>> -> memref<10240x80xf32, #tpu.memory_space<vmem_shared>>
    %dma_wait3A_186 = tpu.memref_slice %arg19[%dma_wait3A_175] : memref<2x!tpu.dma_semaphore, #tpu.memory_space<semaphore_mem>> -> memref<1x!tpu.dma_semaphore, #tpu.memory_space<semaphore_mem>>
    %dma_wait3A_187 = tpu.memref_squeeze %dma_wait3A_186 : memref<1x!tpu.dma_semaphore, #tpu.memory_space<semaphore_mem>> -> memref<!tpu.dma_semaphore, #tpu.memory_space<semaphore_mem>>
    tpu.wait_indirect_dma semaphore(%dma_wait3A_187 : memref<!tpu.dma_semaphore, #tpu.memory_space<semaphore_mem>>) src(%dma_wait3A_179 : memref<128x80xf32, #tpu.memory_space<vmem>>) dst(%dma_wait3A_185 : memref<10240x80xf32, #tpu.memory_space<vmem_shared>>)
    %dma_wait3A_188 = arith.constant 0 : i32
    %dma_wait3A_189 = arith.constant 80 : i32
    %dma_wait3A_190 = arith.constant 0 : i32
    %dma_wait3A_191 = arith.constant 0 : i32
    %dma_wait3A_192 = arith.constant 0 : i32
    %dma_wait3A_193 = tpu.memref_slice %arg15[%dma_wait3A_188, %dma_wait3A_191, %dma_wait3A_192] : memref<2x128x80xf32, #tpu.memory_space<vmem>> -> memref<1x128x80xf32, #tpu.memory_space<vmem>>
    %dma_wait3A_194 = tpu.memref_squeeze %dma_wait3A_193 : memref<1x128x80xf32, #tpu.memory_space<vmem>> -> memref<128x80xf32, #tpu.memory_space<vmem>>
    %dma_wait3A_195 = arith.constant 0 : i32
    %dma_wait3A_196 = tpu.memref_slice %arg11[%dma_wait3A_189, %dma_wait3A_195] : memref<81x128xi32, #tpu.memory_space<vmem>> -> memref<1x128xi32, #tpu.memory_space<vmem>>
    %dma_wait3A_197 = tpu.memref_squeeze %dma_wait3A_196 : memref<1x128xi32, #tpu.memory_space<vmem>> -> memref<128xi32, #tpu.memory_space<vmem>>
    %dma_wait3A_198 = arith.constant 0 : i32
    %dma_wait3A_199 = arith.constant 0 : i32
    %dma_wait3A_200 = tpu.memref_slice %arg9[%dma_wait3A_198, %dma_wait3A_199] : memref<10240x80xf32, #tpu.memory_space<vmem_shared>> -> memref<10240x80xf32, #tpu.memory_space<vmem_shared>>
    %dma_wait3A_201 = tpu.memref_slice %arg19[%dma_wait3A_190] : memref<2x!tpu.dma_semaphore, #tpu.memory_space<semaphore_mem>> -> memref<1x!tpu.dma_semaphore, #tpu.memory_space<semaphore_mem>>
    %dma_wait3A_202 = tpu.memref_squeeze %dma_wait3A_201 : memref<1x!tpu.dma_semaphore, #tpu.memory_space<semaphore_mem>> -> memref<!tpu.dma_semaphore, #tpu.memory_space<semaphore_mem>>
    tpu.wait_indirect_dma semaphore(%dma_wait3A_202 : memref<!tpu.dma_semaphore, #tpu.memory_space<semaphore_mem>>) src(%dma_wait3A_194 : memref<128x80xf32, #tpu.memory_space<vmem>>) dst(%dma_wait3A_200 : memref<10240x80xf32, #tpu.memory_space<vmem_shared>>)
    %barrier3A_203 = arith.constant 0 : index
    tpu.barrier barrier_id(%barrier3A_203)
    %mul3A_204 = arith.constant 640 : i32
    %mul3A_205 = arith.muli %arg1, %mul3A_204 : i32
    "tpu.region"() ({
      %run_scoped3A = tpu.sem_alloc : memref<!tpu.dma_semaphore, #tpu.memory_space<semaphore_mem>>
      %dma_start3A_206 = arith.constant 0 : i32
      %dma_start3A_207 = tpu.memref_slice %arg8[%arg0, %mul3A_205, %dma_start3A_206] : memref<2x10240x80xf32, #tpu.memory_space<hbm>> -> memref<1x640x80xf32, #tpu.memory_space<hbm>>
      %dma_start3A_208 = tpu.memref_squeeze %dma_start3A_207 : memref<1x640x80xf32, #tpu.memory_space<hbm>> -> memref<640x80xf32, #tpu.memory_space<hbm>>
      %dma_start3A_209 = arith.constant 0 : i32
      %dma_start3A_210 = tpu.memref_slice %arg9[%mul3A_205, %dma_start3A_209] : memref<10240x80xf32, #tpu.memory_space<vmem_shared>> -> memref<640x80xf32, #tpu.memory_space<vmem_shared>>
      tpu.enqueue_dma source(%dma_start3A_210 : memref<640x80xf32, #tpu.memory_space<vmem_shared>>) target(%dma_start3A_208 : memref<640x80xf32, #tpu.memory_space<hbm>>) target_semaphore(%run_scoped3A : memref<!tpu.dma_semaphore, #tpu.memory_space<semaphore_mem>>)
      %dma_wait3A_211 = arith.constant 0 : i32
      %dma_wait3A_212 = tpu.memref_slice %arg8[%arg0, %mul3A_205, %dma_wait3A_211] : memref<2x10240x80xf32, #tpu.memory_space<hbm>> -> memref<1x640x80xf32, #tpu.memory_space<hbm>>
      %dma_wait3A_213 = tpu.memref_squeeze %dma_wait3A_212 : memref<1x640x80xf32, #tpu.memory_space<hbm>> -> memref<640x80xf32, #tpu.memory_space<hbm>>
      %dma_wait3A_214 = arith.constant 0 : i32
      %dma_wait3A_215 = tpu.memref_slice %arg9[%mul3A_205, %dma_wait3A_214] : memref<10240x80xf32, #tpu.memory_space<vmem_shared>> -> memref<640x80xf32, #tpu.memory_space<vmem_shared>>
      tpu.wait_dma2 semaphore(%run_scoped3A : memref<!tpu.dma_semaphore, #tpu.memory_space<semaphore_mem>>) src(%dma_wait3A_215 : memref<640x80xf32, #tpu.memory_space<vmem_shared>>) dst(%dma_wait3A_213 : memref<640x80xf32, #tpu.memory_space<hbm>>)
      tpu.yield
    }) : () -> ()
    return
  }
}

#map = affine_map<(d0, d1) -> (0, 0)>
#map1 = affine_map<(d0, d1) -> (0)>
#map2 = affine_map<(d0, d1) -> (0, 0, 0)>
module attributes {stable_mosaic.version = 14 : i64} {
  func.func @sc2(%arg0: i32, %arg1: i32, %arg2: memref<2592x128xi32, #tpu.memory_space<hbm>>, %arg3: memref<2592x128xi32, #tpu.memory_space<hbm>>, %arg4: memref<10240x48xf32, #tpu.memory_space<hbm>>, %arg5: memref<10240x16xf32, #tpu.memory_space<hbm>>, %arg6: memref<16xf32, #tpu.memory_space<hbm>>, %arg7: memref<2x10240x48xf32, #tpu.memory_space<hbm>>, %arg8: memref<10240x48xf32, #tpu.memory_space<vmem_shared>>, %arg9: memref<81x128xi32, #tpu.memory_space<vmem>>, %arg10: memref<81x128xi32, #tpu.memory_space<vmem>>, %arg11: memref<2x128x48xf32, #tpu.memory_space<vmem>>, %arg12: memref<2x128x16xf32, #tpu.memory_space<vmem>>, %arg13: memref<2x128x48xf32, #tpu.memory_space<vmem>>, %arg14: memref<16xf32, #tpu.memory_space<vmem>>, %arg15: memref<128x16xf32, #tpu.memory_space<vmem>>, %arg16: memref<64x48xf32, #tpu.memory_space<vmem>>, %arg17: memref<2x!tpu.dma_semaphore, #tpu.memory_space<semaphore_mem>>, %arg18: memref<2x!tpu.dma_semaphore, #tpu.memory_space<semaphore_mem>>) attributes {dimension_semantics = [#tpu.dimension_semantics<core_parallel>, #tpu.dimension_semantics<subcore_parallel>], iteration_bounds = array<i64: 2, 16>, scalar_prefetch = 0 : i64, scratch_operands = 11 : i64, tpu.core_type = #tpu.core_type<sc_vector_subcore>, window_params = [{transform_indices = #map}, {transform_indices = #map}, {transform_indices = #map}, {transform_indices = #map}, {transform_indices = #map1}, {transform_indices = #map2}]} {
    %scan3A = arith.constant 0 : i32
    %scan3A_0 = arith.constant 0 : i32
    %scan3A_1 = arith.constant 64 : i32
    %scan3A_2 = arith.addi %scan3A_0, %scan3A_1 : i32
    %scan3A_3 = arith.constant 1 : i32
    %scan3A_4 = scf.for %scan3A_171 = %scan3A_0 to %scan3A_2 step %scan3A_3 iter_args(%scan3A_172 = %scan3A) -> (i32)  : i32 {
      %broadcast_in_dim3A_173 = arith.constant 0.000000e+00 : f32
      %broadcast_in_dim3A_174 = vector.broadcast %broadcast_in_dim3A_173 : f32 to vector<16xf32>
      %swap3A = arith.index_cast %scan3A_171 : i32 to index
      %swap3A_175 = arith.constant 0 : index
      %swap3A_176 = tpu.vector_load %arg16[%swap3A, %swap3A_175] {strides = array<i32>} : memref<64x48xf32, #tpu.memory_space<vmem>>, vector<16xf32>,
      tpu.vector_store %arg16[%swap3A, %swap3A_175], %broadcast_in_dim3A_174 {strides = array<i32>} : memref<64x48xf32, #tpu.memory_space<vmem>>, vector<16xf32>,
      %broadcast_in_dim3A_177 = arith.constant 0.000000e+00 : f32
      %broadcast_in_dim3A_178 = vector.broadcast %broadcast_in_dim3A_177 : f32 to vector<16xf32>
      %swap3A_179 = arith.index_cast %scan3A_171 : i32 to index
      %swap3A_180 = arith.constant 16 : index
      %swap3A_181 = tpu.vector_load %arg16[%swap3A_179, %swap3A_180] {strides = array<i32>} : memref<64x48xf32, #tpu.memory_space<vmem>>, vector<16xf32>,
      tpu.vector_store %arg16[%swap3A_179, %swap3A_180], %broadcast_in_dim3A_178 {strides = array<i32>} : memref<64x48xf32, #tpu.memory_space<vmem>>, vector<16xf32>,
      %broadcast_in_dim3A_182 = arith.constant 0.000000e+00 : f32
      %broadcast_in_dim3A_183 = vector.broadcast %broadcast_in_dim3A_182 : f32 to vector<16xf32>
      %swap3A_184 = arith.index_cast %scan3A_171 : i32 to index
      %swap3A_185 = arith.constant 32 : index
      %swap3A_186 = tpu.vector_load %arg16[%swap3A_184, %swap3A_185] {strides = array<i32>} : memref<64x48xf32, #tpu.memory_space<vmem>>, vector<16xf32>,
      tpu.vector_store %arg16[%swap3A_184, %swap3A_185], %broadcast_in_dim3A_183 {strides = array<i32>} : memref<64x48xf32, #tpu.memory_space<vmem>>, vector<16xf32>,
      %scan3A_187 = arith.constant 0 : i32
      scf.yield %scan3A_187 : i32
    }
    %scan3A_5 = arith.constant 64 : i32
    %mul3A = arith.constant 640 : i32
    %mul3A_6 = arith.muli %arg1, %mul3A : i32
    %add3A = arith.constant 0 : i32
    %add3A_7 = arith.addi %mul3A_6, %add3A : i32
    "tpu.region"() ({
      %run_scoped3A = tpu.sem_alloc : memref<!tpu.dma_semaphore, #tpu.memory_space<semaphore_mem>>
      %dma_start3A_171 = arith.constant 0 : i32
      %dma_start3A_172 = tpu.memref_slice %arg8[%add3A_7, %dma_start3A_171] : memref<10240x48xf32, #tpu.memory_space<vmem_shared>> -> memref<64x48xf32, #tpu.memory_space<vmem_shared>>
      %dma_start3A_173 = arith.constant 0 : i32
      %dma_start3A_174 = tpu.memref_slice %arg8[%add3A_7, %dma_start3A_173] : memref<10240x48xf32, #tpu.memory_space<vmem_shared>> -> memref<64x48xf32, #tpu.memory_space<vmem_shared>>
      tpu.enqueue_dma source(%arg16 : memref<64x48xf32, #tpu.memory_space<vmem>>) target(%dma_start3A_174 : memref<64x48xf32, #tpu.memory_space<vmem_shared>>) target_semaphore(%run_scoped3A : memref<!tpu.dma_semaphore, #tpu.memory_space<semaphore_mem>>)
      %dma_wait3A_175 = arith.constant 0 : i32
      %dma_wait3A_176 = tpu.memref_slice %arg8[%add3A_7, %dma_wait3A_175] : memref<10240x48xf32, #tpu.memory_space<vmem_shared>> -> memref<64x48xf32, #tpu.memory_space<vmem_shared>>
      %dma_wait3A_177 = arith.constant 0 : i32
      %dma_wait3A_178 = tpu.memref_slice %arg8[%add3A_7, %dma_wait3A_177] : memref<10240x48xf32, #tpu.memory_space<vmem_shared>> -> memref<64x48xf32, #tpu.memory_space<vmem_shared>>
      tpu.wait_dma2 semaphore(%run_scoped3A : memref<!tpu.dma_semaphore, #tpu.memory_space<semaphore_mem>>) src(%arg16 : memref<64x48xf32, #tpu.memory_space<vmem>>) dst(%dma_wait3A_178 : memref<64x48xf32, #tpu.memory_space<vmem_shared>>)
      tpu.yield
    }) : () -> ()
    %add3A_8 = arith.constant 64 : i32
    %add3A_9 = arith.addi %mul3A_6, %add3A_8 : i32
    "tpu.region"() ({
      %run_scoped3A = tpu.sem_alloc : memref<!tpu.dma_semaphore, #tpu.memory_space<semaphore_mem>>
      %dma_start3A_171 = arith.constant 0 : i32
      %dma_start3A_172 = tpu.memref_slice %arg8[%add3A_9, %dma_start3A_171] : memref<10240x48xf32, #tpu.memory_space<vmem_shared>> -> memref<64x48xf32, #tpu.memory_space<vmem_shared>>
      %dma_start3A_173 = arith.constant 0 : i32
      %dma_start3A_174 = tpu.memref_slice %arg8[%add3A_9, %dma_start3A_173] : memref<10240x48xf32, #tpu.memory_space<vmem_shared>> -> memref<64x48xf32, #tpu.memory_space<vmem_shared>>
      tpu.enqueue_dma source(%arg16 : memref<64x48xf32, #tpu.memory_space<vmem>>) target(%dma_start3A_174 : memref<64x48xf32, #tpu.memory_space<vmem_shared>>) target_semaphore(%run_scoped3A : memref<!tpu.dma_semaphore, #tpu.memory_space<semaphore_mem>>)
      %dma_wait3A_175 = arith.constant 0 : i32
      %dma_wait3A_176 = tpu.memref_slice %arg8[%add3A_9, %dma_wait3A_175] : memref<10240x48xf32, #tpu.memory_space<vmem_shared>> -> memref<64x48xf32, #tpu.memory_space<vmem_shared>>
      %dma_wait3A_177 = arith.constant 0 : i32
      %dma_wait3A_178 = tpu.memref_slice %arg8[%add3A_9, %dma_wait3A_177] : memref<10240x48xf32, #tpu.memory_space<vmem_shared>> -> memref<64x48xf32, #tpu.memory_space<vmem_shared>>
      tpu.wait_dma2 semaphore(%run_scoped3A : memref<!tpu.dma_semaphore, #tpu.memory_space<semaphore_mem>>) src(%arg16 : memref<64x48xf32, #tpu.memory_space<vmem>>) dst(%dma_wait3A_178 : memref<64x48xf32, #tpu.memory_space<vmem_shared>>)
      tpu.yield
    }) : () -> ()
    %add3A_10 = arith.constant 128 : i32
    %add3A_11 = arith.addi %mul3A_6, %add3A_10 : i32
    "tpu.region"() ({
      %run_scoped3A = tpu.sem_alloc : memref<!tpu.dma_semaphore, #tpu.memory_space<semaphore_mem>>
      %dma_start3A_171 = arith.constant 0 : i32
      %dma_start3A_172 = tpu.memref_slice %arg8[%add3A_11, %dma_start3A_171] : memref<10240x48xf32, #tpu.memory_space<vmem_shared>> -> memref<64x48xf32, #tpu.memory_space<vmem_shared>>
      %dma_start3A_173 = arith.constant 0 : i32
      %dma_start3A_174 = tpu.memref_slice %arg8[%add3A_11, %dma_start3A_173] : memref<10240x48xf32, #tpu.memory_space<vmem_shared>> -> memref<64x48xf32, #tpu.memory_space<vmem_shared>>
      tpu.enqueue_dma source(%arg16 : memref<64x48xf32, #tpu.memory_space<vmem>>) target(%dma_start3A_174 : memref<64x48xf32, #tpu.memory_space<vmem_shared>>) target_semaphore(%run_scoped3A : memref<!tpu.dma_semaphore, #tpu.memory_space<semaphore_mem>>)
      %dma_wait3A_175 = arith.constant 0 : i32
      %dma_wait3A_176 = tpu.memref_slice %arg8[%add3A_11, %dma_wait3A_175] : memref<10240x48xf32, #tpu.memory_space<vmem_shared>> -> memref<64x48xf32, #tpu.memory_space<vmem_shared>>
      %dma_wait3A_177 = arith.constant 0 : i32
      %dma_wait3A_178 = tpu.memref_slice %arg8[%add3A_11, %dma_wait3A_177] : memref<10240x48xf32, #tpu.memory_space<vmem_shared>> -> memref<64x48xf32, #tpu.memory_space<vmem_shared>>
      tpu.wait_dma2 semaphore(%run_scoped3A : memref<!tpu.dma_semaphore, #tpu.memory_space<semaphore_mem>>) src(%arg16 : memref<64x48xf32, #tpu.memory_space<vmem>>) dst(%dma_wait3A_178 : memref<64x48xf32, #tpu.memory_space<vmem_shared>>)
      tpu.yield
    }) : () -> ()
    %add3A_12 = arith.constant 192 : i32
    %add3A_13 = arith.addi %mul3A_6, %add3A_12 : i32
    "tpu.region"() ({
      %run_scoped3A = tpu.sem_alloc : memref<!tpu.dma_semaphore, #tpu.memory_space<semaphore_mem>>
      %dma_start3A_171 = arith.constant 0 : i32
      %dma_start3A_172 = tpu.memref_slice %arg8[%add3A_13, %dma_start3A_171] : memref<10240x48xf32, #tpu.memory_space<vmem_shared>> -> memref<64x48xf32, #tpu.memory_space<vmem_shared>>
      %dma_start3A_173 = arith.constant 0 : i32
      %dma_start3A_174 = tpu.memref_slice %arg8[%add3A_13, %dma_start3A_173] : memref<10240x48xf32, #tpu.memory_space<vmem_shared>> -> memref<64x48xf32, #tpu.memory_space<vmem_shared>>
      tpu.enqueue_dma source(%arg16 : memref<64x48xf32, #tpu.memory_space<vmem>>) target(%dma_start3A_174 : memref<64x48xf32, #tpu.memory_space<vmem_shared>>) target_semaphore(%run_scoped3A : memref<!tpu.dma_semaphore, #tpu.memory_space<semaphore_mem>>)
      %dma_wait3A_175 = arith.constant 0 : i32
      %dma_wait3A_176 = tpu.memref_slice %arg8[%add3A_13, %dma_wait3A_175] : memref<10240x48xf32, #tpu.memory_space<vmem_shared>> -> memref<64x48xf32, #tpu.memory_space<vmem_shared>>
      %dma_wait3A_177 = arith.constant 0 : i32
      %dma_wait3A_178 = tpu.memref_slice %arg8[%add3A_13, %dma_wait3A_177] : memref<10240x48xf32, #tpu.memory_space<vmem_shared>> -> memref<64x48xf32, #tpu.memory_space<vmem_shared>>
      tpu.wait_dma2 semaphore(%run_scoped3A : memref<!tpu.dma_semaphore, #tpu.memory_space<semaphore_mem>>) src(%arg16 : memref<64x48xf32, #tpu.memory_space<vmem>>) dst(%dma_wait3A_178 : memref<64x48xf32, #tpu.memory_space<vmem_shared>>)
      tpu.yield
    }) : () -> ()
    %add3A_14 = arith.constant 256 : i32
    %add3A_15 = arith.addi %mul3A_6, %add3A_14 : i32
    "tpu.region"() ({
      %run_scoped3A = tpu.sem_alloc : memref<!tpu.dma_semaphore, #tpu.memory_space<semaphore_mem>>
      %dma_start3A_171 = arith.constant 0 : i32
      %dma_start3A_172 = tpu.memref_slice %arg8[%add3A_15, %dma_start3A_171] : memref<10240x48xf32, #tpu.memory_space<vmem_shared>> -> memref<64x48xf32, #tpu.memory_space<vmem_shared>>
      %dma_start3A_173 = arith.constant 0 : i32
      %dma_start3A_174 = tpu.memref_slice %arg8[%add3A_15, %dma_start3A_173] : memref<10240x48xf32, #tpu.memory_space<vmem_shared>> -> memref<64x48xf32, #tpu.memory_space<vmem_shared>>
      tpu.enqueue_dma source(%arg16 : memref<64x48xf32, #tpu.memory_space<vmem>>) target(%dma_start3A_174 : memref<64x48xf32, #tpu.memory_space<vmem_shared>>) target_semaphore(%run_scoped3A : memref<!tpu.dma_semaphore, #tpu.memory_space<semaphore_mem>>)
      %dma_wait3A_175 = arith.constant 0 : i32
      %dma_wait3A_176 = tpu.memref_slice %arg8[%add3A_15, %dma_wait3A_175] : memref<10240x48xf32, #tpu.memory_space<vmem_shared>> -> memref<64x48xf32, #tpu.memory_space<vmem_shared>>
      %dma_wait3A_177 = arith.constant 0 : i32
      %dma_wait3A_178 = tpu.memref_slice %arg8[%add3A_15, %dma_wait3A_177] : memref<10240x48xf32, #tpu.memory_space<vmem_shared>> -> memref<64x48xf32, #tpu.memory_space<vmem_shared>>
      tpu.wait_dma2 semaphore(%run_scoped3A : memref<!tpu.dma_semaphore, #tpu.memory_space<semaphore_mem>>) src(%arg16 : memref<64x48xf32, #tpu.memory_space<vmem>>) dst(%dma_wait3A_178 : memref<64x48xf32, #tpu.memory_space<vmem_shared>>)
      tpu.yield
    }) : () -> ()
    %add3A_16 = arith.constant 320 : i32
    %add3A_17 = arith.addi %mul3A_6, %add3A_16 : i32
    "tpu.region"() ({
      %run_scoped3A = tpu.sem_alloc : memref<!tpu.dma_semaphore, #tpu.memory_space<semaphore_mem>>
      %dma_start3A_171 = arith.constant 0 : i32
      %dma_start3A_172 = tpu.memref_slice %arg8[%add3A_17, %dma_start3A_171] : memref<10240x48xf32, #tpu.memory_space<vmem_shared>> -> memref<64x48xf32, #tpu.memory_space<vmem_shared>>
      %dma_start3A_173 = arith.constant 0 : i32
      %dma_start3A_174 = tpu.memref_slice %arg8[%add3A_17, %dma_start3A_173] : memref<10240x48xf32, #tpu.memory_space<vmem_shared>> -> memref<64x48xf32, #tpu.memory_space<vmem_shared>>
      tpu.enqueue_dma source(%arg16 : memref<64x48xf32, #tpu.memory_space<vmem>>) target(%dma_start3A_174 : memref<64x48xf32, #tpu.memory_space<vmem_shared>>) target_semaphore(%run_scoped3A : memref<!tpu.dma_semaphore, #tpu.memory_space<semaphore_mem>>)
      %dma_wait3A_175 = arith.constant 0 : i32
      %dma_wait3A_176 = tpu.memref_slice %arg8[%add3A_17, %dma_wait3A_175] : memref<10240x48xf32, #tpu.memory_space<vmem_shared>> -> memref<64x48xf32, #tpu.memory_space<vmem_shared>>
      %dma_wait3A_177 = arith.constant 0 : i32
      %dma_wait3A_178 = tpu.memref_slice %arg8[%add3A_17, %dma_wait3A_177] : memref<10240x48xf32, #tpu.memory_space<vmem_shared>> -> memref<64x48xf32, #tpu.memory_space<vmem_shared>>
      tpu.wait_dma2 semaphore(%run_scoped3A : memref<!tpu.dma_semaphore, #tpu.memory_space<semaphore_mem>>) src(%arg16 : memref<64x48xf32, #tpu.memory_space<vmem>>) dst(%dma_wait3A_178 : memref<64x48xf32, #tpu.memory_space<vmem_shared>>)
      tpu.yield
    }) : () -> ()
    %add3A_18 = arith.constant 384 : i32
    %add3A_19 = arith.addi %mul3A_6, %add3A_18 : i32
    "tpu.region"() ({
      %run_scoped3A = tpu.sem_alloc : memref<!tpu.dma_semaphore, #tpu.memory_space<semaphore_mem>>
      %dma_start3A_171 = arith.constant 0 : i32
      %dma_start3A_172 = tpu.memref_slice %arg8[%add3A_19, %dma_start3A_171] : memref<10240x48xf32, #tpu.memory_space<vmem_shared>> -> memref<64x48xf32, #tpu.memory_space<vmem_shared>>
      %dma_start3A_173 = arith.constant 0 : i32
      %dma_start3A_174 = tpu.memref_slice %arg8[%add3A_19, %dma_start3A_173] : memref<10240x48xf32, #tpu.memory_space<vmem_shared>> -> memref<64x48xf32, #tpu.memory_space<vmem_shared>>
      tpu.enqueue_dma source(%arg16 : memref<64x48xf32, #tpu.memory_space<vmem>>) target(%dma_start3A_174 : memref<64x48xf32, #tpu.memory_space<vmem_shared>>) target_semaphore(%run_scoped3A : memref<!tpu.dma_semaphore, #tpu.memory_space<semaphore_mem>>)
      %dma_wait3A_175 = arith.constant 0 : i32
      %dma_wait3A_176 = tpu.memref_slice %arg8[%add3A_19, %dma_wait3A_175] : memref<10240x48xf32, #tpu.memory_space<vmem_shared>> -> memref<64x48xf32, #tpu.memory_space<vmem_shared>>
      %dma_wait3A_177 = arith.constant 0 : i32
      %dma_wait3A_178 = tpu.memref_slice %arg8[%add3A_19, %dma_wait3A_177] : memref<10240x48xf32, #tpu.memory_space<vmem_shared>> -> memref<64x48xf32, #tpu.memory_space<vmem_shared>>
      tpu.wait_dma2 semaphore(%run_scoped3A : memref<!tpu.dma_semaphore, #tpu.memory_space<semaphore_mem>>) src(%arg16 : memref<64x48xf32, #tpu.memory_space<vmem>>) dst(%dma_wait3A_178 : memref<64x48xf32, #tpu.memory_space<vmem_shared>>)
      tpu.yield
    }) : () -> ()
    %add3A_20 = arith.constant 448 : i32
    %add3A_21 = arith.addi %mul3A_6, %add3A_20 : i32
    "tpu.region"() ({
      %run_scoped3A = tpu.sem_alloc : memref<!tpu.dma_semaphore, #tpu.memory_space<semaphore_mem>>
      %dma_start3A_171 = arith.constant 0 : i32
      %dma_start3A_172 = tpu.memref_slice %arg8[%add3A_21, %dma_start3A_171] : memref<10240x48xf32, #tpu.memory_space<vmem_shared>> -> memref<64x48xf32, #tpu.memory_space<vmem_shared>>
      %dma_start3A_173 = arith.constant 0 : i32
      %dma_start3A_174 = tpu.memref_slice %arg8[%add3A_21, %dma_start3A_173] : memref<10240x48xf32, #tpu.memory_space<vmem_shared>> -> memref<64x48xf32, #tpu.memory_space<vmem_shared>>
      tpu.enqueue_dma source(%arg16 : memref<64x48xf32, #tpu.memory_space<vmem>>) target(%dma_start3A_174 : memref<64x48xf32, #tpu.memory_space<vmem_shared>>) target_semaphore(%run_scoped3A : memref<!tpu.dma_semaphore, #tpu.memory_space<semaphore_mem>>)
      %dma_wait3A_175 = arith.constant 0 : i32
      %dma_wait3A_176 = tpu.memref_slice %arg8[%add3A_21, %dma_wait3A_175] : memref<10240x48xf32, #tpu.memory_space<vmem_shared>> -> memref<64x48xf32, #tpu.memory_space<vmem_shared>>
      %dma_wait3A_177 = arith.constant 0 : i32
      %dma_wait3A_178 = tpu.memref_slice %arg8[%add3A_21, %dma_wait3A_177] : memref<10240x48xf32, #tpu.memory_space<vmem_shared>> -> memref<64x48xf32, #tpu.memory_space<vmem_shared>>
      tpu.wait_dma2 semaphore(%run_scoped3A : memref<!tpu.dma_semaphore, #tpu.memory_space<semaphore_mem>>) src(%arg16 : memref<64x48xf32, #tpu.memory_space<vmem>>) dst(%dma_wait3A_178 : memref<64x48xf32, #tpu.memory_space<vmem_shared>>)
      tpu.yield
    }) : () -> ()
    %add3A_22 = arith.constant 512 : i32
    %add3A_23 = arith.addi %mul3A_6, %add3A_22 : i32
    "tpu.region"() ({
      %run_scoped3A = tpu.sem_alloc : memref<!tpu.dma_semaphore, #tpu.memory_space<semaphore_mem>>
      %dma_start3A_171 = arith.constant 0 : i32
      %dma_start3A_172 = tpu.memref_slice %arg8[%add3A_23, %dma_start3A_171] : memref<10240x48xf32, #tpu.memory_space<vmem_shared>> -> memref<64x48xf32, #tpu.memory_space<vmem_shared>>
      %dma_start3A_173 = arith.constant 0 : i32
      %dma_start3A_174 = tpu.memref_slice %arg8[%add3A_23, %dma_start3A_173] : memref<10240x48xf32, #tpu.memory_space<vmem_shared>> -> memref<64x48xf32, #tpu.memory_space<vmem_shared>>
      tpu.enqueue_dma source(%arg16 : memref<64x48xf32, #tpu.memory_space<vmem>>) target(%dma_start3A_174 : memref<64x48xf32, #tpu.memory_space<vmem_shared>>) target_semaphore(%run_scoped3A : memref<!tpu.dma_semaphore, #tpu.memory_space<semaphore_mem>>)
      %dma_wait3A_175 = arith.constant 0 : i32
      %dma_wait3A_176 = tpu.memref_slice %arg8[%add3A_23, %dma_wait3A_175] : memref<10240x48xf32, #tpu.memory_space<vmem_shared>> -> memref<64x48xf32, #tpu.memory_space<vmem_shared>>
      %dma_wait3A_177 = arith.constant 0 : i32
      %dma_wait3A_178 = tpu.memref_slice %arg8[%add3A_23, %dma_wait3A_177] : memref<10240x48xf32, #tpu.memory_space<vmem_shared>> -> memref<64x48xf32, #tpu.memory_space<vmem_shared>>
      tpu.wait_dma2 semaphore(%run_scoped3A : memref<!tpu.dma_semaphore, #tpu.memory_space<semaphore_mem>>) src(%arg16 : memref<64x48xf32, #tpu.memory_space<vmem>>) dst(%dma_wait3A_178 : memref<64x48xf32, #tpu.memory_space<vmem_shared>>)
      tpu.yield
    }) : () -> ()
    %add3A_24 = arith.constant 576 : i32
    %add3A_25 = arith.addi %mul3A_6, %add3A_24 : i32
    "tpu.region"() ({
      %run_scoped3A = tpu.sem_alloc : memref<!tpu.dma_semaphore, #tpu.memory_space<semaphore_mem>>
      %dma_start3A_171 = arith.constant 0 : i32
      %dma_start3A_172 = tpu.memref_slice %arg8[%add3A_25, %dma_start3A_171] : memref<10240x48xf32, #tpu.memory_space<vmem_shared>> -> memref<64x48xf32, #tpu.memory_space<vmem_shared>>
      %dma_start3A_173 = arith.constant 0 : i32
      %dma_start3A_174 = tpu.memref_slice %arg8[%add3A_25, %dma_start3A_173] : memref<10240x48xf32, #tpu.memory_space<vmem_shared>> -> memref<64x48xf32, #tpu.memory_space<vmem_shared>>
      tpu.enqueue_dma source(%arg16 : memref<64x48xf32, #tpu.memory_space<vmem>>) target(%dma_start3A_174 : memref<64x48xf32, #tpu.memory_space<vmem_shared>>) target_semaphore(%run_scoped3A : memref<!tpu.dma_semaphore, #tpu.memory_space<semaphore_mem>>)
      %dma_wait3A_175 = arith.constant 0 : i32
      %dma_wait3A_176 = tpu.memref_slice %arg8[%add3A_25, %dma_wait3A_175] : memref<10240x48xf32, #tpu.memory_space<vmem_shared>> -> memref<64x48xf32, #tpu.memory_space<vmem_shared>>
      %dma_wait3A_177 = arith.constant 0 : i32
      %dma_wait3A_178 = tpu.memref_slice %arg8[%add3A_25, %dma_wait3A_177] : memref<10240x48xf32, #tpu.memory_space<vmem_shared>> -> memref<64x48xf32, #tpu.memory_space<vmem_shared>>
      tpu.wait_dma2 semaphore(%run_scoped3A : memref<!tpu.dma_semaphore, #tpu.memory_space<semaphore_mem>>) src(%arg16 : memref<64x48xf32, #tpu.memory_space<vmem>>) dst(%dma_wait3A_178 : memref<64x48xf32, #tpu.memory_space<vmem_shared>>)
      tpu.yield
    }) : () -> ()
    "tpu.region"() ({
      %run_scoped3A = tpu.sem_alloc : memref<!tpu.dma_semaphore, #tpu.memory_space<semaphore_mem>>
      tpu.enqueue_dma source(%arg6 : memref<16xf32, #tpu.memory_space<hbm>>) target(%arg14 : memref<16xf32, #tpu.memory_space<vmem>>) target_semaphore(%run_scoped3A : memref<!tpu.dma_semaphore, #tpu.memory_space<semaphore_mem>>)
      tpu.wait_dma2 semaphore(%run_scoped3A : memref<!tpu.dma_semaphore, #tpu.memory_space<semaphore_mem>>) src(%arg6 : memref<16xf32, #tpu.memory_space<hbm>>) dst(%arg14 : memref<16xf32, #tpu.memory_space<vmem>>)
      tpu.yield
    }) : () -> ()
    %iota3A = tpu.iota {dimensions = array<i32: 0>} : vector<16xi32>
    %broadcast_in_dim3A = arith.constant 0 : i32
    %broadcast_in_dim3A_26 = vector.broadcast %broadcast_in_dim3A : i32 to vector<16xi32>
    %gather3A = tpu.vector_load_idx %arg14[%broadcast_in_dim3A_26] : memref<16xf32, #tpu.memory_space<vmem>>[vector<16xi32>], vector<16xf32>,
    %broadcast_in_dim3A_27 = arith.constant 8 : i32
    %broadcast_in_dim3A_28 = vector.broadcast %broadcast_in_dim3A_27 : i32 to vector<16xi32>
    %gather3A_29 = tpu.vector_load_idx %arg14[%broadcast_in_dim3A_28] : memref<16xf32, #tpu.memory_space<vmem>>[vector<16xi32>], vector<16xf32>,
    %add3A_30 = arith.addf %gather3A, %gather3A_29 : vector<16xf32>
    %gt3A = arith.constant 0.000000e+00 : f32
    %gt3A_31 = vector.broadcast %gt3A : f32 to vector<16xf32>
    %gt3A_32 = arith.cmpf ogt, %add3A_30, %gt3A_31 : vector<16xf32>
    %mul3A_33 = arith.constant 2.000000e-01 : f32
    %mul3A_34 = vector.broadcast %mul3A_33 : f32 to vector<16xf32>
    %mul3A_35 = arith.mulf %add3A_30, %mul3A_34 : vector<16xf32>
    %select_n3A = arith.select %gt3A_32, %add3A_30, %mul3A_35 : vector<16xi1>, vector<16xf32>
    %barrier3A = arith.constant 0 : index
    tpu.barrier barrier_id(%barrier3A)
    %mul3A_36 = arith.constant 1296 : i32
    %mul3A_37 = arith.muli %arg0, %mul3A_36 : i32
    %mul3A_38 = arith.constant 81 : i32
    %mul3A_39 = arith.muli %arg1, %mul3A_38 : i32
    %add3A_40 = arith.addi %mul3A_37, %mul3A_39 : i32
    "tpu.region"() ({
      %run_scoped3A = tpu.sem_alloc : memref<!tpu.dma_semaphore, #tpu.memory_space<semaphore_mem>>
      %dma_start3A_171 = arith.constant 0 : i32
      %dma_start3A_172 = tpu.memref_slice %arg2[%add3A_40, %dma_start3A_171] : memref<2592x128xi32, #tpu.memory_space<hbm>> -> memref<81x128xi32, #tpu.memory_space<hbm>>
      %dma_start3A_173 = arith.constant 0 : i32
      %dma_start3A_174 = tpu.memref_slice %arg2[%add3A_40, %dma_start3A_173] : memref<2592x128xi32, #tpu.memory_space<hbm>> -> memref<81x128xi32, #tpu.memory_space<hbm>>
      tpu.enqueue_dma source(%dma_start3A_174 : memref<81x128xi32, #tpu.memory_space<hbm>>) target(%arg9 : memref<81x128xi32, #tpu.memory_space<vmem>>) target_semaphore(%run_scoped3A : memref<!tpu.dma_semaphore, #tpu.memory_space<semaphore_mem>>)
      %dma_wait3A_175 = arith.constant 0 : i32
      %dma_wait3A_176 = tpu.memref_slice %arg2[%add3A_40, %dma_wait3A_175] : memref<2592x128xi32, #tpu.memory_space<hbm>> -> memref<81x128xi32, #tpu.memory_space<hbm>>
      %dma_wait3A_177 = arith.constant 0 : i32
      %dma_wait3A_178 = tpu.memref_slice %arg2[%add3A_40, %dma_wait3A_177] : memref<2592x128xi32, #tpu.memory_space<hbm>> -> memref<81x128xi32, #tpu.memory_space<hbm>>
      tpu.wait_dma2 semaphore(%run_scoped3A : memref<!tpu.dma_semaphore, #tpu.memory_space<semaphore_mem>>) src(%dma_wait3A_178 : memref<81x128xi32, #tpu.memory_space<hbm>>) dst(%arg9 : memref<81x128xi32, #tpu.memory_space<vmem>>)
      tpu.yield
    }) : () -> ()
    "tpu.region"() ({
      %run_scoped3A = tpu.sem_alloc : memref<!tpu.dma_semaphore, #tpu.memory_space<semaphore_mem>>
      %dma_start3A_171 = arith.constant 0 : i32
      %dma_start3A_172 = tpu.memref_slice %arg3[%add3A_40, %dma_start3A_171] : memref<2592x128xi32, #tpu.memory_space<hbm>> -> memref<81x128xi32, #tpu.memory_space<hbm>>
      %dma_start3A_173 = arith.constant 0 : i32
      %dma_start3A_174 = tpu.memref_slice %arg3[%add3A_40, %dma_start3A_173] : memref<2592x128xi32, #tpu.memory_space<hbm>> -> memref<81x128xi32, #tpu.memory_space<hbm>>
      tpu.enqueue_dma source(%dma_start3A_174 : memref<81x128xi32, #tpu.memory_space<hbm>>) target(%arg10 : memref<81x128xi32, #tpu.memory_space<vmem>>) target_semaphore(%run_scoped3A : memref<!tpu.dma_semaphore, #tpu.memory_space<semaphore_mem>>)
      %dma_wait3A_175 = arith.constant 0 : i32
      %dma_wait3A_176 = tpu.memref_slice %arg3[%add3A_40, %dma_wait3A_175] : memref<2592x128xi32, #tpu.memory_space<hbm>> -> memref<81x128xi32, #tpu.memory_space<hbm>>
      %dma_wait3A_177 = arith.constant 0 : i32
      %dma_wait3A_178 = tpu.memref_slice %arg3[%add3A_40, %dma_wait3A_177] : memref<2592x128xi32, #tpu.memory_space<hbm>> -> memref<81x128xi32, #tpu.memory_space<hbm>>
      tpu.wait_dma2 semaphore(%run_scoped3A : memref<!tpu.dma_semaphore, #tpu.memory_space<semaphore_mem>>) src(%dma_wait3A_178 : memref<81x128xi32, #tpu.memory_space<hbm>>) dst(%arg10 : memref<81x128xi32, #tpu.memory_space<vmem>>)
      tpu.yield
    }) : () -> ()
    %dma_start3A = arith.constant 0 : i32
    %dma_start3A_41 = arith.constant 0 : i32
    %dma_start3A_42 = arith.constant 0 : i32
    %dma_start3A_43 = arith.constant 0 : i32
    %dma_start3A_44 = arith.constant 0 : i32
    %dma_start3A_45 = tpu.memref_slice %arg11[%dma_start3A_41, %dma_start3A_43, %dma_start3A_44] : memref<2x128x48xf32, #tpu.memory_space<vmem>> -> memref<1x128x48xf32, #tpu.memory_space<vmem>>
    %dma_start3A_46 = tpu.memref_squeeze %dma_start3A_45 : memref<1x128x48xf32, #tpu.memory_space<vmem>> -> memref<128x48xf32, #tpu.memory_space<vmem>>
    %dma_start3A_47 = arith.constant 0 : i32
    %dma_start3A_48 = tpu.memref_slice %arg9[%dma_start3A, %dma_start3A_47] : memref<81x128xi32, #tpu.memory_space<vmem>> -> memref<1x128xi32, #tpu.memory_space<vmem>>
    %dma_start3A_49 = tpu.memref_squeeze %dma_start3A_48 : memref<1x128xi32, #tpu.memory_space<vmem>> -> memref<128xi32, #tpu.memory_space<vmem>>
    %dma_start3A_50 = arith.constant 0 : i32
    %dma_start3A_51 = arith.constant 0 : i32
    %dma_start3A_52 = tpu.memref_slice %arg4[%dma_start3A_50, %dma_start3A_51] : memref<10240x48xf32, #tpu.memory_space<hbm>> -> memref<10240x48xf32, #tpu.memory_space<hbm>>
    %dma_start3A_53 = tpu.memref_slice %arg17[%dma_start3A_42] : memref<2x!tpu.dma_semaphore, #tpu.memory_space<semaphore_mem>> -> memref<1x!tpu.dma_semaphore, #tpu.memory_space<semaphore_mem>>
    %dma_start3A_54 = tpu.memref_squeeze %dma_start3A_53 : memref<1x!tpu.dma_semaphore, #tpu.memory_space<semaphore_mem>> -> memref<!tpu.dma_semaphore, #tpu.memory_space<semaphore_mem>>
    tpu.enqueue_indirect_dma source(%dma_start3A_52 : memref<10240x48xf32, #tpu.memory_space<hbm>>) target(%dma_start3A_46 : memref<128x48xf32, #tpu.memory_space<vmem>>) offsets(%dma_start3A_49 : memref<128xi32, #tpu.memory_space<vmem>>) semaphore(%dma_start3A_54 : memref<!tpu.dma_semaphore, #tpu.memory_space<semaphore_mem>>)
    %dma_start3A_55 = arith.constant 0 : i32
    %dma_start3A_56 = arith.constant 0 : i32
    %dma_start3A_57 = arith.constant 0 : i32
    %dma_start3A_58 = arith.constant 0 : i32
    %dma_start3A_59 = arith.constant 0 : i32
    %dma_start3A_60 = tpu.memref_slice %arg12[%dma_start3A_56, %dma_start3A_58, %dma_start3A_59] : memref<2x128x16xf32, #tpu.memory_space<vmem>> -> memref<1x128x16xf32, #tpu.memory_space<vmem>>
    %dma_start3A_61 = tpu.memref_squeeze %dma_start3A_60 : memref<1x128x16xf32, #tpu.memory_space<vmem>> -> memref<128x16xf32, #tpu.memory_space<vmem>>
    %dma_start3A_62 = arith.constant 0 : i32
    %dma_start3A_63 = tpu.memref_slice %arg10[%dma_start3A_55, %dma_start3A_62] : memref<81x128xi32, #tpu.memory_space<vmem>> -> memref<1x128xi32, #tpu.memory_space<vmem>>
    %dma_start3A_64 = tpu.memref_squeeze %dma_start3A_63 : memref<1x128xi32, #tpu.memory_space<vmem>> -> memref<128xi32, #tpu.memory_space<vmem>>
    %dma_start3A_65 = arith.constant 0 : i32
    %dma_start3A_66 = arith.constant 0 : i32
    %dma_start3A_67 = tpu.memref_slice %arg5[%dma_start3A_65, %dma_start3A_66] : memref<10240x16xf32, #tpu.memory_space<hbm>> -> memref<10240x16xf32, #tpu.memory_space<hbm>>
    %dma_start3A_68 = tpu.memref_slice %arg17[%dma_start3A_57] : memref<2x!tpu.dma_semaphore, #tpu.memory_space<semaphore_mem>> -> memref<1x!tpu.dma_semaphore, #tpu.memory_space<semaphore_mem>>
    %dma_start3A_69 = tpu.memref_squeeze %dma_start3A_68 : memref<1x!tpu.dma_semaphore, #tpu.memory_space<semaphore_mem>> -> memref<!tpu.dma_semaphore, #tpu.memory_space<semaphore_mem>>
    tpu.enqueue_indirect_dma source(%dma_start3A_67 : memref<10240x16xf32, #tpu.memory_space<hbm>>) target(%dma_start3A_61 : memref<128x16xf32, #tpu.memory_space<vmem>>) offsets(%dma_start3A_64 : memref<128xi32, #tpu.memory_space<vmem>>) semaphore(%dma_start3A_69 : memref<!tpu.dma_semaphore, #tpu.memory_space<semaphore_mem>>)
    %scan3A_70 = arith.constant 0 : i32
    %scan3A_71 = arith.constant 0 : i32
    %scan3A_72 = arith.constant 40 : i32
    %scan3A_73 = arith.addi %scan3A_71, %scan3A_72 : i32
    %scan3A_74 = arith.constant 1 : i32
    %scan3A_75 = scf.for %scan3A_171 = %scan3A_71 to %scan3A_73 step %scan3A_74 iter_args(%scan3A_172 = %scan3A_70) -> (i32)  : i32 {
      %mul3A_173 = arith.constant 2 : i32
      %mul3A_174 = arith.muli %mul3A_173, %scan3A_171 : i32
      %add3A_175 = arith.constant 1 : i32
      %add3A_176 = arith.addi %mul3A_174, %add3A_175 : i32
      %mul3A_177 = arith.constant 1 : i32
      %mul3A_178 = arith.muli %mul3A_177, %add3A_176 : i32
      %add3A_179 = arith.constant 0 : i32
      %add3A_180 = arith.addi %mul3A_178, %add3A_179 : i32
      %dma_start3A_181 = arith.constant 1 : i32
      %dma_start3A_182 = arith.constant 1 : i32
      %dma_start3A_183 = arith.constant 0 : i32
      %dma_start3A_184 = arith.constant 0 : i32
      %dma_start3A_185 = tpu.memref_slice %arg11[%dma_start3A_181, %dma_start3A_183, %dma_start3A_184] : memref<2x128x48xf32, #tpu.memory_space<vmem>> -> memref<1x128x48xf32, #tpu.memory_space<vmem>>
      %dma_start3A_186 = tpu.memref_squeeze %dma_start3A_185 : memref<1x128x48xf32, #tpu.memory_space<vmem>> -> memref<128x48xf32, #tpu.memory_space<vmem>>
      %dma_start3A_187 = arith.constant 0 : i32
      %dma_start3A_188 = tpu.memref_slice %arg9[%add3A_180, %dma_start3A_187] : memref<81x128xi32, #tpu.memory_space<vmem>> -> memref<1x128xi32, #tpu.memory_space<vmem>>
      %dma_start3A_189 = tpu.memref_squeeze %dma_start3A_188 : memref<1x128xi32, #tpu.memory_space<vmem>> -> memref<128xi32, #tpu.memory_space<vmem>>
      %dma_start3A_190 = arith.constant 0 : i32
      %dma_start3A_191 = arith.constant 0 : i32
      %dma_start3A_192 = tpu.memref_slice %arg4[%dma_start3A_190, %dma_start3A_191] : memref<10240x48xf32, #tpu.memory_space<hbm>> -> memref<10240x48xf32, #tpu.memory_space<hbm>>
      %dma_start3A_193 = tpu.memref_slice %arg17[%dma_start3A_182] : memref<2x!tpu.dma_semaphore, #tpu.memory_space<semaphore_mem>> -> memref<1x!tpu.dma_semaphore, #tpu.memory_space<semaphore_mem>>
      %dma_start3A_194 = tpu.memref_squeeze %dma_start3A_193 : memref<1x!tpu.dma_semaphore, #tpu.memory_space<semaphore_mem>> -> memref<!tpu.dma_semaphore, #tpu.memory_space<semaphore_mem>>
      tpu.enqueue_indirect_dma source(%dma_start3A_192 : memref<10240x48xf32, #tpu.memory_space<hbm>>) target(%dma_start3A_186 : memref<128x48xf32, #tpu.memory_space<vmem>>) offsets(%dma_start3A_189 : memref<128xi32, #tpu.memory_space<vmem>>) semaphore(%dma_start3A_194 : memref<!tpu.dma_semaphore, #tpu.memory_space<semaphore_mem>>)
      %mul3A_195 = arith.constant 1 : i32
      %mul3A_196 = arith.muli %mul3A_195, %add3A_176 : i32
      %add3A_197 = arith.constant 0 : i32
      %add3A_198 = arith.addi %mul3A_196, %add3A_197 : i32
      %dma_start3A_199 = arith.constant 1 : i32
      %dma_start3A_200 = arith.constant 1 : i32
      %dma_start3A_201 = arith.constant 0 : i32
      %dma_start3A_202 = arith.constant 0 : i32
      %dma_start3A_203 = tpu.memref_slice %arg12[%dma_start3A_199, %dma_start3A_201, %dma_start3A_202] : memref<2x128x16xf32, #tpu.memory_space<vmem>> -> memref<1x128x16xf32, #tpu.memory_space<vmem>>
      %dma_start3A_204 = tpu.memref_squeeze %dma_start3A_203 : memref<1x128x16xf32, #tpu.memory_space<vmem>> -> memref<128x16xf32, #tpu.memory_space<vmem>>
      %dma_start3A_205 = arith.constant 0 : i32
      %dma_start3A_206 = tpu.memref_slice %arg10[%add3A_198, %dma_start3A_205] : memref<81x128xi32, #tpu.memory_space<vmem>> -> memref<1x128xi32, #tpu.memory_space<vmem>>
      %dma_start3A_207 = tpu.memref_squeeze %dma_start3A_206 : memref<1x128xi32, #tpu.memory_space<vmem>> -> memref<128xi32, #tpu.memory_space<vmem>>
      %dma_start3A_208 = arith.constant 0 : i32
      %dma_start3A_209 = arith.constant 0 : i32
      %dma_start3A_210 = tpu.memref_slice %arg5[%dma_start3A_208, %dma_start3A_209] : memref<10240x16xf32, #tpu.memory_space<hbm>> -> memref<10240x16xf32, #tpu.memory_space<hbm>>
      %dma_start3A_211 = tpu.memref_slice %arg17[%dma_start3A_200] : memref<2x!tpu.dma_semaphore, #tpu.memory_space<semaphore_mem>> -> memref<1x!tpu.dma_semaphore, #tpu.memory_space<semaphore_mem>>
      %dma_start3A_212 = tpu.memref_squeeze %dma_start3A_211 : memref<1x!tpu.dma_semaphore, #tpu.memory_space<semaphore_mem>> -> memref<!tpu.dma_semaphore, #tpu.memory_space<semaphore_mem>>
      tpu.enqueue_indirect_dma source(%dma_start3A_210 : memref<10240x16xf32, #tpu.memory_space<hbm>>) target(%dma_start3A_204 : memref<128x16xf32, #tpu.memory_space<vmem>>) offsets(%dma_start3A_207 : memref<128xi32, #tpu.memory_space<vmem>>) semaphore(%dma_start3A_212 : memref<!tpu.dma_semaphore, #tpu.memory_space<semaphore_mem>>)
      %gt3A_213 = arith.constant 0 : i32
      %gt3A_214 = arith.cmpi sgt, %scan3A_171, %gt3A_213 : i32
      %convert_element_type3A = arith.extui %gt3A_214 : i1 to i32
      %cond3A = arith.constant 0 : i32
      %cond3A_215 = arith.cmpi ne, %convert_element_type3A, %cond3A : i32
      scf.if %cond3A_215 {
        %sub3A = arith.constant 2 : i32
        %sub3A_346 = arith.subi %mul3A_174, %sub3A : i32
        %mul3A_347 = arith.constant 1 : i32
        %mul3A_348 = arith.muli %mul3A_347, %sub3A_346 : i32
        %add3A_349 = arith.constant 0 : i32
        %add3A_350 = arith.addi %mul3A_348, %add3A_349 : i32
        %dma_wait3A_351 = arith.constant 0 : i32
        %dma_wait3A_352 = arith.constant 0 : i32
        %dma_wait3A_353 = arith.constant 0 : i32
        %dma_wait3A_354 = arith.constant 0 : i32
        %dma_wait3A_355 = tpu.memref_slice %arg13[%dma_wait3A_351, %dma_wait3A_353, %dma_wait3A_354] : memref<2x128x48xf32, #tpu.memory_space<vmem>> -> memref<1x128x48xf32, #tpu.memory_space<vmem>>
        %dma_wait3A_356 = tpu.memref_squeeze %dma_wait3A_355 : memref<1x128x48xf32, #tpu.memory_space<vmem>> -> memref<128x48xf32, #tpu.memory_space<vmem>>
        %dma_wait3A_357 = arith.constant 0 : i32
        %dma_wait3A_358 = tpu.memref_slice %arg10[%add3A_350, %dma_wait3A_357] : memref<81x128xi32, #tpu.memory_space<vmem>> -> memref<1x128xi32, #tpu.memory_space<vmem>>
        %dma_wait3A_359 = tpu.memref_squeeze %dma_wait3A_358 : memref<1x128xi32, #tpu.memory_space<vmem>> -> memref<128xi32, #tpu.memory_space<vmem>>
        %dma_wait3A_360 = arith.constant 0 : i32
        %dma_wait3A_361 = arith.constant 0 : i32
        %dma_wait3A_362 = tpu.memref_slice %arg8[%dma_wait3A_360, %dma_wait3A_361] : memref<10240x48xf32, #tpu.memory_space<vmem_shared>> -> memref<10240x48xf32, #tpu.memory_space<vmem_shared>>
        %dma_wait3A_363 = tpu.memref_slice %arg18[%dma_wait3A_352] : memref<2x!tpu.dma_semaphore, #tpu.memory_space<semaphore_mem>> -> memref<1x!tpu.dma_semaphore, #tpu.memory_space<semaphore_mem>>
        %dma_wait3A_364 = tpu.memref_squeeze %dma_wait3A_363 : memref<1x!tpu.dma_semaphore, #tpu.memory_space<semaphore_mem>> -> memref<!tpu.dma_semaphore, #tpu.memory_space<semaphore_mem>>
        tpu.wait_indirect_dma semaphore(%dma_wait3A_364 : memref<!tpu.dma_semaphore, #tpu.memory_space<semaphore_mem>>) src(%dma_wait3A_356 : memref<128x48xf32, #tpu.memory_space<vmem>>) dst(%dma_wait3A_362 : memref<10240x48xf32, #tpu.memory_space<vmem_shared>>)
      } else {
      }
      %mul3A_216 = arith.constant 1 : i32
      %mul3A_217 = arith.muli %mul3A_216, %mul3A_174 : i32
      %add3A_218 = arith.constant 0 : i32
      %add3A_219 = arith.addi %mul3A_217, %add3A_218 : i32
      %dma_wait3A_220 = arith.constant 0 : i32
      %dma_wait3A_221 = arith.constant 0 : i32
      %dma_wait3A_222 = arith.constant 0 : i32
      %dma_wait3A_223 = arith.constant 0 : i32
      %dma_wait3A_224 = tpu.memref_slice %arg11[%dma_wait3A_220, %dma_wait3A_222, %dma_wait3A_223] : memref<2x128x48xf32, #tpu.memory_space<vmem>> -> memref<1x128x48xf32, #tpu.memory_space<vmem>>
      %dma_wait3A_225 = tpu.memref_squeeze %dma_wait3A_224 : memref<1x128x48xf32, #tpu.memory_space<vmem>> -> memref<128x48xf32, #tpu.memory_space<vmem>>
      %dma_wait3A_226 = arith.constant 0 : i32
      %dma_wait3A_227 = tpu.memref_slice %arg9[%add3A_219, %dma_wait3A_226] : memref<81x128xi32, #tpu.memory_space<vmem>> -> memref<1x128xi32, #tpu.memory_space<vmem>>
      %dma_wait3A_228 = tpu.memref_squeeze %dma_wait3A_227 : memref<1x128xi32, #tpu.memory_space<vmem>> -> memref<128xi32, #tpu.memory_space<vmem>>
      %dma_wait3A_229 = arith.constant 0 : i32
      %dma_wait3A_230 = arith.constant 0 : i32
      %dma_wait3A_231 = tpu.memref_slice %arg4[%dma_wait3A_229, %dma_wait3A_230] : memref<10240x48xf32, #tpu.memory_space<hbm>> -> memref<10240x48xf32, #tpu.memory_space<hbm>>
      %dma_wait3A_232 = tpu.memref_slice %arg17[%dma_wait3A_221] : memref<2x!tpu.dma_semaphore, #tpu.memory_space<semaphore_mem>> -> memref<1x!tpu.dma_semaphore, #tpu.memory_space<semaphore_mem>>
      %dma_wait3A_233 = tpu.memref_squeeze %dma_wait3A_232 : memref<1x!tpu.dma_semaphore, #tpu.memory_space<semaphore_mem>> -> memref<!tpu.dma_semaphore, #tpu.memory_space<semaphore_mem>>
      tpu.wait_indirect_dma semaphore(%dma_wait3A_233 : memref<!tpu.dma_semaphore, #tpu.memory_space<semaphore_mem>>) src(%dma_wait3A_231 : memref<10240x48xf32, #tpu.memory_space<hbm>>) dst(%dma_wait3A_225 : memref<128x48xf32, #tpu.memory_space<vmem>>)
      %mul3A_234 = arith.constant 1 : i32
      %mul3A_235 = arith.muli %mul3A_234, %mul3A_174 : i32
      %add3A_236 = arith.constant 0 : i32
      %add3A_237 = arith.addi %mul3A_235, %add3A_236 : i32
      %dma_wait3A_238 = arith.constant 0 : i32
      %dma_wait3A_239 = arith.constant 0 : i32
      %dma_wait3A_240 = arith.constant 0 : i32
      %dma_wait3A_241 = arith.constant 0 : i32
      %dma_wait3A_242 = tpu.memref_slice %arg12[%dma_wait3A_238, %dma_wait3A_240, %dma_wait3A_241] : memref<2x128x16xf32, #tpu.memory_space<vmem>> -> memref<1x128x16xf32, #tpu.memory_space<vmem>>
      %dma_wait3A_243 = tpu.memref_squeeze %dma_wait3A_242 : memref<1x128x16xf32, #tpu.memory_space<vmem>> -> memref<128x16xf32, #tpu.memory_space<vmem>>
      %dma_wait3A_244 = arith.constant 0 : i32
      %dma_wait3A_245 = tpu.memref_slice %arg10[%add3A_237, %dma_wait3A_244] : memref<81x128xi32, #tpu.memory_space<vmem>> -> memref<1x128xi32, #tpu.memory_space<vmem>>
      %dma_wait3A_246 = tpu.memref_squeeze %dma_wait3A_245 : memref<1x128xi32, #tpu.memory_space<vmem>> -> memref<128xi32, #tpu.memory_space<vmem>>
      %dma_wait3A_247 = arith.constant 0 : i32
      %dma_wait3A_248 = arith.constant 0 : i32
      %dma_wait3A_249 = tpu.memref_slice %arg5[%dma_wait3A_247, %dma_wait3A_248] : memref<10240x16xf32, #tpu.memory_space<hbm>> -> memref<10240x16xf32, #tpu.memory_space<hbm>>
      %dma_wait3A_250 = tpu.memref_slice %arg17[%dma_wait3A_239] : memref<2x!tpu.dma_semaphore, #tpu.memory_space<semaphore_mem>> -> memref<1x!tpu.dma_semaphore, #tpu.memory_space<semaphore_mem>>
      %dma_wait3A_251 = tpu.memref_squeeze %dma_wait3A_250 : memref<1x!tpu.dma_semaphore, #tpu.memory_space<semaphore_mem>> -> memref<!tpu.dma_semaphore, #tpu.memory_space<semaphore_mem>>
      tpu.wait_indirect_dma semaphore(%dma_wait3A_251 : memref<!tpu.dma_semaphore, #tpu.memory_space<semaphore_mem>>) src(%dma_wait3A_249 : memref<10240x16xf32, #tpu.memory_space<hbm>>) dst(%dma_wait3A_243 : memref<128x16xf32, #tpu.memory_space<vmem>>)
      %parallel_loop3A_252 = arith.constant 0 : i32
      %parallel_loop3A_253 = arith.constant 128 : i32
      %parallel_loop3A_254 = arith.constant 1 : i32
      scf.for %parallel_loop3A_346 = %parallel_loop3A_252 to %parallel_loop3A_253 step %parallel_loop3A_254  : i32 {
        %parallel_loop3A_347 = arith.constant 0 : i32
        %parallel_loop3A_348 = arith.index_cast %parallel_loop3A_347 : i32 to index
        %parallel_loop3A_349 = arith.index_cast %parallel_loop3A_346 : i32 to index
        %parallel_loop3A_350 = arith.constant 32 : index
        %parallel_loop3A_351 = tpu.vector_load %arg11[%parallel_loop3A_348, %parallel_loop3A_349, %parallel_loop3A_350] {strides = array<i32>} : memref<2x128x48xf32, #tpu.memory_space<vmem>>, vector<16xf32>,
        %parallel_loop3A_352 = arith.constant 0 : i32
        %parallel_loop3A_353 = arith.index_cast %parallel_loop3A_352 : i32 to index
        %parallel_loop3A_354 = arith.index_cast %parallel_loop3A_346 : i32 to index
        %parallel_loop3A_355 = arith.constant 0 : index
        %parallel_loop3A_356 = tpu.vector_load %arg12[%parallel_loop3A_353, %parallel_loop3A_354, %parallel_loop3A_355] {strides = array<i32>} : memref<2x128x16xf32, #tpu.memory_space<vmem>>, vector<16xf32>,
        %parallel_loop3A_357 = arith.addf %parallel_loop3A_351, %parallel_loop3A_356 : vector<16xf32>
        %parallel_loop3A_358 = arith.constant 0.000000e+00 : f32
        %parallel_loop3A_359 = vector.broadcast %parallel_loop3A_358 : f32 to vector<16xf32>
        %parallel_loop3A_360 = arith.cmpf ogt, %parallel_loop3A_357, %parallel_loop3A_359 : vector<16xf32>
        %parallel_loop3A_361 = arith.constant 2.000000e-01 : f32
        %parallel_loop3A_362 = vector.broadcast %parallel_loop3A_361 : f32 to vector<16xf32>
        %parallel_loop3A_363 = arith.mulf %parallel_loop3A_357, %parallel_loop3A_362 : vector<16xf32>
        %parallel_loop3A_364 = arith.select %parallel_loop3A_360, %parallel_loop3A_357, %parallel_loop3A_363 : vector<16xi1>, vector<16xf32>
        %parallel_loop3A_365 = arith.subf %parallel_loop3A_364, %select_n3A : vector<16xf32>
        %parallel_loop3A_366 = math.exp %parallel_loop3A_365 : vector<16xf32>
        %parallel_loop3A_367 = arith.index_cast %parallel_loop3A_346 : i32 to index
        %parallel_loop3A_368 = arith.constant 0 : index
        %parallel_loop3A_369 = tpu.vector_load %arg15[%parallel_loop3A_367, %parallel_loop3A_368] {strides = array<i32>} : memref<128x16xf32, #tpu.memory_space<vmem>>, vector<16xf32>,
        tpu.vector_store %arg15[%parallel_loop3A_367, %parallel_loop3A_368], %parallel_loop3A_366 {strides = array<i32>} : memref<128x16xf32, #tpu.memory_space<vmem>>, vector<16xf32>,
        %parallel_loop3A_370 = arith.constant 8 : i32
        %parallel_loop3A_371 = vector.broadcast %parallel_loop3A_370 : i32 to vector<16xi32>
        %parallel_loop3A_372 = arith.constant 0 : i32
        %parallel_loop3A_373 = tpu.memref_slice %arg15[%parallel_loop3A_346, %parallel_loop3A_372] : memref<128x16xf32, #tpu.memory_space<vmem>> -> memref<1x16xf32, #tpu.memory_space<vmem>>
        %parallel_loop3A_374 = tpu.memref_squeeze %parallel_loop3A_373 : memref<1x16xf32, #tpu.memory_space<vmem>> -> memref<16xf32, #tpu.memory_space<vmem>>
        %parallel_loop3A_375 = tpu.vector_load_idx %parallel_loop3A_374[%parallel_loop3A_371] : memref<16xf32, #tpu.memory_space<vmem>>[vector<16xi32>], vector<16xf32>,
        %parallel_loop3A_376 = arith.constant 0 : i32
        %parallel_loop3A_377 = arith.index_cast %parallel_loop3A_376 : i32 to index
        %parallel_loop3A_378 = arith.index_cast %parallel_loop3A_346 : i32 to index
        %parallel_loop3A_379 = arith.constant 0 : index
        %parallel_loop3A_380 = tpu.vector_load %arg11[%parallel_loop3A_377, %parallel_loop3A_378, %parallel_loop3A_379] {strides = array<i32>} : memref<2x128x48xf32, #tpu.memory_space<vmem>>, vector<16xf32>,
        %parallel_loop3A_381 = arith.mulf %parallel_loop3A_380, %parallel_loop3A_375 : vector<16xf32>
        %parallel_loop3A_382 = arith.constant 0 : i32
        %parallel_loop3A_383 = arith.index_cast %parallel_loop3A_382 : i32 to index
        %parallel_loop3A_384 = arith.index_cast %parallel_loop3A_346 : i32 to index
        %parallel_loop3A_385 = arith.constant 0 : index
        %parallel_loop3A_386 = tpu.vector_load %arg13[%parallel_loop3A_383, %parallel_loop3A_384, %parallel_loop3A_385] {strides = array<i32>} : memref<2x128x48xf32, #tpu.memory_space<vmem>>, vector<16xf32>,
        tpu.vector_store %arg13[%parallel_loop3A_383, %parallel_loop3A_384, %parallel_loop3A_385], %parallel_loop3A_381 {strides = array<i32>} : memref<2x128x48xf32, #tpu.memory_space<vmem>>, vector<16xf32>,
        %parallel_loop3A_387 = arith.constant 0 : i32
        %parallel_loop3A_388 = arith.index_cast %parallel_loop3A_387 : i32 to index
        %parallel_loop3A_389 = arith.index_cast %parallel_loop3A_346 : i32 to index
        %parallel_loop3A_390 = arith.constant 16 : index
        %parallel_loop3A_391 = tpu.vector_load %arg11[%parallel_loop3A_388, %parallel_loop3A_389, %parallel_loop3A_390] {strides = array<i32>} : memref<2x128x48xf32, #tpu.memory_space<vmem>>, vector<16xf32>,
        %parallel_loop3A_392 = arith.mulf %parallel_loop3A_391, %parallel_loop3A_375 : vector<16xf32>
        %parallel_loop3A_393 = arith.constant 0 : i32
        %parallel_loop3A_394 = arith.index_cast %parallel_loop3A_393 : i32 to index
        %parallel_loop3A_395 = arith.index_cast %parallel_loop3A_346 : i32 to index
        %parallel_loop3A_396 = arith.constant 16 : index
        %parallel_loop3A_397 = tpu.vector_load %arg13[%parallel_loop3A_394, %parallel_loop3A_395, %parallel_loop3A_396] {strides = array<i32>} : memref<2x128x48xf32, #tpu.memory_space<vmem>>, vector<16xf32>,
        tpu.vector_store %arg13[%parallel_loop3A_394, %parallel_loop3A_395, %parallel_loop3A_396], %parallel_loop3A_392 {strides = array<i32>} : memref<2x128x48xf32, #tpu.memory_space<vmem>>, vector<16xf32>,
        %parallel_loop3A_398 = arith.constant 8 : i32
        %parallel_loop3A_399 = vector.broadcast %parallel_loop3A_398 : i32 to vector<16xi32>
        %parallel_loop3A_400 = arith.cmpi slt, %iota3A, %parallel_loop3A_399 : vector<16xi32>
        %parallel_loop3A_401 = arith.constant 0 : i32
        %parallel_loop3A_402 = arith.index_cast %parallel_loop3A_401 : i32 to index
        %parallel_loop3A_403 = arith.index_cast %parallel_loop3A_346 : i32 to index
        %parallel_loop3A_404 = arith.constant 32 : index
        %parallel_loop3A_405 = tpu.vector_load %arg11[%parallel_loop3A_402, %parallel_loop3A_403, %parallel_loop3A_404] {strides = array<i32>} : memref<2x128x48xf32, #tpu.memory_space<vmem>>, vector<16xf32>,
        %parallel_loop3A_406 = arith.mulf %parallel_loop3A_405, %parallel_loop3A_375 : vector<16xf32>
        %parallel_loop3A_407 = arith.select %parallel_loop3A_400, %parallel_loop3A_406, %parallel_loop3A_375 : vector<16xi1>, vector<16xf32>
        %parallel_loop3A_408 = arith.constant 0 : i32
        %parallel_loop3A_409 = arith.index_cast %parallel_loop3A_408 : i32 to index
        %parallel_loop3A_410 = arith.index_cast %parallel_loop3A_346 : i32 to index
        %parallel_loop3A_411 = arith.constant 32 : index
        %parallel_loop3A_412 = tpu.vector_load %arg13[%parallel_loop3A_409, %parallel_loop3A_410, %parallel_loop3A_411] {strides = array<i32>} : memref<2x128x48xf32, #tpu.memory_space<vmem>>, vector<16xf32>,
        tpu.vector_store %arg13[%parallel_loop3A_409, %parallel_loop3A_410, %parallel_loop3A_411], %parallel_loop3A_407 {strides = array<i32>} : memref<2x128x48xf32, #tpu.memory_space<vmem>>, vector<16xf32>,
      } {sc.loop_unroll_factor = 8 : i64, sc.parallel_access}
      %mul3A_255 = arith.constant 1 : i32
      %mul3A_256 = arith.muli %mul3A_255, %mul3A_174 : i32
      %add3A_257 = arith.constant 0 : i32
      %add3A_258 = arith.addi %mul3A_256, %add3A_257 : i32
      %dma_start3A_259 = arith.constant 0 : i32
      %dma_start3A_260 = arith.constant 0 : i32
      %dma_start3A_261 = arith.constant 0 : i32
      %dma_start3A_262 = arith.constant 0 : i32
      %dma_start3A_263 = tpu.memref_slice %arg13[%dma_start3A_259, %dma_start3A_261, %dma_start3A_262] : memref<2x128x48xf32, #tpu.memory_space<vmem>> -> memref<1x128x48xf32, #tpu.memory_space<vmem>>
      %dma_start3A_264 = tpu.memref_squeeze %dma_start3A_263 : memref<1x128x48xf32, #tpu.memory_space<vmem>> -> memref<128x48xf32, #tpu.memory_space<vmem>>
      %dma_start3A_265 = arith.constant 0 : i32
      %dma_start3A_266 = tpu.memref_slice %arg10[%add3A_258, %dma_start3A_265] : memref<81x128xi32, #tpu.memory_space<vmem>> -> memref<1x128xi32, #tpu.memory_space<vmem>>
      %dma_start3A_267 = tpu.memref_squeeze %dma_start3A_266 : memref<1x128xi32, #tpu.memory_space<vmem>> -> memref<128xi32, #tpu.memory_space<vmem>>
      %dma_start3A_268 = arith.constant 0 : i32
      %dma_start3A_269 = arith.constant 0 : i32
      %dma_start3A_270 = tpu.memref_slice %arg8[%dma_start3A_268, %dma_start3A_269] : memref<10240x48xf32, #tpu.memory_space<vmem_shared>> -> memref<10240x48xf32, #tpu.memory_space<vmem_shared>>
      %dma_start3A_271 = tpu.memref_slice %arg18[%dma_start3A_260] : memref<2x!tpu.dma_semaphore, #tpu.memory_space<semaphore_mem>> -> memref<1x!tpu.dma_semaphore, #tpu.memory_space<semaphore_mem>>
      %dma_start3A_272 = tpu.memref_squeeze %dma_start3A_271 : memref<1x!tpu.dma_semaphore, #tpu.memory_space<semaphore_mem>> -> memref<!tpu.dma_semaphore, #tpu.memory_space<semaphore_mem>>
      tpu.enqueue_indirect_dma source(%dma_start3A_264 : memref<128x48xf32, #tpu.memory_space<vmem>>) target(%dma_start3A_270 : memref<10240x48xf32, #tpu.memory_space<vmem_shared>>) offsets(%dma_start3A_267 : memref<128xi32, #tpu.memory_space<vmem>>) semaphore(%dma_start3A_272 : memref<!tpu.dma_semaphore, #tpu.memory_space<semaphore_mem>>) {add = true}
      %add3A_273 = arith.constant 2 : i32
      %add3A_274 = arith.addi %mul3A_174, %add3A_273 : i32
      %lt3A = arith.constant 81 : i32
      %lt3A_275 = arith.cmpi slt, %add3A_274, %lt3A : i32
      %convert_element_type3A_276 = arith.extui %lt3A_275 : i1 to i32
      %cond3A_277 = arith.constant 0 : i32
      %cond3A_278 = arith.cmpi ne, %convert_element_type3A_276, %cond3A_277 : i32
      scf.if %cond3A_278 {
        %add3A_346 = arith.constant 2 : i32
        %add3A_347 = arith.addi %mul3A_174, %add3A_346 : i32
        %mul3A_348 = arith.constant 1 : i32
        %mul3A_349 = arith.muli %mul3A_348, %add3A_347 : i32
        %add3A_350 = arith.constant 0 : i32
        %add3A_351 = arith.addi %mul3A_349, %add3A_350 : i32
        %dma_start3A_352 = arith.constant 0 : i32
        %dma_start3A_353 = arith.constant 0 : i32
        %dma_start3A_354 = arith.constant 0 : i32
        %dma_start3A_355 = arith.constant 0 : i32
        %dma_start3A_356 = tpu.memref_slice %arg11[%dma_start3A_352, %dma_start3A_354, %dma_start3A_355] : memref<2x128x48xf32, #tpu.memory_space<vmem>> -> memref<1x128x48xf32, #tpu.memory_space<vmem>>
        %dma_start3A_357 = tpu.memref_squeeze %dma_start3A_356 : memref<1x128x48xf32, #tpu.memory_space<vmem>> -> memref<128x48xf32, #tpu.memory_space<vmem>>
        %dma_start3A_358 = arith.constant 0 : i32
        %dma_start3A_359 = tpu.memref_slice %arg9[%add3A_351, %dma_start3A_358] : memref<81x128xi32, #tpu.memory_space<vmem>> -> memref<1x128xi32, #tpu.memory_space<vmem>>
        %dma_start3A_360 = tpu.memref_squeeze %dma_start3A_359 : memref<1x128xi32, #tpu.memory_space<vmem>> -> memref<128xi32, #tpu.memory_space<vmem>>
        %dma_start3A_361 = arith.constant 0 : i32
        %dma_start3A_362 = arith.constant 0 : i32
        %dma_start3A_363 = tpu.memref_slice %arg4[%dma_start3A_361, %dma_start3A_362] : memref<10240x48xf32, #tpu.memory_space<hbm>> -> memref<10240x48xf32, #tpu.memory_space<hbm>>
        %dma_start3A_364 = tpu.memref_slice %arg17[%dma_start3A_353] : memref<2x!tpu.dma_semaphore, #tpu.memory_space<semaphore_mem>> -> memref<1x!tpu.dma_semaphore, #tpu.memory_space<semaphore_mem>>
        %dma_start3A_365 = tpu.memref_squeeze %dma_start3A_364 : memref<1x!tpu.dma_semaphore, #tpu.memory_space<semaphore_mem>> -> memref<!tpu.dma_semaphore, #tpu.memory_space<semaphore_mem>>
        tpu.enqueue_indirect_dma source(%dma_start3A_363 : memref<10240x48xf32, #tpu.memory_space<hbm>>) target(%dma_start3A_357 : memref<128x48xf32, #tpu.memory_space<vmem>>) offsets(%dma_start3A_360 : memref<128xi32, #tpu.memory_space<vmem>>) semaphore(%dma_start3A_365 : memref<!tpu.dma_semaphore, #tpu.memory_space<semaphore_mem>>)
        %mul3A_366 = arith.constant 1 : i32
        %mul3A_367 = arith.muli %mul3A_366, %add3A_347 : i32
        %add3A_368 = arith.constant 0 : i32
        %add3A_369 = arith.addi %mul3A_367, %add3A_368 : i32
        %dma_start3A_370 = arith.constant 0 : i32
        %dma_start3A_371 = arith.constant 0 : i32
        %dma_start3A_372 = arith.constant 0 : i32
        %dma_start3A_373 = arith.constant 0 : i32
        %dma_start3A_374 = tpu.memref_slice %arg12[%dma_start3A_370, %dma_start3A_372, %dma_start3A_373] : memref<2x128x16xf32, #tpu.memory_space<vmem>> -> memref<1x128x16xf32, #tpu.memory_space<vmem>>
        %dma_start3A_375 = tpu.memref_squeeze %dma_start3A_374 : memref<1x128x16xf32, #tpu.memory_space<vmem>> -> memref<128x16xf32, #tpu.memory_space<vmem>>
        %dma_start3A_376 = arith.constant 0 : i32
        %dma_start3A_377 = tpu.memref_slice %arg10[%add3A_369, %dma_start3A_376] : memref<81x128xi32, #tpu.memory_space<vmem>> -> memref<1x128xi32, #tpu.memory_space<vmem>>
        %dma_start3A_378 = tpu.memref_squeeze %dma_start3A_377 : memref<1x128xi32, #tpu.memory_space<vmem>> -> memref<128xi32, #tpu.memory_space<vmem>>
        %dma_start3A_379 = arith.constant 0 : i32
        %dma_start3A_380 = arith.constant 0 : i32
        %dma_start3A_381 = tpu.memref_slice %arg5[%dma_start3A_379, %dma_start3A_380] : memref<10240x16xf32, #tpu.memory_space<hbm>> -> memref<10240x16xf32, #tpu.memory_space<hbm>>
        %dma_start3A_382 = tpu.memref_slice %arg17[%dma_start3A_371] : memref<2x!tpu.dma_semaphore, #tpu.memory_space<semaphore_mem>> -> memref<1x!tpu.dma_semaphore, #tpu.memory_space<semaphore_mem>>
        %dma_start3A_383 = tpu.memref_squeeze %dma_start3A_382 : memref<1x!tpu.dma_semaphore, #tpu.memory_space<semaphore_mem>> -> memref<!tpu.dma_semaphore, #tpu.memory_space<semaphore_mem>>
        tpu.enqueue_indirect_dma source(%dma_start3A_381 : memref<10240x16xf32, #tpu.memory_space<hbm>>) target(%dma_start3A_375 : memref<128x16xf32, #tpu.memory_space<vmem>>) offsets(%dma_start3A_378 : memref<128xi32, #tpu.memory_space<vmem>>) semaphore(%dma_start3A_383 : memref<!tpu.dma_semaphore, #tpu.memory_space<semaphore_mem>>)
      } else {
      }
      %gt3A_279 = arith.constant 0 : i32
      %gt3A_280 = arith.cmpi sgt, %scan3A_171, %gt3A_279 : i32
      %convert_element_type3A_281 = arith.extui %gt3A_280 : i1 to i32
      %cond3A_282 = arith.constant 0 : i32
      %cond3A_283 = arith.cmpi ne, %convert_element_type3A_281, %cond3A_282 : i32
      scf.if %cond3A_283 {
        %sub3A = arith.constant 1 : i32
        %sub3A_346 = arith.subi %mul3A_174, %sub3A : i32
        %mul3A_347 = arith.constant 1 : i32
        %mul3A_348 = arith.muli %mul3A_347, %sub3A_346 : i32
        %add3A_349 = arith.constant 0 : i32
        %add3A_350 = arith.addi %mul3A_348, %add3A_349 : i32
        %dma_wait3A_351 = arith.constant 1 : i32
        %dma_wait3A_352 = arith.constant 1 : i32
        %dma_wait3A_353 = arith.constant 0 : i32
        %dma_wait3A_354 = arith.constant 0 : i32
        %dma_wait3A_355 = tpu.memref_slice %arg13[%dma_wait3A_351, %dma_wait3A_353, %dma_wait3A_354] : memref<2x128x48xf32, #tpu.memory_space<vmem>> -> memref<1x128x48xf32, #tpu.memory_space<vmem>>
        %dma_wait3A_356 = tpu.memref_squeeze %dma_wait3A_355 : memref<1x128x48xf32, #tpu.memory_space<vmem>> -> memref<128x48xf32, #tpu.memory_space<vmem>>
        %dma_wait3A_357 = arith.constant 0 : i32
        %dma_wait3A_358 = tpu.memref_slice %arg10[%add3A_350, %dma_wait3A_357] : memref<81x128xi32, #tpu.memory_space<vmem>> -> memref<1x128xi32, #tpu.memory_space<vmem>>
        %dma_wait3A_359 = tpu.memref_squeeze %dma_wait3A_358 : memref<1x128xi32, #tpu.memory_space<vmem>> -> memref<128xi32, #tpu.memory_space<vmem>>
        %dma_wait3A_360 = arith.constant 0 : i32
        %dma_wait3A_361 = arith.constant 0 : i32
        %dma_wait3A_362 = tpu.memref_slice %arg8[%dma_wait3A_360, %dma_wait3A_361] : memref<10240x48xf32, #tpu.memory_space<vmem_shared>> -> memref<10240x48xf32, #tpu.memory_space<vmem_shared>>
        %dma_wait3A_363 = tpu.memref_slice %arg18[%dma_wait3A_352] : memref<2x!tpu.dma_semaphore, #tpu.memory_space<semaphore_mem>> -> memref<1x!tpu.dma_semaphore, #tpu.memory_space<semaphore_mem>>
        %dma_wait3A_364 = tpu.memref_squeeze %dma_wait3A_363 : memref<1x!tpu.dma_semaphore, #tpu.memory_space<semaphore_mem>> -> memref<!tpu.dma_semaphore, #tpu.memory_space<semaphore_mem>>
        tpu.wait_indirect_dma semaphore(%dma_wait3A_364 : memref<!tpu.dma_semaphore, #tpu.memory_space<semaphore_mem>>) src(%dma_wait3A_356 : memref<128x48xf32, #tpu.memory_space<vmem>>) dst(%dma_wait3A_362 : memref<10240x48xf32, #tpu.memory_space<vmem_shared>>)
      } else {
      }
      %add3A_284 = arith.constant 1 : i32
      %add3A_285 = arith.addi %mul3A_174, %add3A_284 : i32
      %mul3A_286 = arith.constant 1 : i32
      %mul3A_287 = arith.muli %mul3A_286, %add3A_285 : i32
      %add3A_288 = arith.constant 0 : i32
      %add3A_289 = arith.addi %mul3A_287, %add3A_288 : i32
      %dma_wait3A_290 = arith.constant 1 : i32
      %dma_wait3A_291 = arith.constant 1 : i32
      %dma_wait3A_292 = arith.constant 0 : i32
      %dma_wait3A_293 = arith.constant 0 : i32
      %dma_wait3A_294 = tpu.memref_slice %arg11[%dma_wait3A_290, %dma_wait3A_292, %dma_wait3A_293] : memref<2x128x48xf32, #tpu.memory_space<vmem>> -> memref<1x128x48xf32, #tpu.memory_space<vmem>>
      %dma_wait3A_295 = tpu.memref_squeeze %dma_wait3A_294 : memref<1x128x48xf32, #tpu.memory_space<vmem>> -> memref<128x48xf32, #tpu.memory_space<vmem>>
      %dma_wait3A_296 = arith.constant 0 : i32
      %dma_wait3A_297 = tpu.memref_slice %arg9[%add3A_289, %dma_wait3A_296] : memref<81x128xi32, #tpu.memory_space<vmem>> -> memref<1x128xi32, #tpu.memory_space<vmem>>
      %dma_wait3A_298 = tpu.memref_squeeze %dma_wait3A_297 : memref<1x128xi32, #tpu.memory_space<vmem>> -> memref<128xi32, #tpu.memory_space<vmem>>
      %dma_wait3A_299 = arith.constant 0 : i32
      %dma_wait3A_300 = arith.constant 0 : i32
      %dma_wait3A_301 = tpu.memref_slice %arg4[%dma_wait3A_299, %dma_wait3A_300] : memref<10240x48xf32, #tpu.memory_space<hbm>> -> memref<10240x48xf32, #tpu.memory_space<hbm>>
      %dma_wait3A_302 = tpu.memref_slice %arg17[%dma_wait3A_291] : memref<2x!tpu.dma_semaphore, #tpu.memory_space<semaphore_mem>> -> memref<1x!tpu.dma_semaphore, #tpu.memory_space<semaphore_mem>>
      %dma_wait3A_303 = tpu.memref_squeeze %dma_wait3A_302 : memref<1x!tpu.dma_semaphore, #tpu.memory_space<semaphore_mem>> -> memref<!tpu.dma_semaphore, #tpu.memory_space<semaphore_mem>>
      tpu.wait_indirect_dma semaphore(%dma_wait3A_303 : memref<!tpu.dma_semaphore, #tpu.memory_space<semaphore_mem>>) src(%dma_wait3A_301 : memref<10240x48xf32, #tpu.memory_space<hbm>>) dst(%dma_wait3A_295 : memref<128x48xf32, #tpu.memory_space<vmem>>)
      %mul3A_304 = arith.constant 1 : i32
      %mul3A_305 = arith.muli %mul3A_304, %add3A_285 : i32
      %add3A_306 = arith.constant 0 : i32
      %add3A_307 = arith.addi %mul3A_305, %add3A_306 : i32
      %dma_wait3A_308 = arith.constant 1 : i32
      %dma_wait3A_309 = arith.constant 1 : i32
      %dma_wait3A_310 = arith.constant 0 : i32
      %dma_wait3A_311 = arith.constant 0 : i32
      %dma_wait3A_312 = tpu.memref_slice %arg12[%dma_wait3A_308, %dma_wait3A_310, %dma_wait3A_311] : memref<2x128x16xf32, #tpu.memory_space<vmem>> -> memref<1x128x16xf32, #tpu.memory_space<vmem>>
      %dma_wait3A_313 = tpu.memref_squeeze %dma_wait3A_312 : memref<1x128x16xf32, #tpu.memory_space<vmem>> -> memref<128x16xf32, #tpu.memory_space<vmem>>
      %dma_wait3A_314 = arith.constant 0 : i32
      %dma_wait3A_315 = tpu.memref_slice %arg10[%add3A_307, %dma_wait3A_314] : memref<81x128xi32, #tpu.memory_space<vmem>> -> memref<1x128xi32, #tpu.memory_space<vmem>>
      %dma_wait3A_316 = tpu.memref_squeeze %dma_wait3A_315 : memref<1x128xi32, #tpu.memory_space<vmem>> -> memref<128xi32, #tpu.memory_space<vmem>>
      %dma_wait3A_317 = arith.constant 0 : i32
      %dma_wait3A_318 = arith.constant 0 : i32
      %dma_wait3A_319 = tpu.memref_slice %arg5[%dma_wait3A_317, %dma_wait3A_318] : memref<10240x16xf32, #tpu.memory_space<hbm>> -> memref<10240x16xf32, #tpu.memory_space<hbm>>
      %dma_wait3A_320 = tpu.memref_slice %arg17[%dma_wait3A_309] : memref<2x!tpu.dma_semaphore, #tpu.memory_space<semaphore_mem>> -> memref<1x!tpu.dma_semaphore, #tpu.memory_space<semaphore_mem>>
      %dma_wait3A_321 = tpu.memref_squeeze %dma_wait3A_320 : memref<1x!tpu.dma_semaphore, #tpu.memory_space<semaphore_mem>> -> memref<!tpu.dma_semaphore, #tpu.memory_space<semaphore_mem>>
      tpu.wait_indirect_dma semaphore(%dma_wait3A_321 : memref<!tpu.dma_semaphore, #tpu.memory_space<semaphore_mem>>) src(%dma_wait3A_319 : memref<10240x16xf32, #tpu.memory_space<hbm>>) dst(%dma_wait3A_313 : memref<128x16xf32, #tpu.memory_space<vmem>>)
      %parallel_loop3A_322 = arith.constant 0 : i32
      %parallel_loop3A_323 = arith.constant 128 : i32
      %parallel_loop3A_324 = arith.constant 1 : i32
      scf.for %parallel_loop3A_346 = %parallel_loop3A_322 to %parallel_loop3A_323 step %parallel_loop3A_324  : i32 {
        %parallel_loop3A_347 = arith.constant 1 : i32
        %parallel_loop3A_348 = arith.index_cast %parallel_loop3A_347 : i32 to index
        %parallel_loop3A_349 = arith.index_cast %parallel_loop3A_346 : i32 to index
        %parallel_loop3A_350 = arith.constant 32 : index
        %parallel_loop3A_351 = tpu.vector_load %arg11[%parallel_loop3A_348, %parallel_loop3A_349, %parallel_loop3A_350] {strides = array<i32>} : memref<2x128x48xf32, #tpu.memory_space<vmem>>, vector<16xf32>,
        %parallel_loop3A_352 = arith.constant 1 : i32
        %parallel_loop3A_353 = arith.index_cast %parallel_loop3A_352 : i32 to index
        %parallel_loop3A_354 = arith.index_cast %parallel_loop3A_346 : i32 to index
        %parallel_loop3A_355 = arith.constant 0 : index
        %parallel_loop3A_356 = tpu.vector_load %arg12[%parallel_loop3A_353, %parallel_loop3A_354, %parallel_loop3A_355] {strides = array<i32>} : memref<2x128x16xf32, #tpu.memory_space<vmem>>, vector<16xf32>,
        %parallel_loop3A_357 = arith.addf %parallel_loop3A_351, %parallel_loop3A_356 : vector<16xf32>
        %parallel_loop3A_358 = arith.constant 0.000000e+00 : f32
        %parallel_loop3A_359 = vector.broadcast %parallel_loop3A_358 : f32 to vector<16xf32>
        %parallel_loop3A_360 = arith.cmpf ogt, %parallel_loop3A_357, %parallel_loop3A_359 : vector<16xf32>
        %parallel_loop3A_361 = arith.constant 2.000000e-01 : f32
        %parallel_loop3A_362 = vector.broadcast %parallel_loop3A_361 : f32 to vector<16xf32>
        %parallel_loop3A_363 = arith.mulf %parallel_loop3A_357, %parallel_loop3A_362 : vector<16xf32>
        %parallel_loop3A_364 = arith.select %parallel_loop3A_360, %parallel_loop3A_357, %parallel_loop3A_363 : vector<16xi1>, vector<16xf32>
        %parallel_loop3A_365 = arith.subf %parallel_loop3A_364, %select_n3A : vector<16xf32>
        %parallel_loop3A_366 = math.exp %parallel_loop3A_365 : vector<16xf32>
        %parallel_loop3A_367 = arith.index_cast %parallel_loop3A_346 : i32 to index
        %parallel_loop3A_368 = arith.constant 0 : index
        %parallel_loop3A_369 = tpu.vector_load %arg15[%parallel_loop3A_367, %parallel_loop3A_368] {strides = array<i32>} : memref<128x16xf32, #tpu.memory_space<vmem>>, vector<16xf32>,
        tpu.vector_store %arg15[%parallel_loop3A_367, %parallel_loop3A_368], %parallel_loop3A_366 {strides = array<i32>} : memref<128x16xf32, #tpu.memory_space<vmem>>, vector<16xf32>,
        %parallel_loop3A_370 = arith.constant 8 : i32
        %parallel_loop3A_371 = vector.broadcast %parallel_loop3A_370 : i32 to vector<16xi32>
        %parallel_loop3A_372 = arith.constant 0 : i32
        %parallel_loop3A_373 = tpu.memref_slice %arg15[%parallel_loop3A_346, %parallel_loop3A_372] : memref<128x16xf32, #tpu.memory_space<vmem>> -> memref<1x16xf32, #tpu.memory_space<vmem>>
        %parallel_loop3A_374 = tpu.memref_squeeze %parallel_loop3A_373 : memref<1x16xf32, #tpu.memory_space<vmem>> -> memref<16xf32, #tpu.memory_space<vmem>>
        %parallel_loop3A_375 = tpu.vector_load_idx %parallel_loop3A_374[%parallel_loop3A_371] : memref<16xf32, #tpu.memory_space<vmem>>[vector<16xi32>], vector<16xf32>,
        %parallel_loop3A_376 = arith.constant 1 : i32
        %parallel_loop3A_377 = arith.index_cast %parallel_loop3A_376 : i32 to index
        %parallel_loop3A_378 = arith.index_cast %parallel_loop3A_346 : i32 to index
        %parallel_loop3A_379 = arith.constant 0 : index
        %parallel_loop3A_380 = tpu.vector_load %arg11[%parallel_loop3A_377, %parallel_loop3A_378, %parallel_loop3A_379] {strides = array<i32>} : memref<2x128x48xf32, #tpu.memory_space<vmem>>, vector<16xf32>,
        %parallel_loop3A_381 = arith.mulf %parallel_loop3A_380, %parallel_loop3A_375 : vector<16xf32>
        %parallel_loop3A_382 = arith.constant 1 : i32
        %parallel_loop3A_383 = arith.index_cast %parallel_loop3A_382 : i32 to index
        %parallel_loop3A_384 = arith.index_cast %parallel_loop3A_346 : i32 to index
        %parallel_loop3A_385 = arith.constant 0 : index
        %parallel_loop3A_386 = tpu.vector_load %arg13[%parallel_loop3A_383, %parallel_loop3A_384, %parallel_loop3A_385] {strides = array<i32>} : memref<2x128x48xf32, #tpu.memory_space<vmem>>, vector<16xf32>,
        tpu.vector_store %arg13[%parallel_loop3A_383, %parallel_loop3A_384, %parallel_loop3A_385], %parallel_loop3A_381 {strides = array<i32>} : memref<2x128x48xf32, #tpu.memory_space<vmem>>, vector<16xf32>,
        %parallel_loop3A_387 = arith.constant 1 : i32
        %parallel_loop3A_388 = arith.index_cast %parallel_loop3A_387 : i32 to index
        %parallel_loop3A_389 = arith.index_cast %parallel_loop3A_346 : i32 to index
        %parallel_loop3A_390 = arith.constant 16 : index
        %parallel_loop3A_391 = tpu.vector_load %arg11[%parallel_loop3A_388, %parallel_loop3A_389, %parallel_loop3A_390] {strides = array<i32>} : memref<2x128x48xf32, #tpu.memory_space<vmem>>, vector<16xf32>,
        %parallel_loop3A_392 = arith.mulf %parallel_loop3A_391, %parallel_loop3A_375 : vector<16xf32>
        %parallel_loop3A_393 = arith.constant 1 : i32
        %parallel_loop3A_394 = arith.index_cast %parallel_loop3A_393 : i32 to index
        %parallel_loop3A_395 = arith.index_cast %parallel_loop3A_346 : i32 to index
        %parallel_loop3A_396 = arith.constant 16 : index
        %parallel_loop3A_397 = tpu.vector_load %arg13[%parallel_loop3A_394, %parallel_loop3A_395, %parallel_loop3A_396] {strides = array<i32>} : memref<2x128x48xf32, #tpu.memory_space<vmem>>, vector<16xf32>,
        tpu.vector_store %arg13[%parallel_loop3A_394, %parallel_loop3A_395, %parallel_loop3A_396], %parallel_loop3A_392 {strides = array<i32>} : memref<2x128x48xf32, #tpu.memory_space<vmem>>, vector<16xf32>,
        %parallel_loop3A_398 = arith.constant 8 : i32
        %parallel_loop3A_399 = vector.broadcast %parallel_loop3A_398 : i32 to vector<16xi32>
        %parallel_loop3A_400 = arith.cmpi slt, %iota3A, %parallel_loop3A_399 : vector<16xi32>
        %parallel_loop3A_401 = arith.constant 1 : i32
        %parallel_loop3A_402 = arith.index_cast %parallel_loop3A_401 : i32 to index
        %parallel_loop3A_403 = arith.index_cast %parallel_loop3A_346 : i32 to index
        %parallel_loop3A_404 = arith.constant 32 : index
        %parallel_loop3A_405 = tpu.vector_load %arg11[%parallel_loop3A_402, %parallel_loop3A_403, %parallel_loop3A_404] {strides = array<i32>} : memref<2x128x48xf32, #tpu.memory_space<vmem>>, vector<16xf32>,
        %parallel_loop3A_406 = arith.mulf %parallel_loop3A_405, %parallel_loop3A_375 : vector<16xf32>
        %parallel_loop3A_407 = arith.select %parallel_loop3A_400, %parallel_loop3A_406, %parallel_loop3A_375 : vector<16xi1>, vector<16xf32>
        %parallel_loop3A_408 = arith.constant 1 : i32
        %parallel_loop3A_409 = arith.index_cast %parallel_loop3A_408 : i32 to index
        %parallel_loop3A_410 = arith.index_cast %parallel_loop3A_346 : i32 to index
        %parallel_loop3A_411 = arith.constant 32 : index
        %parallel_loop3A_412 = tpu.vector_load %arg13[%parallel_loop3A_409, %parallel_loop3A_410, %parallel_loop3A_411] {strides = array<i32>} : memref<2x128x48xf32, #tpu.memory_space<vmem>>, vector<16xf32>,
        tpu.vector_store %arg13[%parallel_loop3A_409, %parallel_loop3A_410, %parallel_loop3A_411], %parallel_loop3A_407 {strides = array<i32>} : memref<2x128x48xf32, #tpu.memory_space<vmem>>, vector<16xf32>,
      } {sc.loop_unroll_factor = 8 : i64, sc.parallel_access}
      %add3A_325 = arith.constant 1 : i32
      %add3A_326 = arith.addi %mul3A_174, %add3A_325 : i32
      %mul3A_327 = arith.constant 1 : i32
      %mul3A_328 = arith.muli %mul3A_327, %add3A_326 : i32
      %add3A_329 = arith.constant 0 : i32
      %add3A_330 = arith.addi %mul3A_328, %add3A_329 : i32
      %dma_start3A_331 = arith.constant 1 : i32
      %dma_start3A_332 = arith.constant 1 : i32
      %dma_start3A_333 = arith.constant 0 : i32
      %dma_start3A_334 = arith.constant 0 : i32
      %dma_start3A_335 = tpu.memref_slice %arg13[%dma_start3A_331, %dma_start3A_333, %dma_start3A_334] : memref<2x128x48xf32, #tpu.memory_space<vmem>> -> memref<1x128x48xf32, #tpu.memory_space<vmem>>
      %dma_start3A_336 = tpu.memref_squeeze %dma_start3A_335 : memref<1x128x48xf32, #tpu.memory_space<vmem>> -> memref<128x48xf32, #tpu.memory_space<vmem>>
      %dma_start3A_337 = arith.constant 0 : i32
      %dma_start3A_338 = tpu.memref_slice %arg10[%add3A_330, %dma_start3A_337] : memref<81x128xi32, #tpu.memory_space<vmem>> -> memref<1x128xi32, #tpu.memory_space<vmem>>
      %dma_start3A_339 = tpu.memref_squeeze %dma_start3A_338 : memref<1x128xi32, #tpu.memory_space<vmem>> -> memref<128xi32, #tpu.memory_space<vmem>>
      %dma_start3A_340 = arith.constant 0 : i32
      %dma_start3A_341 = arith.constant 0 : i32
      %dma_start3A_342 = tpu.memref_slice %arg8[%dma_start3A_340, %dma_start3A_341] : memref<10240x48xf32, #tpu.memory_space<vmem_shared>> -> memref<10240x48xf32, #tpu.memory_space<vmem_shared>>
      %dma_start3A_343 = tpu.memref_slice %arg18[%dma_start3A_332] : memref<2x!tpu.dma_semaphore, #tpu.memory_space<semaphore_mem>> -> memref<1x!tpu.dma_semaphore, #tpu.memory_space<semaphore_mem>>
      %dma_start3A_344 = tpu.memref_squeeze %dma_start3A_343 : memref<1x!tpu.dma_semaphore, #tpu.memory_space<semaphore_mem>> -> memref<!tpu.dma_semaphore, #tpu.memory_space<semaphore_mem>>
      tpu.enqueue_indirect_dma source(%dma_start3A_336 : memref<128x48xf32, #tpu.memory_space<vmem>>) target(%dma_start3A_342 : memref<10240x48xf32, #tpu.memory_space<vmem_shared>>) offsets(%dma_start3A_339 : memref<128xi32, #tpu.memory_space<vmem>>) semaphore(%dma_start3A_344 : memref<!tpu.dma_semaphore, #tpu.memory_space<semaphore_mem>>) {add = true}
      %scan3A_345 = arith.constant 0 : i32
      scf.yield %scan3A_345 : i32
    }
    %scan3A_76 = arith.constant 40 : i32
    %dma_wait3A = arith.constant 0 : i32
    %dma_wait3A_77 = arith.constant 78 : i32
    %dma_wait3A_78 = arith.constant 0 : i32
    %dma_wait3A_79 = arith.constant 0 : i32
    %dma_wait3A_80 = arith.constant 0 : i32
    %dma_wait3A_81 = tpu.memref_slice %arg13[%dma_wait3A, %dma_wait3A_79, %dma_wait3A_80] : memref<2x128x48xf32, #tpu.memory_space<vmem>> -> memref<1x128x48xf32, #tpu.memory_space<vmem>>
    %dma_wait3A_82 = tpu.memref_squeeze %dma_wait3A_81 : memref<1x128x48xf32, #tpu.memory_space<vmem>> -> memref<128x48xf32, #tpu.memory_space<vmem>>
    %dma_wait3A_83 = arith.constant 0 : i32
    %dma_wait3A_84 = tpu.memref_slice %arg10[%dma_wait3A_77, %dma_wait3A_83] : memref<81x128xi32, #tpu.memory_space<vmem>> -> memref<1x128xi32, #tpu.memory_space<vmem>>
    %dma_wait3A_85 = tpu.memref_squeeze %dma_wait3A_84 : memref<1x128xi32, #tpu.memory_space<vmem>> -> memref<128xi32, #tpu.memory_space<vmem>>
    %dma_wait3A_86 = arith.constant 0 : i32
    %dma_wait3A_87 = arith.constant 0 : i32
    %dma_wait3A_88 = tpu.memref_slice %arg8[%dma_wait3A_86, %dma_wait3A_87] : memref<10240x48xf32, #tpu.memory_space<vmem_shared>> -> memref<10240x48xf32, #tpu.memory_space<vmem_shared>>
    %dma_wait3A_89 = tpu.memref_slice %arg18[%dma_wait3A_78] : memref<2x!tpu.dma_semaphore, #tpu.memory_space<semaphore_mem>> -> memref<1x!tpu.dma_semaphore, #tpu.memory_space<semaphore_mem>>
    %dma_wait3A_90 = tpu.memref_squeeze %dma_wait3A_89 : memref<1x!tpu.dma_semaphore, #tpu.memory_space<semaphore_mem>> -> memref<!tpu.dma_semaphore, #tpu.memory_space<semaphore_mem>>
    tpu.wait_indirect_dma semaphore(%dma_wait3A_90 : memref<!tpu.dma_semaphore, #tpu.memory_space<semaphore_mem>>) src(%dma_wait3A_82 : memref<128x48xf32, #tpu.memory_space<vmem>>) dst(%dma_wait3A_88 : memref<10240x48xf32, #tpu.memory_space<vmem_shared>>)
    %dma_wait3A_91 = arith.constant 80 : i32
    %dma_wait3A_92 = arith.constant 0 : i32
    %dma_wait3A_93 = arith.constant 0 : i32
    %dma_wait3A_94 = arith.constant 0 : i32
    %dma_wait3A_95 = arith.constant 0 : i32
    %dma_wait3A_96 = tpu.memref_slice %arg11[%dma_wait3A_92, %dma_wait3A_94, %dma_wait3A_95] : memref<2x128x48xf32, #tpu.memory_space<vmem>> -> memref<1x128x48xf32, #tpu.memory_space<vmem>>
    %dma_wait3A_97 = tpu.memref_squeeze %dma_wait3A_96 : memref<1x128x48xf32, #tpu.memory_space<vmem>> -> memref<128x48xf32, #tpu.memory_space<vmem>>
    %dma_wait3A_98 = arith.constant 0 : i32
    %dma_wait3A_99 = tpu.memref_slice %arg9[%dma_wait3A_91, %dma_wait3A_98] : memref<81x128xi32, #tpu.memory_space<vmem>> -> memref<1x128xi32, #tpu.memory_space<vmem>>
    %dma_wait3A_100 = tpu.memref_squeeze %dma_wait3A_99 : memref<1x128xi32, #tpu.memory_space<vmem>> -> memref<128xi32, #tpu.memory_space<vmem>>
    %dma_wait3A_101 = arith.constant 0 : i32
    %dma_wait3A_102 = arith.constant 0 : i32
    %dma_wait3A_103 = tpu.memref_slice %arg4[%dma_wait3A_101, %dma_wait3A_102] : memref<10240x48xf32, #tpu.memory_space<hbm>> -> memref<10240x48xf32, #tpu.memory_space<hbm>>
    %dma_wait3A_104 = tpu.memref_slice %arg17[%dma_wait3A_93] : memref<2x!tpu.dma_semaphore, #tpu.memory_space<semaphore_mem>> -> memref<1x!tpu.dma_semaphore, #tpu.memory_space<semaphore_mem>>
    %dma_wait3A_105 = tpu.memref_squeeze %dma_wait3A_104 : memref<1x!tpu.dma_semaphore, #tpu.memory_space<semaphore_mem>> -> memref<!tpu.dma_semaphore, #tpu.memory_space<semaphore_mem>>
    tpu.wait_indirect_dma semaphore(%dma_wait3A_105 : memref<!tpu.dma_semaphore, #tpu.memory_space<semaphore_mem>>) src(%dma_wait3A_103 : memref<10240x48xf32, #tpu.memory_space<hbm>>) dst(%dma_wait3A_97 : memref<128x48xf32, #tpu.memory_space<vmem>>)
    %dma_wait3A_106 = arith.constant 80 : i32
    %dma_wait3A_107 = arith.constant 0 : i32
    %dma_wait3A_108 = arith.constant 0 : i32
    %dma_wait3A_109 = arith.constant 0 : i32
    %dma_wait3A_110 = arith.constant 0 : i32
    %dma_wait3A_111 = tpu.memref_slice %arg12[%dma_wait3A_107, %dma_wait3A_109, %dma_wait3A_110] : memref<2x128x16xf32, #tpu.memory_space<vmem>> -> memref<1x128x16xf32, #tpu.memory_space<vmem>>
    %dma_wait3A_112 = tpu.memref_squeeze %dma_wait3A_111 : memref<1x128x16xf32, #tpu.memory_space<vmem>> -> memref<128x16xf32, #tpu.memory_space<vmem>>
    %dma_wait3A_113 = arith.constant 0 : i32
    %dma_wait3A_114 = tpu.memref_slice %arg10[%dma_wait3A_106, %dma_wait3A_113] : memref<81x128xi32, #tpu.memory_space<vmem>> -> memref<1x128xi32, #tpu.memory_space<vmem>>
    %dma_wait3A_115 = tpu.memref_squeeze %dma_wait3A_114 : memref<1x128xi32, #tpu.memory_space<vmem>> -> memref<128xi32, #tpu.memory_space<vmem>>
    %dma_wait3A_116 = arith.constant 0 : i32
    %dma_wait3A_117 = arith.constant 0 : i32
    %dma_wait3A_118 = tpu.memref_slice %arg5[%dma_wait3A_116, %dma_wait3A_117] : memref<10240x16xf32, #tpu.memory_space<hbm>> -> memref<10240x16xf32, #tpu.memory_space<hbm>>
    %dma_wait3A_119 = tpu.memref_slice %arg17[%dma_wait3A_108] : memref<2x!tpu.dma_semaphore, #tpu.memory_space<semaphore_mem>> -> memref<1x!tpu.dma_semaphore, #tpu.memory_space<semaphore_mem>>
    %dma_wait3A_120 = tpu.memref_squeeze %dma_wait3A_119 : memref<1x!tpu.dma_semaphore, #tpu.memory_space<semaphore_mem>> -> memref<!tpu.dma_semaphore, #tpu.memory_space<semaphore_mem>>
    tpu.wait_indirect_dma semaphore(%dma_wait3A_120 : memref<!tpu.dma_semaphore, #tpu.memory_space<semaphore_mem>>) src(%dma_wait3A_118 : memref<10240x16xf32, #tpu.memory_space<hbm>>) dst(%dma_wait3A_112 : memref<128x16xf32, #tpu.memory_space<vmem>>)
    %parallel_loop3A = arith.constant 0 : i32
    %parallel_loop3A_121 = arith.constant 128 : i32
    %parallel_loop3A_122 = arith.constant 1 : i32
    scf.for %parallel_loop3A_171 = %parallel_loop3A to %parallel_loop3A_121 step %parallel_loop3A_122  : i32 {
      %parallel_loop3A_172 = arith.constant 0 : i32
      %parallel_loop3A_173 = arith.index_cast %parallel_loop3A_172 : i32 to index
      %parallel_loop3A_174 = arith.index_cast %parallel_loop3A_171 : i32 to index
      %parallel_loop3A_175 = arith.constant 32 : index
      %parallel_loop3A_176 = tpu.vector_load %arg11[%parallel_loop3A_173, %parallel_loop3A_174, %parallel_loop3A_175] {strides = array<i32>} : memref<2x128x48xf32, #tpu.memory_space<vmem>>, vector<16xf32>,
      %parallel_loop3A_177 = arith.constant 0 : i32
      %parallel_loop3A_178 = arith.index_cast %parallel_loop3A_177 : i32 to index
      %parallel_loop3A_179 = arith.index_cast %parallel_loop3A_171 : i32 to index
      %parallel_loop3A_180 = arith.constant 0 : index
      %parallel_loop3A_181 = tpu.vector_load %arg12[%parallel_loop3A_178, %parallel_loop3A_179, %parallel_loop3A_180] {strides = array<i32>} : memref<2x128x16xf32, #tpu.memory_space<vmem>>, vector<16xf32>,
      %parallel_loop3A_182 = arith.addf %parallel_loop3A_176, %parallel_loop3A_181 : vector<16xf32>
      %parallel_loop3A_183 = arith.constant 0.000000e+00 : f32
      %parallel_loop3A_184 = vector.broadcast %parallel_loop3A_183 : f32 to vector<16xf32>
      %parallel_loop3A_185 = arith.cmpf ogt, %parallel_loop3A_182, %parallel_loop3A_184 : vector<16xf32>
      %parallel_loop3A_186 = arith.constant 2.000000e-01 : f32
      %parallel_loop3A_187 = vector.broadcast %parallel_loop3A_186 : f32 to vector<16xf32>
      %parallel_loop3A_188 = arith.mulf %parallel_loop3A_182, %parallel_loop3A_187 : vector<16xf32>
      %parallel_loop3A_189 = arith.select %parallel_loop3A_185, %parallel_loop3A_182, %parallel_loop3A_188 : vector<16xi1>, vector<16xf32>
      %parallel_loop3A_190 = arith.subf %parallel_loop3A_189, %select_n3A : vector<16xf32>
      %parallel_loop3A_191 = math.exp %parallel_loop3A_190 : vector<16xf32>
      %parallel_loop3A_192 = arith.index_cast %parallel_loop3A_171 : i32 to index
      %parallel_loop3A_193 = arith.constant 0 : index
      %parallel_loop3A_194 = tpu.vector_load %arg15[%parallel_loop3A_192, %parallel_loop3A_193] {strides = array<i32>} : memref<128x16xf32, #tpu.memory_space<vmem>>, vector<16xf32>,
      tpu.vector_store %arg15[%parallel_loop3A_192, %parallel_loop3A_193], %parallel_loop3A_191 {strides = array<i32>} : memref<128x16xf32, #tpu.memory_space<vmem>>, vector<16xf32>,
      %parallel_loop3A_195 = arith.constant 8 : i32
      %parallel_loop3A_196 = vector.broadcast %parallel_loop3A_195 : i32 to vector<16xi32>
      %parallel_loop3A_197 = arith.constant 0 : i32
      %parallel_loop3A_198 = tpu.memref_slice %arg15[%parallel_loop3A_171, %parallel_loop3A_197] : memref<128x16xf32, #tpu.memory_space<vmem>> -> memref<1x16xf32, #tpu.memory_space<vmem>>
      %parallel_loop3A_199 = tpu.memref_squeeze %parallel_loop3A_198 : memref<1x16xf32, #tpu.memory_space<vmem>> -> memref<16xf32, #tpu.memory_space<vmem>>
      %parallel_loop3A_200 = tpu.vector_load_idx %parallel_loop3A_199[%parallel_loop3A_196] : memref<16xf32, #tpu.memory_space<vmem>>[vector<16xi32>], vector<16xf32>,
      %parallel_loop3A_201 = arith.constant 0 : i32
      %parallel_loop3A_202 = arith.index_cast %parallel_loop3A_201 : i32 to index
      %parallel_loop3A_203 = arith.index_cast %parallel_loop3A_171 : i32 to index
      %parallel_loop3A_204 = arith.constant 0 : index
      %parallel_loop3A_205 = tpu.vector_load %arg11[%parallel_loop3A_202, %parallel_loop3A_203, %parallel_loop3A_204] {strides = array<i32>} : memref<2x128x48xf32, #tpu.memory_space<vmem>>, vector<16xf32>,
      %parallel_loop3A_206 = arith.mulf %parallel_loop3A_205, %parallel_loop3A_200 : vector<16xf32>
      %parallel_loop3A_207 = arith.constant 0 : i32
      %parallel_loop3A_208 = arith.index_cast %parallel_loop3A_207 : i32 to index
      %parallel_loop3A_209 = arith.index_cast %parallel_loop3A_171 : i32 to index
      %parallel_loop3A_210 = arith.constant 0 : index
      %parallel_loop3A_211 = tpu.vector_load %arg13[%parallel_loop3A_208, %parallel_loop3A_209, %parallel_loop3A_210] {strides = array<i32>} : memref<2x128x48xf32, #tpu.memory_space<vmem>>, vector<16xf32>,
      tpu.vector_store %arg13[%parallel_loop3A_208, %parallel_loop3A_209, %parallel_loop3A_210], %parallel_loop3A_206 {strides = array<i32>} : memref<2x128x48xf32, #tpu.memory_space<vmem>>, vector<16xf32>,
      %parallel_loop3A_212 = arith.constant 0 : i32
      %parallel_loop3A_213 = arith.index_cast %parallel_loop3A_212 : i32 to index
      %parallel_loop3A_214 = arith.index_cast %parallel_loop3A_171 : i32 to index
      %parallel_loop3A_215 = arith.constant 16 : index
      %parallel_loop3A_216 = tpu.vector_load %arg11[%parallel_loop3A_213, %parallel_loop3A_214, %parallel_loop3A_215] {strides = array<i32>} : memref<2x128x48xf32, #tpu.memory_space<vmem>>, vector<16xf32>,
      %parallel_loop3A_217 = arith.mulf %parallel_loop3A_216, %parallel_loop3A_200 : vector<16xf32>
      %parallel_loop3A_218 = arith.constant 0 : i32
      %parallel_loop3A_219 = arith.index_cast %parallel_loop3A_218 : i32 to index
      %parallel_loop3A_220 = arith.index_cast %parallel_loop3A_171 : i32 to index
      %parallel_loop3A_221 = arith.constant 16 : index
      %parallel_loop3A_222 = tpu.vector_load %arg13[%parallel_loop3A_219, %parallel_loop3A_220, %parallel_loop3A_221] {strides = array<i32>} : memref<2x128x48xf32, #tpu.memory_space<vmem>>, vector<16xf32>,
      tpu.vector_store %arg13[%parallel_loop3A_219, %parallel_loop3A_220, %parallel_loop3A_221], %parallel_loop3A_217 {strides = array<i32>} : memref<2x128x48xf32, #tpu.memory_space<vmem>>, vector<16xf32>,
      %parallel_loop3A_223 = arith.constant 8 : i32
      %parallel_loop3A_224 = vector.broadcast %parallel_loop3A_223 : i32 to vector<16xi32>
      %parallel_loop3A_225 = arith.cmpi slt, %iota3A, %parallel_loop3A_224 : vector<16xi32>
      %parallel_loop3A_226 = arith.constant 0 : i32
      %parallel_loop3A_227 = arith.index_cast %parallel_loop3A_226 : i32 to index
      %parallel_loop3A_228 = arith.index_cast %parallel_loop3A_171 : i32 to index
      %parallel_loop3A_229 = arith.constant 32 : index
      %parallel_loop3A_230 = tpu.vector_load %arg11[%parallel_loop3A_227, %parallel_loop3A_228, %parallel_loop3A_229] {strides = array<i32>} : memref<2x128x48xf32, #tpu.memory_space<vmem>>, vector<16xf32>,
      %parallel_loop3A_231 = arith.mulf %parallel_loop3A_230, %parallel_loop3A_200 : vector<16xf32>
      %parallel_loop3A_232 = arith.select %parallel_loop3A_225, %parallel_loop3A_231, %parallel_loop3A_200 : vector<16xi1>, vector<16xf32>
      %parallel_loop3A_233 = arith.constant 0 : i32
      %parallel_loop3A_234 = arith.index_cast %parallel_loop3A_233 : i32 to index
      %parallel_loop3A_235 = arith.index_cast %parallel_loop3A_171 : i32 to index
      %parallel_loop3A_236 = arith.constant 32 : index
      %parallel_loop3A_237 = tpu.vector_load %arg13[%parallel_loop3A_234, %parallel_loop3A_235, %parallel_loop3A_236] {strides = array<i32>} : memref<2x128x48xf32, #tpu.memory_space<vmem>>, vector<16xf32>,
      tpu.vector_store %arg13[%parallel_loop3A_234, %parallel_loop3A_235, %parallel_loop3A_236], %parallel_loop3A_232 {strides = array<i32>} : memref<2x128x48xf32, #tpu.memory_space<vmem>>, vector<16xf32>,
    } {sc.loop_unroll_factor = 8 : i64, sc.parallel_access}
    %dma_start3A_123 = arith.constant 0 : i32
    %dma_start3A_124 = arith.constant 80 : i32
    %dma_start3A_125 = arith.constant 0 : i32
    %dma_start3A_126 = arith.constant 0 : i32
    %dma_start3A_127 = arith.constant 0 : i32
    %dma_start3A_128 = tpu.memref_slice %arg13[%dma_start3A_123, %dma_start3A_126, %dma_start3A_127] : memref<2x128x48xf32, #tpu.memory_space<vmem>> -> memref<1x128x48xf32, #tpu.memory_space<vmem>>
    %dma_start3A_129 = tpu.memref_squeeze %dma_start3A_128 : memref<1x128x48xf32, #tpu.memory_space<vmem>> -> memref<128x48xf32, #tpu.memory_space<vmem>>
    %dma_start3A_130 = arith.constant 0 : i32
    %dma_start3A_131 = tpu.memref_slice %arg10[%dma_start3A_124, %dma_start3A_130] : memref<81x128xi32, #tpu.memory_space<vmem>> -> memref<1x128xi32, #tpu.memory_space<vmem>>
    %dma_start3A_132 = tpu.memref_squeeze %dma_start3A_131 : memref<1x128xi32, #tpu.memory_space<vmem>> -> memref<128xi32, #tpu.memory_space<vmem>>
    %dma_start3A_133 = arith.constant 0 : i32
    %dma_start3A_134 = arith.constant 0 : i32
    %dma_start3A_135 = tpu.memref_slice %arg8[%dma_start3A_133, %dma_start3A_134] : memref<10240x48xf32, #tpu.memory_space<vmem_shared>> -> memref<10240x48xf32, #tpu.memory_space<vmem_shared>>
    %dma_start3A_136 = tpu.memref_slice %arg18[%dma_start3A_125] : memref<2x!tpu.dma_semaphore, #tpu.memory_space<semaphore_mem>> -> memref<1x!tpu.dma_semaphore, #tpu.memory_space<semaphore_mem>>
    %dma_start3A_137 = tpu.memref_squeeze %dma_start3A_136 : memref<1x!tpu.dma_semaphore, #tpu.memory_space<semaphore_mem>> -> memref<!tpu.dma_semaphore, #tpu.memory_space<semaphore_mem>>
    tpu.enqueue_indirect_dma source(%dma_start3A_129 : memref<128x48xf32, #tpu.memory_space<vmem>>) target(%dma_start3A_135 : memref<10240x48xf32, #tpu.memory_space<vmem_shared>>) offsets(%dma_start3A_132 : memref<128xi32, #tpu.memory_space<vmem>>) semaphore(%dma_start3A_137 : memref<!tpu.dma_semaphore, #tpu.memory_space<semaphore_mem>>) {add = true}
    %dma_wait3A_138 = arith.constant 1 : i32
    %dma_wait3A_139 = arith.constant 79 : i32
    %dma_wait3A_140 = arith.constant 1 : i32
    %dma_wait3A_141 = arith.constant 0 : i32
    %dma_wait3A_142 = arith.constant 0 : i32
    %dma_wait3A_143 = tpu.memref_slice %arg13[%dma_wait3A_138, %dma_wait3A_141, %dma_wait3A_142] : memref<2x128x48xf32, #tpu.memory_space<vmem>> -> memref<1x128x48xf32, #tpu.memory_space<vmem>>
    %dma_wait3A_144 = tpu.memref_squeeze %dma_wait3A_143 : memref<1x128x48xf32, #tpu.memory_space<vmem>> -> memref<128x48xf32, #tpu.memory_space<vmem>>
    %dma_wait3A_145 = arith.constant 0 : i32
    %dma_wait3A_146 = tpu.memref_slice %arg10[%dma_wait3A_139, %dma_wait3A_145] : memref<81x128xi32, #tpu.memory_space<vmem>> -> memref<1x128xi32, #tpu.memory_space<vmem>>
    %dma_wait3A_147 = tpu.memref_squeeze %dma_wait3A_146 : memref<1x128xi32, #tpu.memory_space<vmem>> -> memref<128xi32, #tpu.memory_space<vmem>>
    %dma_wait3A_148 = arith.constant 0 : i32
    %dma_wait3A_149 = arith.constant 0 : i32
    %dma_wait3A_150 = tpu.memref_slice %arg8[%dma_wait3A_148, %dma_wait3A_149] : memref<10240x48xf32, #tpu.memory_space<vmem_shared>> -> memref<10240x48xf32, #tpu.memory_space<vmem_shared>>
    %dma_wait3A_151 = tpu.memref_slice %arg18[%dma_wait3A_140] : memref<2x!tpu.dma_semaphore, #tpu.memory_space<semaphore_mem>> -> memref<1x!tpu.dma_semaphore, #tpu.memory_space<semaphore_mem>>
    %dma_wait3A_152 = tpu.memref_squeeze %dma_wait3A_151 : memref<1x!tpu.dma_semaphore, #tpu.memory_space<semaphore_mem>> -> memref<!tpu.dma_semaphore, #tpu.memory_space<semaphore_mem>>
    tpu.wait_indirect_dma semaphore(%dma_wait3A_152 : memref<!tpu.dma_semaphore, #tpu.memory_space<semaphore_mem>>) src(%dma_wait3A_144 : memref<128x48xf32, #tpu.memory_space<vmem>>) dst(%dma_wait3A_150 : memref<10240x48xf32, #tpu.memory_space<vmem_shared>>)
    %dma_wait3A_153 = arith.constant 0 : i32
    %dma_wait3A_154 = arith.constant 80 : i32
    %dma_wait3A_155 = arith.constant 0 : i32
    %dma_wait3A_156 = arith.constant 0 : i32
    %dma_wait3A_157 = arith.constant 0 : i32
    %dma_wait3A_158 = tpu.memref_slice %arg13[%dma_wait3A_153, %dma_wait3A_156, %dma_wait3A_157] : memref<2x128x48xf32, #tpu.memory_space<vmem>> -> memref<1x128x48xf32, #tpu.memory_space<vmem>>
    %dma_wait3A_159 = tpu.memref_squeeze %dma_wait3A_158 : memref<1x128x48xf32, #tpu.memory_space<vmem>> -> memref<128x48xf32, #tpu.memory_space<vmem>>
    %dma_wait3A_160 = arith.constant 0 : i32
    %dma_wait3A_161 = tpu.memref_slice %arg10[%dma_wait3A_154, %dma_wait3A_160] : memref<81x128xi32, #tpu.memory_space<vmem>> -> memref<1x128xi32, #tpu.memory_space<vmem>>
    %dma_wait3A_162 = tpu.memref_squeeze %dma_wait3A_161 : memref<1x128xi32, #tpu.memory_space<vmem>> -> memref<128xi32, #tpu.memory_space<vmem>>
    %dma_wait3A_163 = arith.constant 0 : i32
    %dma_wait3A_164 = arith.constant 0 : i32
    %dma_wait3A_165 = tpu.memref_slice %arg8[%dma_wait3A_163, %dma_wait3A_164] : memref<10240x48xf32, #tpu.memory_space<vmem_shared>> -> memref<10240x48xf32, #tpu.memory_space<vmem_shared>>
    %dma_wait3A_166 = tpu.memref_slice %arg18[%dma_wait3A_155] : memref<2x!tpu.dma_semaphore, #tpu.memory_space<semaphore_mem>> -> memref<1x!tpu.dma_semaphore, #tpu.memory_space<semaphore_mem>>
    %dma_wait3A_167 = tpu.memref_squeeze %dma_wait3A_166 : memref<1x!tpu.dma_semaphore, #tpu.memory_space<semaphore_mem>> -> memref<!tpu.dma_semaphore, #tpu.memory_space<semaphore_mem>>
    tpu.wait_indirect_dma semaphore(%dma_wait3A_167 : memref<!tpu.dma_semaphore, #tpu.memory_space<semaphore_mem>>) src(%dma_wait3A_159 : memref<128x48xf32, #tpu.memory_space<vmem>>) dst(%dma_wait3A_165 : memref<10240x48xf32, #tpu.memory_space<vmem_shared>>)
    %barrier3A_168 = arith.constant 0 : index
    tpu.barrier barrier_id(%barrier3A_168)
    %mul3A_169 = arith.constant 640 : i32
    %mul3A_170 = arith.muli %arg1, %mul3A_169 : i32
    "tpu.region"() ({
      %run_scoped3A = tpu.sem_alloc : memref<!tpu.dma_semaphore, #tpu.memory_space<semaphore_mem>>
      %dma_start3A_171 = arith.constant 0 : i32
      %dma_start3A_172 = tpu.memref_slice %arg7[%arg0, %mul3A_170, %dma_start3A_171] : memref<2x10240x48xf32, #tpu.memory_space<hbm>> -> memref<1x640x48xf32, #tpu.memory_space<hbm>>
      %dma_start3A_173 = tpu.memref_squeeze %dma_start3A_172 : memref<1x640x48xf32, #tpu.memory_space<hbm>> -> memref<640x48xf32, #tpu.memory_space<hbm>>
      %dma_start3A_174 = arith.constant 0 : i32
      %dma_start3A_175 = tpu.memref_slice %arg8[%mul3A_170, %dma_start3A_174] : memref<10240x48xf32, #tpu.memory_space<vmem_shared>> -> memref<640x48xf32, #tpu.memory_space<vmem_shared>>
      tpu.enqueue_dma source(%dma_start3A_175 : memref<640x48xf32, #tpu.memory_space<vmem_shared>>) target(%dma_start3A_173 : memref<640x48xf32, #tpu.memory_space<hbm>>) target_semaphore(%run_scoped3A : memref<!tpu.dma_semaphore, #tpu.memory_space<semaphore_mem>>)
      %dma_wait3A_176 = arith.constant 0 : i32
      %dma_wait3A_177 = tpu.memref_slice %arg7[%arg0, %mul3A_170, %dma_wait3A_176] : memref<2x10240x48xf32, #tpu.memory_space<hbm>> -> memref<1x640x48xf32, #tpu.memory_space<hbm>>
      %dma_wait3A_178 = tpu.memref_squeeze %dma_wait3A_177 : memref<1x640x48xf32, #tpu.memory_space<hbm>> -> memref<640x48xf32, #tpu.memory_space<hbm>>
      %dma_wait3A_179 = arith.constant 0 : i32
      %dma_wait3A_180 = tpu.memref_slice %arg8[%mul3A_170, %dma_wait3A_179] : memref<10240x48xf32, #tpu.memory_space<vmem_shared>> -> memref<640x48xf32, #tpu.memory_space<vmem_shared>>
      tpu.wait_dma2 semaphore(%run_scoped3A : memref<!tpu.dma_semaphore, #tpu.memory_space<semaphore_mem>>) src(%dma_wait3A_180 : memref<640x48xf32, #tpu.memory_space<vmem_shared>>) dst(%dma_wait3A_178 : memref<640x48xf32, #tpu.memory_space<hbm>>)
      tpu.yield
    }) : () -> ()
    return
  }
}

module attributes {stable_mosaic.version = 14 : i64} {
  func.func @_tc1_body(%arg0: i32, %arg1: memref<512x128xf32, #tpu.memory_space<vmem>>, %arg2: memref<128x64xf32, #tpu.memory_space<vmem>>, %arg3: memref<64x8xf32, #tpu.memory_space<vmem>>, %arg4: memref<64x8xf32, #tpu.memory_space<vmem>>, %arg5: memref<512x64xbf16, #tpu.memory_space<vmem>>, %arg6: memref<512x16xf32, #tpu.memory_space<vmem>>, %arg7: memref<512x16xf32, #tpu.memory_space<vmem>>, %arg8: memref<1x16xf32, #tpu.memory_space<vmem>>) attributes {dimension_semantics = [#tpu.dimension_semantics<arbitrary>], iteration_bounds = array<i64: 20>, scalar_prefetch = 0 : i64, scratch_operands = 0 : i64, tpu.core_type = #tpu.core_type<tc>, window_params = [{transform_indices = @transform_0, window_bounds = array<i64: 512, 128>}, {pipeline_mode = #tpu.pipeline_mode<synchronous>, transform_indices = @transform_1, window_bounds = array<i64: 128, 64>}, {pipeline_mode = #tpu.pipeline_mode<synchronous>, transform_indices = @transform_2, window_bounds = array<i64: 64, 8>}, {pipeline_mode = #tpu.pipeline_mode<synchronous>, transform_indices = @transform_3, window_bounds = array<i64: 64, 8>}, {transform_indices = @transform_4, window_bounds = array<i64: 512, 64>}, {transform_indices = @transform_5, window_bounds = array<i64: 512, 16>}, {transform_indices = @transform_6, window_bounds = array<i64: 512, 16>}, {pipeline_mode = #tpu.pipeline_mode<synchronous>, transform_indices = @transform_7, window_bounds = array<i64: 1, 16>}]} {
    %get3A = arith.constant 0 : index
    %get3A_0 = arith.constant 0 : index
    %get3A_1 = vector.load %arg1[%get3A, %get3A_0] : memref<512x128xf32, #tpu.memory_space<vmem>>, vector<512x128xf32>
    %get3A_2 = arith.constant 0 : index
    %get3A_3 = arith.constant 0 : index
    %get3A_4 = vector.load %arg2[%get3A_2, %get3A_3] : memref<128x64xf32, #tpu.memory_space<vmem>>, vector<128x64xf32>
    %dot_general3A = arith.constant dense<0.000000e+00> : vector<512x64xf32>
    %dot_general3A_5 = tpu.matmul %get3A_1, %get3A_4, %dot_general3A {dimension_numbers = #tpu.dot_dimension_numbers<[1], [0], [0], [1], [0, 0, 1, 1], [], []>, transpose_lhs_hint = false} : vector<512x128xf32>, vector<128x64xf32>, vector<512x64xf32> -> vector<512x64xf32>
    %get3A_6 = arith.constant 0 : index
    %get3A_7 = arith.constant 0 : index
    %get3A_8 = vector.load %arg3[%get3A_6, %get3A_7] : memref<64x8xf32, #tpu.memory_space<vmem>>, vector<64x8xf32>
    %dot_general3A_9 = arith.constant dense<0.000000e+00> : vector<512x8xf32>
    %dot_general3A_10 = tpu.matmul %dot_general3A_5, %get3A_8, %dot_general3A_9 {dimension_numbers = #tpu.dot_dimension_numbers<[1], [0], [0], [1], [0, 0, 1, 1], [], []>, transpose_lhs_hint = false} : vector<512x64xf32>, vector<64x8xf32>, vector<512x8xf32> -> vector<512x8xf32>
    %get3A_11 = arith.constant 0 : index
    %get3A_12 = arith.constant 0 : index
    %get3A_13 = vector.load %arg4[%get3A_11, %get3A_12] : memref<64x8xf32, #tpu.memory_space<vmem>>, vector<64x8xf32>
    %dot_general3A_14 = arith.constant dense<0.000000e+00> : vector<512x8xf32>
    %dot_general3A_15 = tpu.matmul %dot_general3A_5, %get3A_13, %dot_general3A_14 {dimension_numbers = #tpu.dot_dimension_numbers<[1], [0], [0], [1], [0, 0, 1, 1], [], []>, transpose_lhs_hint = false} : vector<512x64xf32>, vector<64x8xf32>, vector<512x8xf32> -> vector<512x8xf32>
    %convert_element_type3A = arith.truncf %dot_general3A_5 : vector<512x64xf32> to vector<512x64xbf16>
    %swap3A = arith.constant 0 : index
    %swap3A_16 = arith.constant 0 : index
    %swap3A_17 = vector.load %arg5[%swap3A, %swap3A_16] : memref<512x64xbf16, #tpu.memory_space<vmem>>, vector<512x64xbf16>
    tpu.vector_store %arg5[%swap3A, %swap3A_16], %convert_element_type3A {strides = array<i32>} : memref<512x64xbf16, #tpu.memory_space<vmem>>, vector<512x64xbf16>,
    %concatenate3A = tpu.concatenate %dot_general3A_10, %dot_general3A_10 in 1 : vector<512x8xf32>, vector<512x8xf32> -> vector<512x16xf32>
    %swap3A_18 = arith.constant 0 : index
    %swap3A_19 = arith.constant 0 : index
    %swap3A_20 = vector.load %arg6[%swap3A_18, %swap3A_19] : memref<512x16xf32, #tpu.memory_space<vmem>>, vector<512x16xf32>
    tpu.vector_store %arg6[%swap3A_18, %swap3A_19], %concatenate3A {strides = array<i32>} : memref<512x16xf32, #tpu.memory_space<vmem>>, vector<512x16xf32>,
    %concatenate3A_21 = tpu.concatenate %dot_general3A_15, %dot_general3A_15 in 1 : vector<512x8xf32>, vector<512x8xf32> -> vector<512x16xf32>
    %swap3A_22 = arith.constant 0 : index
    %swap3A_23 = arith.constant 0 : index
    %swap3A_24 = vector.load %arg7[%swap3A_22, %swap3A_23] : memref<512x16xf32, #tpu.memory_space<vmem>>, vector<512x16xf32>
    tpu.vector_store %arg7[%swap3A_22, %swap3A_23], %concatenate3A_21 {strides = array<i32>} : memref<512x16xf32, #tpu.memory_space<vmem>>, vector<512x16xf32>,
    %reduce_max3A = arith.constant dense<0xFF800000> : vector<8xf32>
    %reduce_max3A_25 = vector.multi_reduction <maximumf>, %dot_general3A_10, %reduce_max3A [0] : vector<512x8xf32> to vector<8xf32>
    %broadcast_in_dim3A = vector.shape_cast %reduce_max3A_25 : vector<8xf32> to vector<1x8xf32>
    %reduce_max3A_26 = arith.constant dense<0xFF800000> : vector<8xf32>
    %reduce_max3A_27 = vector.multi_reduction <maximumf>, %dot_general3A_15, %reduce_max3A_26 [0] : vector<512x8xf32> to vector<8xf32>
    %broadcast_in_dim3A_28 = vector.shape_cast %reduce_max3A_27 : vector<8xf32> to vector<1x8xf32>
    %concatenate3A_29 = tpu.concatenate %broadcast_in_dim3A, %broadcast_in_dim3A_28 in 1 : vector<1x8xf32>, vector<1x8xf32> -> vector<1x16xf32>
    %eq3A = arith.constant 0 : i32
    %eq3A_30 = arith.cmpi eq, %arg0, %eq3A : i32
    %convert_element_type3A_31 = arith.extui %eq3A_30 : i1 to i32
    %cond3A = arith.constant 0 : i32
    %cond3A_32 = arith.cmpi ne, %convert_element_type3A_31, %cond3A : i32
    scf.if %cond3A_32 {
      %swap3A_37 = arith.constant 0 : index
      %swap3A_38 = arith.constant 0 : index
      %swap3A_39 = vector.load %arg8[%swap3A_37, %swap3A_38] : memref<1x16xf32, #tpu.memory_space<vmem>>, vector<1x16xf32>
      tpu.vector_store %arg8[%swap3A_37, %swap3A_38], %concatenate3A_29 {strides = array<i32>} : memref<1x16xf32, #tpu.memory_space<vmem>>, vector<1x16xf32>,
    } else {
    }
    %gt3A = arith.constant 0 : i32
    %gt3A_33 = arith.cmpi sgt, %arg0, %gt3A : i32
    %convert_element_type3A_34 = arith.extui %gt3A_33 : i1 to i32
    %cond3A_35 = arith.constant 0 : i32
    %cond3A_36 = arith.cmpi ne, %convert_element_type3A_34, %cond3A_35 : i32
    scf.if %cond3A_36 {
      %get3A_37 = arith.constant 0 : index
      %get3A_38 = arith.constant 0 : index
      %get3A_39 = vector.load %arg8[%get3A_37, %get3A_38] : memref<1x16xf32, #tpu.memory_space<vmem>>, vector<1x16xf32>
      %max3A = arith.maximumf %get3A_39, %concatenate3A_29 : vector<1x16xf32>
      %swap3A_40 = arith.constant 0 : index
      %swap3A_41 = arith.constant 0 : index
      %swap3A_42 = vector.load %arg8[%swap3A_40, %swap3A_41] : memref<1x16xf32, #tpu.memory_space<vmem>>, vector<1x16xf32>
      tpu.vector_store %arg8[%swap3A_40, %swap3A_41], %max3A {strides = array<i32>} : memref<1x16xf32, #tpu.memory_space<vmem>>, vector<1x16xf32>,
    } else {
    }
    return
  }
  func.func @transform_0(%arg0: i32) -> (i32, i32) {
    %c0_i32 = arith.constant 0 : i32
    %c0_i32_0 = arith.constant 0 : i32
    return %arg0, %c0_i32 : i32, i32
  }
  func.func @transform_1(%arg0: i32) -> (i32, i32) {
    %c0_i32 = arith.constant 0 : i32
    %c0_i32_0 = arith.constant 0 : i32
    %c0_i32_1 = arith.constant 0 : i32
    return %c0_i32, %c0_i32_0 : i32, i32
  }
  func.func @transform_2(%arg0: i32) -> (i32, i32) {
    %c0_i32 = arith.constant 0 : i32
    %c0_i32_0 = arith.constant 0 : i32
    %c0_i32_1 = arith.constant 0 : i32
    return %c0_i32, %c0_i32_0 : i32, i32
  }
  func.func @transform_3(%arg0: i32) -> (i32, i32) {
    %c0_i32 = arith.constant 0 : i32
    %c0_i32_0 = arith.constant 0 : i32
    %c0_i32_1 = arith.constant 0 : i32
    return %c0_i32, %c0_i32_0 : i32, i32
  }
  func.func @transform_4(%arg0: i32) -> (i32, i32) {
    %c0_i32 = arith.constant 0 : i32
    %c0_i32_0 = arith.constant 0 : i32
    return %arg0, %c0_i32 : i32, i32
  }
  func.func @transform_5(%arg0: i32) -> (i32, i32) {
    %c0_i32 = arith.constant 0 : i32
    %c0_i32_0 = arith.constant 0 : i32
    return %arg0, %c0_i32 : i32, i32
  }
  func.func @transform_6(%arg0: i32) -> (i32, i32) {
    %c0_i32 = arith.constant 0 : i32
    %c0_i32_0 = arith.constant 0 : i32
    return %arg0, %c0_i32 : i32, i32
  }
  func.func @transform_7(%arg0: i32) -> (i32, i32) {
    %c0_i32 = arith.constant 0 : i32
    %c0_i32_0 = arith.constant 0 : i32
    %c0_i32_1 = arith.constant 0 : i32
    return %c0_i32, %c0_i32_0 : i32, i32
  }
}

module attributes {stable_mosaic.version = 14 : i64} {
  func.func @_tc2_body(%arg0: i32, %arg1: memref<2x512x80xf32, #tpu.memory_space<vmem>>, %arg2: memref<1x64xf32, #tpu.memory_space<vmem>>, %arg3: memref<1x64xf32, #tpu.memory_space<vmem>>, %arg4: memref<1x64xf32, #tpu.memory_space<vmem>>, %arg5: memref<64x40xf32, #tpu.memory_space<vmem>>, %arg6: memref<40x16xf32, #tpu.memory_space<vmem>>, %arg7: memref<40x16xf32, #tpu.memory_space<vmem>>, %arg8: memref<8x64xf32, #tpu.memory_space<vmem>>, %arg9: memref<512x48xf32, #tpu.memory_space<vmem>>, %arg10: memref<512x16xf32, #tpu.memory_space<vmem>>, %arg11: memref<1x16xf32, #tpu.memory_space<vmem>>) attributes {dimension_semantics = [#tpu.dimension_semantics<arbitrary>], iteration_bounds = array<i64: 20>, scalar_prefetch = 0 : i64, scratch_operands = 0 : i64, tpu.core_type = #tpu.core_type<tc>, window_params = [{transform_indices = @transform_0, window_bounds = array<i64: 2, 512, 80>}, {pipeline_mode = #tpu.pipeline_mode<synchronous>, transform_indices = @transform_1, window_bounds = array<i64: 1, 64>}, {pipeline_mode = #tpu.pipeline_mode<synchronous>, transform_indices = @transform_2, window_bounds = array<i64: 1, 64>}, {pipeline_mode = #tpu.pipeline_mode<synchronous>, transform_indices = @transform_3, window_bounds = array<i64: 1, 64>}, {pipeline_mode = #tpu.pipeline_mode<synchronous>, transform_indices = @transform_4, window_bounds = array<i64: 64, 40>}, {pipeline_mode = #tpu.pipeline_mode<synchronous>, transform_indices = @transform_5, window_bounds = array<i64: 40, 16>}, {pipeline_mode = #tpu.pipeline_mode<synchronous>, transform_indices = @transform_6, window_bounds = array<i64: 40, 16>}, {pipeline_mode = #tpu.pipeline_mode<synchronous>, transform_indices = @transform_7, window_bounds = array<i64: 8, 64>}, {transform_indices = @transform_8, window_bounds = array<i64: 512, 48>}, {transform_indices = @transform_9, window_bounds = array<i64: 512, 16>}, {pipeline_mode = #tpu.pipeline_mode<synchronous>, transform_indices = @transform_10, window_bounds = array<i64: 1, 16>}]} {
    %get3A = arith.constant 0 : index
    %get3A_0 = arith.constant 0 : index
    %get3A_1 = arith.constant 0 : index
    %get3A_2 = vector.load %arg1[%get3A, %get3A_0, %get3A_1] : memref<2x512x80xf32, #tpu.memory_space<vmem>>, vector<1x512x80xf32>
    %get3A_3 = vector.shape_cast %get3A_2 : vector<1x512x80xf32> to vector<512x80xf32>
    %get3A_4 = arith.constant 1 : index
    %get3A_5 = arith.constant 0 : index
    %get3A_6 = arith.constant 0 : index
    %get3A_7 = vector.load %arg1[%get3A_4, %get3A_5, %get3A_6] : memref<2x512x80xf32, #tpu.memory_space<vmem>>, vector<1x512x80xf32>
    %get3A_8 = vector.shape_cast %get3A_7 : vector<1x512x80xf32> to vector<512x80xf32>
    %add3A = arith.addf %get3A_3, %get3A_8 : vector<512x80xf32>
    %slice3A = vector.extract_strided_slice %add3A {offsets = [0, 0], sizes = [512, 64], strides = [1, 1]} : vector<512x80xf32> to vector<512x64xf32>
    %slice3A_9 = vector.extract_strided_slice %add3A {offsets = [0, 64], sizes = [512, 8], strides = [1, 1]} : vector<512x80xf32> to vector<512x8xf32>
    %add3A_10 = arith.constant 1.000000e-16 : f32
    %add3A_11 = vector.broadcast %add3A_10 : f32 to vector<512x8xf32>
    %add3A_12 = arith.addf %slice3A_9, %add3A_11 : vector<512x8xf32>
    %div3A = arith.constant 1.000000e+00 : f32
    %div3A_13 = vector.broadcast %div3A : f32 to vector<512x8xf32>
    %div3A_14 = arith.divf %div3A_13, %add3A_12 : vector<512x8xf32>
    %get3A_15 = arith.constant 0 : index
    %get3A_16 = arith.constant 0 : index
    %get3A_17 = vector.load %arg8[%get3A_15, %get3A_16] : memref<8x64xf32, #tpu.memory_space<vmem>>, vector<8x64xf32>
    %dot_general3A = arith.constant dense<0.000000e+00> : vector<512x64xf32>
    %dot_general3A_18 = tpu.matmul %div3A_14, %get3A_17, %dot_general3A {dimension_numbers = #tpu.dot_dimension_numbers<[1], [0], [0], [1], [0, 0, 1, 1], [], []>, transpose_lhs_hint = false} : vector<512x8xf32>, vector<8x64xf32>, vector<512x64xf32> -> vector<512x64xf32>
    %mul3A = arith.mulf %slice3A, %dot_general3A_18 : vector<512x64xf32>
    %get3A_19 = arith.constant 0 : index
    %get3A_20 = arith.constant 0 : index
    %get3A_21 = vector.load %arg2[%get3A_19, %get3A_20] : memref<1x64xf32, #tpu.memory_space<vmem>>, vector<1x64xf32>
    %add3A_22 = vector.broadcast %get3A_21 : vector<1x64xf32> to vector<512x64xf32>
    %add3A_23 = arith.addf %mul3A, %add3A_22 : vector<512x64xf32>
    %reduce_sum3A = arith.constant dense<0.000000e+00> : vector<512xf32>
    %reduce_sum3A_24 = vector.multi_reduction <add>, %add3A_23, %reduce_sum3A [1] : vector<512x64xf32> to vector<512xf32>
    %broadcast_in_dim3A = vector.shape_cast %reduce_sum3A_24 : vector<512xf32> to vector<512x1xf32>
    %div3A_25 = arith.constant 6.400000e+01 : f32
    %div3A_26 = vector.broadcast %div3A_25 : f32 to vector<512x1xf32>
    %div3A_27 = arith.divf %broadcast_in_dim3A, %div3A_26 : vector<512x1xf32>
    %sub3A = vector.broadcast %div3A_27 : vector<512x1xf32> to vector<512x64xf32>
    %sub3A_28 = arith.subf %add3A_23, %sub3A : vector<512x64xf32>
    %integer_pow3A = arith.mulf %sub3A_28, %sub3A_28 : vector<512x64xf32>
    %reduce_sum3A_29 = arith.constant dense<0.000000e+00> : vector<512xf32>
    %reduce_sum3A_30 = vector.multi_reduction <add>, %integer_pow3A, %reduce_sum3A_29 [1] : vector<512x64xf32> to vector<512xf32>
    %broadcast_in_dim3A_31 = vector.shape_cast %reduce_sum3A_30 : vector<512xf32> to vector<512x1xf32>
    %div3A_32 = arith.constant 6.400000e+01 : f32
    %div3A_33 = vector.broadcast %div3A_32 : f32 to vector<512x1xf32>
    %div3A_34 = arith.divf %broadcast_in_dim3A_31, %div3A_33 : vector<512x1xf32>
    %sub3A_35 = vector.broadcast %div3A_27 : vector<512x1xf32> to vector<512x64xf32>
    %sub3A_36 = arith.subf %add3A_23, %sub3A_35 : vector<512x64xf32>
    %add3A_37 = arith.constant 9.99999974E-6 : f32
    %add3A_38 = vector.broadcast %add3A_37 : f32 to vector<512x1xf32>
    %add3A_39 = arith.addf %div3A_34, %add3A_38 : vector<512x1xf32>
    %rsqrt3A = math.rsqrt %add3A_39 : vector<512x1xf32>
    %mul3A_40 = vector.broadcast %rsqrt3A : vector<512x1xf32> to vector<512x64xf32>
    %mul3A_41 = arith.mulf %sub3A_36, %mul3A_40 : vector<512x64xf32>
    %get3A_42 = arith.constant 0 : index
    %get3A_43 = arith.constant 0 : index
    %get3A_44 = vector.load %arg3[%get3A_42, %get3A_43] : memref<1x64xf32, #tpu.memory_space<vmem>>, vector<1x64xf32>
    %mul3A_45 = vector.broadcast %get3A_44 : vector<1x64xf32> to vector<512x64xf32>
    %mul3A_46 = arith.mulf %mul3A_41, %mul3A_45 : vector<512x64xf32>
    %get3A_47 = arith.constant 0 : index
    %get3A_48 = arith.constant 0 : index
    %get3A_49 = vector.load %arg4[%get3A_47, %get3A_48] : memref<1x64xf32, #tpu.memory_space<vmem>>, vector<1x64xf32>
    %add3A_50 = vector.broadcast %get3A_49 : vector<1x64xf32> to vector<512x64xf32>
    %add3A_51 = arith.addf %mul3A_46, %add3A_50 : vector<512x64xf32>
    %gt3A = arith.constant 0.000000e+00 : f32
    %gt3A_52 = vector.broadcast %gt3A : f32 to vector<512x64xf32>
    %gt3A_53 = arith.cmpf ogt, %add3A_51, %gt3A_52 : vector<512x64xf32>
    %exp3A = math.exp %add3A_51 : vector<512x64xf32>
    %sub3A_54 = arith.constant 1.000000e+00 : f32
    %sub3A_55 = vector.broadcast %sub3A_54 : f32 to vector<512x64xf32>
    %sub3A_56 = arith.subf %exp3A, %sub3A_55 : vector<512x64xf32>
    %select_n3A = arith.select %gt3A_53, %add3A_51, %sub3A_56 : vector<512x64xi1>, vector<512x64xf32>
    %get3A_57 = arith.constant 0 : index
    %get3A_58 = arith.constant 0 : index
    %get3A_59 = vector.load %arg5[%get3A_57, %get3A_58] : memref<64x40xf32, #tpu.memory_space<vmem>>, vector<64x40xf32>
    %dot_general3A_60 = arith.constant dense<0.000000e+00> : vector<512x40xf32>
    %dot_general3A_61 = tpu.matmul %select_n3A, %get3A_59, %dot_general3A_60 {dimension_numbers = #tpu.dot_dimension_numbers<[1], [0], [0], [1], [0, 0, 1, 1], [], []>, transpose_lhs_hint = false} : vector<512x64xf32>, vector<64x40xf32>, vector<512x40xf32> -> vector<512x40xf32>
    %get3A_62 = arith.constant 0 : index
    %get3A_63 = arith.constant 0 : index
    %get3A_64 = vector.load %arg6[%get3A_62, %get3A_63] : memref<40x16xf32, #tpu.memory_space<vmem>>, vector<40x16xf32>
    %dot_general3A_65 = arith.constant dense<0.000000e+00> : vector<512x16xf32>
    %dot_general3A_66 = tpu.matmul %dot_general3A_61, %get3A_64, %dot_general3A_65 {dimension_numbers = #tpu.dot_dimension_numbers<[1], [0], [0], [1], [0, 0, 1, 1], [], []>, transpose_lhs_hint = false} : vector<512x40xf32>, vector<40x16xf32>, vector<512x16xf32> -> vector<512x16xf32>
    %get3A_67 = arith.constant 0 : index
    %get3A_68 = arith.constant 0 : index
    %get3A_69 = vector.load %arg7[%get3A_67, %get3A_68] : memref<40x16xf32, #tpu.memory_space<vmem>>, vector<40x16xf32>
    %dot_general3A_70 = arith.constant dense<0.000000e+00> : vector<512x16xf32>
    %dot_general3A_71 = tpu.matmul %dot_general3A_61, %get3A_69, %dot_general3A_70 {dimension_numbers = #tpu.dot_dimension_numbers<[1], [0], [0], [1], [0, 0, 1, 1], [], []>, transpose_lhs_hint = false} : vector<512x40xf32>, vector<40x16xf32>, vector<512x16xf32> -> vector<512x16xf32>
    %slice3A_72 = vector.extract_strided_slice %dot_general3A_66 {offsets = [0, 0], sizes = [512, 8], strides = [1, 1]} : vector<512x16xf32> to vector<512x8xf32>
    %concatenate3A = tpu.concatenate %dot_general3A_61, %slice3A_72 in 1 : vector<512x40xf32>, vector<512x8xf32> -> vector<512x48xf32>
    %swap3A = arith.constant 0 : index
    %swap3A_73 = arith.constant 0 : index
    %swap3A_74 = vector.load %arg9[%swap3A, %swap3A_73] : memref<512x48xf32, #tpu.memory_space<vmem>>, vector<512x48xf32>
    tpu.vector_store %arg9[%swap3A, %swap3A_73], %concatenate3A {strides = array<i32>} : memref<512x48xf32, #tpu.memory_space<vmem>>, vector<512x48xf32>,
    %swap3A_75 = arith.constant 0 : index
    %swap3A_76 = arith.constant 0 : index
    %swap3A_77 = vector.load %arg10[%swap3A_75, %swap3A_76] : memref<512x16xf32, #tpu.memory_space<vmem>>, vector<512x16xf32>
    tpu.vector_store %arg10[%swap3A_75, %swap3A_76], %dot_general3A_71 {strides = array<i32>} : memref<512x16xf32, #tpu.memory_space<vmem>>, vector<512x16xf32>,
    %slice3A_78 = vector.extract_strided_slice %dot_general3A_66 {offsets = [0, 0], sizes = [512, 8], strides = [1, 1]} : vector<512x16xf32> to vector<512x8xf32>
    %reduce_max3A = arith.constant dense<0xFF800000> : vector<8xf32>
    %reduce_max3A_79 = vector.multi_reduction <maximumf>, %slice3A_78, %reduce_max3A [0] : vector<512x8xf32> to vector<8xf32>
    %broadcast_in_dim3A_80 = vector.shape_cast %reduce_max3A_79 : vector<8xf32> to vector<1x8xf32>
    %slice3A_81 = vector.extract_strided_slice %dot_general3A_71 {offsets = [0, 0], sizes = [512, 8], strides = [1, 1]} : vector<512x16xf32> to vector<512x8xf32>
    %reduce_max3A_82 = arith.constant dense<0xFF800000> : vector<8xf32>
    %reduce_max3A_83 = vector.multi_reduction <maximumf>, %slice3A_81, %reduce_max3A_82 [0] : vector<512x8xf32> to vector<8xf32>
    %broadcast_in_dim3A_84 = vector.shape_cast %reduce_max3A_83 : vector<8xf32> to vector<1x8xf32>
    %concatenate3A_85 = tpu.concatenate %broadcast_in_dim3A_80, %broadcast_in_dim3A_84 in 1 : vector<1x8xf32>, vector<1x8xf32> -> vector<1x16xf32>
    %eq3A = arith.constant 0 : i32
    %eq3A_86 = arith.cmpi eq, %arg0, %eq3A : i32
    %convert_element_type3A = arith.extui %eq3A_86 : i1 to i32
    %cond3A = arith.constant 0 : i32
    %cond3A_87 = arith.cmpi ne, %convert_element_type3A, %cond3A : i32
    scf.if %cond3A_87 {
      %swap3A_93 = arith.constant 0 : index
      %swap3A_94 = arith.constant 0 : index
      %swap3A_95 = vector.load %arg11[%swap3A_93, %swap3A_94] : memref<1x16xf32, #tpu.memory_space<vmem>>, vector<1x16xf32>
      tpu.vector_store %arg11[%swap3A_93, %swap3A_94], %concatenate3A_85 {strides = array<i32>} : memref<1x16xf32, #tpu.memory_space<vmem>>, vector<1x16xf32>,
    } else {
    }
    %gt3A_88 = arith.constant 0 : i32
    %gt3A_89 = arith.cmpi sgt, %arg0, %gt3A_88 : i32
    %convert_element_type3A_90 = arith.extui %gt3A_89 : i1 to i32
    %cond3A_91 = arith.constant 0 : i32
    %cond3A_92 = arith.cmpi ne, %convert_element_type3A_90, %cond3A_91 : i32
    scf.if %cond3A_92 {
      %get3A_93 = arith.constant 0 : index
      %get3A_94 = arith.constant 0 : index
      %get3A_95 = vector.load %arg11[%get3A_93, %get3A_94] : memref<1x16xf32, #tpu.memory_space<vmem>>, vector<1x16xf32>
      %max3A = arith.maximumf %get3A_95, %concatenate3A_85 : vector<1x16xf32>
      %swap3A_96 = arith.constant 0 : index
      %swap3A_97 = arith.constant 0 : index
      %swap3A_98 = vector.load %arg11[%swap3A_96, %swap3A_97] : memref<1x16xf32, #tpu.memory_space<vmem>>, vector<1x16xf32>
      tpu.vector_store %arg11[%swap3A_96, %swap3A_97], %max3A {strides = array<i32>} : memref<1x16xf32, #tpu.memory_space<vmem>>, vector<1x16xf32>,
    } else {
    }
    return
  }
  func.func @transform_0(%arg0: i32) -> (i32, i32, i32) {
    %c0_i32 = arith.constant 0 : i32
    %c0_i32_0 = arith.constant 0 : i32
    %c0_i32_1 = arith.constant 0 : i32
    return %c0_i32, %arg0, %c0_i32_0 : i32, i32, i32
  }
  func.func @transform_1(%arg0: i32) -> (i32, i32) {
    %c0_i32 = arith.constant 0 : i32
    %c0_i32_0 = arith.constant 0 : i32
    %c0_i32_1 = arith.constant 0 : i32
    return %c0_i32, %c0_i32_0 : i32, i32
  }
  func.func @transform_2(%arg0: i32) -> (i32, i32) {
    %c0_i32 = arith.constant 0 : i32
    %c0_i32_0 = arith.constant 0 : i32
    %c0_i32_1 = arith.constant 0 : i32
    return %c0_i32, %c0_i32_0 : i32, i32
  }
  func.func @transform_3(%arg0: i32) -> (i32, i32) {
    %c0_i32 = arith.constant 0 : i32
    %c0_i32_0 = arith.constant 0 : i32
    %c0_i32_1 = arith.constant 0 : i32
    return %c0_i32, %c0_i32_0 : i32, i32
  }
  func.func @transform_4(%arg0: i32) -> (i32, i32) {
    %c0_i32 = arith.constant 0 : i32
    %c0_i32_0 = arith.constant 0 : i32
    %c0_i32_1 = arith.constant 0 : i32
    return %c0_i32, %c0_i32_0 : i32, i32
  }
  func.func @transform_5(%arg0: i32) -> (i32, i32) {
    %c0_i32 = arith.constant 0 : i32
    %c0_i32_0 = arith.constant 0 : i32
    %c0_i32_1 = arith.constant 0 : i32
    return %c0_i32, %c0_i32_0 : i32, i32
  }
  func.func @transform_6(%arg0: i32) -> (i32, i32) {
    %c0_i32 = arith.constant 0 : i32
    %c0_i32_0 = arith.constant 0 : i32
    %c0_i32_1 = arith.constant 0 : i32
    return %c0_i32, %c0_i32_0 : i32, i32
  }
  func.func @transform_7(%arg0: i32) -> (i32, i32) {
    %c0_i32 = arith.constant 0 : i32
    %c0_i32_0 = arith.constant 0 : i32
    %c0_i32_1 = arith.constant 0 : i32
    return %c0_i32, %c0_i32_0 : i32, i32
  }
  func.func @transform_8(%arg0: i32) -> (i32, i32) {
    %c0_i32 = arith.constant 0 : i32
    %c0_i32_0 = arith.constant 0 : i32
    return %arg0, %c0_i32 : i32, i32
  }
  func.func @transform_9(%arg0: i32) -> (i32, i32) {
    %c0_i32 = arith.constant 0 : i32
    %c0_i32_0 = arith.constant 0 : i32
    return %arg0, %c0_i32 : i32, i32
  }
  func.func @transform_10(%arg0: i32) -> (i32, i32) {
    %c0_i32 = arith.constant 0 : i32
    %c0_i32_0 = arith.constant 0 : i32
    %c0_i32_1 = arith.constant 0 : i32
    return %c0_i32, %c0_i32_0 : i32, i32
  }
}

module attributes {stable_mosaic.version = 14 : i64} {
  func.func @_tc3_body(%arg0: i32, %arg1: memref<2x512x48xf32, #tpu.memory_space<vmem>>, %arg2: memref<1x40xf32, #tpu.memory_space<vmem>>, %arg3: memref<1x40xf32, #tpu.memory_space<vmem>>, %arg4: memref<1x40xf32, #tpu.memory_space<vmem>>, %arg5: memref<512x40xf32, #tpu.memory_space<vmem>>) attributes {dimension_semantics = [#tpu.dimension_semantics<arbitrary>], iteration_bounds = array<i64: 20>, scalar_prefetch = 0 : i64, scratch_operands = 0 : i64, tpu.core_type = #tpu.core_type<tc>, window_params = [{transform_indices = @transform_0, window_bounds = array<i64: 2, 512, 48>}, {pipeline_mode = #tpu.pipeline_mode<synchronous>, transform_indices = @transform_1, window_bounds = array<i64: 1, 40>}, {pipeline_mode = #tpu.pipeline_mode<synchronous>, transform_indices = @transform_2, window_bounds = array<i64: 1, 40>}, {pipeline_mode = #tpu.pipeline_mode<synchronous>, transform_indices = @transform_3, window_bounds = array<i64: 1, 40>}, {transform_indices = @transform_4, window_bounds = array<i64: 512, 40>}]} {
    %get3A = arith.constant 0 : index
    %get3A_0 = arith.constant 0 : index
    %get3A_1 = arith.constant 0 : index
    %get3A_2 = vector.load %arg1[%get3A, %get3A_0, %get3A_1] : memref<2x512x48xf32, #tpu.memory_space<vmem>>, vector<1x512x48xf32>
    %get3A_3 = vector.shape_cast %get3A_2 : vector<1x512x48xf32> to vector<512x48xf32>
    %get3A_4 = arith.constant 1 : index
    %get3A_5 = arith.constant 0 : index
    %get3A_6 = arith.constant 0 : index
    %get3A_7 = vector.load %arg1[%get3A_4, %get3A_5, %get3A_6] : memref<2x512x48xf32, #tpu.memory_space<vmem>>, vector<1x512x48xf32>
    %get3A_8 = vector.shape_cast %get3A_7 : vector<1x512x48xf32> to vector<512x48xf32>
    %add3A = arith.addf %get3A_3, %get3A_8 : vector<512x48xf32>
    %slice3A = vector.extract_strided_slice %add3A {offsets = [0, 0], sizes = [512, 40], strides = [1, 1]} : vector<512x48xf32> to vector<512x40xf32>
    %slice3A_9 = vector.extract_strided_slice %add3A {offsets = [0, 40], sizes = [512, 1], strides = [1, 1]} : vector<512x48xf32> to vector<512x1xf32>
    %add3A_10 = arith.constant 1.000000e-16 : f32
    %add3A_11 = vector.broadcast %add3A_10 : f32 to vector<512x1xf32>
    %add3A_12 = arith.addf %slice3A_9, %add3A_11 : vector<512x1xf32>
    %div3A = arith.constant 1.000000e+00 : f32
    %div3A_13 = vector.broadcast %div3A : f32 to vector<512x1xf32>
    %div3A_14 = arith.divf %div3A_13, %add3A_12 : vector<512x1xf32>
    %mul3A = vector.broadcast %div3A_14 : vector<512x1xf32> to vector<512x40xf32>
    %mul3A_15 = arith.mulf %slice3A, %mul3A : vector<512x40xf32>
    %get3A_16 = arith.constant 0 : index
    %get3A_17 = arith.constant 0 : index
    %get3A_18 = vector.load %arg2[%get3A_16, %get3A_17] : memref<1x40xf32, #tpu.memory_space<vmem>>, vector<1x40xf32>
    %add3A_19 = vector.broadcast %get3A_18 : vector<1x40xf32> to vector<512x40xf32>
    %add3A_20 = arith.addf %mul3A_15, %add3A_19 : vector<512x40xf32>
    %reduce_sum3A = arith.constant dense<0.000000e+00> : vector<512xf32>
    %reduce_sum3A_21 = vector.multi_reduction <add>, %add3A_20, %reduce_sum3A [1] : vector<512x40xf32> to vector<512xf32>
    %broadcast_in_dim3A = vector.shape_cast %reduce_sum3A_21 : vector<512xf32> to vector<512x1xf32>
    %div3A_22 = arith.constant 4.000000e+01 : f32
    %div3A_23 = vector.broadcast %div3A_22 : f32 to vector<512x1xf32>
    %div3A_24 = arith.divf %broadcast_in_dim3A, %div3A_23 : vector<512x1xf32>
    %sub3A = vector.broadcast %div3A_24 : vector<512x1xf32> to vector<512x40xf32>
    %sub3A_25 = arith.subf %add3A_20, %sub3A : vector<512x40xf32>
    %integer_pow3A = arith.mulf %sub3A_25, %sub3A_25 : vector<512x40xf32>
    %reduce_sum3A_26 = arith.constant dense<0.000000e+00> : vector<512xf32>
    %reduce_sum3A_27 = vector.multi_reduction <add>, %integer_pow3A, %reduce_sum3A_26 [1] : vector<512x40xf32> to vector<512xf32>
    %broadcast_in_dim3A_28 = vector.shape_cast %reduce_sum3A_27 : vector<512xf32> to vector<512x1xf32>
    %div3A_29 = arith.constant 4.000000e+01 : f32
    %div3A_30 = vector.broadcast %div3A_29 : f32 to vector<512x1xf32>
    %div3A_31 = arith.divf %broadcast_in_dim3A_28, %div3A_30 : vector<512x1xf32>
    %sub3A_32 = vector.broadcast %div3A_24 : vector<512x1xf32> to vector<512x40xf32>
    %sub3A_33 = arith.subf %add3A_20, %sub3A_32 : vector<512x40xf32>
    %add3A_34 = arith.constant 9.99999974E-6 : f32
    %add3A_35 = vector.broadcast %add3A_34 : f32 to vector<512x1xf32>
    %add3A_36 = arith.addf %div3A_31, %add3A_35 : vector<512x1xf32>
    %rsqrt3A = math.rsqrt %add3A_36 : vector<512x1xf32>
    %mul3A_37 = vector.broadcast %rsqrt3A : vector<512x1xf32> to vector<512x40xf32>
    %mul3A_38 = arith.mulf %sub3A_33, %mul3A_37 : vector<512x40xf32>
    %get3A_39 = arith.constant 0 : index
    %get3A_40 = arith.constant 0 : index
    %get3A_41 = vector.load %arg3[%get3A_39, %get3A_40] : memref<1x40xf32, #tpu.memory_space<vmem>>, vector<1x40xf32>
    %mul3A_42 = vector.broadcast %get3A_41 : vector<1x40xf32> to vector<512x40xf32>
    %mul3A_43 = arith.mulf %mul3A_38, %mul3A_42 : vector<512x40xf32>
    %get3A_44 = arith.constant 0 : index
    %get3A_45 = arith.constant 0 : index
    %get3A_46 = vector.load %arg4[%get3A_44, %get3A_45] : memref<1x40xf32, #tpu.memory_space<vmem>>, vector<1x40xf32>
    %add3A_47 = vector.broadcast %get3A_46 : vector<1x40xf32> to vector<512x40xf32>
    %add3A_48 = arith.addf %mul3A_43, %add3A_47 : vector<512x40xf32>
    %swap3A = arith.constant 0 : index
    %swap3A_49 = arith.constant 0 : index
    %swap3A_50 = vector.load %arg5[%swap3A, %swap3A_49] : memref<512x40xf32, #tpu.memory_space<vmem>>, vector<512x40xf32>
    tpu.vector_store %arg5[%swap3A, %swap3A_49], %add3A_48 {strides = array<i32>} : memref<512x40xf32, #tpu.memory_space<vmem>>, vector<512x40xf32>,
    return
  }
  func.func @transform_0(%arg0: i32) -> (i32, i32, i32) {
    %c0_i32 = arith.constant 0 : i32
    %c0_i32_0 = arith.constant 0 : i32
    %c0_i32_1 = arith.constant 0 : i32
    return %c0_i32, %arg0, %c0_i32_0 : i32, i32, i32
  }
  func.func @transform_1(%arg0: i32) -> (i32, i32) {
    %c0_i32 = arith.constant 0 : i32
    %c0_i32_0 = arith.constant 0 : i32
    %c0_i32_1 = arith.constant 0 : i32
    return %c0_i32, %c0_i32_0 : i32, i32
  }
  func.func @transform_2(%arg0: i32) -> (i32, i32) {
    %c0_i32 = arith.constant 0 : i32
    %c0_i32_0 = arith.constant 0 : i32
    %c0_i32_1 = arith.constant 0 : i32
    return %c0_i32, %c0_i32_0 : i32, i32
  }
  func.func @transform_3(%arg0: i32) -> (i32, i32) {
    %c0_i32 = arith.constant 0 : i32
    %c0_i32_0 = arith.constant 0 : i32
    %c0_i32_1 = arith.constant 0 : i32
    return %c0_i32, %c0_i32_0 : i32, i32
  }
  func.func @transform_4(%arg0: i32) -> (i32, i32) {
    %c0_i32 = arith.constant 0 : i32
    %c0_i32_0 = arith.constant 0 : i32
    return %arg0, %c0_i32 : i32, i32
  }
}

</mosaic_0001>

<sc_bundles>
// kernel: kernel.10.cloned.1.call-start
scs
__scs_entry_jumppad:
0x0: {  	(pc) =	sbr.rel $0x88, $3  }
0x1: {  	(tag) =	ssettag $0x0;
	lr =	simm.s32 $0x1  }
0x2: {  	[smem:$0x3F93] =	sst lr;
	_ =	strace $0xD0000000  }
0x3: {  	_ = 	snop  }
0x4: {  	_ = 	snop  }
0x5: {  	_ = 	snop  }
0x6: {  	_ = 	snop  }
0x7: {  	_ = 	snop  }
__scs_overlays_trampoline_lowered:
0x8: {  	[smem:$0x3FA2] =	sst s0  }
0x9: {  	[smem:$0x3FA3] =	sst s1  }
0xa: {  	[smem:$0x3FA4] =	sst s2  }
0xb: {  	[smem:$0x3FA5] =	sst s3  }
0xc: {  	[smem:$0x3FA6] =	sst s4  }
0xd: {  	[smem:$0x3FA7] =	sst s5  }
0xe: {  	[smem:$0x3FA8] =	sst s6  }
0xf: {  	[smem:$0x3FA9] =	sst s7  }
0x10: {  	[smem:$0x3FAA] =	sst s8  }
0x11: {  	[smem:$0x3FAB] =	sst s9;
	s0 =	simm.s32 @!p0 $0x0  }
0x12: {  	s1 =	sld [smem:$0x3F91];
	s0 =	simm.s32 @p0 $0x1  }
0x13: {  	[smem:$0x3FAC] =	sst s0;
	s0 =	simm.s32 @!p1 $0x0  }
0x14: {  	s2 =	sld [smem:$0x3F90];
	s0 =	simm.s32 @p1 $0x1  }
0x15: {  	[smem:$0x3FAD] =	sst s0;
	s0 =	simm.s32 @!p2 $0x0  }
0x16: {  	s3 =	sld [smem:$0x3FDB];
	s0 =	simm.s32 @p2 $0x1  }
0x17: {  	s4 =	simm.s32 $0x1BF5;
	[smem:$0x3FAF] =	sst s0  }
0x18: {  	s0 =	sld [smem:$0x3F92];
	_ =	swait.ge [sflag:s4], $0x0  }
0x19: {  	s7 =	sld [smem:$0x3F93]  }
0x1a: {  	s8 =	sadd.s32 $0xFFFFE003, lr  }
0x1b: {  	s9 =	sadd.s32 $0xFFFFFEF7, lr;
	s5 =	simm.s32 $0xFFFFFFFF;
	p2 =	slt.u32 s8, $0xFFFFF086  }
0x1c: {  	p1 =	slt.u32 s9, $0xF7A;
	s5 =	simm.s32 @!p2 $0x0  }
0x1d: {  	s5 =	simm.s32 @p1 $0x1;
	p0 =	seq.s32 s7, s2  }
0x1e: {  	s7 =	smul.u32 @!p0 $0xF7A, s2;
	p2 =	seq.s32 @!p0 s5, $0x0  }
0x1f: {  	s9 =	smul.u32 $0xF7A, s1;
	s8 =	simm.s32 @!p0 $0x1BF5;
	p2 =	por !p2, p0  }
0x20: {  	[sflag:s8] =	ssyncset.s32 @!p0 $0xFFFFF086;
	s6 =	sadd.s32 @!p0 s3, s7;
	s7 =	simm.s32 @!p0 $0x108  }
0x21: {  	s3 =	sadd.s32 s3, s9;
	s6 =	sadd.s32 @!p0 $0x88, s6;
	s7 =	simm.s32 @p2 $0x1082  }
0x22: {  	[simem:s7], [sflag:s8] =	dma.local @!p0 [hbm:s6], $0xF7A  }
0x23: {  	s9 =	sor.u32 $0xD0000000, s2;
	s6 =	simm.s32 $0x108;
	_ =	swait.ge @!p0 [sflag:s8], $0x0  }
0x24: {  	s3 =	sadd.s32 $0x88, s3;
	s6 =	simm.s32 @!p1 $0x1082;
	[sflag:s4] =	ssyncset.s32 $0xFFFFF086  }
0x25: {  	[simem:s6], [sflag:s4] =	dma.local [hbm:s3], $0xF7A  }
0x26: {  	[smem:$0x3F93] =	sst s1;
	(tag) =	ssettag s2;
	_ =	strace s9  }
0x27: {  	s1 =	sld [smem:$0x3FA3]  }
0x28: {  	s2 =	sld [smem:$0x3FA4]  }
0x29: {  	s4 =	sld [smem:$0x3FA6]  }
0x2a: {  	p0 =	seq.s32 s5, $0x0;
	s5 =	sld [smem:$0x3FA7]  }
0x2b: {  	s6 =	sld [smem:$0x3FA8]  }
0x2c: {  	s7 =	sld [smem:$0x3FA9]  }
0x2d: {  	s3 =	simm.s32 $0x108;
	s8 =	sld [smem:$0x3FAA]  }
0x2e: {  	s3 =	simm.s32 @!p0 $0x1082;
	s9 =	sld [smem:$0x3FAB]  }
0x2f: {  	lr =	sadd.s32 s0, s3;
	s0 =	sld [smem:$0x3FA2]  }
0x30: {  	s3 =	sld [smem:$0x3FA5]  }
0x31: {  	[smem:$0x3FAE] =	sst s10  }
0x32: {  	s10 =	sld [smem:$0x3FAC];
	_ =	sdelay $0x3  }
0x33: {  	p0 =	seq.s32 s10, $0x1;
	s10 =	sld [smem:$0x3FAE];
	_ =	sdelay $0x3  }
0x34: {  	[smem:$0x3FAE] =	sst s10  }
0x35: {  	s10 =	sld [smem:$0x3FAD];
	_ =	sdelay $0x3  }
0x36: {  	p1 =	seq.s32 s10, $0x1;
	s10 =	sld [smem:$0x3FAE];
	_ =	sdelay $0x3  }
0x37: {  	[smem:$0x3FAE] =	sst s10  }
0x38: {  	s10 =	sld [smem:$0x3FAF]  }
0x39: {  	_ = 	snop;
	(pc) =	sbr.ind lr, $3  }
0x3a: {  	_ = 	snop  }
0x3b: {  	_ = 	snop  }
0x3c: {  	p2 =	seq.s32 s10, $0x1;
	s10 =	sld [smem:$0x3FAE]  }
0x3d: {  	_ =	shalt  }
0x3e: {  	_ =	shalt  }
0x3f: {  	_ =	shalt  }
0x40: {  	_ =	shalt  }
0x41: {  	_ =	shalt  }
0x42: {  	_ =	shalt  }
0x43: {  	_ =	shalt  }
0x44: {  	_ =	shalt  }
0x45: {  	_ =	shalt  }
0x46: {  	_ =	shalt  }
0x47: {  	_ =	shalt  }
0x48: {  	_ =	shalt  }
0x49: {  	_ =	shalt  }
0x4a: {  	_ =	shalt  }
0x4b: {  	_ =	shalt  }
0x4c: {  	_ =	shalt  }
0x4d: {  	_ =	shalt  }
0x4e: {  	_ =	shalt  }
0x4f: {  	_ =	shalt  }
0x50: {  	_ =	shalt  }
0x51: {  	_ =	shalt  }
0x52: {  	_ =	shalt  }
0x53: {  	_ =	shalt  }
0x54: {  	_ =	shalt  }
0x55: {  	_ =	shalt  }
0x56: {  	_ =	shalt  }
0x57: {  	_ =	shalt  }
0x58: {  	_ =	shalt  }
0x59: {  	_ =	shalt  }
0x5a: {  	_ =	shalt  }
0x5b: {  	_ =	shalt  }
0x5c: {  	_ =	shalt  }
0x5d: {  	_ =	shalt  }
0x5e: {  	_ =	shalt  }
0x5f: {  	_ =	shalt  }
0x60: {  	_ =	shalt  }
0x61: {  	_ =	shalt  }
0x62: {  	_ =	shalt  }
0x63: {  	_ =	shalt  }
0x64: {  	_ =	shalt  }
0x65: {  	_ =	shalt  }
0x66: {  	_ =	shalt  }
0x67: {  	_ =	shalt  }
0x68: {  	_ =	shalt  }
0x69: {  	_ =	shalt  }
0x6a: {  	_ =	shalt  }
0x6b: {  	_ =	shalt  }
0x6c: {  	_ =	shalt  }
0x6d: {  	_ =	shalt  }
0x6e: {  	_ =	shalt  }
0x6f: {  	_ =	shalt  }
0x70: {  	_ =	shalt  }
0x71: {  	_ =	shalt  }
0x72: {  	_ =	shalt  }
0x73: {  	_ =	shalt  }
0x74: {  	_ =	shalt  }
0x75: {  	_ =	shalt  }
0x76: {  	_ =	shalt  }
0x77: {  	_ =	shalt  }
0x78: {  	_ =	shalt  }
0x79: {  	_ =	shalt  }
0x7a: {  	_ =	shalt  }
0x7b: {  	_ =	shalt  }
0x7c: {  	_ =	shalt  }
0x7d: {  	_ =	shalt  }
0x7e: {  	_ =	shalt  }
0x7f: {  	_ =	shalt  }
0x80: {  	_ =	shalt  }
0x81: {  	_ =	shalt  }
0x82: {  	_ =	shalt  }
0x83: {  	_ =	shalt  }
0x84: {  	_ =	shalt  }
0x85: {  	_ =	shalt  }
0x86: {  	_ =	shalt  }
0x87: {  	_ =	shalt  }
.Lfunc_end0:
.L_simem_size_0:
called_computation.1_lowered:
.L_overlay_start_0:
0x88: {  	s2 =	sld [smem:$0x3FD9]  }
0x89: {  	s3 =	sld [smem:$0x3FFE];
	_ =	sdelay $0x1  }
0x8a: {  	s1 =	srdreg.scid  }
0x8b: {  	s0 =	sand.u32 $0x1, s1  }
0x8c: {  	s17 =	sshll.u32 s0, $0xA;
	s2 =	sadd.s32 s3, s2  }
0x8d: {  	s2 =	sadd.s32 s2, s17  }
0x8e: {  	[smem:$0x3FBA] =	sst s2  }
0x8f: {  	_ = 	snop  }
0x90: {  	s2 =	sld [smem:$0x3FD0];
	(tm) =	ssettm $0x1  }
0x91: {  	s18 =	sld [smem:$0x3FFB];
	_ =	sdelay $0x3  }
0x92: {  	_ =	strace s18  }
0x93: {  	s3 =	sld [smem:$0x3FFC];
	_ =	sdelay $0x3  }
0x94: {  	_ =	strace s3  }
0x95: {  	s3 =	sld [smem:$0x3FFD];
	_ =	sdelay $0x3  }
0x96: {  	_ =	strace s3  }
0x97: {  	_ =	strace $0x8FFFFFFF  }
0x98: {  	s19 =	sld [smem:$0x3FDB];
	_ =	sdelay $0x1  }
0x99: {  	s4 =	simm.s32 $_scs_section_size  }
0x9a: {  	s5 =	simm.s32 $_size__tile_overlayer_lowered;
	s6 =	simm.s32 $_tile_overlayer_lowered  }
0x9b: {  	s22 =	simm.s32 $0x1BFF;
	s21 =	sshll.u32 s6, $0x1;
	s3 =	sadd.s32 s4, s19  }
0x9c: {  	s7 =	simm.s32 $0x0;
	s20 =	sshll.u32 s5, $0x1;
	s5 =	sadd.s32 s21, s3  }
0x9d: {  	[timem:s7], [sflag:s22] =	dma.local [hbm:s5], s20  }
0x9e: {  	_ =	swait.ge [sflag:s22], s20  }
0x9f: {  	s4 =	ssub.s32 $0x0, s20;
	[sflag:s22] =	ssyncset.done $0x0  }
0xa0: {  	[sflag:s22] =	ssyncadd.s32 s4;
	_ =	sdelay $0x1  }
0xa1: {  	s23 =	simm.s32 $0x1B8B  }
0xa2: {  	_ =	swait.ge [sflag:s23], $0x1  }
0xa3: {  	[sflag:s23] =	ssyncset.done $0x0  }
0xa4: {  	s25 =	simm.s32 $0x1B8E;
	s24 =	sld [smem:$0x3FFE];
	[sflag:s23] =	ssyncadd.s32 $0xFFFFFFFF  }
0xa5: {  	s26 =	simm.s32 $execute0_lowered;
	[smem:$0x3FD2] =	sst s25  }
0xa6: {  	s5 =	sshll.u32 s26, $0x1;
	_ =	strace $0x80000049;
	[dreg:$0x1] =	wrdreg $0xFFFFFFFF  }
0xa7: {  	s28 =	simm.s32 $_size_execute0_lowered;
	s3 =	sadd.s32 s3, s5;
	[dreg:$0x0] =	wrdreg $0x0  }
0xa8: {  	s5 =	sshll.u32 s28, $0x1;
	[dreg:$0x2] =	wrdreg s3  }
0xa9: {  	[dreg:$0x3] =	wrdreg s5  }
0xaa: {  	[dreg:$0x4] =	wrdreg $0xC0  }
0xab: {  	_ =	task [dreg:s7], $0x5FFFF  }
0xac: {  	[dreg:$0x1] =	wrdreg $0xFFFFFFFF  }
0xad: {  	[dreg:$0x0] =	wrdreg $0x60  }
0xae: {  	[dreg:$0x2] =	wrdreg s2  }
0xaf: {  	[dreg:$0x3] =	wrdreg s24  }
0xb0: {  	[dreg:$0x4] =	wrdreg $0x0  }
0xb1: {  	[dreg:$0x5] =	wrdreg $0x9  }
0xb2: {  	_ =	task.clear_ibuf [dreg:s7], $0x6FFFF;
	_ =	strace $0x90000049  }
0xb3: {  	s29 =	simm.s32 $0x9;
	_ =	strace $0x8000004B  }
0xb4: {  	_ =	swait.ge [sflag:s29], $0x1  }
0xb5: {  	[sflag:s29] =	ssyncadd.s32 $0xFFFFFFFF  }
0xb6: {  	_ =	strace $0x9000004B  }
0xb7: {  	_ =	sfence  }
0xb8: {  	s30 =	sld [smem:$0x0];
	_ =	sdelay $0x2  }
0xb9: {  	s31 =	sshll.u32 s1, $0xD;
	s1 =	sshrl.u32 s1, $0x2  }
0xba: {  	s3 =	sand.u32 $0x4000, s31;
	s1 =	sadd.s32 s1, s30  }
0xbb: {  	s0 =	sor.u32 s3, s0;
	s1 =	sshll.u32 s1, $0x11  }
0xbc: {  	s0 =	sor.u32 s1, s0  }
0xbd: {  	s0 =	sadd.s32 $0x8F2B, s0  }
0xbe: {  	[sflag:s0] =	ssyncadd.remote.s32 $0x1  }
0xbf: {  	_ =	sfence.sel $0xFFFF  }
0xc0: {  	[dreg:$0x0] =	wrdreg $0xFFFFFFFF;
	(pc) =	sbr.abs _section_cstart, $3  }
0xc1: {  	[dreg:$0x1] =	wrdreg $0xFFFFFFFF  }
0xc2: {  	_ =	task.clear_ibuf [dreg:s7], $0x2FFFF;
	_ =	strace $0x9FFFFFFF  }
0xc3: {  	(tm) =	ssettm $0x7FFFFFFF  }
tec
execute0_lowered:
.L_overlay_start_1:
0x0: {  	(tag) =	ssettag $0x1  }
0x1: {  	s0 =	rddreg [dreg:$0x0];
	s1 =	srdreg.scid  }
0x2: {  	s6 =	rddreg [dreg:$0x1];
	s11 =	stileid.u32  }
0x3: {  	s2 =	rddreg [dreg:$0x2];
	s5 =	smul.u32 $0x51, s11  }
0x4: {  	s3 =	simm.s32 $0x0;
	s28 =	simm.s32 $0xC900;
	s7 =	smul.u32 $0x7800, s11  }
0x5: {  	s29 =	simm.s32 $0xF900;
	s1 =	sand.u32 $0x1, s1;
	s11 =	smul.u32 $0x1E000, s11  }
0x6: {  	s30 =	simm.s32 $0xE100;
	s31 =	simm.s32 $0x10100;
	s4 =	smul.u32 $0x510, s1  }
0x7: {  	[smem:$0x7FF] =	sst s3;
	s12 =	sadd.s32 $0xCA00, s6;
	s9 =	smul.u32 $0x78000, s1  }
0x8: {  	_ =	strace $0x8000004A;
	[dreg:$0x4] =	wrdreg s12;
	s1 =	ssub.s32 $0x2, s1  }
0x9: {  	s15 =	sshrl.u32 s1, $0x1;
	s11 =	sshrl.u32 s11, $0x2;
	s4 =	sadd.s32 s5, s4  }
0xa: {  	s5 =	sadd.s32 $0x1BC00, s6;
	s9 =	sadd.s32 s7, s9;
	s16 =	sadd.s32 s11, s2  }
0xb: {  	s1 =	ssub.s32 s1, s15;
	s7 =	sadd.s32 s7, s2;
	s11 =	sadd.s32 $0xC00, s16  }
0xc: {  	s8 =	sshll.u32 s4, $0x4;
	s17 =	sadd.s32 $0x1800, s16;
	[dreg:$0x5] =	wrdreg s11  }
0xd: {  	s4 =	sadd.s32 $0xCC00, s6;
	s18 =	sadd.s32 $0x2400, s16;
	[dreg:$0x6] =	wrdreg s17  }
0xe: {  	s9 =	sshrl.u32 s9, $0x3;
	s19 =	sadd.s32 $0x3000, s16;
	[dreg:$0x7] =	wrdreg s18  }
0xf: {  	s20 =	sadd.s32 $0x3C00, s16;
	s21 =	sadd.s32 $0x4800, s16;
	[dreg:$0x8] =	wrdreg s19  }
0x10: {  	s22 =	sadd.s32 $0x5400, s16;
	s23 =	sadd.s32 $0x6000, s16;
	[dreg:$0x9] =	wrdreg s20  }
0x11: {  	s26 =	smax.u32 s1, $0x1;
	s1 =	simm.s32 $0x1;
	[dreg:$0xa] =	wrdreg s21  }
0x12: {  	s10 =	sadd.s32 s8, s6;
	s6 =	sadd.s32 s9, s6;
	[dreg:$0xb] =	wrdreg s22  }
0x13: {  	[dreg:$0xc] =	wrdreg s23;
	s9 =	sadd.s32 $0x6C00, s16;
	s0 =	sadd.s32 s0, s8  }
0x14: {  	[dreg:$0x11] =	wrdreg s26;
	s21 =	simm.s32 $0x14110;
	s22 =	simm.s32 $0x5  }
0x15: {  	s26 =	simm.s32 $0x80;
	s8 =	simm.s32 $0x4;
	[dreg:$0xd] =	wrdreg s9  }
0x16: {  	[dreg:$0xe] =	wrdreg s0;
	s24 =	sadd.s32 $0x2800, s10;
	s25 =	sadd.s32 $0x20C00, s6  }
0x17: {  	s0 =	simm.s32 $0x10900;
	s6 =	simm.s32 $0x3;
	[dreg:$0xf] =	wrdreg s24  }
0x18: {  	v0 =	vimm.f32 $0.0e+00;
	v1 =	vimm.s32 $0x8;
	vm0 =	vmmov $0xff;
	[dreg:$0x10] =	wrdreg s25;
	s24 =	simm.s32 $0x2;
	s25 =	simm.s32 $0x12100  }
.LBB2_1:
0x19: {  	s9 =	simm.s32 $0xC0;
	s10 =	simm.s32 $0x0  }
.LBB2_2:
0x1a: {  	p0 =	sne.s32 s9, $0x2F40;
	[tilespmem:s10+$0x14130] =	vst v0;
	s11 =	smov.u32 s9;
	s9 =	sadd.s32 $0xC0, s9  }
.Ltmp0:
0x1b: {  	[tilespmem:s10+$0x14110] =	vst v0;
	(pc) =	sbr.rel @p0 .LBB2_2-.Ltmp0, $2  }
0x1c: {  	[tilespmem:s10+$0x14120] =	vst v0;
	_ =	sdelay $0x2  }
0x1d: {  	s10 =	sshra.s32 s11, $0x2  }
0x1e: {  	[tilespmem:s10+$0x14130] =	vst v0  }
0x1f: {  	[tilespmem:s10+$0x14110] =	vst v0  }
0x20: {  	[tilespmem:s10+$0x14120] =	vst v0  }
0x21: {  	[spmem:s7] =	stream.linear.scatter [tilespmem:s21], [sflag:$0x5], $0xC00, $0x38;
	[tilespmem:$0x14D10] =	vst v63  }
0x22: {  	_ =	swait.ge [sflag:s22], $0xC00  }
0x23: {  	[sflag:s22] =	ssyncset.done $0x0  }
0x24: {  	s9 =	rddreg [dreg:$0x5];
	[sflag:s22] =	ssyncadd.s32 $0xFFFFF400  }
0x25: {  	[spmem:s9] =	stream.linear.scatter [tilespmem:s21], [sflag:$0x5], $0xC00, $0x38;
	[tilespmem:$0x14D10] =	vst v63  }
0x26: {  	_ =	swait.ge [sflag:s22], $0xC00  }
0x27: {  	[sflag:s22] =	ssyncset.done $0x0  }
0x28: {  	s10 =	rddreg [dreg:$0x6];
	[sflag:s22] =	ssyncadd.s32 $0xFFFFF400  }
0x29: {  	[spmem:s10] =	stream.linear.scatter [tilespmem:s21], [sflag:$0x5], $0xC00, $0x38;
	[tilespmem:$0x14D10] =	vst v63  }
0x2a: {  	_ =	swait.ge [sflag:s22], $0xC00  }
0x2b: {  	[sflag:s22] =	ssyncset.done $0x0  }
0x2c: {  	s11 =	rddreg [dreg:$0x7];
	[sflag:s22] =	ssyncadd.s32 $0xFFFFF400  }
0x2d: {  	[spmem:s11] =	stream.linear.scatter [tilespmem:s21], [sflag:$0x5], $0xC00, $0x38;
	[tilespmem:$0x14D10] =	vst v63  }
0x2e: {  	_ =	swait.ge [sflag:s22], $0xC00  }
0x2f: {  	[sflag:s22] =	ssyncset.done $0x0  }
0x30: {  	s12 =	rddreg [dreg:$0x8];
	[sflag:s22] =	ssyncadd.s32 $0xFFFFF400  }
0x31: {  	[spmem:s12] =	stream.linear.scatter [tilespmem:s21], [sflag:$0x5], $0xC00, $0x38;
	[tilespmem:$0x14D10] =	vst v63  }
0x32: {  	_ =	swait.ge [sflag:s22], $0xC00  }
0x33: {  	[sflag:s22] =	ssyncset.done $0x0  }
0x34: {  	s13 =	rddreg [dreg:$0x9];
	[sflag:s22] =	ssyncadd.s32 $0xFFFFF400  }
0x35: {  	[spmem:s13] =	stream.linear.scatter [tilespmem:s21], [sflag:$0x5], $0xC00, $0x38;
	[tilespmem:$0x14D10] =	vst v63  }
0x36: {  	_ =	swait.ge [sflag:s22], $0xC00  }
0x37: {  	[sflag:s22] =	ssyncset.done $0x0  }
0x38: {  	s14 =	rddreg [dreg:$0xa];
	[sflag:s22] =	ssyncadd.s32 $0xFFFFF400  }
0x39: {  	[spmem:s14] =	stream.linear.scatter [tilespmem:s21], [sflag:$0x5], $0xC00, $0x38;
	[tilespmem:$0x14D10] =	vst v63  }
0x3a: {  	_ =	swait.ge [sflag:s22], $0xC00  }
0x3b: {  	[sflag:s22] =	ssyncset.done $0x0  }
0x3c: {  	s15 =	rddreg [dreg:$0xb];
	[sflag:s22] =	ssyncadd.s32 $0xFFFFF400  }
0x3d: {  	[spmem:s15] =	stream.linear.scatter [tilespmem:s21], [sflag:$0x5], $0xC00, $0x38;
	[tilespmem:$0x14D10] =	vst v63  }
0x3e: {  	_ =	swait.ge [sflag:s22], $0xC00  }
0x3f: {  	[sflag:s22] =	ssyncset.done $0x0  }
0x40: {  	s16 =	rddreg [dreg:$0xc];
	[sflag:s22] =	ssyncadd.s32 $0xFFFFF400  }
0x41: {  	[spmem:s16] =	stream.linear.scatter [tilespmem:s21], [sflag:$0x5], $0xC00, $0x38;
	[tilespmem:$0x14D10] =	vst v63  }
0x42: {  	_ =	swait.ge [sflag:s22], $0xC00  }
0x43: {  	[sflag:s22] =	ssyncset.done $0x0  }
0x44: {  	s17 =	rddreg [dreg:$0xd];
	[sflag:s22] =	ssyncadd.s32 $0xFFFFF400  }
0x45: {  	[spmem:s17] =	stream.linear.scatter [tilespmem:s21], [sflag:$0x5], $0xC00, $0x38;
	[tilespmem:$0x14D10] =	vst v63  }
0x46: {  	_ =	swait.ge [sflag:s22], $0xC00  }
0x47: {  	s9 =	simm.s32 $0x0;
	[sflag:s22] =	ssyncset.done $0x0  }
0x48: {  	s11 =	simm.s32 $0x13900;
	s18 =	rddreg [dreg:$0x4];
	[sflag:s22] =	ssyncadd.s32 $0xFFFFF400  }
0x49: {  	[tilespmem:s11], [sflag:$0x5] =	stream.linear.gather [hbm4b:s18+s9], $0x10, $0x38;
	[tilespmem:$0x14D10] =	vst v63  }
0x4a: {  	_ =	swait.ge [sflag:s22], $0x10  }
0x4b: {  	[sflag:s22] =	ssyncset.done $0x0  }
0x4c: {  	[sflag:s22] =	ssyncadd.s32 $0xFFFFFFF0  }
0x4d: {  	v2 =	vld.msk [tilespmem:s11+$0x0], $0xffff  }
0x4e: {  	v3 =	vld.idx.msk [tilespmem:v1+s11+$0x0], $0xffff;
	[bflag:$0x0] =	sbarrier.arrive $0xFFFF  }
0x4f: {  	s20 =	simm.s32 $0x7800;
	s19 =	rddreg [dreg:$0xe]  }
0x50: {  	[tilespmem:s20], [sflag:$0x5] =	stream.linear.gather [hbm4b:s19+s9], $0x2880, $0x38;
	[tilespmem:$0x14D10] =	vst v63  }
0x51: {  	_ =	swait.ge [sflag:s22], $0x2880  }
0x52: {  	[sflag:s22] =	ssyncset.done $0x0  }
0x53: {  	s12 =	simm.s32 $0xA080;
	s23 =	rddreg [dreg:$0xf];
	[sflag:s22] =	ssyncadd.s32 $0xFFFFD780  }
0x54: {  	[tilespmem:s12], [sflag:$0x5] =	stream.linear.gather [hbm4b:s23+s9], $0x2880, $0x38;
	[tilespmem:$0x14D10] =	vst v63  }
0x55: {  	_ =	swait.ge [sflag:s22], $0x2880  }
0x56: {  	v2 =	vadd.f32 v3, v2;
	[sflag:s22] =	ssyncset.done $0x0  }
0x57: {  	[sflag:s22] =	ssyncadd.s32 $0xFFFFD780  }
0x58: {  	v3 =	vmul.f32 $2.000000030e-01, v2;
	[tilespmem:s28], [sflag:$0x1] =	stream.indirect.gather [hbm4b:s4+s26], $0x30, s20, s26, $0xb8;
	[tilespmem:$0x14D10] =	vst v63  }
0x59: {  	vm1 =	vgt.f32 v2, $0.0e+00  }
0x5a: {  	v2 =	vsel vm1, v2, v3;
	[tilespmem:s29], [sflag:$0x1] =	stream.indirect.gather [hbm4b:s5+s26], $0x10, s12, s26, $0xb8;
	[tilespmem:$0x14D10] =	vst v63  }
.LBB2_4:
0x5b: {  	s11 =	sshll.u32 s9, $0x8  }
0x5c: {  	p0 =	seq.s32 s9, $0x0;
	s10 =	sadd.s32 $0x7880, s11  }
0x5d: {  	[tilespmem:s30], [sflag:$0x2] =	stream.indirect.gather [hbm4b:s4+s26], $0x30, s10, s26, $0xb8;
	[tilespmem:$0x14D10] =	vst v63  }
0x5e: {  	s12 =	simm.s32 @!p0 $0x3;
	s10 =	sadd.s32 $0xA100, s11  }
0x5f: {  	[tilespmem:s31], [sflag:$0x2] =	stream.indirect.gather [hbm4b:s5+s26], $0x10, s10, s26, $0xb8;
	[tilespmem:$0x14D10] =	vst v63  }
0x60: {  	_ =	swait.ge @!p0 [sflag:s12], $0x1800  }
0x61: {  	[sflag:s12] =	ssyncset.done @!p0 $0x0  }
0x62: {  	[sflag:s12] =	ssyncadd.s32 @!p0 $0xFFFFE800  }
0x63: {  	_ =	swait.ge [sflag:s1], $0x1800  }
0x64: {  	[sflag:s1] =	ssyncset.done $0x0  }
0x65: {  	[sflag:s1] =	ssyncadd.s32 $0xFFFFE800  }
0x66: {  	_ =	swait.ge [sflag:s1], $0x800  }
0x67: {  	[sflag:s1] =	ssyncset.done $0x0  }
0x68: {  	s18 =	simm.s32 $0xC9C0;
	[sflag:s1] =	ssyncadd.s32 $0xFFFFF800  }
0x69: {  	s14 =	simm.s32 $0x0;
	v3 =	vld [tilespmem:s18+$0xB0]  }
0x6a: {  	v4 =	vld [tilespmem:s14+$0xF970];
	_ =	sdelay $0x2  }
0x6b: {  	v5 =	vld [tilespmem:s14+$0xF910]  }
0x6c: {  	v6 =	vld [tilespmem:s18+$0xFFFFFF90]  }
0x6d: {  	v7 =	vld [tilespmem:s14+$0xF930];
	v3 =	vadd.f32 v4, v3  }
0x6e: {  	v10 =	vld [tilespmem:s14+$0xF940]  }
0x6f: {  	v11 =	vld [tilespmem:s14+$0xF960];
	v4 =	vmul.f32 $2.000000030e-01, v3  }
0x70: {  	v12 =	vld [tilespmem:s18+$0xFFFFFFC0];
	vm1 =	vgt.f32 v3, $0.0e+00  }
0x71: {  	v13 =	vld [tilespmem:s18+$0x50];
	v3 =	vsel vm1, v3, v4  }
0x72: {  	s12 =	simm.s32 $0xCB40;
	v14 =	vld [tilespmem:s18+$0x80];
	v3 =	vsub.f32 v3, v2  }
0x73: {  	s17 =	simm.s32 $0x80;
	v15 =	vld [tilespmem:s12+$0xB0]  }
0x74: {  	v39 =	vld [tilespmem:s17+$0xF970];
	v3 =	vmul.f32 $1.442695020e+00, v3  }
0x75: {  	v4 =	vld [tilespmem:s14+$0xF900]  }
0x76: {  	(erf) = vpow2.f32 v3;
	v3 =	vld [tilespmem:s18+$0xFFFFFF60]  }
0x77: {  	v41 =	vld [tilespmem:s12+$0xFFFFFF90]  }
0x78: {  	v18 =	vld [tilespmem:s12+$0x20]  }
0x79: {  	v19 =	vld [tilespmem:s12+$0x50]  }
0x7a: {  	v20 =	vld [tilespmem:s12+$0xFFFFFF60]  }
0x7b: {  	s16 =	simm.s32 $0x100;
	v23 =	vld [tilespmem:s12+$0x80];
	v3 =	vadd.f32 v4, v3  }
0x7c: {  	v29 =	vld [tilespmem:s16+$0xF970];
	v4 =	vadd.f32 v5, v6  }
0x7d: {  	v30 =	vld [tilespmem:s16+$0xF900];
	v6 =	vmul.f32 $2.000000030e-01, v3  }
0x7e: {  	v31 =	vld [tilespmem:s16+$0xF910];
	v8 =	vmul.f32 $2.000000030e-01, v4;
	vm1 =	vgt.f32 v3, $0.0e+00  }
0x7f: {  	v32 =	vld [tilespmem:s16+$0xF920];
	vm2 =	vgt.f32 v4, $0.0e+00;
	v9 =	vpop (erf);
	v3 =	vsel vm1, v3, v6  }
0x80: {  	v33 =	vld [tilespmem:s16+$0xF940];
	v4 =	vsel vm2, v4, v8;
	[tilespmem:s14+$0x13980] =	vst v9;
	v3 =	vsub.f32 v3, v2  }
0x81: {  	v4 =	vsub.f32 v4, v2;
	v9 =	vld.idx.msk [tilespmem:v1+s14+$0x13980], $0xffff  }
0x82: {  	v6 =	vld [tilespmem:s18+$0x90];
	v3 =	vmul.f32 $1.442695020e+00, v3  }
0x83: {  	v34 =	vld [tilespmem:s16+$0xF960];
	v4 =	vmul.f32 $1.442695020e+00, v4  }
0x84: {  	v5 =	vld [tilespmem:s14+$0xF920];
	(erf) = vpow2.f32 v3  }
0x85: {  	(erf) = vpow2.f32 v4;
	v4 =	vld [tilespmem:s18+$0x20]  }
0x86: {  	v3 =	vld [tilespmem:s18+$0xFFFFFFF0]  }
0x87: {  	s15 =	simm.s32 $0xCCC0;
	v8 =	vld [tilespmem:s14+$0xF950];
	v6 =	vmul.f32 v6, v9  }
0x88: {  	s13 =	simm.s32 $0x109C0;
	v36 =	vld [tilespmem:s15+$0xFFFFFF90]  }
0x89: {  	v44 =	vld [tilespmem:s15+$0xFFFFFFF0];
	v14 =	vadd.f32 v11, v14;
	v5 =	vadd.f32 v5, v12;
	[tilespmem:s13+$0x90] =	vst v6  }
0x8a: {  	v40 =	vadd.f32 v39, v15;
	v6 =	vld [tilespmem:s18+$0xA0];
	v4 =	vadd.f32 v10, v4  }
0x8b: {  	v45 =	vld [tilespmem:s15+$0xFFFFFF60];
	vm1 =	vgt.f32 v5, $0.0e+00;
	v3 =	vadd.f32 v7, v3;
	v7 =	vmul.f32 $2.000000030e-01, v5  }
0x8c: {  	v15 =	vld [tilespmem:s12+$0xFFFFFFC0];
	v8 =	vadd.f32 v8, v13;
	v13 =	vmul.f32 $2.000000030e-01, v40;
	v37 =	vmul.f32 $2.000000030e-01, v4  }
0x8d: {  	v39 =	vld [tilespmem:s15+$0x50];
	v10 =	vmul.f32 $2.000000030e-01, v3;
	v5 =	vsel vm1, v5, v7;
	vm3 =	vgt.f32 v4, $0.0e+00  }
0x8e: {  	vm2 =	vgt.f32 v3, $0.0e+00;
	v5 =	vsub.f32 v5, v2;
	v38 =	vpop (erf);
	v4 =	vsel vm3, v4, v37;
	v37 =	vld [tilespmem:s15+$0xFFFFFFC0]  }
0x8f: {  	v16 =	vmul.f32 $2.000000030e-01, v8;
	v3 =	vsel vm2, v3, v10;
	[tilespmem:s14+$0x13910] =	vst v38;
	v6 =	vmul.f32 v6, v9;
	v7 =	vpop (erf);
	v38 =	vld [tilespmem:s15+$0x20]  }
0x90: {  	vm1 =	vgt.f32 v8, $0.0e+00;
	v3 =	vsub.f32 v3, v2;
	v5 =	vmul.f32 $1.442695020e+00, v5;
	v10 =	vld.idx.msk [tilespmem:v1+s14+$0x13910], $0xffff;
	[tilespmem:s14+$0x13920] =	vst v7  }
0x91: {  	v4 =	vsub.f32 v4, v2;
	v7 =	vmul.f32 $2.000000030e-01, v14;
	v11 =	vld.idx.msk [tilespmem:v1+s14+$0x13920], $0xffff;
	[tilespmem:s13+$0xA0] =	vst v6;
	v6 =	vsel vm1, v8, v16  }
0x92: {  	v3 =	vmul.f32 $1.442695020e+00, v3;
	v8 =	vld [tilespmem:s17+$0xF900];
	(erf) = vpow2.f32 v5;
	vm1 =	vgt.f32 v14, $0.0e+00  }
0x93: {  	v5 =	vld [tilespmem:s17+$0xF910];
	v6 =	vsub.f32 v6, v2;
	v4 =	vmul.f32 $1.442695020e+00, v4;
	v7 =	vsel vm1, v14, v7  }
0x94: {  	v16 =	vld [tilespmem:s17+$0xF950];
	vm1 =	vgt.f32 v40, $0.0e+00;
	(erf) = vpow2.f32 v3;
	v7 =	vsub.f32 v7, v2  }
0x95: {  	v27 =	vld [tilespmem:s18+$0xFFFFFF70];
	v12 =	vsel vm1, v40, v13;
	v6 =	vmul.f32 $1.442695020e+00, v6;
	(erf) = vpow2.f32 v4  }
0x96: {  	v3 =	vld [tilespmem:s17+$0xF920];
	v12 =	vsub.f32 v12, v2  }
0x97: {  	v4 =	vld [tilespmem:s17+$0xF930];
	v7 =	vmul.f32 $1.442695020e+00, v7;
	(erf) = vpow2.f32 v6  }
0x98: {  	v6 =	vld [tilespmem:s17+$0xF940];
	v12 =	vmul.f32 $1.442695020e+00, v12  }
0x99: {  	(erf) = vpow2.f32 v7;
	v7 =	vld [tilespmem:s12+$0xFFFFFFF0]  }
0x9a: {  	v17 =	vld [tilespmem:s18+$0xB0];
	(erf) = vpow2.f32 v12  }
0x9b: {  	v40 =	vld [tilespmem:s15+$0x80];
	v42 =	vpop (erf)  }
0x9c: {  	v5 =	vadd.f32 v5, v41;
	v8 =	vadd.f32 v8, v20;
	v20 =	vld [tilespmem:s18+$0xFFFFFF40];
	[tilespmem:s14+$0x13930] =	vst v42  }
0x9d: {  	v19 =	vadd.f32 v16, v19;
	v6 =	vadd.f32 v6, v18;
	v43 =	vpop (erf);
	v14 =	vld.idx.msk [tilespmem:v1+s14+$0x13930], $0xffff  }
0x9e: {  	v3 =	vadd.f32 v3, v15;
	v25 =	vmul.f32 $2.000000030e-01, v8;
	v4 =	vadd.f32 v4, v7;
	v7 =	vld [tilespmem:s17+$0xF960];
	v21 =	vpop (erf);
	[tilespmem:s14+$0x13940] =	vst v43  }
0x9f: {  	vm1 =	vgt.f32 v5, $0.0e+00;
	v24 =	vmul.f32 $2.000000030e-01, v6;
	v12 =	vld.idx.msk [tilespmem:v1+s14+$0x13940], $0xffff;
	[tilespmem:s14+$0x13950] =	vst v21;
	v21 =	vmul.f32 $2.000000030e-01, v5  }
0xa0: {  	v26 =	vmul.f32 $2.000000030e-01, v19;
	vm2 =	vgt.f32 v3, $0.0e+00;
	vm4 =	vgt.f32 v6, $0.0e+00;
	v22 =	vpop (erf);
	v13 =	vld.idx.msk [tilespmem:v1+s14+$0x13950], $0xffff  }
0xa1: {  	v18 =	vmul.f32 $2.000000030e-01, v3;
	v20 =	vmul.f32 v20, v10;
	v6 =	vsel vm4, v6, v24;
	v24 =	vld [tilespmem:s18+$0xFFFFFFD0];
	[tilespmem:s14+$0x13960] =	vst v22  }
0xa2: {  	v16 =	vpop (erf);
	v22 =	vmul.f32 $2.000000030e-01, v4;
	v5 =	vsel vm1, v5, v21;
	vm1 =	vgt.f32 v8, $0.0e+00;
	v15 =	vld.idx.msk [tilespmem:v1+s14+$0x13960], $0xffff  }
0xa3: {  	vm3 =	vgt.f32 v4, $0.0e+00;
	v8 =	vsel vm1, v8, v25;
	v25 =	vld [tilespmem:s18+$0x0];
	v23 =	vadd.f32 v7, v23;
	v21 =	vpop (erf)  }
0xa4: {  	v3 =	vsel vm2, v3, v18;
	v4 =	vsel vm3, v4, v22;
	v8 =	vsub.f32 v8, v2;
	v22 =	vld [tilespmem:s18+$0xFFFFFFA0];
	[tilespmem:s17+$0x13980] =	vst v21  }
0xa5: {  	v3 =	vsub.f32 v3, v2;
	v5 =	vsub.f32 v5, v2;
	v28 =	vmul.f32 $2.000000030e-01, v23;
	v18 =	vld.idx.msk [tilespmem:v1+s17+$0x13980], $0xffff  }
0xa6: {  	v4 =	vsub.f32 v4, v2;
	vm1 =	vgt.f32 v23, $0.0e+00;
	v21 =	vld [tilespmem:s12+$0x90];
	v8 =	vmul.f32 $1.442695020e+00, v8  }
0xa7: {  	v3 =	vmul.f32 $1.442695020e+00, v3;
	[tilespmem:s14+$0x13970] =	vst v16;
	v5 =	vmul.f32 $1.442695020e+00, v5;
	v23 =	vsel vm1, v23, v28;
	v28 =	vld [tilespmem:s15+$0xB0]  }
0xa8: {  	vm5 =	vgt.f32 v19, $0.0e+00;
	v16 =	vld.idx.msk [tilespmem:v1+s14+$0x13970], $0xffff;
	v4 =	vmul.f32 $1.442695020e+00, v4;
	(erf) = vpow2.f32 v8  }
0xa9: {  	v6 =	vsub.f32 v6, v2;
	v8 =	vld [tilespmem:s18+$0x30];
	(erf) = vpow2.f32 v5;
	v5 =	vmul.f32 v27, v11  }
0xaa: {  	v19 =	vsel vm5, v19, v26;
	[tilespmem:s13+$0xFFFFFF40] =	vst v20;
	v26 =	vld [tilespmem:s18+$0x60];
	(erf) = vpow2.f32 v3;
	v3 =	vmul.f32 v22, v14  }
0xab: {  	v19 =	vsub.f32 v19, v2;
	v6 =	vmul.f32 $1.442695020e+00, v6;
	v20 =	vmul.f32 v21, v18;
	v21 =	vld [tilespmem:s18+$0xFFFFFF50];
	[tilespmem:s13+$0xFFFFFF70] =	vst v5  }
0xac: {  	s14 =	simm.s32 $0x10B40;
	(erf) = vpow2.f32 v4;
	v4 =	vmul.f32 v24, v12;
	[tilespmem:s13+$0xFFFFFFA0] =	vst v3;
	v28 =	vadd.f32 v29, v28;
	v29 =	vld [tilespmem:s16+$0xF950]  }
0xad: {  	v19 =	vmul.f32 $1.442695020e+00, v19;
	(erf) = vpow2.f32 v6;
	[tilespmem:s14+$0x90] =	vst v20;
	v20 =	vld [tilespmem:s18+$0xFFFFFF80]  }
0xae: {  	v3 =	vmul.f32 v25, v13;
	[tilespmem:s13+$0xFFFFFFD0] =	vst v4;
	v4 =	vmul.f32 v8, v15;
	v5 =	vld [tilespmem:s12+$0xA0]  }
0xaf: {  	(erf) = vpow2.f32 v19;
	v19 =	vld [tilespmem:s18+$0xFFFFFFB0]  }
0xb0: {  	v22 =	vld [tilespmem:s18+$0xFFFFFFE0];
	[tilespmem:s13+$0x0] =	vst v3;
	v3 =	vmul.f32 v26, v16  }
0xb1: {  	v24 =	vld [tilespmem:s18+$0x10];
	[tilespmem:s13+$0x30] =	vst v4  }
0xb2: {  	v25 =	vld [tilespmem:s18+$0x40];
	[tilespmem:s13+$0x60] =	vst v3;
	v4 =	vpop (erf)  }
0xb3: {  	v26 =	vld [tilespmem:s18+$0x70];
	[tilespmem:s17+$0x13910] =	vst v4;
	v5 =	vmul.f32 v5, v18  }
0xb4: {  	v17 =	vmul.f32 v17, v9;
	v35 =	vmul.f32 $2.000000030e-01, v28;
	v4 =	vpop (erf);
	v3 =	vld.idx.msk [tilespmem:v1+s17+$0x13910], $0xffff  }
0xb5: {  	v23 =	vsub.f32 v23, v2;
	vm1 =	vgt.f32 v28, $0.0e+00;
	[tilespmem:s17+$0x13920] =	vst v4;
	v46 =	vld [tilespmem:s12+$0xFFFFFF40]  }
0xb6: {  	v17 =	vsel vm0, v17, v9;
	v28 =	vsel vm1, v28, v35;
	v6 =	vpop (erf);
	v4 =	vld.idx.msk [tilespmem:v1+s17+$0x13920], $0xffff;
	[tilespmem:s14+$0xA0] =	vst v5  }
0xb7: {  	[tilespmem:s13+$0xB0] =	vst v17;
	v23 =	vmul.f32 $1.442695020e+00, v23;
	v21 =	vmul.f32 v21, v10;
	v28 =	vsub.f32 v28, v2;
	v27 =	vld [tilespmem:s12+$0xB0];
	v5 =	vpop (erf)  }
0xb8: {  	v20 =	vmul.f32 v20, v11;
	[tilespmem:s17+$0x13930] =	vst v6;
	v47 =	vld [tilespmem:s12+$0xFFFFFF70];
	v6 =	vpop (erf)  }
0xb9: {  	v31 =	vadd.f32 v31, v36;
	[tilespmem:s13+$0xFFFFFF50] =	vst v21;
	v28 =	vmul.f32 $1.442695020e+00, v28;
	v7 =	vpop (erf);
	(erf) = vpow2.f32 v23;
	v23 =	vld [tilespmem:s16+$0xF930]  }
0xba: {  	v30 =	vadd.f32 v30, v45;
	v19 =	vmul.f32 v19, v14;
	[tilespmem:s13+$0xFFFFFF80] =	vst v20;
	v8 =	vld.idx.msk [tilespmem:v1+s17+$0x13930], $0xffff  }
0xbb: {  	v33 =	vadd.f32 v33, v38;
	v25 =	vmul.f32 v25, v15;
	v48 =	vld [tilespmem:s12+$0xFFFFFFA0];
	[tilespmem:s17+$0x13950] =	vst v6;
	(erf) = vpow2.f32 v28  }
0xbc: {  	v22 =	vmul.f32 v22, v12;
	[tilespmem:s13+$0xFFFFFFB0] =	vst v19;
	v6 =	vld.idx.msk [tilespmem:v1+s17+$0x13950], $0xffff;
	v27 =	vmul.f32 v27, v18  }
0xbd: {  	vm3 =	vgt.f32 v33, $0.0e+00;
	vm1 =	vgt.f32 v31, $0.0e+00;
	[tilespmem:s13+$0x40] =	vst v25;
	v25 =	vmul.f32 v47, v4;
	v50 =	vld [tilespmem:s12+$0x0]  }
0xbe: {  	v53 =	vld [tilespmem:s18+$0xFFFFFF60];
	[tilespmem:s13+$0xFFFFFFE0] =	vst v22;
	v18 =	vsel vm0, v27, v18;
	v27 =	vmul.f32 $2.000000030e-01, v31;
	v23 =	vadd.f32 v23, v44  }
0xbf: {  	v17 =	vadd.f32 v29, v39;
	v21 =	vmul.f32 $2.000000030e-01, v33;
	v55 =	vld [tilespmem:s18+$0xFFFFFF90];
	[tilespmem:s17+$0x13940] =	vst v5;
	v28 =	vadd.f32 v32, v37  }
0xc0: {  	v22 =	vld [tilespmem:s18+$0xFFFFFFC0];
	[tilespmem:s14+$0xFFFFFF70] =	vst v25;
	v25 =	vmul.f32 v48, v8;
	v27 =	vsel vm1, v31, v27;
	v31 =	vmul.f32 $2.000000030e-01, v23  }
0xc1: {  	v51 =	vmul.f32 $2.000000030e-01, v30;
	v19 =	vsel vm3, v33, v21;
	v21 =	vmul.f32 $2.000000030e-01, v17;
	v5 =	vld.idx.msk [tilespmem:v1+s17+$0x13940], $0xffff;
	[tilespmem:s17+$0x13960] =	vst v7  }
0xc2: {  	v29 =	vadd.f32 v34, v40;
	v49 =	vld [tilespmem:s12+$0xFFFFFFD0];
	v37 =	vmul.f32 $2.000000030e-01, v28;
	[tilespmem:s14+$0xFFFFFFA0] =	vst v25;
	v25 =	vmul.f32 v50, v6  }
0xc3: {  	v19 =	vsub.f32 v19, v2;
	v7 =	vld.idx.msk [tilespmem:v1+s17+$0x13960], $0xffff;
	vm2 =	vgt.f32 v28, $0.0e+00;
	vm1 =	vgt.f32 v23, $0.0e+00;
	v9 =	vpop (erf)  }
0xc4: {  	v52 =	vld [tilespmem:s12+$0x30];
	v28 =	vsel vm2, v28, v37;
	[tilespmem:s14+$0x0] =	vst v25;
	v20 =	vsel vm1, v23, v31;
	vm1 =	vgt.f32 v30, $0.0e+00;
	v31 =	vpop (erf)  }
0xc5: {  	vm2 =	vgt.f32 v17, $0.0e+00;
	v57 =	vld [tilespmem:s12+$0x10];
	v30 =	vsel vm1, v30, v51;
	[tilespmem:s16+$0x13980] =	vst v31;
	v31 =	vmul.f32 v46, v3  }
0xc6: {  	v54 =	vmul.f32 $2.000000030e-01, v29;
	v21 =	vsel vm2, v17, v21;
	[tilespmem:s17+$0x13970] =	vst v9;
	v30 =	vsub.f32 v30, v2;
	v17 =	vld.idx.msk [tilespmem:v1+s16+$0x13980], $0xffff  }
0xc7: {  	v24 =	vmul.f32 v24, v13;
	v26 =	vmul.f32 v26, v16;
	v27 =	vsub.f32 v27, v2;
	[tilespmem:s14+$0xFFFFFF40] =	vst v31;
	v31 =	vld [tilespmem:s15+$0x90]  }
0xc8: {  	v19 =	vmul.f32 $1.442695020e+00, v19;
	[tilespmem:s14+$0xB0] =	vst v18;
	v28 =	vsub.f32 v28, v2;
	v9 =	vld.idx.msk [tilespmem:v1+s17+$0x13970], $0xffff;
	v18 =	vmul.f32 $1.442695020e+00, v30  }
0xc9: {  	v27 =	vmul.f32 $1.442695020e+00, v27;
	v20 =	vsub.f32 v20, v2;
	vm1 =	vgt.f32 v29, $0.0e+00;
	v23 =	vld [tilespmem:s12+$0x60]  }
0xca: {  	[tilespmem:s13+$0x10] =	vst v24;
	v28 =	vmul.f32 $1.442695020e+00, v28;
	v24 =	vsel vm1, v29, v54;
	v29 =	vld [tilespmem:s18+$0x50];
	(erf) = vpow2.f32 v18  }
0xcb: {  	v21 =	vsub.f32 v21, v2;
	v20 =	vmul.f32 $1.442695020e+00, v20;
	v30 =	vld [tilespmem:s12+$0xFFFFFF50];
	(erf) = vpow2.f32 v27  }
0xcc: {  	[tilespmem:s13+$0x70] =	vst v26;
	v18 =	vld [tilespmem:s18+$0xFFFFFFF0];
	(erf) = vpow2.f32 v28;
	v26 =	vmul.f32 v31, v17  }
0xcd: {  	v21 =	vmul.f32 $1.442695020e+00, v21;
	s17 =	simm.s32 $0x10CC0;
	v24 =	vsub.f32 v24, v2;
	v27 =	vld [tilespmem:s18+$0x20];
	(erf) = vpow2.f32 v20  }
0xce: {  	v25 =	vmul.f32 v23, v9;
	v20 =	vld [tilespmem:s12+$0xFFFFFF80];
	(erf) = vpow2.f32 v19;
	[tilespmem:s17+$0x90] =	vst v26  }
0xcf: {  	v24 =	vmul.f32 $1.442695020e+00, v24;
	v26 =	vmul.f32 v49, v5;
	v19 =	vld [tilespmem:s15+$0xA0]  }
0xd0: {  	v32 =	vmul.f32 v55, v11;
	[tilespmem:s14+$0x60] =	vst v25;
	(erf) = vpow2.f32 v21;
	v21 =	vld [tilespmem:s12+$0xFFFFFFB0]  }
0xd1: {  	v31 =	vld [tilespmem:s18+$0x80];
	(erf) = vpow2.f32 v24;
	[tilespmem:s14+$0xFFFFFFD0] =	vst v26;
	v26 =	vmul.f32 v52, v7  }
0xd2: {  	v33 =	vmul.f32 v57, v6;
	v29 =	vmul.f32 v29, v15;
	v58 =	vld [tilespmem:s12+$0x70]  }
0xd3: {  	v25 =	vmul.f32 v22, v14;
	v56 =	vld [tilespmem:s12+$0xFFFFFFE0];
	v28 =	vpop (erf);
	[tilespmem:s14+$0x30] =	vst v26;
	v26 =	vmul.f32 v53, v10  }
0xd4: {  	v24 =	vmul.f32 v20, v4;
	[tilespmem:s16+$0x13910] =	vst v28;
	v28 =	vpop (erf);
	v20 =	vld [tilespmem:s12+$0x40];
	v19 =	vmul.f32 v19, v17  }
0xd5: {  	[tilespmem:s16+$0x13920] =	vst v28;
	v28 =	vmul.f32 v21, v8;
	v21 =	vpop (erf);
	v22 =	vsel vm0, v26, v10;
	v10 =	vld.idx.msk [tilespmem:v1+s16+$0x13910], $0xffff  }
0xd6: {  	v59 =	vmul.f32 v18, v12;
	v60 =	vmul.f32 v27, v13;
	v18 =	vld.idx.msk [tilespmem:v1+s16+$0x13920], $0xffff;
	v27 =	vpop (erf);
	[tilespmem:s17+$0xA0] =	vst v19  }
0xd7: {  	v29 =	vsel vm0, v29, v15;
	v23 =	vmul.f32 v30, v3;
	[tilespmem:s16+$0x13930] =	vst v21;
	v26 =	vsel vm0, v32, v11;
	v11 =	vpop (erf);
	v36 =	vld [tilespmem:s15+$0xB0]  }
0xd8: {  	v61 =	vmul.f32 v31, v16;
	v35 =	vmul.f32 v58, v9;
	v19 =	vld.idx.msk [tilespmem:v1+s16+$0x13930], $0xffff;
	[tilespmem:s16+$0x13950] =	vst v11  }
0xd9: {  	v31 =	vsel vm0, v59, v12;
	v32 =	vsel vm0, v60, v13;
	[tilespmem:s16+$0x13940] =	vst v27;
	v62 =	vpop (erf);
	v21 =	vld.idx.msk [tilespmem:v1+s16+$0x13950], $0xffff  }
0xda: {  	v27 =	vsel vm0, v25, v14;
	v63 =	vpop (erf);
	[tilespmem:s16+$0x13960] =	vst v62;
	v34 =	vmul.f32 v20, v7;
	v20 =	vld.idx.msk [tilespmem:v1+s16+$0x13940], $0xffff  }
0xdb: {  	s19 =	simm.s32 $0x600;
	s20 =	simm.s32 $0xCE40;
	s18 =	simm.s32 $0x10;
	v25 =	vsel vm0, v61, v16;
	v30 =	vmul.f32 v56, v5;
	v11 =	vld.idx.msk [tilespmem:v1+s16+$0x13960], $0xffff;
	[tilespmem:s16+$0x13970] =	vst v63  }
.LBB2_5:
0xdc: {  	s23 =	sshra.s32 s19, $0x2;
	v16 =	vld [tilespmem:s20+$0xB0];
	s18 =	sadd.s32 $0x8, s18;
	v12 =	vmul.f32 v36, v17;
	[tilespmem:s14+$0xFFFFFF50] =	vst v23;
	v13 =	vmov v18  }
0xdd: {  	v18 =	vld [tilespmem:s23+$0xF970];
	p1 =	slt.u32 s18, $0x78;
	[tilespmem:s14+$0xFFFFFF80] =	vst v24  }
0xde: {  	v15 =	vmov v19;
	v23 =	vld [tilespmem:s23+$0xF900];
	v24 =	vsel vm0, v12, v17;
	[tilespmem:s14+$0xFFFFFFB0] =	vst v28  }
0xdf: {  	v14 =	vmov v20;
	v17 =	vld [tilespmem:s23+$0xF910];
	[tilespmem:s17+$0xB0] =	vst v24  }
0xe0: {  	v19 =	vld [tilespmem:s23+$0xF920];
	[tilespmem:s14+$0xFFFFFFE0] =	vst v30;
	v12 =	vmov v21  }
0xe1: {  	v20 =	vld [tilespmem:s23+$0xF930];
	[tilespmem:s14+$0x10] =	vst v33  }
0xe2: {  	v21 =	vld [tilespmem:s23+$0xF940];
	v16 =	vadd.f32 v18, v16;
	[tilespmem:s14+$0x40] =	vst v34  }
0xe3: {  	v18 =	vld [tilespmem:s23+$0xF950];
	[tilespmem:s14+$0x70] =	vst v35  }
0xe4: {  	v24 =	vld [tilespmem:s23+$0xF960];
	v28 =	vmul.f32 $2.000000030e-01, v16;
	[tilespmem:s13+$0xFFFFFF60] =	vst v22  }
0xe5: {  	vm1 =	vgt.f32 v16, $0.0e+00;
	v22 =	vld [tilespmem:s20+$0xFFFFFF90];
	[tilespmem:s13+$0xFFFFFF90] =	vst v26  }
0xe6: {  	v26 =	vld [tilespmem:s20+$0xFFFFFFC0];
	v16 =	vsel vm1, v16, v28;
	[tilespmem:s13+$0xFFFFFFC0] =	vst v27  }
0xe7: {  	v27 =	vld [tilespmem:s20+$0xFFFFFFF0];
	v16 =	vsub.f32 v16, v2;
	[tilespmem:s13+$0xFFFFFFF0] =	vst v31  }
0xe8: {  	v28 =	vld [tilespmem:s20+$0x20];
	[tilespmem:s13+$0x20] =	vst v32  }
0xe9: {  	v30 =	vld [tilespmem:s20+$0x50];
	v16 =	vmul.f32 $1.442695020e+00, v16;
	[tilespmem:s13+$0x50] =	vst v29  }
0xea: {  	v17 =	vadd.f32 v17, v22;
	v22 =	vld [tilespmem:s20+$0x80];
	[tilespmem:s13+$0x80] =	vst v25;
	s13 =	smov.u32 s14;
	s14 =	smov.u32 s17  }
0xeb: {  	v25 =	vld [tilespmem:s20+$0xFFFFFF60];
	v19 =	vadd.f32 v19, v26;
	(erf) = vpow2.f32 v16  }
0xec: {  	vm1 =	vgt.f32 v17, $0.0e+00;
	v26 =	vmul.f32 $2.000000030e-01, v17;
	v20 =	vadd.f32 v20, v27;
	v16 =	vld.idx.msk [tilespmem:v1+s16+$0x13970], $0xffff;
	s16 =	smov.u32 s23  }
0xed: {  	vm2 =	vgt.f32 v19, $0.0e+00;
	v27 =	vmul.f32 $2.000000030e-01, v19;
	v21 =	vadd.f32 v21, v28;
	v28 =	vld [tilespmem:s15+$0xFFFFFF40]  }
0xee: {  	vm3 =	vgt.f32 v20, $0.0e+00;
	v29 =	vmul.f32 $2.000000030e-01, v20;
	v18 =	vadd.f32 v18, v30;
	v30 =	vld [tilespmem:s15+$0xFFFFFF70]  }
0xef: {  	vm4 =	vgt.f32 v21, $0.0e+00;
	v31 =	vmul.f32 $2.000000030e-01, v21;
	v22 =	vadd.f32 v24, v22;
	v24 =	vld [tilespmem:s15+$0xFFFFFFA0]  }
0xf0: {  	v23 =	vadd.f32 v23, v25;
	vm5 =	vgt.f32 v18, $0.0e+00;
	v25 =	vmul.f32 $2.000000030e-01, v18;
	v32 =	vld [tilespmem:s15+$0xFFFFFFD0]  }
0xf1: {  	v17 =	vsel vm1, v17, v26;
	vm1 =	vgt.f32 v22, $0.0e+00;
	v35 =	vmul.f32 $2.000000030e-01, v22;
	v33 =	vld [tilespmem:s15+$0x0]  }
0xf2: {  	v19 =	vsel vm2, v19, v27;
	vm6 =	vgt.f32 v23, $0.0e+00;
	v34 =	vmul.f32 $2.000000030e-01, v23;
	v27 =	vld [tilespmem:s15+$0x30]  }
0xf3: {  	v20 =	vsel vm3, v20, v29;
	v21 =	vsel vm4, v21, v31;
	v18 =	vsel vm5, v18, v25;
	v25 =	vld [tilespmem:s15+$0x60]  }
0xf4: {  	v17 =	vsub.f32 v17, v2;
	v22 =	vsel vm1, v22, v35;
	v23 =	vsel vm6, v23, v34;
	v26 =	vpop (erf);
	v29 =	vld [tilespmem:s12+$0xFFFFFF60]  }
0xf5: {  	v19 =	vsub.f32 v19, v2;
	v23 =	vsub.f32 v23, v2;
	[tilespmem:s16+$0x13980] =	vst v26;
	v26 =	vmul.f32 v28, v10;
	v28 =	vld [tilespmem:s12+$0xFFFFFF90]  }
0xf6: {  	v31 =	vmul.f32 $1.442695020e+00, v17;
	v20 =	vsub.f32 v20, v2;
	v21 =	vsub.f32 v21, v2;
	v17 =	vld.idx.msk [tilespmem:v1+s16+$0x13980], $0xffff  }
0xf7: {  	v18 =	vsub.f32 v18, v2;
	v22 =	vsub.f32 v22, v2;
	v23 =	vmul.f32 $1.442695020e+00, v23;
	v34 =	vld [tilespmem:s20+$0x90];
	[tilespmem:s17+$0xFFFFFF40] =	vst v26  }
0xf8: {  	v19 =	vmul.f32 $1.442695020e+00, v19;
	v20 =	vmul.f32 $1.442695020e+00, v20;
	v26 =	vld [tilespmem:s15+$0xFFFFFF50]  }
0xf9: {  	v21 =	vmul.f32 $1.442695020e+00, v21;
	v18 =	vmul.f32 $1.442695020e+00, v18;
	v35 =	vld [tilespmem:s12+$0xFFFFFFC0]  }
0xfa: {  	v22 =	vmul.f32 $1.442695020e+00, v22;
	(erf) = vpow2.f32 v23;
	v36 =	vld [tilespmem:s12+$0xFFFFFFF0]  }
0xfb: {  	v23 =	vmul.f32 v30, v13;
	(erf) = vpow2.f32 v31;
	v30 =	vld [tilespmem:s12+$0x20]  }
0xfc: {  	v31 =	vmul.f32 v34, v17;
	(erf) = vpow2.f32 v19;
	v19 =	vld [tilespmem:s12+$0x50]  }
0xfd: {  	s17 =	sadd.s32 $0x180, s17;
	(erf) = vpow2.f32 v20;
	[tilespmem:s14+$0xFFFFFF70] =	vst v23;
	v20 =	vmul.f32 v24, v15;
	v34 =	vld [tilespmem:s12+$0x80];
	s12 =	smov.u32 s15;
	s15 =	smov.u32 s20  }
0xfe: {  	v23 =	vmul.f32 v32, v14;
	[tilespmem:s17+$0x90] =	vst v31;
	(erf) = vpow2.f32 v21;
	v21 =	vld [tilespmem:s12+$0xFFFFFF80]  }
0xff: {  	v31 =	vld [tilespmem:s20+$0xA0];
	(erf) = vpow2.f32 v18;
	[tilespmem:s14+$0xFFFFFFA0] =	vst v20;
	v18 =	vmul.f32 v33, v12  }
0x100: {  	(erf) = vpow2.f32 v22;
	v20 =	vld [tilespmem:s12+$0xFFFFFFB0];
	[tilespmem:s14+$0xFFFFFFD0] =	vst v23;
	v22 =	vmul.f32 v27, v11  }
0x101: {  	v32 =	vmul.f32 v25, v16;
	v23 =	vmul.f32 v26, v10;
	v26 =	vld [tilespmem:s12+$0xFFFFFFE0];
	[tilespmem:s14+$0x0] =	vst v18  }
0x102: {  	v27 =	vmul.f32 v28, v4;
	v25 =	vld [tilespmem:s12+$0x10];
	[tilespmem:s14+$0x30] =	vst v22;
	v22 =	vmul.f32 v29, v3  }
0x103: {  	v29 =	vmul.f32 v35, v8;
	v28 =	vpop (erf);
	v24 =	vmul.f32 v21, v13;
	v21 =	vld [tilespmem:s12+$0x40];
	[tilespmem:s14+$0x60] =	vst v32  }
0x104: {  	v37 =	vmul.f32 v36, v5;
	[tilespmem:s16+$0x13910] =	vst v28;
	v35 =	vmul.f32 v31, v17;
	v18 =	vpop (erf);
	v32 =	vld [tilespmem:s12+$0x70];
	v22 =	vsel vm0, v22, v3  }
0x105: {  	v38 =	vmul.f32 v30, v6;
	v3 =	vmov v10;
	[tilespmem:s16+$0x13920] =	vst v18;
	v33 =	vpop (erf);
	v28 =	vmul.f32 v20, v15;
	v10 =	vld.idx.msk [tilespmem:v1+s16+$0x13910], $0xffff  }
0x106: {  	v39 =	vmul.f32 v19, v7;
	v18 =	vld.idx.msk [tilespmem:v1+s16+$0x13920], $0xffff;
	[tilespmem:s17+$0xA0] =	vst v35;
	v20 =	vpop (erf);
	v30 =	vmul.f32 v26, v14  }
.Ltmp1:
0x107: {  	v26 =	vsel vm0, v27, v4;
	[tilespmem:s16+$0x13930] =	vst v33;
	v36 =	vld [tilespmem:s20+$0xB0];
	v31 =	vpop (erf);
	v33 =	vmul.f32 v25, v12;
	v25 =	vmul.f32 v34, v9;
	(pc) =	sbr.rel @p1 .LBB2_5-.Ltmp1, $4  }
0x108: {  	v27 =	vsel vm0, v29, v8;
	v4 =	vmov v13;
	v19 =	vld.idx.msk [tilespmem:v1+s16+$0x13930], $0xffff;
	[tilespmem:s16+$0x13940] =	vst v20;
	v40 =	vpop (erf);
	v34 =	vmul.f32 v21, v11  }
0x109: {  	v8 =	vmov v15;
	v20 =	vld.idx.msk [tilespmem:v1+s16+$0x13940], $0xffff;
	[tilespmem:s16+$0x13950] =	vst v31;
	v13 =	vpop (erf);
	v35 =	vmul.f32 v32, v16;
	v31 =	vsel vm0, v37, v5  }
0x10a: {  	v29 =	vsel vm0, v39, v7;
	v32 =	vsel vm0, v38, v6;
	v5 =	vmov v14;
	v21 =	vld.idx.msk [tilespmem:v1+s16+$0x13950], $0xffff;
	[tilespmem:s16+$0x13960] =	vst v40  }
0x10b: {  	s19 =	sadd.s32 $0x200, s19;
	v7 =	vmovc v11;
	s20 =	sadd.s32 $0x180, s20;
	v25 =	vsel vm0, v25, v9;
	v9 =	vmov v16;
	v6 =	vmov v12;
	[tilespmem:s16+$0x13970] =	vst v13;
	v11 =	vld.idx.msk [tilespmem:v1+s16+$0x13960], $0xffff  }
0x10c: {  	[tilespmem:s14+$0xFFFFFF50] =	vst v23  }
0x10d: {  	[tilespmem:s14+$0xFFFFFF80] =	vst v24  }
0x10e: {  	[tilespmem:s14+$0xFFFFFFB0] =	vst v28  }
0x10f: {  	[tilespmem:s14+$0xFFFFFFE0] =	vst v30  }
0x110: {  	[tilespmem:s14+$0x10] =	vst v33  }
0x111: {  	v12 =	vmul.f32 v36, v17;
	[tilespmem:s14+$0x40] =	vst v34;
	v36 =	vld.idx.msk [tilespmem:v1+s16+$0x13970], $0xffff  }
0x112: {  	[tilespmem:s14+$0x70] =	vst v35;
	v13 =	vld [tilespmem:s15+$0xFFFFFF40]  }
0x113: {  	[tilespmem:s13+$0xFFFFFF60] =	vst v22;
	v14 =	vld [tilespmem:s15+$0xFFFFFF70]  }
0x114: {  	[tilespmem:s13+$0xFFFFFF90] =	vst v26;
	v15 =	vld [tilespmem:s15+$0xFFFFFFA0]  }
0x115: {  	[tilespmem:s13+$0xFFFFFFC0] =	vst v27;
	v16 =	vld [tilespmem:s15+$0xFFFFFFD0]  }
0x116: {  	[tilespmem:s13+$0xFFFFFFF0] =	vst v31;
	v22 =	vld [tilespmem:s15+$0x30]  }
0x117: {  	[tilespmem:s13+$0x20] =	vst v32;
	v23 =	vld [tilespmem:s15+$0x60]  }
0x118: {  	[tilespmem:s13+$0x50] =	vst v29;
	v24 =	vld [tilespmem:s12+$0xFFFFFF60]  }
0x119: {  	[tilespmem:s13+$0x80] =	vst v25;
	v12 =	vsel vm0, v12, v17;
	v17 =	vld [tilespmem:s15+$0x0];
	v13 =	vmul.f32 v13, v10  }
0x11a: {  	v25 =	vld [tilespmem:s12+$0xFFFFFF90];
	[tilespmem:s17+$0xB0] =	vst v12;
	v14 =	vmul.f32 v14, v18  }
0x11b: {  	v45 =	vld [tilespmem:s12+$0xFFFFFFF0];
	v37 =	vmul.f32 v15, v19;
	[tilespmem:s17+$0xFFFFFF40] =	vst v13  }
0x11c: {  	v38 =	vmul.f32 v16, v20;
	[tilespmem:s17+$0xFFFFFF70] =	vst v14;
	v15 =	vld [tilespmem:s15+$0xFFFFFF50]  }
0x11d: {  	v40 =	vmul.f32 v22, v11;
	[tilespmem:s17+$0xFFFFFFA0] =	vst v37;
	v16 =	vld [tilespmem:s15+$0xFFFFFF80]  }
0x11e: {  	v41 =	vmul.f32 v23, v36;
	v39 =	vmul.f32 v17, v21;
	[tilespmem:s17+$0xFFFFFFD0] =	vst v38;
	v17 =	vld [tilespmem:s15+$0xFFFFFFB0]  }
0x11f: {  	v24 =	vmul.f32 v24, v3;
	[tilespmem:s17+$0x30] =	vst v40;
	v22 =	vld [tilespmem:s15+$0xFFFFFFE0]  }
0x120: {  	v25 =	vmul.f32 v25, v4;
	[tilespmem:s17+$0x60] =	vst v41  }
0x121: {  	v44 =	vld [tilespmem:s12+$0xFFFFFFC0];
	v3 =	vsel vm0, v24, v3;
	[tilespmem:s17+$0x0] =	vst v39  }
0x122: {  	v4 =	vsel vm0, v25, v4;
	[tilespmem:s14+$0xFFFFFF60] =	vst v3;
	v23 =	vld [tilespmem:s15+$0x10];
	v43 =	vmul.f32 v16, v18  }
0x123: {  	v13 =	vmul.f32 v45, v5;
	[tilespmem:s14+$0xFFFFFF90] =	vst v4;
	v16 =	vld [tilespmem:s15+$0x70];
	v17 =	vmul.f32 v17, v19  }
0x124: {  	v42 =	vmul.f32 v15, v10;
	v15 =	vld [tilespmem:s15+$0x40];
	v22 =	vmul.f32 v22, v20;
	[tilespmem:s17+$0xFFFFFF80] =	vst v43  }
0x125: {  	[tilespmem:s17+$0xFFFFFFB0] =	vst v17;
	v17 =	vld [tilespmem:s12+$0x20]  }
0x126: {  	v5 =	vsel vm0, v13, v5;
	[tilespmem:s17+$0xFFFFFFE0] =	vst v22;
	v22 =	vld [tilespmem:s12+$0x50]  }
0x127: {  	[tilespmem:s14+$0xFFFFFFF0] =	vst v5;
	v23 =	vmul.f32 v23, v21;
	v3 =	vld [tilespmem:s15+$0xFFFFFF90]  }
0x128: {  	[tilespmem:s17+$0xFFFFFF50] =	vst v42;
	v4 =	vld [tilespmem:s15+$0xFFFFFFC0];
	v16 =	vmul.f32 v16, v36  }
0x129: {  	v14 =	vmul.f32 v44, v8;
	[tilespmem:s17+$0x10] =	vst v23;
	v23 =	vld [tilespmem:s12+$0x80];
	v15 =	vmul.f32 v15, v11  }
0x12a: {  	v5 =	vld [tilespmem:s15+$0x20];
	[tilespmem:s17+$0x70] =	vst v16;
	v16 =	vmul.f32 v17, v6  }
0x12b: {  	v8 =	vsel vm0, v14, v8;
	[tilespmem:s17+$0x40] =	vst v15;
	v15 =	vld [tilespmem:s15+$0xFFFFFF60];
	v46 =	vmul.f32 v22, v7  }
0x12c: {  	[tilespmem:s14+$0xFFFFFFC0] =	vst v8;
	v8 =	vld [tilespmem:s15+$0xFFFFFFF0];
	v3 =	vmul.f32 v3, v18;
	v6 =	vsel vm0, v16, v6  }
0x12d: {  	v4 =	vmul.f32 v4, v19;
	v7 =	vsel vm0, v46, v7;
	[tilespmem:s14+$0x20] =	vst v6;
	v6 =	vld [tilespmem:s15+$0x50]  }
0x12e: {  	v47 =	vmul.f32 v23, v9;
	[tilespmem:s14+$0x50] =	vst v7;
	v7 =	vld [tilespmem:s15+$0x80];
	v3 =	vsel vm0, v3, v18  }
0x12f: {  	v5 =	vmul.f32 v5, v21;
	v4 =	vsel vm0, v4, v19;
	[tilespmem:s17+$0xFFFFFF90] =	vst v3  }
0x130: {  	v9 =	vsel vm0, v47, v9;
	[tilespmem:s17+$0xFFFFFFC0] =	vst v4;
	v48 =	vmul.f32 v15, v10  }
0x131: {  	v8 =	vmul.f32 v8, v20;
	[tilespmem:s14+$0x80] =	vst v9;
	v5 =	vsel vm0, v5, v21  }
0x132: {  	[tilespmem:s17+$0x20] =	vst v5;
	v9 =	vsel vm0, v48, v10;
	v3 =	vmul.f32 v6, v11  }
0x133: {  	[tilespmem:s17+$0xFFFFFF60] =	vst v9;
	v6 =	vsel vm0, v8, v20;
	v4 =	vmul.f32 v7, v36  }
0x134: {  	[tilespmem:s17+$0xFFFFFFF0] =	vst v6;
	v3 =	vsel vm0, v3, v11  }
0x135: {  	s16 =	sand.u32 $0x3FFFFF00, s11;
	v4 =	vsel vm0, v4, v36;
	[tilespmem:s17+$0x50] =	vst v3  }
0x136: {  	s12 =	sadd.s32 $0xA080, s16;
	[tilespmem:s17+$0x80] =	vst v4  }
0x137: {  	[spmem:s2] =	stream.indirect.scatter.add.f32 [tilespmem:s0], [sflag:$0x3], $0x30, s12, s26, $0xb8;
	[tilespmem:$0x14D10] =	vst v63  }
0x138: {  	s17 =	sadd.s32 $0x7900, s11  }
0x139: {  	[tilespmem:s28], [sflag:$0x1] =	stream.indirect.gather [hbm4b:s4+s26], $0x30, s17, s26, $0xb8;
	[tilespmem:$0x14D10] =	vst v63  }
0x13a: {  	s18 =	sadd.s32 $0xA180, s11;
	s11 =	simm.s32 @!p0 $0x4  }
0x13b: {  	[tilespmem:s29], [sflag:$0x1] =	stream.indirect.gather [hbm4b:s5+s26], $0x10, s18, s26, $0xb8;
	[tilespmem:$0x14D10] =	vst v63  }
0x13c: {  	_ =	swait.ge @!p0 [sflag:s11], $0x1800  }
0x13d: {  	[sflag:s11] =	ssyncset.done @!p0 $0x0  }
0x13e: {  	[sflag:s11] =	ssyncadd.s32 @!p0 $0xFFFFE800  }
0x13f: {  	_ =	swait.ge [sflag:s24], $0x1800  }
0x140: {  	[sflag:s24] =	ssyncset.done $0x0  }
0x141: {  	[sflag:s24] =	ssyncadd.s32 $0xFFFFE800  }
0x142: {  	_ =	swait.ge [sflag:s24], $0x800  }
0x143: {  	[sflag:s24] =	ssyncset.done $0x0  }
0x144: {  	s19 =	simm.s32 $0xE270;
	[sflag:s24] =	ssyncadd.s32 $0xFFFFF800  }
0x145: {  	s20 =	simm.s32 $0x0;
	v3 =	vld [tilespmem:s19+$0x0]  }
0x146: {  	v4 =	vld [tilespmem:s20+$0x10170];
	_ =	sdelay $0x2  }
0x147: {  	v5 =	vld [tilespmem:s20+$0x10110]  }
0x148: {  	v6 =	vld [tilespmem:s19+$0xFFFFFEE0]  }
0x149: {  	v7 =	vld [tilespmem:s20+$0x10130];
	v3 =	vadd.f32 v4, v3  }
0x14a: {  	v10 =	vld [tilespmem:s20+$0x10140]  }
0x14b: {  	v11 =	vld [tilespmem:s20+$0x10160];
	v4 =	vmul.f32 $2.000000030e-01, v3  }
0x14c: {  	v49 =	vld [tilespmem:s19+$0xFFFFFF10];
	vm1 =	vgt.f32 v3, $0.0e+00  }
0x14d: {  	v50 =	vld [tilespmem:s19+$0xFFFFFFA0];
	v3 =	vsel vm1, v3, v4  }
0x14e: {  	s11 =	simm.s32 $0xE3F0;
	v51 =	vld [tilespmem:s19+$0xFFFFFFD0];
	v3 =	vsub.f32 v3, v2  }
0x14f: {  	s23 =	simm.s32 $0x80;
	v15 =	vld [tilespmem:s11+$0x0]  }
0x150: {  	v54 =	vld [tilespmem:s23+$0x10170];
	v3 =	vmul.f32 $1.442695020e+00, v3  }
0x151: {  	v56 =	vld [tilespmem:s11+$0xFFFFFEE0]  }
0x152: {  	v4 =	vld [tilespmem:s20+$0x10100];
	(erf) = vpow2.f32 v3  }
0x153: {  	v3 =	vld [tilespmem:s19+$0xFFFFFEB0]  }
0x154: {  	v18 =	vld [tilespmem:s11+$0xFFFFFF70]  }
0x155: {  	v19 =	vld [tilespmem:s11+$0xFFFFFFA0]  }
0x156: {  	v20 =	vld [tilespmem:s11+$0xFFFFFEB0]  }
0x157: {  	s15 =	simm.s32 $0x100;
	v23 =	vld [tilespmem:s11+$0xFFFFFFD0]  }
0x158: {  	v29 =	vld [tilespmem:s15+$0x10170];
	v3 =	vadd.f32 v4, v3  }
0x159: {  	v30 =	vld [tilespmem:s15+$0x10100];
	v4 =	vadd.f32 v5, v6  }
0x15a: {  	v31 =	vld [tilespmem:s15+$0x10110];
	v6 =	vmul.f32 $2.000000030e-01, v3  }
0x15b: {  	v59 =	vld [tilespmem:s15+$0x10120];
	v8 =	vmul.f32 $2.000000030e-01, v4;
	vm1 =	vgt.f32 v3, $0.0e+00;
	v9 =	vpop (erf)  }
0x15c: {  	v60 =	vld [tilespmem:s15+$0x10140];
	vm2 =	vgt.f32 v4, $0.0e+00;
	v3 =	vsel vm1, v3, v6;
	[tilespmem:s20+$0x13980] =	vst v9  }
0x15d: {  	v4 =	vsel vm2, v4, v8;
	v3 =	vsub.f32 v3, v2;
	v9 =	vld.idx.msk [tilespmem:v1+s20+$0x13980], $0xffff  }
0x15e: {  	v4 =	vsub.f32 v4, v2;
	v6 =	vld [tilespmem:s19+$0xFFFFFFE0]  }
0x15f: {  	v61 =	vld [tilespmem:s15+$0x10160];
	v3 =	vmul.f32 $1.442695020e+00, v3  }
0x160: {  	v5 =	vld [tilespmem:s20+$0x10120];
	v4 =	vmul.f32 $1.442695020e+00, v4  }
0x161: {  	v8 =	vld [tilespmem:s20+$0x10150];
	(erf) = vpow2.f32 v3  }
0x162: {  	v3 =	vld [tilespmem:s19+$0xFFFFFF40];
	(erf) = vpow2.f32 v4  }
0x163: {  	s14 =	simm.s32 $0xE570;
	v4 =	vld [tilespmem:s19+$0xFFFFFF70];
	v6 =	vmul.f32 v6, v9  }
0x164: {  	s12 =	simm.s32 $0x12270;
	v63 =	vld [tilespmem:s14+$0xFFFFFEE0]  }
0x165: {  	v37 =	vld [tilespmem:s14+$0xFFFFFF10];
	v55 =	vadd.f32 v54, v15;
	v5 =	vadd.f32 v5, v49;
	[tilespmem:s12+$0xFFFFFFE0] =	vst v6  }
0x166: {  	v14 =	vadd.f32 v11, v51;
	v8 =	vadd.f32 v8, v50;
	v6 =	vld [tilespmem:s19+$0xFFFFFFF0]  }
0x167: {  	v44 =	vld [tilespmem:s14+$0xFFFFFF40];
	v13 =	vmul.f32 $2.000000030e-01, v55;
	v3 =	vadd.f32 v7, v3;
	v7 =	vmul.f32 $2.000000030e-01, v5  }
0x168: {  	v38 =	vld [tilespmem:s14+$0xFFFFFF70];
	vm1 =	vgt.f32 v5, $0.0e+00;
	v16 =	vmul.f32 $2.000000030e-01, v8;
	v4 =	vadd.f32 v10, v4  }
0x169: {  	v39 =	vld [tilespmem:s14+$0xFFFFFFA0];
	vm2 =	vgt.f32 v3, $0.0e+00;
	v10 =	vmul.f32 $2.000000030e-01, v3;
	v5 =	vsel vm1, v5, v7  }
0x16a: {  	v40 =	vld [tilespmem:s14+$0xFFFFFFD0];
	vm1 =	vgt.f32 v8, $0.0e+00;
	v52 =	vmul.f32 $2.000000030e-01, v4;
	v5 =	vsub.f32 v5, v2;
	v53 =	vpop (erf)  }
0x16b: {  	v45 =	vld [tilespmem:s14+$0xFFFFFEB0];
	vm3 =	vgt.f32 v4, $0.0e+00;
	v3 =	vsel vm2, v3, v10;
	[tilespmem:s20+$0x13910] =	vst v53;
	v6 =	vmul.f32 v6, v9;
	v7 =	vpop (erf)  }
0x16c: {  	v15 =	vld [tilespmem:s11+$0xFFFFFF10];
	v4 =	vsel vm3, v4, v52;
	v3 =	vsub.f32 v3, v2;
	v5 =	vmul.f32 $1.442695020e+00, v5;
	[tilespmem:s20+$0x13920] =	vst v7  }
0x16d: {  	v10 =	vld.idx.msk [tilespmem:v1+s20+$0x13910], $0xffff;
	v4 =	vsub.f32 v4, v2;
	v7 =	vmul.f32 $2.000000030e-01, v14;
	[tilespmem:s12+$0xFFFFFFF0] =	vst v6;
	v6 =	vsel vm1, v8, v16  }
0x16e: {  	v11 =	vld.idx.msk [tilespmem:v1+s20+$0x13920], $0xffff;
	v3 =	vmul.f32 $1.442695020e+00, v3;
	(erf) = vpow2.f32 v5;
	vm1 =	vgt.f32 v14, $0.0e+00  }
0x16f: {  	v8 =	vld [tilespmem:s23+$0x10100];
	v6 =	vsub.f32 v6, v2;
	v4 =	vmul.f32 $1.442695020e+00, v4;
	v7 =	vsel vm1, v14, v7  }
0x170: {  	v5 =	vld [tilespmem:s23+$0x10110];
	vm1 =	vgt.f32 v55, $0.0e+00;
	(erf) = vpow2.f32 v3;
	v7 =	vsub.f32 v7, v2  }
0x171: {  	v16 =	vld [tilespmem:s23+$0x10150];
	v12 =	vsel vm1, v55, v13;
	v6 =	vmul.f32 $1.442695020e+00, v6;
	(erf) = vpow2.f32 v4  }
0x172: {  	v3 =	vld [tilespmem:s23+$0x10120];
	v12 =	vsub.f32 v12, v2  }
0x173: {  	v4 =	vld [tilespmem:s23+$0x10130];
	v7 =	vmul.f32 $1.442695020e+00, v7;
	(erf) = vpow2.f32 v6  }
0x174: {  	v6 =	vld [tilespmem:s23+$0x10140];
	v12 =	vmul.f32 $1.442695020e+00, v12  }
0x175: {  	(erf) = vpow2.f32 v7;
	v7 =	vld [tilespmem:s11+$0xFFFFFF40]  }
0x176: {  	v27 =	vld [tilespmem:s19+$0xFFFFFEC0];
	(erf) = vpow2.f32 v12  }
0x177: {  	v17 =	vld [tilespmem:s19+$0x0];
	v57 =	vpop (erf)  }
0x178: {  	v5 =	vadd.f32 v5, v56;
	v8 =	vadd.f32 v8, v20;
	v20 =	vld [tilespmem:s19+$0xFFFFFE90];
	[tilespmem:s20+$0x13930] =	vst v57  }
0x179: {  	v19 =	vadd.f32 v16, v19;
	v6 =	vadd.f32 v6, v18;
	v58 =	vpop (erf);
	v14 =	vld.idx.msk [tilespmem:v1+s20+$0x13930], $0xffff  }
0x17a: {  	v3 =	vadd.f32 v3, v15;
	v25 =	vmul.f32 $2.000000030e-01, v8;
	v4 =	vadd.f32 v4, v7;
	v7 =	vld [tilespmem:s23+$0x10160];
	v21 =	vpop (erf);
	[tilespmem:s20+$0x13940] =	vst v58  }
0x17b: {  	vm1 =	vgt.f32 v5, $0.0e+00;
	v24 =	vmul.f32 $2.000000030e-01, v6;
	v12 =	vld.idx.msk [tilespmem:v1+s20+$0x13940], $0xffff;
	[tilespmem:s20+$0x13950] =	vst v21;
	v21 =	vmul.f32 $2.000000030e-01, v5  }
0x17c: {  	v26 =	vmul.f32 $2.000000030e-01, v19;
	vm2 =	vgt.f32 v3, $0.0e+00;
	vm4 =	vgt.f32 v6, $0.0e+00;
	v22 =	vpop (erf);
	v13 =	vld.idx.msk [tilespmem:v1+s20+$0x13950], $0xffff  }
0x17d: {  	v18 =	vmul.f32 $2.000000030e-01, v3;
	v20 =	vmul.f32 v20, v10;
	v6 =	vsel vm4, v6, v24;
	v24 =	vld [tilespmem:s19+$0xFFFFFF20];
	[tilespmem:s20+$0x13960] =	vst v22  }
0x17e: {  	v16 =	vpop (erf);
	v22 =	vmul.f32 $2.000000030e-01, v4;
	v5 =	vsel vm1, v5, v21;
	vm1 =	vgt.f32 v8, $0.0e+00;
	v15 =	vld.idx.msk [tilespmem:v1+s20+$0x13960], $0xffff  }
0x17f: {  	vm3 =	vgt.f32 v4, $0.0e+00;
	v8 =	vsel vm1, v8, v25;
	v25 =	vld [tilespmem:s19+$0xFFFFFF50];
	v23 =	vadd.f32 v7, v23;
	v21 =	vpop (erf)  }
0x180: {  	v3 =	vsel vm2, v3, v18;
	v4 =	vsel vm3, v4, v22;
	v8 =	vsub.f32 v8, v2;
	v22 =	vld [tilespmem:s19+$0xFFFFFEF0];
	[tilespmem:s23+$0x13980] =	vst v21  }
0x181: {  	v3 =	vsub.f32 v3, v2;
	v5 =	vsub.f32 v5, v2;
	v28 =	vmul.f32 $2.000000030e-01, v23;
	v18 =	vld.idx.msk [tilespmem:v1+s23+$0x13980], $0xffff  }
0x182: {  	v4 =	vsub.f32 v4, v2;
	vm1 =	vgt.f32 v23, $0.0e+00;
	v21 =	vld [tilespmem:s11+$0xFFFFFFE0];
	v8 =	vmul.f32 $1.442695020e+00, v8  }
0x183: {  	v3 =	vmul.f32 $1.442695020e+00, v3;
	[tilespmem:s20+$0x13970] =	vst v16;
	v5 =	vmul.f32 $1.442695020e+00, v5;
	v23 =	vsel vm1, v23, v28;
	v28 =	vld [tilespmem:s14+$0x0]  }
0x184: {  	vm5 =	vgt.f32 v19, $0.0e+00;
	v16 =	vld.idx.msk [tilespmem:v1+s20+$0x13970], $0xffff;
	v4 =	vmul.f32 $1.442695020e+00, v4;
	(erf) = vpow2.f32 v8  }
0x185: {  	v6 =	vsub.f32 v6, v2;
	v8 =	vld [tilespmem:s19+$0xFFFFFF80];
	(erf) = vpow2.f32 v5;
	v5 =	vmul.f32 v27, v11  }
0x186: {  	v19 =	vsel vm5, v19, v26;
	[tilespmem:s12+$0xFFFFFE90] =	vst v20;
	v26 =	vld [tilespmem:s19+$0xFFFFFFB0];
	(erf) = vpow2.f32 v3;
	v3 =	vmul.f32 v22, v14  }
0x187: {  	v19 =	vsub.f32 v19, v2;
	v6 =	vmul.f32 $1.442695020e+00, v6;
	v20 =	vmul.f32 v21, v18;
	v21 =	vld [tilespmem:s19+$0xFFFFFEA0];
	[tilespmem:s12+$0xFFFFFEC0] =	vst v5  }
0x188: {  	s13 =	simm.s32 $0x123F0;
	(erf) = vpow2.f32 v4;
	v4 =	vmul.f32 v24, v12;
	[tilespmem:s12+$0xFFFFFEF0] =	vst v3;
	v28 =	vadd.f32 v29, v28;
	v29 =	vld [tilespmem:s15+$0x10150]  }
0x189: {  	v19 =	vmul.f32 $1.442695020e+00, v19;
	(erf) = vpow2.f32 v6;
	[tilespmem:s13+$0xFFFFFFE0] =	vst v20;
	v20 =	vld [tilespmem:s19+$0xFFFFFED0]  }
0x18a: {  	v3 =	vmul.f32 v25, v13;
	[tilespmem:s12+$0xFFFFFF20] =	vst v4;
	v4 =	vmul.f32 v8, v15;
	v5 =	vld [tilespmem:s11+$0xFFFFFFF0]  }
0x18b: {  	(erf) = vpow2.f32 v19;
	v19 =	vld [tilespmem:s19+$0xFFFFFF00]  }
0x18c: {  	v22 =	vld [tilespmem:s19+$0xFFFFFF30];
	[tilespmem:s12+$0xFFFFFF50] =	vst v3;
	v3 =	vmul.f32 v26, v16  }
0x18d: {  	v24 =	vld [tilespmem:s19+$0xFFFFFF60];
	[tilespmem:s12+$0xFFFFFF80] =	vst v4  }
0x18e: {  	v25 =	vld [tilespmem:s19+$0xFFFFFF90];
	[tilespmem:s12+$0xFFFFFFB0] =	vst v3;
	v4 =	vpop (erf)  }
0x18f: {  	v26 =	vld [tilespmem:s19+$0xFFFFFFC0];
	[tilespmem:s23+$0x13910] =	vst v4;
	v5 =	vmul.f32 v5, v18  }
0x190: {  	v17 =	vmul.f32 v17, v9;
	v62 =	vmul.f32 $2.000000030e-01, v28;
	v4 =	vpop (erf);
	v3 =	vld.idx.msk [tilespmem:v1+s23+$0x13910], $0xffff  }
0x191: {  	v23 =	vsub.f32 v23, v2;
	vm1 =	vgt.f32 v28, $0.0e+00;
	[tilespmem:s23+$0x13920] =	vst v4;
	v46 =	vld [tilespmem:s11+$0xFFFFFE90]  }
0x192: {  	v17 =	vsel vm0, v17, v9;
	v28 =	vsel vm1, v28, v62;
	v6 =	vpop (erf);
	v4 =	vld.idx.msk [tilespmem:v1+s23+$0x13920], $0xffff;
	[tilespmem:s13+$0xFFFFFFF0] =	vst v5  }
0x193: {  	[tilespmem:s12+$0x0] =	vst v17;
	v23 =	vmul.f32 $1.442695020e+00, v23;
	v21 =	vmul.f32 v21, v10;
	v28 =	vsub.f32 v28, v2;
	v27 =	vld [tilespmem:s11+$0x0];
	v5 =	vpop (erf)  }
0x194: {  	v20 =	vmul.f32 v20, v11;
	[tilespmem:s23+$0x13930] =	vst v6;
	v47 =	vld [tilespmem:s11+$0xFFFFFEC0];
	v6 =	vpop (erf)  }
0x195: {  	v31 =	vadd.f32 v31, v63;
	[tilespmem:s12+$0xFFFFFEA0] =	vst v21;
	v28 =	vmul.f32 $1.442695020e+00, v28;
	v7 =	vpop (erf);
	(erf) = vpow2.f32 v23;
	v23 =	vld [tilespmem:s15+$0x10130]  }
0x196: {  	v33 =	vadd.f32 v60, v38;
	v19 =	vmul.f32 v19, v14;
	[tilespmem:s12+$0xFFFFFED0] =	vst v20;
	v8 =	vld.idx.msk [tilespmem:v1+s23+$0x13930], $0xffff  }
0x197: {  	v30 =	vadd.f32 v30, v45;
	v25 =	vmul.f32 v25, v15;
	v48 =	vld [tilespmem:s11+$0xFFFFFEF0];
	[tilespmem:s23+$0x13950] =	vst v6;
	(erf) = vpow2.f32 v28  }
0x198: {  	v22 =	vmul.f32 v22, v12;
	[tilespmem:s12+$0xFFFFFF00] =	vst v19;
	v6 =	vld.idx.msk [tilespmem:v1+s23+$0x13950], $0xffff;
	v27 =	vmul.f32 v27, v18  }
0x199: {  	vm3 =	vgt.f32 v33, $0.0e+00;
	vm1 =	vgt.f32 v31, $0.0e+00;
	[tilespmem:s12+$0xFFFFFF90] =	vst v25;
	v25 =	vmul.f32 v47, v4;
	v50 =	vld [tilespmem:s11+$0xFFFFFF50]  }
0x19a: {  	v53 =	vld [tilespmem:s19+$0xFFFFFEB0];
	[tilespmem:s12+$0xFFFFFF30] =	vst v22;
	v18 =	vsel vm0, v27, v18;
	v27 =	vmul.f32 $2.000000030e-01, v31;
	v23 =	vadd.f32 v23, v44  }
0x19b: {  	v17 =	vadd.f32 v29, v39;
	v21 =	vmul.f32 $2.000000030e-01, v33;
	v55 =	vld [tilespmem:s19+$0xFFFFFEE0];
	[tilespmem:s23+$0x13940] =	vst v5;
	v28 =	vadd.f32 v59, v37  }
0x19c: {  	v22 =	vld [tilespmem:s19+$0xFFFFFF10];
	[tilespmem:s13+$0xFFFFFEC0] =	vst v25;
	v25 =	vmul.f32 v48, v8;
	v27 =	vsel vm1, v31, v27;
	v31 =	vmul.f32 $2.000000030e-01, v23  }
0x19d: {  	v51 =	vmul.f32 $2.000000030e-01, v30;
	v19 =	vsel vm3, v33, v21;
	v21 =	vmul.f32 $2.000000030e-01, v17;
	v5 =	vld.idx.msk [tilespmem:v1+s23+$0x13940], $0xffff;
	[tilespmem:s23+$0x13960] =	vst v7  }
0x19e: {  	v29 =	vadd.f32 v61, v40;
	v49 =	vld [tilespmem:s11+$0xFFFFFF20];
	v37 =	vmul.f32 $2.000000030e-01, v28;
	[tilespmem:s13+$0xFFFFFEF0] =	vst v25;
	v25 =	vmul.f32 v50, v6  }
0x19f: {  	v19 =	vsub.f32 v19, v2;
	v7 =	vld.idx.msk [tilespmem:v1+s23+$0x13960], $0xffff;
	vm2 =	vgt.f32 v28, $0.0e+00;
	vm1 =	vgt.f32 v23, $0.0e+00;
	v9 =	vpop (erf)  }
0x1a0: {  	v52 =	vld [tilespmem:s11+$0xFFFFFF80];
	v28 =	vsel vm2, v28, v37;
	[tilespmem:s13+$0xFFFFFF50] =	vst v25;
	v20 =	vsel vm1, v23, v31;
	vm1 =	vgt.f32 v30, $0.0e+00;
	v31 =	vpop (erf)  }
0x1a1: {  	vm2 =	vgt.f32 v17, $0.0e+00;
	v57 =	vld [tilespmem:s11+$0xFFFFFF60];
	v30 =	vsel vm1, v30, v51;
	[tilespmem:s15+$0x13980] =	vst v31;
	v31 =	vmul.f32 v46, v3  }
0x1a2: {  	v54 =	vmul.f32 $2.000000030e-01, v29;
	v21 =	vsel vm2, v17, v21;
	[tilespmem:s23+$0x13970] =	vst v9;
	v30 =	vsub.f32 v30, v2;
	v17 =	vld.idx.msk [tilespmem:v1+s15+$0x13980], $0xffff  }
0x1a3: {  	v24 =	vmul.f32 v24, v13;
	v26 =	vmul.f32 v26, v16;
	v27 =	vsub.f32 v27, v2;
	[tilespmem:s13+$0xFFFFFE90] =	vst v31;
	v31 =	vld [tilespmem:s14+$0xFFFFFFE0]  }
0x1a4: {  	v19 =	vmul.f32 $1.442695020e+00, v19;
	[tilespmem:s13+$0x0] =	vst v18;
	v28 =	vsub.f32 v28, v2;
	v9 =	vld.idx.msk [tilespmem:v1+s23+$0x13970], $0xffff;
	v18 =	vmul.f32 $1.442695020e+00, v30  }
0x1a5: {  	v27 =	vmul.f32 $1.442695020e+00, v27;
	v20 =	vsub.f32 v20, v2;
	vm1 =	vgt.f32 v29, $0.0e+00;
	v23 =	vld [tilespmem:s11+$0xFFFFFFB0]  }
0x1a6: {  	[tilespmem:s12+$0xFFFFFF60] =	vst v24;
	v28 =	vmul.f32 $1.442695020e+00, v28;
	v24 =	vsel vm1, v29, v54;
	v29 =	vld [tilespmem:s19+$0xFFFFFFA0];
	(erf) = vpow2.f32 v18  }
0x1a7: {  	v21 =	vsub.f32 v21, v2;
	v20 =	vmul.f32 $1.442695020e+00, v20;
	v30 =	vld [tilespmem:s11+$0xFFFFFEA0];
	(erf) = vpow2.f32 v27  }
0x1a8: {  	[tilespmem:s12+$0xFFFFFFC0] =	vst v26;
	v18 =	vld [tilespmem:s19+$0xFFFFFF40];
	(erf) = vpow2.f32 v28;
	v26 =	vmul.f32 v31, v17  }
0x1a9: {  	s16 =	simm.s32 $0x12570;
	v21 =	vmul.f32 $1.442695020e+00, v21;
	v24 =	vsub.f32 v24, v2;
	v27 =	vld [tilespmem:s19+$0xFFFFFF70];
	(erf) = vpow2.f32 v20  }
0x1aa: {  	v25 =	vmul.f32 v23, v9;
	v20 =	vld [tilespmem:s11+$0xFFFFFED0];
	(erf) = vpow2.f32 v19;
	[tilespmem:s16+$0xFFFFFFE0] =	vst v26  }
0x1ab: {  	v24 =	vmul.f32 $1.442695020e+00, v24;
	v26 =	vmul.f32 v49, v5;
	v19 =	vld [tilespmem:s14+$0xFFFFFFF0]  }
0x1ac: {  	v32 =	vmul.f32 v55, v11;
	[tilespmem:s13+$0xFFFFFFB0] =	vst v25;
	(erf) = vpow2.f32 v21;
	v21 =	vld [tilespmem:s11+$0xFFFFFF00]  }
0x1ad: {  	v31 =	vld [tilespmem:s19+$0xFFFFFFD0];
	(erf) = vpow2.f32 v24;
	[tilespmem:s13+$0xFFFFFF20] =	vst v26;
	v26 =	vmul.f32 v52, v7  }
0x1ae: {  	v33 =	vmul.f32 v57, v6;
	v29 =	vmul.f32 v29, v15;
	v58 =	vld [tilespmem:s11+$0xFFFFFFC0]  }
0x1af: {  	v25 =	vmul.f32 v22, v14;
	v56 =	vld [tilespmem:s11+$0xFFFFFF30];
	v28 =	vpop (erf);
	[tilespmem:s13+$0xFFFFFF80] =	vst v26;
	v26 =	vmul.f32 v53, v10  }
0x1b0: {  	v24 =	vmul.f32 v20, v4;
	[tilespmem:s15+$0x13910] =	vst v28;
	v28 =	vpop (erf);
	v20 =	vld [tilespmem:s11+$0xFFFFFF90];
	v19 =	vmul.f32 v19, v17  }
0x1b1: {  	[tilespmem:s15+$0x13920] =	vst v28;
	v28 =	vmul.f32 v21, v8;
	v21 =	vpop (erf);
	v22 =	vsel vm0, v26, v10;
	v10 =	vld.idx.msk [tilespmem:v1+s15+$0x13910], $0xffff  }
0x1b2: {  	v59 =	vmul.f32 v18, v12;
	v60 =	vmul.f32 v27, v13;
	v18 =	vld.idx.msk [tilespmem:v1+s15+$0x13920], $0xffff;
	v27 =	vpop (erf);
	[tilespmem:s16+$0xFFFFFFF0] =	vst v19  }
0x1b3: {  	v29 =	vsel vm0, v29, v15;
	v23 =	vmul.f32 v30, v3;
	[tilespmem:s15+$0x13930] =	vst v21;
	v26 =	vsel vm0, v32, v11;
	v11 =	vpop (erf);
	v36 =	vld [tilespmem:s14+$0x0]  }
0x1b4: {  	v61 =	vmul.f32 v31, v16;
	v35 =	vmul.f32 v58, v9;
	v19 =	vld.idx.msk [tilespmem:v1+s15+$0x13930], $0xffff;
	[tilespmem:s15+$0x13950] =	vst v11  }
0x1b5: {  	v31 =	vsel vm0, v59, v12;
	v32 =	vsel vm0, v60, v13;
	[tilespmem:s15+$0x13940] =	vst v27;
	v62 =	vpop (erf);
	v21 =	vld.idx.msk [tilespmem:v1+s15+$0x13950], $0xffff  }
0x1b6: {  	v27 =	vsel vm0, v25, v14;
	v63 =	vpop (erf);
	[tilespmem:s15+$0x13960] =	vst v62;
	v34 =	vmul.f32 v20, v7;
	v20 =	vld.idx.msk [tilespmem:v1+s15+$0x13940], $0xffff  }
0x1b7: {  	s17 =	simm.s32 $0x10;
	s18 =	simm.s32 $0x600;
	s19 =	simm.s32 $0xE6F0;
	v25 =	vsel vm0, v61, v16;
	v30 =	vmul.f32 v56, v5;
	v11 =	vld.idx.msk [tilespmem:v1+s15+$0x13960], $0xffff;
	[tilespmem:s15+$0x13970] =	vst v63  }
.LBB2_7:
0x1b8: {  	s20 =	sshra.s32 s18, $0x2;
	v16 =	vld [tilespmem:s19+$0x0];
	s17 =	sadd.s32 $0x8, s17;
	v12 =	vmul.f32 v36, v17;
	[tilespmem:s13+$0xFFFFFEA0] =	vst v23;
	v13 =	vmov v18  }
0x1b9: {  	v18 =	vld [tilespmem:s20+$0x10170];
	p0 =	slt.u32 s17, $0x78;
	[tilespmem:s13+$0xFFFFFED0] =	vst v24  }
0x1ba: {  	v15 =	vmov v19;
	v23 =	vld [tilespmem:s20+$0x10100];
	v24 =	vsel vm0, v12, v17;
	[tilespmem:s13+$0xFFFFFF00] =	vst v28  }
0x1bb: {  	v14 =	vmov v20;
	v17 =	vld [tilespmem:s20+$0x10110];
	[tilespmem:s16+$0x0] =	vst v24  }
0x1bc: {  	v19 =	vld [tilespmem:s20+$0x10120];
	[tilespmem:s13+$0xFFFFFF30] =	vst v30;
	v12 =	vmov v21  }
0x1bd: {  	v20 =	vld [tilespmem:s20+$0x10130];
	[tilespmem:s13+$0xFFFFFF60] =	vst v33  }
0x1be: {  	v21 =	vld [tilespmem:s20+$0x10140];
	v16 =	vadd.f32 v18, v16;
	[tilespmem:s13+$0xFFFFFF90] =	vst v34  }
0x1bf: {  	v18 =	vld [tilespmem:s20+$0x10150];
	[tilespmem:s13+$0xFFFFFFC0] =	vst v35  }
0x1c0: {  	v24 =	vld [tilespmem:s20+$0x10160];
	v28 =	vmul.f32 $2.000000030e-01, v16;
	[tilespmem:s12+$0xFFFFFEB0] =	vst v22  }
0x1c1: {  	vm1 =	vgt.f32 v16, $0.0e+00;
	v22 =	vld [tilespmem:s19+$0xFFFFFEE0];
	[tilespmem:s12+$0xFFFFFEE0] =	vst v26  }
0x1c2: {  	v26 =	vld [tilespmem:s19+$0xFFFFFF10];
	v16 =	vsel vm1, v16, v28;
	[tilespmem:s12+$0xFFFFFF10] =	vst v27  }
0x1c3: {  	v27 =	vld [tilespmem:s19+$0xFFFFFF40];
	v16 =	vsub.f32 v16, v2;
	[tilespmem:s12+$0xFFFFFF40] =	vst v31  }
0x1c4: {  	v28 =	vld [tilespmem:s19+$0xFFFFFF70];
	[tilespmem:s12+$0xFFFFFF70] =	vst v32  }
0x1c5: {  	v30 =	vld [tilespmem:s19+$0xFFFFFFA0];
	v16 =	vmul.f32 $1.442695020e+00, v16;
	[tilespmem:s12+$0xFFFFFFA0] =	vst v29  }
0x1c6: {  	v17 =	vadd.f32 v17, v22;
	v22 =	vld [tilespmem:s19+$0xFFFFFFD0];
	[tilespmem:s12+$0xFFFFFFD0] =	vst v25;
	s12 =	smov.u32 s13;
	s13 =	smov.u32 s16  }
0x1c7: {  	v25 =	vld [tilespmem:s19+$0xFFFFFEB0];
	v19 =	vadd.f32 v19, v26;
	(erf) = vpow2.f32 v16  }
0x1c8: {  	vm1 =	vgt.f32 v17, $0.0e+00;
	v26 =	vmul.f32 $2.000000030e-01, v17;
	v20 =	vadd.f32 v20, v27;
	v16 =	vld.idx.msk [tilespmem:v1+s15+$0x13970], $0xffff;
	s15 =	smov.u32 s20  }
0x1c9: {  	vm2 =	vgt.f32 v19, $0.0e+00;
	v27 =	vmul.f32 $2.000000030e-01, v19;
	v21 =	vadd.f32 v21, v28;
	v28 =	vld [tilespmem:s14+$0xFFFFFE90]  }
0x1ca: {  	vm3 =	vgt.f32 v20, $0.0e+00;
	v29 =	vmul.f32 $2.000000030e-01, v20;
	v18 =	vadd.f32 v18, v30;
	v30 =	vld [tilespmem:s14+$0xFFFFFEC0]  }
0x1cb: {  	vm4 =	vgt.f32 v21, $0.0e+00;
	v31 =	vmul.f32 $2.000000030e-01, v21;
	v22 =	vadd.f32 v24, v22;
	v24 =	vld [tilespmem:s14+$0xFFFFFEF0]  }
0x1cc: {  	v23 =	vadd.f32 v23, v25;
	vm5 =	vgt.f32 v18, $0.0e+00;
	v25 =	vmul.f32 $2.000000030e-01, v18;
	v32 =	vld [tilespmem:s14+$0xFFFFFF20]  }
0x1cd: {  	v17 =	vsel vm1, v17, v26;
	vm1 =	vgt.f32 v22, $0.0e+00;
	v35 =	vmul.f32 $2.000000030e-01, v22;
	v33 =	vld [tilespmem:s14+$0xFFFFFF50]  }
0x1ce: {  	v19 =	vsel vm2, v19, v27;
	vm6 =	vgt.f32 v23, $0.0e+00;
	v34 =	vmul.f32 $2.000000030e-01, v23;
	v27 =	vld [tilespmem:s14+$0xFFFFFF80]  }
0x1cf: {  	v20 =	vsel vm3, v20, v29;
	v21 =	vsel vm4, v21, v31;
	v18 =	vsel vm5, v18, v25;
	v25 =	vld [tilespmem:s14+$0xFFFFFFB0]  }
0x1d0: {  	v17 =	vsub.f32 v17, v2;
	v22 =	vsel vm1, v22, v35;
	v23 =	vsel vm6, v23, v34;
	v26 =	vpop (erf);
	v29 =	vld [tilespmem:s11+$0xFFFFFEB0]  }
0x1d1: {  	v19 =	vsub.f32 v19, v2;
	v23 =	vsub.f32 v23, v2;
	[tilespmem:s15+$0x13980] =	vst v26;
	v26 =	vmul.f32 v28, v10;
	v28 =	vld [tilespmem:s11+$0xFFFFFEE0]  }
0x1d2: {  	v31 =	vmul.f32 $1.442695020e+00, v17;
	v20 =	vsub.f32 v20, v2;
	v21 =	vsub.f32 v21, v2;
	v17 =	vld.idx.msk [tilespmem:v1+s15+$0x13980], $0xffff  }
0x1d3: {  	v18 =	vsub.f32 v18, v2;
	v22 =	vsub.f32 v22, v2;
	v23 =	vmul.f32 $1.442695020e+00, v23;
	v34 =	vld [tilespmem:s19+$0xFFFFFFE0];
	[tilespmem:s16+$0xFFFFFE90] =	vst v26  }
0x1d4: {  	v19 =	vmul.f32 $1.442695020e+00, v19;
	v20 =	vmul.f32 $1.442695020e+00, v20;
	v26 =	vld [tilespmem:s14+$0xFFFFFEA0]  }
0x1d5: {  	v21 =	vmul.f32 $1.442695020e+00, v21;
	v18 =	vmul.f32 $1.442695020e+00, v18;
	v35 =	vld [tilespmem:s11+$0xFFFFFF10]  }
0x1d6: {  	v22 =	vmul.f32 $1.442695020e+00, v22;
	(erf) = vpow2.f32 v23;
	v36 =	vld [tilespmem:s11+$0xFFFFFF40]  }
0x1d7: {  	v23 =	vmul.f32 v30, v13;
	(erf) = vpow2.f32 v31;
	v30 =	vld [tilespmem:s11+$0xFFFFFF70]  }
0x1d8: {  	v31 =	vmul.f32 v34, v17;
	(erf) = vpow2.f32 v19;
	v19 =	vld [tilespmem:s11+$0xFFFFFFA0]  }
0x1d9: {  	s16 =	sadd.s32 $0x180, s16;
	(erf) = vpow2.f32 v20;
	[tilespmem:s13+$0xFFFFFEC0] =	vst v23;
	v20 =	vmul.f32 v24, v15;
	v34 =	vld [tilespmem:s11+$0xFFFFFFD0];
	s11 =	smov.u32 s14;
	s14 =	smov.u32 s19  }
0x1da: {  	v23 =	vmul.f32 v32, v14;
	[tilespmem:s16+$0xFFFFFFE0] =	vst v31;
	(erf) = vpow2.f32 v21;
	v21 =	vld [tilespmem:s11+$0xFFFFFED0]  }
0x1db: {  	v31 =	vld [tilespmem:s19+$0xFFFFFFF0];
	(erf) = vpow2.f32 v18;
	[tilespmem:s13+$0xFFFFFEF0] =	vst v20;
	v18 =	vmul.f32 v33, v12  }
0x1dc: {  	(erf) = vpow2.f32 v22;
	v20 =	vld [tilespmem:s11+$0xFFFFFF00];
	[tilespmem:s13+$0xFFFFFF20] =	vst v23;
	v22 =	vmul.f32 v27, v11  }
0x1dd: {  	v32 =	vmul.f32 v25, v16;
	v23 =	vmul.f32 v26, v10;
	v26 =	vld [tilespmem:s11+$0xFFFFFF30];
	[tilespmem:s13+$0xFFFFFF50] =	vst v18  }
0x1de: {  	v27 =	vmul.f32 v28, v4;
	v25 =	vld [tilespmem:s11+$0xFFFFFF60];
	[tilespmem:s13+$0xFFFFFF80] =	vst v22;
	v22 =	vmul.f32 v29, v3  }
0x1df: {  	v29 =	vmul.f32 v35, v8;
	v28 =	vpop (erf);
	v24 =	vmul.f32 v21, v13;
	v21 =	vld [tilespmem:s11+$0xFFFFFF90];
	[tilespmem:s13+$0xFFFFFFB0] =	vst v32  }
0x1e0: {  	v37 =	vmul.f32 v36, v5;
	[tilespmem:s15+$0x13910] =	vst v28;
	v35 =	vmul.f32 v31, v17;
	v18 =	vpop (erf);
	v32 =	vld [tilespmem:s11+$0xFFFFFFC0];
	v22 =	vsel vm0, v22, v3  }
0x1e1: {  	v38 =	vmul.f32 v30, v6;
	v3 =	vmov v10;
	[tilespmem:s15+$0x13920] =	vst v18;
	v33 =	vpop (erf);
	v28 =	vmul.f32 v20, v15;
	v10 =	vld.idx.msk [tilespmem:v1+s15+$0x13910], $0xffff  }
0x1e2: {  	v39 =	vmul.f32 v19, v7;
	v18 =	vld.idx.msk [tilespmem:v1+s15+$0x13920], $0xffff;
	[tilespmem:s16+$0xFFFFFFF0] =	vst v35;
	v20 =	vpop (erf);
	v30 =	vmul.f32 v26, v14  }
.Ltmp2:
0x1e3: {  	v26 =	vsel vm0, v27, v4;
	[tilespmem:s15+$0x13930] =	vst v33;
	v36 =	vld [tilespmem:s19+$0x0];
	v31 =	vpop (erf);
	v33 =	vmul.f32 v25, v12;
	v25 =	vmul.f32 v34, v9;
	(pc) =	sbr.rel @p0 .LBB2_7-.Ltmp2, $4  }
0x1e4: {  	v27 =	vsel vm0, v29, v8;
	v4 =	vmov v13;
	v19 =	vld.idx.msk [tilespmem:v1+s15+$0x13930], $0xffff;
	[tilespmem:s15+$0x13940] =	vst v20;
	v40 =	vpop (erf);
	v34 =	vmul.f32 v21, v11  }
0x1e5: {  	v8 =	vmov v15;
	v20 =	vld.idx.msk [tilespmem:v1+s15+$0x13940], $0xffff;
	[tilespmem:s15+$0x13950] =	vst v31;
	v13 =	vpop (erf);
	v35 =	vmul.f32 v32, v16;
	v31 =	vsel vm0, v37, v5  }
0x1e6: {  	v29 =	vsel vm0, v39, v7;
	v32 =	vsel vm0, v38, v6;
	v5 =	vmov v14;
	v21 =	vld.idx.msk [tilespmem:v1+s15+$0x13950], $0xffff;
	[tilespmem:s15+$0x13960] =	vst v40  }
0x1e7: {  	s18 =	sadd.s32 $0x200, s18;
	v7 =	vmovc v11;
	s19 =	sadd.s32 $0x180, s19;
	v25 =	vsel vm0, v25, v9;
	v9 =	vmov v16;
	v6 =	vmov v12;
	[tilespmem:s15+$0x13970] =	vst v13;
	v11 =	vld.idx.msk [tilespmem:v1+s15+$0x13960], $0xffff  }
0x1e8: {  	[tilespmem:s13+$0xFFFFFEA0] =	vst v23  }
0x1e9: {  	[tilespmem:s13+$0xFFFFFED0] =	vst v24  }
0x1ea: {  	[tilespmem:s13+$0xFFFFFF00] =	vst v28  }
0x1eb: {  	[tilespmem:s13+$0xFFFFFF30] =	vst v30  }
0x1ec: {  	[tilespmem:s13+$0xFFFFFF60] =	vst v33  }
0x1ed: {  	[tilespmem:s13+$0xFFFFFF90] =	vst v34  }
0x1ee: {  	[tilespmem:s13+$0xFFFFFFC0] =	vst v35;
	v13 =	vld [tilespmem:s14+$0xFFFFFE90]  }
0x1ef: {  	[tilespmem:s12+$0xFFFFFEB0] =	vst v22;
	v14 =	vld [tilespmem:s14+$0xFFFFFEC0]  }
0x1f0: {  	[tilespmem:s12+$0xFFFFFEE0] =	vst v26;
	v15 =	vld [tilespmem:s14+$0xFFFFFEF0]  }
0x1f1: {  	[tilespmem:s12+$0xFFFFFF10] =	vst v27;
	v16 =	vld [tilespmem:s14+$0xFFFFFF20]  }
0x1f2: {  	[tilespmem:s12+$0xFFFFFF40] =	vst v31;
	v63 =	vld [tilespmem:s14+$0xFFFFFF50]  }
0x1f3: {  	v12 =	vmul.f32 v36, v17;
	[tilespmem:s12+$0xFFFFFF70] =	vst v32;
	v28 =	vld [tilespmem:s14+$0xFFFFFF80]  }
0x1f4: {  	[tilespmem:s12+$0xFFFFFFA0] =	vst v29;
	v29 =	vld [tilespmem:s14+$0xFFFFFFB0]  }
0x1f5: {  	[tilespmem:s12+$0xFFFFFFD0] =	vst v25;
	v30 =	vld [tilespmem:s11+$0xFFFFFEB0];
	v12 =	vsel vm0, v12, v17;
	v13 =	vmul.f32 v13, v10  }
0x1f6: {  	v45 =	vld [tilespmem:s11+$0xFFFFFEE0];
	[tilespmem:s16+$0x0] =	vst v12;
	v14 =	vmul.f32 v14, v18  }
0x1f7: {  	v48 =	vld [tilespmem:s11+$0xFFFFFF70];
	v31 =	vmul.f32 v15, v19;
	[tilespmem:s16+$0xFFFFFE90] =	vst v13  }
0x1f8: {  	v49 =	vld [tilespmem:s11+$0xFFFFFFA0];
	v33 =	vmul.f32 v16, v20;
	[tilespmem:s16+$0xFFFFFEC0] =	vst v14  }
0x1f9: {  	v50 =	vld [tilespmem:s11+$0xFFFFFFD0];
	v35 =	vmul.f32 v63, v21;
	[tilespmem:s16+$0xFFFFFEF0] =	vst v31  }
0x1fa: {  	v12 =	vld.idx.msk [tilespmem:v1+s15+$0x13970], $0xffff;
	v37 =	vmul.f32 v28, v11;
	v24 =	vmul.f32 v30, v3;
	[tilespmem:s16+$0xFFFFFF20] =	vst v33  }
0x1fb: {  	v46 =	vld [tilespmem:s11+$0xFFFFFF10];
	v25 =	vmul.f32 v45, v4;
	[tilespmem:s16+$0xFFFFFF50] =	vst v35  }
0x1fc: {  	v52 =	vmul.f32 v48, v6;
	[tilespmem:s16+$0xFFFFFF80] =	vst v37;
	v32 =	vld [tilespmem:s14+$0xFFFFFEA0];
	v3 =	vsel vm0, v24, v3  }
0x1fd: {  	v54 =	vmul.f32 v49, v7;
	v34 =	vld [tilespmem:s14+$0xFFFFFED0];
	v4 =	vsel vm0, v25, v4;
	[tilespmem:s13+$0xFFFFFEB0] =	vst v3  }
0x1fe: {  	v36 =	vld [tilespmem:s14+$0xFFFFFF00];
	v6 =	vsel vm0, v52, v6;
	[tilespmem:s13+$0xFFFFFEE0] =	vst v4  }
0x1ff: {  	v56 =	vmul.f32 v50, v9;
	v38 =	vld [tilespmem:s14+$0xFFFFFF30];
	v39 =	vmul.f32 v29, v12;
	v7 =	vsel vm0, v54, v7;
	[tilespmem:s13+$0xFFFFFF70] =	vst v6  }
0x200: {  	v40 =	vld [tilespmem:s14+$0xFFFFFF60];
	[tilespmem:s13+$0xFFFFFFA0] =	vst v7  }
0x201: {  	v42 =	vld [tilespmem:s14+$0xFFFFFF90];
	v9 =	vsel vm0, v56, v9;
	[tilespmem:s16+$0xFFFFFFB0] =	vst v39;
	v41 =	vmul.f32 v32, v10  }
0x202: {  	[tilespmem:s13+$0xFFFFFFD0] =	vst v9;
	v44 =	vld [tilespmem:s14+$0xFFFFFFC0];
	v43 =	vmul.f32 v34, v18  }
0x203: {  	v47 =	vld [tilespmem:s11+$0xFFFFFF40];
	v17 =	vmul.f32 v36, v19;
	[tilespmem:s16+$0xFFFFFEA0] =	vst v41  }
0x204: {  	v22 =	vmul.f32 v38, v20;
	[tilespmem:s16+$0xFFFFFED0] =	vst v43;
	v51 =	vld [tilespmem:s14+$0xFFFFFEB0]  }
0x205: {  	v23 =	vmul.f32 v40, v21;
	[tilespmem:s16+$0xFFFFFF00] =	vst v17;
	v3 =	vld [tilespmem:s14+$0xFFFFFEE0]  }
0x206: {  	v15 =	vmul.f32 v42, v11;
	[tilespmem:s16+$0xFFFFFF30] =	vst v22;
	v53 =	vld [tilespmem:s14+$0xFFFFFF10]  }
0x207: {  	v14 =	vmul.f32 v46, v8;
	[tilespmem:s16+$0xFFFFFF60] =	vst v23;
	v16 =	vmul.f32 v44, v12;
	v55 =	vld [tilespmem:s14+$0xFFFFFF40]  }
0x208: {  	v13 =	vmul.f32 v47, v5;
	[tilespmem:s16+$0xFFFFFF90] =	vst v15;
	v57 =	vld [tilespmem:s14+$0xFFFFFF70]  }
0x209: {  	v8 =	vsel vm0, v14, v8;
	v58 =	vld [tilespmem:s14+$0xFFFFFFA0];
	[tilespmem:s16+$0xFFFFFFC0] =	vst v16;
	v59 =	vmul.f32 v51, v10  }
0x20a: {  	v5 =	vsel vm0, v13, v5;
	[tilespmem:s13+$0xFFFFFF10] =	vst v8;
	v60 =	vld [tilespmem:s14+$0xFFFFFFD0];
	v3 =	vmul.f32 v3, v18  }
0x20b: {  	[tilespmem:s13+$0xFFFFFF40] =	vst v5;
	v4 =	vmul.f32 v53, v19;
	v61 =	vsel vm0, v59, v10  }
0x20c: {  	v8 =	vmul.f32 v55, v20;
	v3 =	vsel vm0, v3, v18;
	[tilespmem:s16+$0xFFFFFEB0] =	vst v61  }
0x20d: {  	s9 =	sadd.s32 $0x1, s9;
	v5 =	vmul.f32 v57, v21;
	v4 =	vsel vm0, v4, v19;
	[tilespmem:s16+$0xFFFFFEE0] =	vst v3  }
0x20e: {  	p0 =	sne.s32 s9, $0x28;
	v62 =	vsel vm0, v8, v20;
	v3 =	vmul.f32 v58, v11;
	[tilespmem:s16+$0xFFFFFF10] =	vst v4  }
.Ltmp3:
0x20f: {  	v5 =	vsel vm0, v5, v21;
	v63 =	vmul.f32 v60, v12;
	[tilespmem:s16+$0xFFFFFF40] =	vst v62;
	(pc) =	sbr.rel @p0 .LBB2_4-.Ltmp3, $4  }
0x210: {  	[tilespmem:s16+$0xFFFFFF70] =	vst v5;
	v3 =	vsel vm0, v3, v11  }
0x211: {  	v4 =	vsel vm0, v63, v12;
	[tilespmem:s16+$0xFFFFFFA0] =	vst v3  }
0x212: {  	[tilespmem:s16+$0xFFFFFFD0] =	vst v4  }
0x213: {  	[spmem:s2] =	stream.indirect.scatter.add.f32 [tilespmem:s25], [sflag:$0x4], $0x30, s10, s26, $0xb8;
	[tilespmem:$0x14D10] =	vst v63  }
0x214: {  	_ =	swait.ge [sflag:s6], $0x1800  }
0x215: {  	[sflag:s6] =	ssyncset.done $0x0  }
0x216: {  	[sflag:s6] =	ssyncadd.s32 $0xFFFFE800  }
0x217: {  	_ =	swait.ge [sflag:s1], $0x1800  }
0x218: {  	[sflag:s1] =	ssyncset.done $0x0  }
0x219: {  	[sflag:s1] =	ssyncadd.s32 $0xFFFFE800  }
0x21a: {  	_ =	swait.ge [sflag:s1], $0x800  }
0x21b: {  	[sflag:s1] =	ssyncset.done $0x0  }
0x21c: {  	s15 =	simm.s32 $0xC9C0;
	[sflag:s1] =	ssyncadd.s32 $0xFFFFF800  }
0x21d: {  	s11 =	simm.s32 $0x0;
	v3 =	vld [tilespmem:s15+$0xB0]  }
0x21e: {  	v4 =	vld [tilespmem:s11+$0xF970];
	_ =	sdelay $0x2  }
0x21f: {  	v5 =	vld [tilespmem:s11+$0xF910]  }
0x220: {  	v6 =	vld [tilespmem:s15+$0xFFFFFF90]  }
0x221: {  	v7 =	vld [tilespmem:s11+$0xF930];
	v3 =	vadd.f32 v4, v3  }
0x222: {  	v10 =	vld [tilespmem:s11+$0xF940]  }
0x223: {  	v11 =	vld [tilespmem:s11+$0xF960];
	v4 =	vmul.f32 $2.000000030e-01, v3  }
0x224: {  	v12 =	vld [tilespmem:s15+$0xFFFFFFC0];
	vm1 =	vgt.f32 v3, $0.0e+00  }
0x225: {  	v13 =	vld [tilespmem:s15+$0x50];
	v3 =	vsel vm1, v3, v4  }
0x226: {  	s9 =	simm.s32 $0xCB40;
	v14 =	vld [tilespmem:s15+$0x80];
	v3 =	vsub.f32 v3, v2  }
0x227: {  	s14 =	simm.s32 $0x80;
	v15 =	vld [tilespmem:s9+$0xB0]  }
0x228: {  	v39 =	vld [tilespmem:s14+$0xF970];
	v3 =	vmul.f32 $1.442695020e+00, v3  }
0x229: {  	v4 =	vld [tilespmem:s11+$0xF900]  }
0x22a: {  	(erf) = vpow2.f32 v3;
	v3 =	vld [tilespmem:s15+$0xFFFFFF60]  }
0x22b: {  	v41 =	vld [tilespmem:s9+$0xFFFFFF90]  }
0x22c: {  	v18 =	vld [tilespmem:s9+$0x20]  }
0x22d: {  	v19 =	vld [tilespmem:s9+$0x50]  }
0x22e: {  	v20 =	vld [tilespmem:s9+$0xFFFFFF60]  }
0x22f: {  	s13 =	simm.s32 $0x100;
	v23 =	vld [tilespmem:s9+$0x80];
	v3 =	vadd.f32 v4, v3  }
0x230: {  	v29 =	vld [tilespmem:s13+$0xF970];
	v4 =	vadd.f32 v5, v6  }
0x231: {  	v30 =	vld [tilespmem:s13+$0xF900];
	v6 =	vmul.f32 $2.000000030e-01, v3  }
0x232: {  	v31 =	vld [tilespmem:s13+$0xF910];
	v8 =	vmul.f32 $2.000000030e-01, v4;
	vm1 =	vgt.f32 v3, $0.0e+00  }
0x233: {  	v32 =	vld [tilespmem:s13+$0xF920];
	vm2 =	vgt.f32 v4, $0.0e+00;
	v9 =	vpop (erf);
	v3 =	vsel vm1, v3, v6  }
0x234: {  	v33 =	vld [tilespmem:s13+$0xF940];
	v4 =	vsel vm2, v4, v8;
	[tilespmem:s11+$0x13980] =	vst v9;
	v3 =	vsub.f32 v3, v2  }
0x235: {  	v4 =	vsub.f32 v4, v2;
	v9 =	vld.idx.msk [tilespmem:v1+s11+$0x13980], $0xffff  }
0x236: {  	v6 =	vld [tilespmem:s15+$0x90];
	v3 =	vmul.f32 $1.442695020e+00, v3  }
0x237: {  	v34 =	vld [tilespmem:s13+$0xF960];
	v4 =	vmul.f32 $1.442695020e+00, v4  }
0x238: {  	v5 =	vld [tilespmem:s11+$0xF920];
	(erf) = vpow2.f32 v3  }
0x239: {  	(erf) = vpow2.f32 v4;
	v4 =	vld [tilespmem:s15+$0x20]  }
0x23a: {  	v3 =	vld [tilespmem:s15+$0xFFFFFFF0]  }
0x23b: {  	s12 =	simm.s32 $0xCCC0;
	v8 =	vld [tilespmem:s11+$0xF950];
	v6 =	vmul.f32 v6, v9  }
0x23c: {  	s10 =	simm.s32 $0x109C0;
	v36 =	vld [tilespmem:s12+$0xFFFFFF90]  }
0x23d: {  	v44 =	vld [tilespmem:s12+$0xFFFFFFF0];
	v14 =	vadd.f32 v11, v14;
	v5 =	vadd.f32 v5, v12;
	[tilespmem:s10+$0x90] =	vst v6  }
0x23e: {  	v40 =	vadd.f32 v39, v15;
	v6 =	vld [tilespmem:s15+$0xA0];
	v4 =	vadd.f32 v10, v4  }
0x23f: {  	v45 =	vld [tilespmem:s12+$0xFFFFFF60];
	vm1 =	vgt.f32 v5, $0.0e+00;
	v3 =	vadd.f32 v7, v3;
	v7 =	vmul.f32 $2.000000030e-01, v5  }
0x240: {  	v15 =	vld [tilespmem:s9+$0xFFFFFFC0];
	v8 =	vadd.f32 v8, v13;
	v13 =	vmul.f32 $2.000000030e-01, v40;
	v37 =	vmul.f32 $2.000000030e-01, v4  }
0x241: {  	v39 =	vld [tilespmem:s12+$0x50];
	v10 =	vmul.f32 $2.000000030e-01, v3;
	v5 =	vsel vm1, v5, v7;
	vm3 =	vgt.f32 v4, $0.0e+00  }
0x242: {  	vm2 =	vgt.f32 v3, $0.0e+00;
	v5 =	vsub.f32 v5, v2;
	v38 =	vpop (erf);
	v4 =	vsel vm3, v4, v37;
	v37 =	vld [tilespmem:s12+$0xFFFFFFC0]  }
0x243: {  	v16 =	vmul.f32 $2.000000030e-01, v8;
	v3 =	vsel vm2, v3, v10;
	[tilespmem:s11+$0x13910] =	vst v38;
	v6 =	vmul.f32 v6, v9;
	v7 =	vpop (erf);
	v38 =	vld [tilespmem:s12+$0x20]  }
0x244: {  	vm1 =	vgt.f32 v8, $0.0e+00;
	v3 =	vsub.f32 v3, v2;
	v5 =	vmul.f32 $1.442695020e+00, v5;
	v10 =	vld.idx.msk [tilespmem:v1+s11+$0x13910], $0xffff;
	[tilespmem:s11+$0x13920] =	vst v7  }
0x245: {  	v4 =	vsub.f32 v4, v2;
	v7 =	vmul.f32 $2.000000030e-01, v14;
	v11 =	vld.idx.msk [tilespmem:v1+s11+$0x13920], $0xffff;
	[tilespmem:s10+$0xA0] =	vst v6;
	v6 =	vsel vm1, v8, v16  }
0x246: {  	v3 =	vmul.f32 $1.442695020e+00, v3;
	v8 =	vld [tilespmem:s14+$0xF900];
	(erf) = vpow2.f32 v5;
	vm1 =	vgt.f32 v14, $0.0e+00  }
0x247: {  	v5 =	vld [tilespmem:s14+$0xF910];
	v6 =	vsub.f32 v6, v2;
	v4 =	vmul.f32 $1.442695020e+00, v4;
	v7 =	vsel vm1, v14, v7  }
0x248: {  	v16 =	vld [tilespmem:s14+$0xF950];
	vm1 =	vgt.f32 v40, $0.0e+00;
	(erf) = vpow2.f32 v3;
	v7 =	vsub.f32 v7, v2  }
0x249: {  	v27 =	vld [tilespmem:s15+$0xFFFFFF70];
	v12 =	vsel vm1, v40, v13;
	v6 =	vmul.f32 $1.442695020e+00, v6;
	(erf) = vpow2.f32 v4  }
0x24a: {  	v3 =	vld [tilespmem:s14+$0xF920];
	v12 =	vsub.f32 v12, v2  }
0x24b: {  	v4 =	vld [tilespmem:s14+$0xF930];
	v7 =	vmul.f32 $1.442695020e+00, v7;
	(erf) = vpow2.f32 v6  }
0x24c: {  	v6 =	vld [tilespmem:s14+$0xF940];
	v12 =	vmul.f32 $1.442695020e+00, v12  }
0x24d: {  	(erf) = vpow2.f32 v7;
	v7 =	vld [tilespmem:s9+$0xFFFFFFF0]  }
0x24e: {  	v17 =	vld [tilespmem:s15+$0xB0];
	(erf) = vpow2.f32 v12  }
0x24f: {  	v40 =	vld [tilespmem:s12+$0x80];
	v42 =	vpop (erf)  }
0x250: {  	v5 =	vadd.f32 v5, v41;
	v8 =	vadd.f32 v8, v20;
	v20 =	vld [tilespmem:s15+$0xFFFFFF40];
	[tilespmem:s11+$0x13930] =	vst v42  }
0x251: {  	v19 =	vadd.f32 v16, v19;
	v6 =	vadd.f32 v6, v18;
	v43 =	vpop (erf);
	v14 =	vld.idx.msk [tilespmem:v1+s11+$0x13930], $0xffff  }
0x252: {  	v3 =	vadd.f32 v3, v15;
	v25 =	vmul.f32 $2.000000030e-01, v8;
	v4 =	vadd.f32 v4, v7;
	v7 =	vld [tilespmem:s14+$0xF960];
	v21 =	vpop (erf);
	[tilespmem:s11+$0x13940] =	vst v43  }
0x253: {  	vm1 =	vgt.f32 v5, $0.0e+00;
	v24 =	vmul.f32 $2.000000030e-01, v6;
	v12 =	vld.idx.msk [tilespmem:v1+s11+$0x13940], $0xffff;
	[tilespmem:s11+$0x13950] =	vst v21;
	v21 =	vmul.f32 $2.000000030e-01, v5  }
0x254: {  	v26 =	vmul.f32 $2.000000030e-01, v19;
	vm2 =	vgt.f32 v3, $0.0e+00;
	vm4 =	vgt.f32 v6, $0.0e+00;
	v22 =	vpop (erf);
	v13 =	vld.idx.msk [tilespmem:v1+s11+$0x13950], $0xffff  }
0x255: {  	v18 =	vmul.f32 $2.000000030e-01, v3;
	v20 =	vmul.f32 v20, v10;
	v6 =	vsel vm4, v6, v24;
	v24 =	vld [tilespmem:s15+$0xFFFFFFD0];
	[tilespmem:s11+$0x13960] =	vst v22  }
0x256: {  	v16 =	vpop (erf);
	v22 =	vmul.f32 $2.000000030e-01, v4;
	v5 =	vsel vm1, v5, v21;
	vm1 =	vgt.f32 v8, $0.0e+00;
	v15 =	vld.idx.msk [tilespmem:v1+s11+$0x13960], $0xffff  }
0x257: {  	vm3 =	vgt.f32 v4, $0.0e+00;
	v8 =	vsel vm1, v8, v25;
	v25 =	vld [tilespmem:s15+$0x0];
	v23 =	vadd.f32 v7, v23;
	v21 =	vpop (erf)  }
0x258: {  	v3 =	vsel vm2, v3, v18;
	v4 =	vsel vm3, v4, v22;
	v8 =	vsub.f32 v8, v2;
	v22 =	vld [tilespmem:s15+$0xFFFFFFA0];
	[tilespmem:s14+$0x13980] =	vst v21  }
0x259: {  	v3 =	vsub.f32 v3, v2;
	v5 =	vsub.f32 v5, v2;
	v28 =	vmul.f32 $2.000000030e-01, v23;
	v18 =	vld.idx.msk [tilespmem:v1+s14+$0x13980], $0xffff  }
0x25a: {  	v4 =	vsub.f32 v4, v2;
	vm1 =	vgt.f32 v23, $0.0e+00;
	v21 =	vld [tilespmem:s9+$0x90];
	v8 =	vmul.f32 $1.442695020e+00, v8  }
0x25b: {  	v3 =	vmul.f32 $1.442695020e+00, v3;
	[tilespmem:s11+$0x13970] =	vst v16;
	v5 =	vmul.f32 $1.442695020e+00, v5;
	v23 =	vsel vm1, v23, v28;
	v28 =	vld [tilespmem:s12+$0xB0]  }
0x25c: {  	vm5 =	vgt.f32 v19, $0.0e+00;
	v16 =	vld.idx.msk [tilespmem:v1+s11+$0x13970], $0xffff;
	v4 =	vmul.f32 $1.442695020e+00, v4;
	(erf) = vpow2.f32 v8  }
0x25d: {  	v6 =	vsub.f32 v6, v2;
	v8 =	vld [tilespmem:s15+$0x30];
	(erf) = vpow2.f32 v5;
	v5 =	vmul.f32 v27, v11  }
0x25e: {  	v19 =	vsel vm5, v19, v26;
	[tilespmem:s10+$0xFFFFFF40] =	vst v20;
	v26 =	vld [tilespmem:s15+$0x60];
	(erf) = vpow2.f32 v3;
	v3 =	vmul.f32 v22, v14  }
0x25f: {  	v19 =	vsub.f32 v19, v2;
	v6 =	vmul.f32 $1.442695020e+00, v6;
	v20 =	vmul.f32 v21, v18;
	v21 =	vld [tilespmem:s15+$0xFFFFFF50];
	[tilespmem:s10+$0xFFFFFF70] =	vst v5  }
0x260: {  	s11 =	simm.s32 $0x10B40;
	(erf) = vpow2.f32 v4;
	v4 =	vmul.f32 v24, v12;
	[tilespmem:s10+$0xFFFFFFA0] =	vst v3;
	v28 =	vadd.f32 v29, v28;
	v29 =	vld [tilespmem:s13+$0xF950]  }
0x261: {  	v19 =	vmul.f32 $1.442695020e+00, v19;
	(erf) = vpow2.f32 v6;
	[tilespmem:s11+$0x90] =	vst v20;
	v20 =	vld [tilespmem:s15+$0xFFFFFF80]  }
0x262: {  	v3 =	vmul.f32 v25, v13;
	[tilespmem:s10+$0xFFFFFFD0] =	vst v4;
	v4 =	vmul.f32 v8, v15;
	v5 =	vld [tilespmem:s9+$0xA0]  }
0x263: {  	(erf) = vpow2.f32 v19;
	v19 =	vld [tilespmem:s15+$0xFFFFFFB0]  }
0x264: {  	v22 =	vld [tilespmem:s15+$0xFFFFFFE0];
	[tilespmem:s10+$0x0] =	vst v3;
	v3 =	vmul.f32 v26, v16  }
0x265: {  	v24 =	vld [tilespmem:s15+$0x10];
	[tilespmem:s10+$0x30] =	vst v4  }
0x266: {  	v25 =	vld [tilespmem:s15+$0x40];
	[tilespmem:s10+$0x60] =	vst v3;
	v4 =	vpop (erf)  }
0x267: {  	v26 =	vld [tilespmem:s15+$0x70];
	[tilespmem:s14+$0x13910] =	vst v4;
	v5 =	vmul.f32 v5, v18  }
0x268: {  	v17 =	vmul.f32 v17, v9;
	v35 =	vmul.f32 $2.000000030e-01, v28;
	v4 =	vpop (erf);
	v3 =	vld.idx.msk [tilespmem:v1+s14+$0x13910], $0xffff  }
0x269: {  	v23 =	vsub.f32 v23, v2;
	vm1 =	vgt.f32 v28, $0.0e+00;
	[tilespmem:s14+$0x13920] =	vst v4;
	v46 =	vld [tilespmem:s9+$0xFFFFFF40]  }
0x26a: {  	v17 =	vsel vm0, v17, v9;
	v28 =	vsel vm1, v28, v35;
	v6 =	vpop (erf);
	v4 =	vld.idx.msk [tilespmem:v1+s14+$0x13920], $0xffff;
	[tilespmem:s11+$0xA0] =	vst v5  }
0x26b: {  	[tilespmem:s10+$0xB0] =	vst v17;
	v23 =	vmul.f32 $1.442695020e+00, v23;
	v21 =	vmul.f32 v21, v10;
	v28 =	vsub.f32 v28, v2;
	v27 =	vld [tilespmem:s9+$0xB0];
	v5 =	vpop (erf)  }
0x26c: {  	v20 =	vmul.f32 v20, v11;
	[tilespmem:s14+$0x13930] =	vst v6;
	v47 =	vld [tilespmem:s9+$0xFFFFFF70];
	v6 =	vpop (erf)  }
0x26d: {  	v31 =	vadd.f32 v31, v36;
	[tilespmem:s10+$0xFFFFFF50] =	vst v21;
	v28 =	vmul.f32 $1.442695020e+00, v28;
	v7 =	vpop (erf);
	(erf) = vpow2.f32 v23;
	v23 =	vld [tilespmem:s13+$0xF930]  }
0x26e: {  	v30 =	vadd.f32 v30, v45;
	v19 =	vmul.f32 v19, v14;
	[tilespmem:s10+$0xFFFFFF80] =	vst v20;
	v8 =	vld.idx.msk [tilespmem:v1+s14+$0x13930], $0xffff  }
0x26f: {  	v33 =	vadd.f32 v33, v38;
	v25 =	vmul.f32 v25, v15;
	v48 =	vld [tilespmem:s9+$0xFFFFFFA0];
	[tilespmem:s14+$0x13950] =	vst v6;
	(erf) = vpow2.f32 v28  }
0x270: {  	v22 =	vmul.f32 v22, v12;
	[tilespmem:s10+$0xFFFFFFB0] =	vst v19;
	v6 =	vld.idx.msk [tilespmem:v1+s14+$0x13950], $0xffff;
	v27 =	vmul.f32 v27, v18  }
0x271: {  	vm3 =	vgt.f32 v33, $0.0e+00;
	vm1 =	vgt.f32 v31, $0.0e+00;
	[tilespmem:s10+$0x40] =	vst v25;
	v25 =	vmul.f32 v47, v4;
	v50 =	vld [tilespmem:s9+$0x0]  }
0x272: {  	v53 =	vld [tilespmem:s15+$0xFFFFFF60];
	[tilespmem:s10+$0xFFFFFFE0] =	vst v22;
	v18 =	vsel vm0, v27, v18;
	v27 =	vmul.f32 $2.000000030e-01, v31;
	v23 =	vadd.f32 v23, v44  }
0x273: {  	v17 =	vadd.f32 v29, v39;
	v21 =	vmul.f32 $2.000000030e-01, v33;
	v55 =	vld [tilespmem:s15+$0xFFFFFF90];
	[tilespmem:s14+$0x13940] =	vst v5;
	v28 =	vadd.f32 v32, v37  }
0x274: {  	v22 =	vld [tilespmem:s15+$0xFFFFFFC0];
	[tilespmem:s11+$0xFFFFFF70] =	vst v25;
	v25 =	vmul.f32 v48, v8;
	v27 =	vsel vm1, v31, v27;
	v31 =	vmul.f32 $2.000000030e-01, v23  }
0x275: {  	v51 =	vmul.f32 $2.000000030e-01, v30;
	v19 =	vsel vm3, v33, v21;
	v21 =	vmul.f32 $2.000000030e-01, v17;
	v5 =	vld.idx.msk [tilespmem:v1+s14+$0x13940], $0xffff;
	[tilespmem:s14+$0x13960] =	vst v7  }
0x276: {  	v29 =	vadd.f32 v34, v40;
	v49 =	vld [tilespmem:s9+$0xFFFFFFD0];
	v37 =	vmul.f32 $2.000000030e-01, v28;
	[tilespmem:s11+$0xFFFFFFA0] =	vst v25;
	v25 =	vmul.f32 v50, v6  }
0x277: {  	v19 =	vsub.f32 v19, v2;
	v7 =	vld.idx.msk [tilespmem:v1+s14+$0x13960], $0xffff;
	vm2 =	vgt.f32 v28, $0.0e+00;
	vm1 =	vgt.f32 v23, $0.0e+00;
	v9 =	vpop (erf)  }
0x278: {  	v52 =	vld [tilespmem:s9+$0x30];
	v28 =	vsel vm2, v28, v37;
	[tilespmem:s11+$0x0] =	vst v25;
	v20 =	vsel vm1, v23, v31;
	vm1 =	vgt.f32 v30, $0.0e+00;
	v31 =	vpop (erf)  }
0x279: {  	vm2 =	vgt.f32 v17, $0.0e+00;
	v57 =	vld [tilespmem:s9+$0x10];
	v30 =	vsel vm1, v30, v51;
	[tilespmem:s13+$0x13980] =	vst v31;
	v31 =	vmul.f32 v46, v3  }
0x27a: {  	v54 =	vmul.f32 $2.000000030e-01, v29;
	v21 =	vsel vm2, v17, v21;
	[tilespmem:s14+$0x13970] =	vst v9;
	v30 =	vsub.f32 v30, v2;
	v17 =	vld.idx.msk [tilespmem:v1+s13+$0x13980], $0xffff  }
0x27b: {  	v24 =	vmul.f32 v24, v13;
	v26 =	vmul.f32 v26, v16;
	v27 =	vsub.f32 v27, v2;
	[tilespmem:s11+$0xFFFFFF40] =	vst v31;
	v31 =	vld [tilespmem:s12+$0x90]  }
0x27c: {  	v19 =	vmul.f32 $1.442695020e+00, v19;
	[tilespmem:s11+$0xB0] =	vst v18;
	v28 =	vsub.f32 v28, v2;
	v9 =	vld.idx.msk [tilespmem:v1+s14+$0x13970], $0xffff;
	v18 =	vmul.f32 $1.442695020e+00, v30  }
0x27d: {  	v27 =	vmul.f32 $1.442695020e+00, v27;
	v20 =	vsub.f32 v20, v2;
	vm1 =	vgt.f32 v29, $0.0e+00;
	v23 =	vld [tilespmem:s9+$0x60]  }
0x27e: {  	[tilespmem:s10+$0x10] =	vst v24;
	v28 =	vmul.f32 $1.442695020e+00, v28;
	v24 =	vsel vm1, v29, v54;
	v29 =	vld [tilespmem:s15+$0x50];
	(erf) = vpow2.f32 v18  }
0x27f: {  	v21 =	vsub.f32 v21, v2;
	v20 =	vmul.f32 $1.442695020e+00, v20;
	v30 =	vld [tilespmem:s9+$0xFFFFFF50];
	(erf) = vpow2.f32 v27  }
0x280: {  	[tilespmem:s10+$0x70] =	vst v26;
	v18 =	vld [tilespmem:s15+$0xFFFFFFF0];
	(erf) = vpow2.f32 v28;
	v26 =	vmul.f32 v31, v17  }
0x281: {  	v21 =	vmul.f32 $1.442695020e+00, v21;
	s14 =	simm.s32 $0x10CC0;
	v24 =	vsub.f32 v24, v2;
	v27 =	vld [tilespmem:s15+$0x20];
	(erf) = vpow2.f32 v20  }
0x282: {  	v25 =	vmul.f32 v23, v9;
	v20 =	vld [tilespmem:s9+$0xFFFFFF80];
	(erf) = vpow2.f32 v19;
	[tilespmem:s14+$0x90] =	vst v26  }
0x283: {  	v24 =	vmul.f32 $1.442695020e+00, v24;
	v26 =	vmul.f32 v49, v5;
	v19 =	vld [tilespmem:s12+$0xA0]  }
0x284: {  	v32 =	vmul.f32 v55, v11;
	[tilespmem:s11+$0x60] =	vst v25;
	(erf) = vpow2.f32 v21;
	v21 =	vld [tilespmem:s9+$0xFFFFFFB0]  }
0x285: {  	v31 =	vld [tilespmem:s15+$0x80];
	(erf) = vpow2.f32 v24;
	[tilespmem:s11+$0xFFFFFFD0] =	vst v26;
	v26 =	vmul.f32 v52, v7  }
0x286: {  	v33 =	vmul.f32 v57, v6;
	v29 =	vmul.f32 v29, v15;
	v58 =	vld [tilespmem:s9+$0x70]  }
0x287: {  	v25 =	vmul.f32 v22, v14;
	v56 =	vld [tilespmem:s9+$0xFFFFFFE0];
	v28 =	vpop (erf);
	[tilespmem:s11+$0x30] =	vst v26;
	v26 =	vmul.f32 v53, v10  }
0x288: {  	v24 =	vmul.f32 v20, v4;
	[tilespmem:s13+$0x13910] =	vst v28;
	v28 =	vpop (erf);
	v20 =	vld [tilespmem:s9+$0x40];
	v19 =	vmul.f32 v19, v17  }
0x289: {  	[tilespmem:s13+$0x13920] =	vst v28;
	v28 =	vmul.f32 v21, v8;
	v21 =	vpop (erf);
	v22 =	vsel vm0, v26, v10;
	v10 =	vld.idx.msk [tilespmem:v1+s13+$0x13910], $0xffff  }
0x28a: {  	v59 =	vmul.f32 v18, v12;
	v60 =	vmul.f32 v27, v13;
	v18 =	vld.idx.msk [tilespmem:v1+s13+$0x13920], $0xffff;
	v27 =	vpop (erf);
	[tilespmem:s14+$0xA0] =	vst v19  }
0x28b: {  	v29 =	vsel vm0, v29, v15;
	v23 =	vmul.f32 v30, v3;
	[tilespmem:s13+$0x13930] =	vst v21;
	v26 =	vsel vm0, v32, v11;
	v11 =	vpop (erf);
	v36 =	vld [tilespmem:s12+$0xB0]  }
0x28c: {  	v61 =	vmul.f32 v31, v16;
	v35 =	vmul.f32 v58, v9;
	v19 =	vld.idx.msk [tilespmem:v1+s13+$0x13930], $0xffff;
	[tilespmem:s13+$0x13950] =	vst v11  }
0x28d: {  	v31 =	vsel vm0, v59, v12;
	v32 =	vsel vm0, v60, v13;
	[tilespmem:s13+$0x13940] =	vst v27;
	v62 =	vpop (erf);
	v21 =	vld.idx.msk [tilespmem:v1+s13+$0x13950], $0xffff  }
0x28e: {  	v27 =	vsel vm0, v25, v14;
	v63 =	vpop (erf);
	[tilespmem:s13+$0x13960] =	vst v62;
	v34 =	vmul.f32 v20, v7;
	v20 =	vld.idx.msk [tilespmem:v1+s13+$0x13940], $0xffff  }
0x28f: {  	s16 =	simm.s32 $0x600;
	s17 =	simm.s32 $0xCE40;
	s15 =	simm.s32 $0x10;
	v25 =	vsel vm0, v61, v16;
	v30 =	vmul.f32 v56, v5;
	v11 =	vld.idx.msk [tilespmem:v1+s13+$0x13960], $0xffff;
	[tilespmem:s13+$0x13970] =	vst v63  }
.LBB2_10:
0x290: {  	s18 =	sshra.s32 s16, $0x2;
	v16 =	vld [tilespmem:s17+$0xB0];
	s15 =	sadd.s32 $0x8, s15;
	v12 =	vmul.f32 v36, v17;
	[tilespmem:s11+$0xFFFFFF50] =	vst v23;
	v13 =	vmov v18  }
0x291: {  	v18 =	vld [tilespmem:s18+$0xF970];
	p0 =	slt.u32 s15, $0x78;
	[tilespmem:s11+$0xFFFFFF80] =	vst v24  }
0x292: {  	v15 =	vmov v19;
	v23 =	vld [tilespmem:s18+$0xF900];
	v24 =	vsel vm0, v12, v17;
	[tilespmem:s11+$0xFFFFFFB0] =	vst v28  }
0x293: {  	v14 =	vmov v20;
	v17 =	vld [tilespmem:s18+$0xF910];
	[tilespmem:s14+$0xB0] =	vst v24  }
0x294: {  	v19 =	vld [tilespmem:s18+$0xF920];
	[tilespmem:s11+$0xFFFFFFE0] =	vst v30;
	v12 =	vmov v21  }
0x295: {  	v20 =	vld [tilespmem:s18+$0xF930];
	[tilespmem:s11+$0x10] =	vst v33  }
0x296: {  	v21 =	vld [tilespmem:s18+$0xF940];
	v16 =	vadd.f32 v18, v16;
	[tilespmem:s11+$0x40] =	vst v34  }
0x297: {  	v18 =	vld [tilespmem:s18+$0xF950];
	[tilespmem:s11+$0x70] =	vst v35  }
0x298: {  	v24 =	vld [tilespmem:s18+$0xF960];
	v28 =	vmul.f32 $2.000000030e-01, v16;
	[tilespmem:s10+$0xFFFFFF60] =	vst v22  }
0x299: {  	vm1 =	vgt.f32 v16, $0.0e+00;
	v22 =	vld [tilespmem:s17+$0xFFFFFF90];
	[tilespmem:s10+$0xFFFFFF90] =	vst v26  }
0x29a: {  	v26 =	vld [tilespmem:s17+$0xFFFFFFC0];
	v16 =	vsel vm1, v16, v28;
	[tilespmem:s10+$0xFFFFFFC0] =	vst v27  }
0x29b: {  	v27 =	vld [tilespmem:s17+$0xFFFFFFF0];
	v16 =	vsub.f32 v16, v2;
	[tilespmem:s10+$0xFFFFFFF0] =	vst v31  }
0x29c: {  	v28 =	vld [tilespmem:s17+$0x20];
	[tilespmem:s10+$0x20] =	vst v32  }
0x29d: {  	v30 =	vld [tilespmem:s17+$0x50];
	v16 =	vmul.f32 $1.442695020e+00, v16;
	[tilespmem:s10+$0x50] =	vst v29  }
0x29e: {  	v17 =	vadd.f32 v17, v22;
	v22 =	vld [tilespmem:s17+$0x80];
	[tilespmem:s10+$0x80] =	vst v25;
	s10 =	smov.u32 s11;
	s11 =	smov.u32 s14  }
0x29f: {  	v25 =	vld [tilespmem:s17+$0xFFFFFF60];
	v19 =	vadd.f32 v19, v26;
	(erf) = vpow2.f32 v16  }
0x2a0: {  	vm1 =	vgt.f32 v17, $0.0e+00;
	v26 =	vmul.f32 $2.000000030e-01, v17;
	v20 =	vadd.f32 v20, v27;
	v16 =	vld.idx.msk [tilespmem:v1+s13+$0x13970], $0xffff;
	s13 =	smov.u32 s18  }
0x2a1: {  	vm2 =	vgt.f32 v19, $0.0e+00;
	v27 =	vmul.f32 $2.000000030e-01, v19;
	v21 =	vadd.f32 v21, v28;
	v28 =	vld [tilespmem:s12+$0xFFFFFF40]  }
0x2a2: {  	vm3 =	vgt.f32 v20, $0.0e+00;
	v29 =	vmul.f32 $2.000000030e-01, v20;
	v18 =	vadd.f32 v18, v30;
	v30 =	vld [tilespmem:s12+$0xFFFFFF70]  }
0x2a3: {  	vm4 =	vgt.f32 v21, $0.0e+00;
	v31 =	vmul.f32 $2.000000030e-01, v21;
	v22 =	vadd.f32 v24, v22;
	v24 =	vld [tilespmem:s12+$0xFFFFFFA0]  }
0x2a4: {  	v23 =	vadd.f32 v23, v25;
	vm5 =	vgt.f32 v18, $0.0e+00;
	v25 =	vmul.f32 $2.000000030e-01, v18;
	v32 =	vld [tilespmem:s12+$0xFFFFFFD0]  }
0x2a5: {  	v17 =	vsel vm1, v17, v26;
	vm1 =	vgt.f32 v22, $0.0e+00;
	v35 =	vmul.f32 $2.000000030e-01, v22;
	v33 =	vld [tilespmem:s12+$0x0]  }
0x2a6: {  	v19 =	vsel vm2, v19, v27;
	vm6 =	vgt.f32 v23, $0.0e+00;
	v34 =	vmul.f32 $2.000000030e-01, v23;
	v27 =	vld [tilespmem:s12+$0x30]  }
0x2a7: {  	v20 =	vsel vm3, v20, v29;
	v21 =	vsel vm4, v21, v31;
	v18 =	vsel vm5, v18, v25;
	v25 =	vld [tilespmem:s12+$0x60]  }
0x2a8: {  	v17 =	vsub.f32 v17, v2;
	v22 =	vsel vm1, v22, v35;
	v23 =	vsel vm6, v23, v34;
	v26 =	vpop (erf);
	v29 =	vld [tilespmem:s9+$0xFFFFFF60]  }
0x2a9: {  	v19 =	vsub.f32 v19, v2;
	v23 =	vsub.f32 v23, v2;
	[tilespmem:s13+$0x13980] =	vst v26;
	v26 =	vmul.f32 v28, v10;
	v28 =	vld [tilespmem:s9+$0xFFFFFF90]  }
0x2aa: {  	v31 =	vmul.f32 $1.442695020e+00, v17;
	v20 =	vsub.f32 v20, v2;
	v21 =	vsub.f32 v21, v2;
	v17 =	vld.idx.msk [tilespmem:v1+s13+$0x13980], $0xffff  }
0x2ab: {  	v18 =	vsub.f32 v18, v2;
	v22 =	vsub.f32 v22, v2;
	v23 =	vmul.f32 $1.442695020e+00, v23;
	v34 =	vld [tilespmem:s17+$0x90];
	[tilespmem:s14+$0xFFFFFF40] =	vst v26  }
0x2ac: {  	v19 =	vmul.f32 $1.442695020e+00, v19;
	v20 =	vmul.f32 $1.442695020e+00, v20;
	v26 =	vld [tilespmem:s12+$0xFFFFFF50]  }
0x2ad: {  	v21 =	vmul.f32 $1.442695020e+00, v21;
	v18 =	vmul.f32 $1.442695020e+00, v18;
	v35 =	vld [tilespmem:s9+$0xFFFFFFC0]  }
0x2ae: {  	v22 =	vmul.f32 $1.442695020e+00, v22;
	(erf) = vpow2.f32 v23;
	v36 =	vld [tilespmem:s9+$0xFFFFFFF0]  }
0x2af: {  	v23 =	vmul.f32 v30, v13;
	(erf) = vpow2.f32 v31;
	v30 =	vld [tilespmem:s9+$0x20]  }
0x2b0: {  	v31 =	vmul.f32 v34, v17;
	(erf) = vpow2.f32 v19;
	v19 =	vld [tilespmem:s9+$0x50]  }
0x2b1: {  	s14 =	sadd.s32 $0x180, s14;
	(erf) = vpow2.f32 v20;
	[tilespmem:s11+$0xFFFFFF70] =	vst v23;
	v20 =	vmul.f32 v24, v15;
	v34 =	vld [tilespmem:s9+$0x80];
	s9 =	smov.u32 s12;
	s12 =	smov.u32 s17  }
0x2b2: {  	v23 =	vmul.f32 v32, v14;
	[tilespmem:s14+$0x90] =	vst v31;
	(erf) = vpow2.f32 v21;
	v21 =	vld [tilespmem:s9+$0xFFFFFF80]  }
0x2b3: {  	v31 =	vld [tilespmem:s17+$0xA0];
	(erf) = vpow2.f32 v18;
	[tilespmem:s11+$0xFFFFFFA0] =	vst v20;
	v18 =	vmul.f32 v33, v12  }
0x2b4: {  	(erf) = vpow2.f32 v22;
	v20 =	vld [tilespmem:s9+$0xFFFFFFB0];
	[tilespmem:s11+$0xFFFFFFD0] =	vst v23;
	v22 =	vmul.f32 v27, v11  }
0x2b5: {  	v32 =	vmul.f32 v25, v16;
	v23 =	vmul.f32 v26, v10;
	v26 =	vld [tilespmem:s9+$0xFFFFFFE0];
	[tilespmem:s11+$0x0] =	vst v18  }
0x2b6: {  	v27 =	vmul.f32 v28, v4;
	v25 =	vld [tilespmem:s9+$0x10];
	[tilespmem:s11+$0x30] =	vst v22;
	v22 =	vmul.f32 v29, v3  }
0x2b7: {  	v29 =	vmul.f32 v35, v8;
	v28 =	vpop (erf);
	v24 =	vmul.f32 v21, v13;
	v21 =	vld [tilespmem:s9+$0x40];
	[tilespmem:s11+$0x60] =	vst v32  }
0x2b8: {  	v37 =	vmul.f32 v36, v5;
	[tilespmem:s13+$0x13910] =	vst v28;
	v35 =	vmul.f32 v31, v17;
	v18 =	vpop (erf);
	v32 =	vld [tilespmem:s9+$0x70];
	v22 =	vsel vm0, v22, v3  }
0x2b9: {  	v38 =	vmul.f32 v30, v6;
	v3 =	vmov v10;
	[tilespmem:s13+$0x13920] =	vst v18;
	v33 =	vpop (erf);
	v28 =	vmul.f32 v20, v15;
	v10 =	vld.idx.msk [tilespmem:v1+s13+$0x13910], $0xffff  }
0x2ba: {  	v39 =	vmul.f32 v19, v7;
	v18 =	vld.idx.msk [tilespmem:v1+s13+$0x13920], $0xffff;
	[tilespmem:s14+$0xA0] =	vst v35;
	v20 =	vpop (erf);
	v30 =	vmul.f32 v26, v14  }
.Ltmp4:
0x2bb: {  	v26 =	vsel vm0, v27, v4;
	[tilespmem:s13+$0x13930] =	vst v33;
	v36 =	vld [tilespmem:s17+$0xB0];
	v31 =	vpop (erf);
	v33 =	vmul.f32 v25, v12;
	v25 =	vmul.f32 v34, v9;
	(pc) =	sbr.rel @p0 .LBB2_10-.Ltmp4, $4  }
0x2bc: {  	v27 =	vsel vm0, v29, v8;
	v4 =	vmov v13;
	v19 =	vld.idx.msk [tilespmem:v1+s13+$0x13930], $0xffff;
	[tilespmem:s13+$0x13940] =	vst v20;
	v40 =	vpop (erf);
	v34 =	vmul.f32 v21, v11  }
0x2bd: {  	v8 =	vmov v15;
	v20 =	vld.idx.msk [tilespmem:v1+s13+$0x13940], $0xffff;
	[tilespmem:s13+$0x13950] =	vst v31;
	v13 =	vpop (erf);
	v35 =	vmul.f32 v32, v16;
	v31 =	vsel vm0, v37, v5  }
0x2be: {  	v29 =	vsel vm0, v39, v7;
	v32 =	vsel vm0, v38, v6;
	v5 =	vmov v14;
	v21 =	vld.idx.msk [tilespmem:v1+s13+$0x13950], $0xffff;
	[tilespmem:s13+$0x13960] =	vst v40  }
0x2bf: {  	s16 =	sadd.s32 $0x200, s16;
	v7 =	vmovc v11;
	s17 =	sadd.s32 $0x180, s17;
	v25 =	vsel vm0, v25, v9;
	v9 =	vmov v16;
	v6 =	vmov v12;
	[tilespmem:s13+$0x13970] =	vst v13;
	v11 =	vld.idx.msk [tilespmem:v1+s13+$0x13960], $0xffff  }
0x2c0: {  	[tilespmem:s11+$0xFFFFFF50] =	vst v23  }
0x2c1: {  	[tilespmem:s11+$0xFFFFFF80] =	vst v24  }
0x2c2: {  	[tilespmem:s11+$0xFFFFFFB0] =	vst v28  }
0x2c3: {  	[tilespmem:s11+$0xFFFFFFE0] =	vst v30  }
0x2c4: {  	[tilespmem:s11+$0x10] =	vst v33  }
0x2c5: {  	[tilespmem:s11+$0x40] =	vst v34  }
0x2c6: {  	[tilespmem:s11+$0x70] =	vst v35;
	v12 =	vld [tilespmem:s12+$0xFFFFFF40]  }
0x2c7: {  	[tilespmem:s10+$0xFFFFFF60] =	vst v22;
	v13 =	vld [tilespmem:s12+$0xFFFFFF70]  }
0x2c8: {  	[tilespmem:s10+$0xFFFFFF90] =	vst v26;
	v14 =	vld [tilespmem:s12+$0xFFFFFFA0]  }
0x2c9: {  	[tilespmem:s10+$0xFFFFFFC0] =	vst v27;
	v15 =	vld [tilespmem:s12+$0xFFFFFFD0]  }
0x2ca: {  	[tilespmem:s10+$0xFFFFFFF0] =	vst v31;
	v16 =	vld [tilespmem:s12+$0x0]  }
0x2cb: {  	v2 =	vmul.f32 v36, v17;
	[tilespmem:s10+$0x20] =	vst v32;
	v30 =	vld [tilespmem:s12+$0x30]  }
0x2cc: {  	[tilespmem:s10+$0x50] =	vst v29;
	v31 =	vld [tilespmem:s12+$0x60]  }
0x2cd: {  	[tilespmem:s10+$0x80] =	vst v25;
	v23 =	vld [tilespmem:s9+$0xFFFFFF60];
	v2 =	vsel vm0, v2, v17;
	v12 =	vmul.f32 v12, v10  }
0x2ce: {  	v24 =	vld [tilespmem:s9+$0xFFFFFF90];
	[tilespmem:s14+$0xB0] =	vst v2;
	v13 =	vmul.f32 v13, v18  }
0x2cf: {  	v48 =	vld [tilespmem:s9+$0x20];
	v32 =	vmul.f32 v14, v19;
	[tilespmem:s14+$0xFFFFFF40] =	vst v12  }
0x2d0: {  	v49 =	vld [tilespmem:s9+$0x50];
	v34 =	vmul.f32 v15, v20;
	[tilespmem:s14+$0xFFFFFF70] =	vst v13  }
0x2d1: {  	v50 =	vld [tilespmem:s9+$0x80];
	v36 =	vmul.f32 v16, v21;
	[tilespmem:s14+$0xFFFFFFA0] =	vst v32  }
0x2d2: {  	v2 =	vld.idx.msk [tilespmem:v1+s13+$0x13970], $0xffff;
	v38 =	vmul.f32 v30, v11;
	v23 =	vmul.f32 v23, v3;
	[tilespmem:s14+$0xFFFFFFD0] =	vst v34  }
0x2d3: {  	v46 =	vld [tilespmem:s9+$0xFFFFFFC0];
	v24 =	vmul.f32 v24, v4;
	[tilespmem:s14+$0x0] =	vst v36  }
0x2d4: {  	v52 =	vmul.f32 v48, v6;
	[tilespmem:s14+$0x30] =	vst v38;
	v33 =	vld [tilespmem:s12+$0xFFFFFF50];
	v3 =	vsel vm0, v23, v3  }
0x2d5: {  	v54 =	vmul.f32 v49, v7;
	v35 =	vld [tilespmem:s12+$0xFFFFFF80];
	v4 =	vsel vm0, v24, v4;
	[tilespmem:s11+$0xFFFFFF60] =	vst v3  }
0x2d6: {  	v37 =	vld [tilespmem:s12+$0xFFFFFFB0];
	v6 =	vsel vm0, v52, v6;
	[tilespmem:s11+$0xFFFFFF90] =	vst v4  }
0x2d7: {  	v56 =	vmul.f32 v50, v9;
	v39 =	vld [tilespmem:s12+$0xFFFFFFE0];
	v40 =	vmul.f32 v31, v2;
	v7 =	vsel vm0, v54, v7;
	[tilespmem:s11+$0x20] =	vst v6  }
0x2d8: {  	v41 =	vld [tilespmem:s12+$0x10];
	[tilespmem:s11+$0x50] =	vst v7  }
0x2d9: {  	v43 =	vld [tilespmem:s12+$0x40];
	v9 =	vsel vm0, v56, v9;
	[tilespmem:s14+$0x60] =	vst v40;
	v42 =	vmul.f32 v33, v10  }
0x2da: {  	[tilespmem:s11+$0x80] =	vst v9;
	v45 =	vld [tilespmem:s12+$0x70];
	v44 =	vmul.f32 v35, v18  }
0x2db: {  	v47 =	vld [tilespmem:s9+$0xFFFFFFF0];
	v16 =	vmul.f32 v37, v19;
	[tilespmem:s14+$0xFFFFFF50] =	vst v42  }
0x2dc: {  	v17 =	vmul.f32 v39, v20;
	[tilespmem:s14+$0xFFFFFF80] =	vst v44;
	v51 =	vld [tilespmem:s12+$0xFFFFFF60]  }
0x2dd: {  	v22 =	vmul.f32 v41, v21;
	[tilespmem:s14+$0xFFFFFFB0] =	vst v16;
	v3 =	vld [tilespmem:s12+$0xFFFFFF90]  }
0x2de: {  	v14 =	vmul.f32 v43, v11;
	[tilespmem:s14+$0xFFFFFFE0] =	vst v17;
	v53 =	vld [tilespmem:s12+$0xFFFFFFC0]  }
0x2df: {  	v13 =	vmul.f32 v46, v8;
	[tilespmem:s14+$0x10] =	vst v22;
	v15 =	vmul.f32 v45, v2;
	v55 =	vld [tilespmem:s12+$0xFFFFFFF0]  }
0x2e0: {  	v12 =	vmul.f32 v47, v5;
	[tilespmem:s14+$0x40] =	vst v14;
	v57 =	vld [tilespmem:s12+$0x20]  }
0x2e1: {  	v8 =	vsel vm0, v13, v8;
	v58 =	vld [tilespmem:s12+$0x50];
	[tilespmem:s14+$0x70] =	vst v15;
	v59 =	vmul.f32 v51, v10  }
0x2e2: {  	v5 =	vsel vm0, v12, v5;
	[tilespmem:s11+$0xFFFFFFC0] =	vst v8;
	v60 =	vld [tilespmem:s12+$0x80];
	v3 =	vmul.f32 v3, v18  }
0x2e3: {  	[tilespmem:s11+$0xFFFFFFF0] =	vst v5;
	v4 =	vmul.f32 v53, v19;
	v61 =	vsel vm0, v59, v10  }
0x2e4: {  	v8 =	vmul.f32 v55, v20;
	v3 =	vsel vm0, v3, v18;
	[tilespmem:s14+$0xFFFFFF60] =	vst v61  }
0x2e5: {  	v5 =	vmul.f32 v57, v21;
	v4 =	vsel vm0, v4, v19;
	[tilespmem:s14+$0xFFFFFF90] =	vst v3  }
0x2e6: {  	v62 =	vsel vm0, v8, v20;
	v3 =	vmul.f32 v58, v11;
	[tilespmem:s14+$0xFFFFFFC0] =	vst v4  }
0x2e7: {  	v5 =	vsel vm0, v5, v21;
	v63 =	vmul.f32 v60, v2;
	[tilespmem:s14+$0xFFFFFFF0] =	vst v62  }
0x2e8: {  	[tilespmem:s14+$0x20] =	vst v5;
	v3 =	vsel vm0, v3, v11  }
0x2e9: {  	v2 =	vsel vm0, v63, v2;
	[tilespmem:s14+$0x50] =	vst v3  }
0x2ea: {  	s17 =	simm.s32 $0xC880;
	[tilespmem:s14+$0x80] =	vst v2  }
0x2eb: {  	[spmem:s2] =	stream.indirect.scatter.add.f32 [tilespmem:s0], [sflag:$0x3], $0x30, s17, s26, $0xb8;
	[tilespmem:$0x14D10] =	vst v63  }
0x2ec: {  	_ =	swait.ge [sflag:s8], $0x1800  }
0x2ed: {  	[sflag:s8] =	ssyncset.done $0x0  }
0x2ee: {  	[sflag:s8] =	ssyncadd.s32 $0xFFFFE800  }
0x2ef: {  	_ =	swait.ge [sflag:s6], $0x1800  }
0x2f0: {  	[sflag:s6] =	ssyncset.done $0x0  }
0x2f1: {  	s18 =	stileid.u32;
	[sflag:s6] =	ssyncadd.s32 $0xFFFFE800  }
0x2f2: {  	s9 =	sshll.u32 s18, $0x6;
	[bflag:$0x0] =	sbarrier.arrive $0xFFFF  }
0x2f3: {  	s19 =	sshrl.u32 s7, $0x3;
	s9 =	sor.u32 $0x1C05, s9;
	s20 =	rddreg [dreg:$0x10]  }
0x2f4: {  	[hbm:s20], [sflag:s9] =	dma.local [spmem:s19], $0xF00  }
0x2f5: {  	_ =	swait.ge [sflag:s22], $0xF00  }
0x2f6: {  	s3 =	sadd.s32 $0x1, s3;
	s23 =	rddreg [dreg:$0x11]  }
0x2f7: {  	p0 =	sne.s32 s3, s23  }
.Ltmp5:
0x2f8: {  	_ = 	snop;
	(pc) =	sbr.rel @p0 .LBB2_1-.Ltmp5, $3  }
0x2f9: {  	_ =	sdelay $0x1  }
0x2fa: {  	[sflag:s22] =	ssyncset.done $0x0  }
0x2fb: {  	[sflag:s22] =	ssyncadd.s32 $0xFFFFF100  }
0x2fc: {  	_ =	sfence.sel $0x180000  }
0x2fd: {  	[bflag:$0x0] =	sbarrier.arrive $0xFFFF  }
0x2fe: {  	_ =	strace $0x9000004A  }
0x2ff: {  	s0 =	stileid.u32;
	[bflag:$0x2] =	sbarrier.arrive $0xFFFF  }
0x300: {  	p0 =	sne.s32 s0, $0x0;
	s0 =	rddreg [dreg:$0x3]  }
0x301: {  	s0 =	sadd.s32 @!p0 $0x100000, s0  }
0x302: {  	[sflag:s0] =	ssyncadd.tile.s32 @!p0 $0x1;
	_ =	shalt  }
.Lfunc_end2:
_tile_overlayer_lowered:
.L_overlay_start_2:
0x303: {  	(tag) =	ssettag $0x2  }
0x304: {  	s0 =	rddreg [dreg:$0x0];
	s2 =	stileid.u32  }
0x305: {  	s1 =	rddreg [dreg:$0x1];
	p0 =	sne.s32 s2, $0x0  }
0x306: {  	s3 =	rddreg [dreg:$0x2];
	[bflag:$0x3] =	sbarrier.arrive $0xFFFF;
	s2 =	simm.s32 @!p0 $0x1C05  }
0x307: {  	[timem:s3], [sflag:s2] =	dma.local @!p0 [hbm:s0], s1  }
0x308: {  	s0 =	simm.s32 @!p0 $0x5  }
0x309: {  	_ =	swait.ge @!p0 [sflag:s0], s1  }
0x30a: {  	s1 =	ssub.s32 @!p0 $0x0, s1;
	[sflag:s0] =	ssyncset.done @!p0 $0x0  }
0x30b: {  	[sflag:s0] =	ssyncadd.s32 @!p0 s1  }
0x30c: {  	[bflag:$0x3] =	sbarrier.arrive $0xFFFF  }
0x30d: {  	_ =	shalt  }

// kernel: kernel.7.cloned.1.call-start
scs
__scs_entry_jumppad:
0x0: {  	(pc) =	sbr.rel $0x88, $3  }
0x1: {  	(tag) =	ssettag $0x0;
	lr =	simm.s32 $0x1  }
0x2: {  	[smem:$0x3F93] =	sst lr;
	_ =	strace $0xD0000000  }
0x3: {  	_ = 	snop  }
0x4: {  	_ = 	snop  }
0x5: {  	_ = 	snop  }
0x6: {  	_ = 	snop  }
0x7: {  	_ = 	snop  }
__scs_overlays_trampoline_lowered:
0x8: {  	[smem:$0x3FA2] =	sst s0  }
0x9: {  	[smem:$0x3FA3] =	sst s1  }
0xa: {  	[smem:$0x3FA4] =	sst s2  }
0xb: {  	[smem:$0x3FA5] =	sst s3  }
0xc: {  	[smem:$0x3FA6] =	sst s4  }
0xd: {  	[smem:$0x3FA7] =	sst s5  }
0xe: {  	[smem:$0x3FA8] =	sst s6  }
0xf: {  	[smem:$0x3FA9] =	sst s7  }
0x10: {  	[smem:$0x3FAA] =	sst s8  }
0x11: {  	[smem:$0x3FAB] =	sst s9;
	s0 =	simm.s32 @!p0 $0x0  }
0x12: {  	s1 =	sld [smem:$0x3F91];
	s0 =	simm.s32 @p0 $0x1  }
0x13: {  	[smem:$0x3FAC] =	sst s0;
	s0 =	simm.s32 @!p1 $0x0  }
0x14: {  	s2 =	sld [smem:$0x3F90];
	s0 =	simm.s32 @p1 $0x1  }
0x15: {  	[smem:$0x3FAD] =	sst s0;
	s0 =	simm.s32 @!p2 $0x0  }
0x16: {  	s3 =	sld [smem:$0x3FDB];
	s0 =	simm.s32 @p2 $0x1  }
0x17: {  	s4 =	simm.s32 $0x1BF5;
	[smem:$0x3FAF] =	sst s0  }
0x18: {  	s0 =	sld [smem:$0x3F92];
	_ =	swait.ge [sflag:s4], $0x0  }
0x19: {  	s7 =	sld [smem:$0x3F93]  }
0x1a: {  	s8 =	sadd.s32 $0xFFFFE003, lr  }
0x1b: {  	s9 =	sadd.s32 $0xFFFFFEF7, lr;
	s5 =	simm.s32 $0xFFFFFFFF;
	p2 =	slt.u32 s8, $0xFFFFF086  }
0x1c: {  	p1 =	slt.u32 s9, $0xF7A;
	s5 =	simm.s32 @!p2 $0x0  }
0x1d: {  	s5 =	simm.s32 @p1 $0x1;
	p0 =	seq.s32 s7, s2  }
0x1e: {  	s7 =	smul.u32 @!p0 $0xF7A, s2;
	p2 =	seq.s32 @!p0 s5, $0x0  }
0x1f: {  	s9 =	smul.u32 $0xF7A, s1;
	s8 =	simm.s32 @!p0 $0x1BF5;
	p2 =	por !p2, p0  }
0x20: {  	[sflag:s8] =	ssyncset.s32 @!p0 $0xFFFFF086;
	s6 =	sadd.s32 @!p0 s3, s7;
	s7 =	simm.s32 @!p0 $0x108  }
0x21: {  	s3 =	sadd.s32 s3, s9;
	s6 =	sadd.s32 @!p0 $0x88, s6;
	s7 =	simm.s32 @p2 $0x1082  }
0x22: {  	[simem:s7], [sflag:s8] =	dma.local @!p0 [hbm:s6], $0xF7A  }
0x23: {  	s9 =	sor.u32 $0xD0000000, s2;
	s6 =	simm.s32 $0x108;
	_ =	swait.ge @!p0 [sflag:s8], $0x0  }
0x24: {  	s3 =	sadd.s32 $0x88, s3;
	s6 =	simm.s32 @!p1 $0x1082;
	[sflag:s4] =	ssyncset.s32 $0xFFFFF086  }
0x25: {  	[simem:s6], [sflag:s4] =	dma.local [hbm:s3], $0xF7A  }
0x26: {  	[smem:$0x3F93] =	sst s1;
	(tag) =	ssettag s2;
	_ =	strace s9  }
0x27: {  	s1 =	sld [smem:$0x3FA3]  }
0x28: {  	s2 =	sld [smem:$0x3FA4]  }
0x29: {  	s4 =	sld [smem:$0x3FA6]  }
0x2a: {  	p0 =	seq.s32 s5, $0x0;
	s5 =	sld [smem:$0x3FA7]  }
0x2b: {  	s6 =	sld [smem:$0x3FA8]  }
0x2c: {  	s7 =	sld [smem:$0x3FA9]  }
0x2d: {  	s3 =	simm.s32 $0x108;
	s8 =	sld [smem:$0x3FAA]  }
0x2e: {  	s3 =	simm.s32 @!p0 $0x1082;
	s9 =	sld [smem:$0x3FAB]  }
0x2f: {  	lr =	sadd.s32 s0, s3;
	s0 =	sld [smem:$0x3FA2]  }
0x30: {  	s3 =	sld [smem:$0x3FA5]  }
0x31: {  	[smem:$0x3FAE] =	sst s10  }
0x32: {  	s10 =	sld [smem:$0x3FAC];
	_ =	sdelay $0x3  }
0x33: {  	p0 =	seq.s32 s10, $0x1;
	s10 =	sld [smem:$0x3FAE];
	_ =	sdelay $0x3  }
0x34: {  	[smem:$0x3FAE] =	sst s10  }
0x35: {  	s10 =	sld [smem:$0x3FAD];
	_ =	sdelay $0x3  }
0x36: {  	p1 =	seq.s32 s10, $0x1;
	s10 =	sld [smem:$0x3FAE];
	_ =	sdelay $0x3  }
0x37: {  	[smem:$0x3FAE] =	sst s10  }
0x38: {  	s10 =	sld [smem:$0x3FAF]  }
0x39: {  	_ = 	snop;
	(pc) =	sbr.ind lr, $3  }
0x3a: {  	_ = 	snop  }
0x3b: {  	_ = 	snop  }
0x3c: {  	p2 =	seq.s32 s10, $0x1;
	s10 =	sld [smem:$0x3FAE]  }
0x3d: {  	_ =	shalt  }
0x3e: {  	_ =	shalt  }
0x3f: {  	_ =	shalt  }
0x40: {  	_ =	shalt  }
0x41: {  	_ =	shalt  }
0x42: {  	_ =	shalt  }
0x43: {  	_ =	shalt  }
0x44: {  	_ =	shalt  }
0x45: {  	_ =	shalt  }
0x46: {  	_ =	shalt  }
0x47: {  	_ =	shalt  }
0x48: {  	_ =	shalt  }
0x49: {  	_ =	shalt  }
0x4a: {  	_ =	shalt  }
0x4b: {  	_ =	shalt  }
0x4c: {  	_ =	shalt  }
0x4d: {  	_ =	shalt  }
0x4e: {  	_ =	shalt  }
0x4f: {  	_ =	shalt  }
0x50: {  	_ =	shalt  }
0x51: {  	_ =	shalt  }
0x52: {  	_ =	shalt  }
0x53: {  	_ =	shalt  }
0x54: {  	_ =	shalt  }
0x55: {  	_ =	shalt  }
0x56: {  	_ =	shalt  }
0x57: {  	_ =	shalt  }
0x58: {  	_ =	shalt  }
0x59: {  	_ =	shalt  }
0x5a: {  	_ =	shalt  }
0x5b: {  	_ =	shalt  }
0x5c: {  	_ =	shalt  }
0x5d: {  	_ =	shalt  }
0x5e: {  	_ =	shalt  }
0x5f: {  	_ =	shalt  }
0x60: {  	_ =	shalt  }
0x61: {  	_ =	shalt  }
0x62: {  	_ =	shalt  }
0x63: {  	_ =	shalt  }
0x64: {  	_ =	shalt  }
0x65: {  	_ =	shalt  }
0x66: {  	_ =	shalt  }
0x67: {  	_ =	shalt  }
0x68: {  	_ =	shalt  }
0x69: {  	_ =	shalt  }
0x6a: {  	_ =	shalt  }
0x6b: {  	_ =	shalt  }
0x6c: {  	_ =	shalt  }
0x6d: {  	_ =	shalt  }
0x6e: {  	_ =	shalt  }
0x6f: {  	_ =	shalt  }
0x70: {  	_ =	shalt  }
0x71: {  	_ =	shalt  }
0x72: {  	_ =	shalt  }
0x73: {  	_ =	shalt  }
0x74: {  	_ =	shalt  }
0x75: {  	_ =	shalt  }
0x76: {  	_ =	shalt  }
0x77: {  	_ =	shalt  }
0x78: {  	_ =	shalt  }
0x79: {  	_ =	shalt  }
0x7a: {  	_ =	shalt  }
0x7b: {  	_ =	shalt  }
0x7c: {  	_ =	shalt  }
0x7d: {  	_ =	shalt  }
0x7e: {  	_ =	shalt  }
0x7f: {  	_ =	shalt  }
0x80: {  	_ =	shalt  }
0x81: {  	_ =	shalt  }
0x82: {  	_ =	shalt  }
0x83: {  	_ =	shalt  }
0x84: {  	_ =	shalt  }
0x85: {  	_ =	shalt  }
0x86: {  	_ =	shalt  }
0x87: {  	_ =	shalt  }
.Lfunc_end0:
.L_simem_size_0:
called_computation_lowered:
.L_overlay_start_0:
0x88: {  	s2 =	sld [smem:$0x3FD9]  }
0x89: {  	s3 =	sld [smem:$0x3FFE];
	_ =	sdelay $0x1  }
0x8a: {  	s1 =	srdreg.scid  }
0x8b: {  	s0 =	sand.u32 $0x1, s1  }
0x8c: {  	s17 =	sshll.u32 s0, $0xA;
	s2 =	sadd.s32 s3, s2  }
0x8d: {  	s2 =	sadd.s32 s2, s17  }
0x8e: {  	[smem:$0x3FBA] =	sst s2  }
0x8f: {  	_ = 	snop  }
0x90: {  	s2 =	sld [smem:$0x3FD0];
	(tm) =	ssettm $0x1  }
0x91: {  	s18 =	sld [smem:$0x3FFB];
	_ =	sdelay $0x3  }
0x92: {  	_ =	strace s18  }
0x93: {  	s3 =	sld [smem:$0x3FFC];
	_ =	sdelay $0x3  }
0x94: {  	_ =	strace s3  }
0x95: {  	s3 =	sld [smem:$0x3FFD];
	_ =	sdelay $0x3  }
0x96: {  	_ =	strace s3  }
0x97: {  	_ =	strace $0x8FFFFFFF  }
0x98: {  	s19 =	sld [smem:$0x3FDB];
	_ =	sdelay $0x1  }
0x99: {  	s4 =	simm.s32 $_scs_section_size  }
0x9a: {  	s5 =	simm.s32 $_size__tile_overlayer_lowered;
	s6 =	simm.s32 $_tile_overlayer_lowered  }
0x9b: {  	s22 =	simm.s32 $0x1BFF;
	s21 =	sshll.u32 s6, $0x1;
	s3 =	sadd.s32 s4, s19  }
0x9c: {  	s7 =	simm.s32 $0x0;
	s20 =	sshll.u32 s5, $0x1;
	s5 =	sadd.s32 s21, s3  }
0x9d: {  	[timem:s7], [sflag:s22] =	dma.local [hbm:s5], s20  }
0x9e: {  	_ =	swait.ge [sflag:s22], s20  }
0x9f: {  	s4 =	ssub.s32 $0x0, s20;
	[sflag:s22] =	ssyncset.done $0x0  }
0xa0: {  	[sflag:s22] =	ssyncadd.s32 s4;
	_ =	sdelay $0x1  }
0xa1: {  	s23 =	simm.s32 $0x1B8B  }
0xa2: {  	_ =	swait.ge [sflag:s23], $0x1  }
0xa3: {  	[sflag:s23] =	ssyncset.done $0x0  }
0xa4: {  	s25 =	simm.s32 $0x1B8E;
	s24 =	sld [smem:$0x3FFE];
	[sflag:s23] =	ssyncadd.s32 $0xFFFFFFFF  }
0xa5: {  	s26 =	simm.s32 $execute0_lowered;
	[smem:$0x3FD2] =	sst s25  }
0xa6: {  	s5 =	sshll.u32 s26, $0x1;
	_ =	strace $0x80000046;
	[dreg:$0x1] =	wrdreg $0xFFFFFFFF  }
0xa7: {  	s28 =	simm.s32 $_size_execute0_lowered;
	s3 =	sadd.s32 s3, s5;
	[dreg:$0x0] =	wrdreg $0x0  }
0xa8: {  	s5 =	sshll.u32 s28, $0x1;
	[dreg:$0x2] =	wrdreg s3  }
0xa9: {  	[dreg:$0x3] =	wrdreg s5  }
0xaa: {  	[dreg:$0x4] =	wrdreg $0xC0  }
0xab: {  	_ =	task [dreg:s7], $0x5FFFF  }
0xac: {  	[dreg:$0x1] =	wrdreg $0xFFFFFFFF  }
0xad: {  	[dreg:$0x0] =	wrdreg $0x60  }
0xae: {  	[dreg:$0x2] =	wrdreg s2  }
0xaf: {  	[dreg:$0x3] =	wrdreg s24  }
0xb0: {  	[dreg:$0x4] =	wrdreg $0x0  }
0xb1: {  	[dreg:$0x5] =	wrdreg $0x9  }
0xb2: {  	_ =	task.clear_ibuf [dreg:s7], $0x6FFFF;
	_ =	strace $0x90000046  }
0xb3: {  	s29 =	simm.s32 $0x9;
	_ =	strace $0x80000048  }
0xb4: {  	_ =	swait.ge [sflag:s29], $0x1  }
0xb5: {  	[sflag:s29] =	ssyncadd.s32 $0xFFFFFFFF  }
0xb6: {  	_ =	strace $0x90000048  }
0xb7: {  	_ =	sfence  }
0xb8: {  	s30 =	sld [smem:$0x0];
	_ =	sdelay $0x2  }
0xb9: {  	s31 =	sshll.u32 s1, $0xD;
	s1 =	sshrl.u32 s1, $0x2  }
0xba: {  	s3 =	sand.u32 $0x4000, s31;
	s1 =	sadd.s32 s1, s30  }
0xbb: {  	s0 =	sor.u32 s3, s0;
	s1 =	sshll.u32 s1, $0x11  }
0xbc: {  	s0 =	sor.u32 s1, s0  }
0xbd: {  	s0 =	sadd.s32 $0x8F2B, s0  }
0xbe: {  	[sflag:s0] =	ssyncadd.remote.s32 $0x1  }
0xbf: {  	_ =	sfence.sel $0xFFFF  }
0xc0: {  	[dreg:$0x0] =	wrdreg $0xFFFFFFFF;
	(pc) =	sbr.abs _section_cstart, $3  }
0xc1: {  	[dreg:$0x1] =	wrdreg $0xFFFFFFFF  }
0xc2: {  	_ =	task.clear_ibuf [dreg:s7], $0x2FFFF;
	_ =	strace $0x9FFFFFFF  }
0xc3: {  	(tm) =	ssettm $0x7FFFFFFF  }
tec
execute0_lowered:
.L_overlay_start_1:
0x0: {  	(tag) =	ssettag $0x1  }
0x1: {  	s0 =	rddreg [dreg:$0x0];
	s1 =	srdreg.scid  }
0x2: {  	s7 =	rddreg [dreg:$0x1];
	s12 =	stileid.u32  }
0x3: {  	s2 =	rddreg [dreg:$0x2];
	s3 =	simm.s32 $0x0;
	s28 =	simm.s32 $0x80  }
0x4: {  	s29 =	simm.s32 $0x11900;
	s30 =	simm.s32 $0x13900;
	s5 =	smul.u32 $0x51, s12  }
0x5: {  	s31 =	simm.s32 $0x14900;
	s1 =	sand.u32 $0x1, s1;
	s9 =	smul.u32 $0xC800, s12  }
0x6: {  	[smem:$0x7FF] =	sst s3;
	s6 =	sadd.s32 $0x1BC00, s7;
	s12 =	smul.u32 $0x32000, s12  }
0x7: {  	s13 =	sadd.s32 $0xCA00, s7;
	s4 =	smul.u32 $0x510, s1;
	_ =	strace $0x80000047  }
0x8: {  	s11 =	smul.u32 $0xC8000, s1;
	[dreg:$0x4] =	wrdreg s13;
	s1 =	ssub.s32 $0x2, s1  }
0x9: {  	s26 =	sshrl.u32 s1, $0x1;
	s12 =	sshrl.u32 s12, $0x2;
	s14 =	sadd.s32 s9, s2  }
0xa: {  	s4 =	sadd.s32 s5, s4;
	s5 =	sadd.s32 $0x16C00, s7;
	s13 =	sadd.s32 s12, s2  }
0xb: {  	s11 =	sadd.s32 s9, s11;
	[dreg:$0x5] =	wrdreg s14;
	s15 =	sadd.s32 $0x1400, s13  }
0xc: {  	s1 =	ssub.s32 s1, s26;
	s16 =	sadd.s32 $0x2800, s13;
	[dreg:$0x6] =	wrdreg s15  }
0xd: {  	s9 =	simm.s32 $0x15900;
	s17 =	sadd.s32 $0x3C00, s13;
	[dreg:$0x7] =	wrdreg s16  }
0xe: {  	s8 =	sshll.u32 s4, $0x4;
	s18 =	sadd.s32 $0x5000, s13;
	[dreg:$0x8] =	wrdreg s17  }
0xf: {  	s4 =	sadd.s32 $0xCC00, s7;
	s19 =	sadd.s32 $0x6400, s13;
	[dreg:$0x9] =	wrdreg s18  }
0x10: {  	s11 =	sshrl.u32 s11, $0x3;
	s20 =	sadd.s32 $0x7800, s13;
	[dreg:$0xa] =	wrdreg s19  }
0x11: {  	s21 =	sadd.s32 $0x8C00, s13;
	s22 =	sadd.s32 $0xA000, s13;
	[dreg:$0xb] =	wrdreg s20  }
0x12: {  	s23 =	sadd.s32 $0xB400, s13;
	s26 =	smax.u32 s1, $0x1;
	[dreg:$0xc] =	wrdreg s21  }
0x13: {  	s1 =	simm.s32 $0x12900;
	s10 =	sadd.s32 s8, s7;
	[dreg:$0xd] =	wrdreg s22  }
0x14: {  	s7 =	sadd.s32 s11, s7;
	[dreg:$0xe] =	wrdreg s23;
	s0 =	sadd.s32 s0, s8  }
0x15: {  	[dreg:$0x12] =	wrdreg s26;
	s23 =	simm.s32 $0x5;
	s26 =	simm.s32 $0x15100  }
0x16: {  	s11 =	simm.s32 $0x18100;
	[dreg:$0xf] =	wrdreg s0;
	s24 =	sadd.s32 $0x2800, s10  }
0x17: {  	v2 =	vlaneseq.u32;
	s25 =	sadd.s32 $0x20C00, s7;
	s0 =	simm.s32 $0x14100;
	[dreg:$0x10] =	wrdreg s24  }
0x18: {  	v0 =	vimm.f32 $0.0e+00;
	v1 =	vand.u32 $0x7, v2;
	v2 =	vor.u32 $0x8, v2;
	s7 =	simm.s32 $0x1;
	s10 =	simm.s32 $0x2;
	[dreg:$0x11] =	wrdreg s25  }
.LBB2_1:
0x19: {  	s12 =	simm.s32 $0x140;
	s8 =	simm.s32 $0x0  }
.LBB2_2:
0x1a: {  	p0 =	sne.s32 s12, $0x4EC0;
	[tilespmem:s8+$0x1A950] =	vst v0;
	s13 =	smov.u32 s12;
	s12 =	sadd.s32 $0x140, s12  }
.Ltmp0:
0x1b: {  	[tilespmem:s8+$0x1A940] =	vst v0;
	(pc) =	sbr.rel @p0 .LBB2_2-.Ltmp0, $4  }
0x1c: {  	[tilespmem:s8+$0x1A930] =	vst v0  }
0x1d: {  	[tilespmem:s8+$0x1A910] =	vst v0  }
0x1e: {  	[tilespmem:s8+$0x1A920] =	vst v0  }
0x1f: {  	s8 =	sshra.s32 s13, $0x2  }
0x20: {  	[tilespmem:s8+$0x1A950] =	vst v0  }
0x21: {  	[tilespmem:s8+$0x1A940] =	vst v0  }
0x22: {  	[tilespmem:s8+$0x1A930] =	vst v0  }
0x23: {  	[tilespmem:s8+$0x1A910] =	vst v0  }
0x24: {  	[tilespmem:s8+$0x1A920] =	vst v0;
	s12 =	simm.s32 $0x1A910  }
0x25: {  	[spmem:s14] =	stream.linear.scatter [tilespmem:s12], [sflag:$0x5], $0x1400, $0x38;
	[tilespmem:$0x1BD10] =	vst v63  }
0x26: {  	_ =	swait.ge [sflag:s23], $0x1400  }
0x27: {  	[sflag:s23] =	ssyncset.done $0x0  }
0x28: {  	s24 =	rddreg [dreg:$0x6];
	[sflag:s23] =	ssyncadd.s32 $0xFFFFEC00  }
0x29: {  	[spmem:s24] =	stream.linear.scatter [tilespmem:s12], [sflag:$0x5], $0x1400, $0x38;
	[tilespmem:$0x1BD10] =	vst v63  }
0x2a: {  	_ =	swait.ge [sflag:s23], $0x1400  }
0x2b: {  	[sflag:s23] =	ssyncset.done $0x0  }
0x2c: {  	s25 =	rddreg [dreg:$0x7];
	[sflag:s23] =	ssyncadd.s32 $0xFFFFEC00  }
0x2d: {  	[spmem:s25] =	stream.linear.scatter [tilespmem:s12], [sflag:$0x5], $0x1400, $0x38;
	[tilespmem:$0x1BD10] =	vst v63  }
0x2e: {  	_ =	swait.ge [sflag:s23], $0x1400  }
0x2f: {  	[sflag:s23] =	ssyncset.done $0x0  }
0x30: {  	s13 =	rddreg [dreg:$0x8];
	[sflag:s23] =	ssyncadd.s32 $0xFFFFEC00  }
0x31: {  	[spmem:s13] =	stream.linear.scatter [tilespmem:s12], [sflag:$0x5], $0x1400, $0x38;
	[tilespmem:$0x1BD10] =	vst v63  }
0x32: {  	_ =	swait.ge [sflag:s23], $0x1400  }
0x33: {  	[sflag:s23] =	ssyncset.done $0x0  }
0x34: {  	s14 =	rddreg [dreg:$0x9];
	[sflag:s23] =	ssyncadd.s32 $0xFFFFEC00  }
0x35: {  	[spmem:s14] =	stream.linear.scatter [tilespmem:s12], [sflag:$0x5], $0x1400, $0x38;
	[tilespmem:$0x1BD10] =	vst v63  }
0x36: {  	_ =	swait.ge [sflag:s23], $0x1400  }
0x37: {  	[sflag:s23] =	ssyncset.done $0x0  }
0x38: {  	s15 =	rddreg [dreg:$0xa];
	[sflag:s23] =	ssyncadd.s32 $0xFFFFEC00  }
0x39: {  	[spmem:s15] =	stream.linear.scatter [tilespmem:s12], [sflag:$0x5], $0x1400, $0x38;
	[tilespmem:$0x1BD10] =	vst v63  }
0x3a: {  	_ =	swait.ge [sflag:s23], $0x1400  }
0x3b: {  	[sflag:s23] =	ssyncset.done $0x0  }
0x3c: {  	s16 =	rddreg [dreg:$0xb];
	[sflag:s23] =	ssyncadd.s32 $0xFFFFEC00  }
0x3d: {  	[spmem:s16] =	stream.linear.scatter [tilespmem:s12], [sflag:$0x5], $0x1400, $0x38;
	[tilespmem:$0x1BD10] =	vst v63  }
0x3e: {  	_ =	swait.ge [sflag:s23], $0x1400  }
0x3f: {  	[sflag:s23] =	ssyncset.done $0x0  }
0x40: {  	s17 =	rddreg [dreg:$0xc];
	[sflag:s23] =	ssyncadd.s32 $0xFFFFEC00  }
0x41: {  	[spmem:s17] =	stream.linear.scatter [tilespmem:s12], [sflag:$0x5], $0x1400, $0x38;
	[tilespmem:$0x1BD10] =	vst v63  }
0x42: {  	_ =	swait.ge [sflag:s23], $0x1400  }
0x43: {  	[sflag:s23] =	ssyncset.done $0x0  }
0x44: {  	s18 =	rddreg [dreg:$0xd];
	[sflag:s23] =	ssyncadd.s32 $0xFFFFEC00  }
0x45: {  	[spmem:s18] =	stream.linear.scatter [tilespmem:s12], [sflag:$0x5], $0x1400, $0x38;
	[tilespmem:$0x1BD10] =	vst v63  }
0x46: {  	_ =	swait.ge [sflag:s23], $0x1400  }
0x47: {  	[sflag:s23] =	ssyncset.done $0x0  }
0x48: {  	s19 =	rddreg [dreg:$0xe];
	[sflag:s23] =	ssyncadd.s32 $0xFFFFEC00  }
0x49: {  	[spmem:s19] =	stream.linear.scatter [tilespmem:s12], [sflag:$0x5], $0x1400, $0x38;
	[tilespmem:$0x1BD10] =	vst v63  }
0x4a: {  	_ =	swait.ge [sflag:s23], $0x1400  }
0x4b: {  	s21 =	simm.s32 $0x1A900;
	[sflag:s23] =	ssyncset.done $0x0  }
0x4c: {  	s14 =	simm.s32 $0x0;
	s20 =	rddreg [dreg:$0x4];
	[sflag:s23] =	ssyncadd.s32 $0xFFFFEC00  }
0x4d: {  	[tilespmem:s21], [sflag:$0x5] =	stream.linear.gather [hbm4b:s20+s14], $0x10, $0x38;
	[tilespmem:$0x1BD10] =	vst v63  }
0x4e: {  	_ =	swait.ge [sflag:s23], $0x10  }
0x4f: {  	[sflag:s23] =	ssyncset.done $0x0  }
0x50: {  	[sflag:s23] =	ssyncadd.s32 $0xFFFFFFF0  }
0x51: {  	v3 =	vld.idx.msk [tilespmem:v1+s21+$0x0], $0xffff  }
0x52: {  	v4 =	vld.idx.msk [tilespmem:v2+s21+$0x0], $0xffff;
	[bflag:$0x0] =	sbarrier.arrive $0xFFFF  }
0x53: {  	s24 =	simm.s32 $0xC800;
	s22 =	rddreg [dreg:$0xf]  }
0x54: {  	[tilespmem:s24], [sflag:$0x5] =	stream.linear.gather [hbm4b:s22+s14], $0x2880, $0x38;
	[tilespmem:$0x1BD10] =	vst v63  }
0x55: {  	_ =	swait.ge [sflag:s23], $0x2880  }
0x56: {  	[sflag:s23] =	ssyncset.done $0x0  }
0x57: {  	s13 =	simm.s32 $0xF080;
	s25 =	rddreg [dreg:$0x10];
	[sflag:s23] =	ssyncadd.s32 $0xFFFFD780  }
0x58: {  	[tilespmem:s13], [sflag:$0x5] =	stream.linear.gather [hbm4b:s25+s14], $0x2880, $0x38;
	[tilespmem:$0x1BD10] =	vst v63  }
0x59: {  	_ =	swait.ge [sflag:s23], $0x2880  }
0x5a: {  	[sflag:s23] =	ssyncset.done $0x0  }
0x5b: {  	[sflag:s23] =	ssyncadd.s32 $0xFFFFD780  }
0x5c: {  	v3 =	vadd.f32 v4, v3;
	[tilespmem:s29], [sflag:$0x1] =	stream.indirect.gather [hbm4b:s4+s28], $0x20, s24, s28, $0xb8;
	[tilespmem:$0x1BD10] =	vst v63  }
0x5d: {  	_ = 	snop  }
0x5e: {  	v4 =	vmul.f32 $2.000000030e-01, v3;
	[tilespmem:s30], [sflag:$0x1] =	stream.indirect.gather [hbm4b:s5+s28], $0x10, s24, s28, $0xb8;
	[tilespmem:$0x1BD10] =	vst v63  }
0x5f: {  	vm0 =	vgt.f32 v3, $0.0e+00  }
0x60: {  	v3 =	vsel vm0, v3, v4;
	[tilespmem:s31], [sflag:$0x1] =	stream.indirect.gather [hbm4b:s6+s28], $0x10, s13, s28, $0xb8;
	[tilespmem:$0x1BD10] =	vst v63  }
.LBB2_4:
0x61: {  	s16 =	sshll.u32 s14, $0x8  }
0x62: {  	s8 =	sadd.s32 $0xC880, s16  }
0x63: {  	[tilespmem:s1], [sflag:$0x2] =	stream.indirect.gather [hbm4b:s4+s28], $0x20, s8, s28, $0xb8;
	[tilespmem:$0x1BD10] =	vst v63  }
0x64: {  	p0 =	seq.s32 s14, $0x0  }
0x65: {  	[tilespmem:s0], [sflag:$0x2] =	stream.indirect.gather [hbm4b:s5+s28], $0x10, s8, s28, $0xb8;
	[tilespmem:$0x1BD10] =	vst v63  }
0x66: {  	s15 =	sadd.s32 $0xF100, s16;
	s8 =	simm.s32 @!p0 $0x3  }
0x67: {  	[tilespmem:s26], [sflag:$0x2] =	stream.indirect.gather [hbm4b:s6+s28], $0x10, s15, s28, $0xb8;
	[tilespmem:$0x1BD10] =	vst v63  }
0x68: {  	_ =	swait.ge @!p0 [sflag:s8], $0x2800  }
0x69: {  	[sflag:s8] =	ssyncset.done @!p0 $0x0  }
0x6a: {  	[sflag:s8] =	ssyncadd.s32 @!p0 $0xFFFFD800  }
0x6b: {  	_ =	swait.ge [sflag:s7], $0x1000  }
0x6c: {  	[sflag:s7] =	ssyncset.done $0x0  }
0x6d: {  	[sflag:s7] =	ssyncadd.s32 $0xFFFFF000  }
0x6e: {  	_ =	swait.ge [sflag:s7], $0x800  }
0x6f: {  	[sflag:s7] =	ssyncset.done $0x0  }
0x70: {  	[sflag:s7] =	ssyncadd.s32 $0xFFFFF800  }
0x71: {  	_ =	swait.ge [sflag:s7], $0x800  }
0x72: {  	[sflag:s7] =	ssyncset.done $0x0  }
0x73: {  	s20 =	simm.s32 $0x14940;
	[sflag:s7] =	ssyncadd.s32 $0xFFFFF800  }
0x74: {  	s12 =	simm.s32 $0x13940;
	v4 =	vld [tilespmem:s20+$0x10]  }
0x75: {  	v5 =	vld [tilespmem:s12+$0x10];
	_ =	sdelay $0x3  }
0x76: {  	v7 =	vld [tilespmem:s12+$0xFFFFFFE0]  }
0x77: {  	v4 =	vadd.f32 v4, v5;
	v5 =	vld [tilespmem:s20+$0xFFFFFFE0]  }
0x78: {  	v8 =	vld [tilespmem:s12+$0x20]  }
0x79: {  	v9 =	vld [tilespmem:s12+$0x0];
	v6 =	vmul.f32 $2.000000030e-01, v4  }
0x7a: {  	v11 =	vld [tilespmem:s20+$0xFFFFFFD0];
	vm0 =	vgt.f32 v4, $0.0e+00  }
0x7b: {  	v12 =	vld [tilespmem:s12+$0xFFFFFFF0];
	v4 =	vsel vm0, v4, v6  }
0x7c: {  	v6 =	vld [tilespmem:s20+$0x0];
	v4 =	vsub.f32 v4, v3;
	v5 =	vadd.f32 v5, v7  }
0x7d: {  	v13 =	vld [tilespmem:s12+$0x30]  }
0x7e: {  	s22 =	simm.s32 $0x139C0;
	v15 =	vld [tilespmem:s20+$0x30];
	v4 =	vmul.f32 $1.442695020e+00, v4;
	v10 =	vmul.f32 $2.000000030e-01, v5  }
0x7f: {  	v16 =	vld [tilespmem:s22+$0x20];
	vm0 =	vgt.f32 v5, $0.0e+00  }
0x80: {  	s21 =	simm.s32 $0x149C0;
	(erf) = vpow2.f32 v4;
	v4 =	vld [tilespmem:s20+$0x20];
	v5 =	vsel vm0, v5, v10  }
0x81: {  	v19 =	vld [tilespmem:s21+$0x20];
	v6 =	vadd.f32 v6, v9;
	v5 =	vsub.f32 v5, v3  }
0x82: {  	v7 =	vld [tilespmem:s12+$0xFFFFFFD0]  }
0x83: {  	v10 =	vld [tilespmem:s20+$0xFFFFFFF0];
	v14 =	vmul.f32 $2.000000030e-01, v6;
	v5 =	vmul.f32 $1.442695020e+00, v5  }
0x84: {  	s24 =	simm.s32 $0x14A40;
	v21 =	vld [tilespmem:s21+$0xFFFFFFD0];
	vm0 =	vgt.f32 v6, $0.0e+00  }
0x85: {  	s25 =	simm.s32 $0x13A40;
	v34 =	vld [tilespmem:s24+$0xFFFFFFE0];
	v4 =	vadd.f32 v4, v8;
	(erf) = vpow2.f32 v5;
	v5 =	vsel vm0, v6, v14  }
0x86: {  	v35 =	vld [tilespmem:s25+$0xFFFFFFE0];
	v5 =	vsub.f32 v5, v3  }
0x87: {  	v9 =	vld [tilespmem:s12+$0xFFFFFFC0];
	v7 =	vadd.f32 v11, v7;
	v11 =	vmul.f32 $2.000000030e-01, v4  }
0x88: {  	v8 =	vld [tilespmem:s20+$0xFFFFFFC0];
	v10 =	vadd.f32 v10, v12;
	vm0 =	vgt.f32 v4, $0.0e+00;
	v5 =	vmul.f32 $1.442695020e+00, v5  }
0x89: {  	s17 =	simm.s32 $0x15A40;
	v17 =	vmul.f32 $2.000000030e-01, v7;
	v6 =	vpop (erf);
	v4 =	vsel vm0, v4, v11;
	v11 =	vld [tilespmem:s21+$0x10]  }
0x8a: {  	v15 =	vadd.f32 v15, v13;
	s20 =	simm.s32 $0x11980;
	v18 =	vmul.f32 $2.000000030e-01, v10;
	[tilespmem:s17+$0x90] =	vst v6;
	(erf) = vpow2.f32 v5;
	v5 =	vld [tilespmem:s22+$0x10]  }
0x8b: {  	v16 =	vadd.f32 v19, v16;
	vm1 =	vgt.f32 v10, $0.0e+00;
	vm0 =	vgt.f32 v7, $0.0e+00;
	v12 =	vld [tilespmem:s20+$0x20]  }
0x8c: {  	v22 =	vld [tilespmem:s22+$0xFFFFFFE0];
	v10 =	vsel vm1, v10, v18;
	v7 =	vsel vm0, v7, v17;
	v17 =	vmul.f32 $2.000000030e-01, v15  }
0x8d: {  	v18 =	vld [tilespmem:s21+$0xFFFFFFE0];
	v8 =	vadd.f32 v8, v9;
	vm0 =	vgt.f32 v15, $0.0e+00;
	v7 =	vsub.f32 v7, v3  }
0x8e: {  	v34 =	vadd.f32 v34, v35;
	v9 =	vld [tilespmem:s22+$0xFFFFFFD0];
	v15 =	vsel vm0, v15, v17;
	v17 =	vsub.f32 v4, v3  }
0x8f: {  	v25 =	vld [tilespmem:s22+$0x30];
	vm0 =	vgt.f32 v8, $0.0e+00;
	v15 =	vsub.f32 v15, v3;
	v4 =	vmul.f32 $1.442695020e+00, v7  }
0x90: {  	v14 =	vld [tilespmem:s21+$0x0];
	v13 =	vpop (erf);
	v5 =	vadd.f32 v11, v5;
	v11 =	vsub.f32 v10, v3;
	v20 =	vunpack.i.l.bf16.f32 v12  }
0x91: {  	[tilespmem:s17+$0xFFFFFFA0] =	vst v13;
	v10 =	vmul.f32 $1.442695020e+00, v15;
	v15 =	vld [tilespmem:s22+$0x0];
	v12 =	vunpack.i.u.bf16.f32 v12;
	v20 =	vmul.f32 v6, v20  }
0x92: {  	vm0 =	vmmov vm0;
	(erf) = vpow2.f32 v4;
	v7 =	vld [tilespmem:s20+$0xFFFFFFC0];
	v12 =	vmul.f32 v6, v12  }
0x93: {  	v18 =	vadd.f32 v18, v22;
	(erf) = vpow2.f32 v10;
	v10 =	vadd.f32 v21, v9;
	v9 =	vld [tilespmem:s22+$0xFFFFFFF0];
	[tilespmem:s17+$0x50] =	vst v20  }
0x94: {  	vm0 =	vmmov vm0;
	v17 =	vmul.f32 $1.442695020e+00, v17;
	[tilespmem:s17+$0x60] =	vst v12;
	v12 =	vmul.f32 $2.000000030e-01, v5;
	v20 =	vld [tilespmem:s21+$0xFFFFFFF0]  }
0x95: {  	vm2 =	vgt.f32 v18, $0.0e+00;
	vm1 =	vgt.f32 v5, $0.0e+00;
	v21 =	vmul.f32 $2.000000030e-01, v10;
	v19 =	vld [tilespmem:s20+$0x30]  }
0x96: {  	v14 =	vadd.f32 v14, v15;
	v15 =	vld [tilespmem:s21+$0x30];
	v5 =	vsel vm1, v5, v12;
	v12 =	vmul.f32 $2.000000030e-01, v16  }
0x97: {  	vm1 =	vgt.f32 v16, $0.0e+00;
	v24 =	vunpack.i.l.bf16.f32 v7;
	v5 =	vsub.f32 v5, v3  }
0x98: {  	v12 =	vsel vm1, v16, v12;
	v16 =	vmul.f32 $2.000000030e-01, v18;
	vm1 =	vgt.f32 v10, $0.0e+00  }
0x99: {  	v26 =	vmul.f32 $2.000000030e-01, v14;
	v5 =	vmul.f32 $1.442695020e+00, v5;
	v10 =	vsel vm1, v10, v21  }
0x9a: {  	v4 =	vpop (erf);
	v12 =	vsub.f32 v12, v3;
	v16 =	vsel vm2, v18, v16;
	v18 =	vadd.f32 v20, v9  }
0x9b: {  	v23 =	vld [tilespmem:s22+$0xFFFFFFC0];
	[tilespmem:s17+$0x40] =	vst v4;
	vm2 =	vgt.f32 v14, $0.0e+00;
	v27 =	vunpack.i.u.bf16.f32 v19;
	v25 =	vadd.f32 v15, v25  }
0x9c: {  	v22 =	vld [tilespmem:s20+$0x0];
	v10 =	vsub.f32 v10, v3;
	(erf) = vpow2.f32 v5;
	v5 =	vmul.f32 v13, v24  }
0x9d: {  	v20 =	vld [tilespmem:s21+$0xFFFFFFC0];
	v16 =	vsub.f32 v16, v3;
	v24 =	vunpack.i.u.bf16.f32 v7;
	v27 =	vmul.f32 v27, v6  }
0x9e: {  	v14 =	vsel vm2, v14, v26;
	vm3 =	vgt.f32 v18, $0.0e+00;
	v28 =	vmul.f32 $2.000000030e-01, v18  }
0x9f: {  	v9 =	vpop (erf);
	v14 =	vsub.f32 v14, v3;
	v24 =	vmul.f32 v13, v24;
	v16 =	vmul.f32 $1.442695020e+00, v16  }
0xa0: {  	v29 =	vld [tilespmem:s24+$0x0];
	[tilespmem:s17+$0xFFFFFF50] =	vst v9;
	v10 =	vmul.f32 $1.442695020e+00, v10;
	v18 =	vsel vm3, v18, v28;
	v28 =	vmul.f32 $2.000000030e-01, v8  }
0xa1: {  	v30 =	vld [tilespmem:s24+$0x20];
	v21 =	vunpack.i.l.bf16.f32 v22;
	[tilespmem:s17+$0xFFFFFF60] =	vst v5;
	v14 =	vmul.f32 $1.442695020e+00, v14;
	(erf) = vpow2.f32 v16  }
0xa2: {  	[tilespmem:s17+$0xFFFFFF70] =	vst v24;
	v16 =	vunpack.i.u.bf16.f32 v22;
	v15 =	vadd.f32 v20, v23;
	v20 =	vld [tilespmem:s20+$0xFFFFFFA0];
	v8 =	vsel vm0, v8, v28  }
0xa3: {  	v7 =	vpop (erf);
	v5 =	vsub.f32 v18, v3;
	v18 =	vmul.f32 v4, v21;
	v24 =	vld [tilespmem:s20+$0xFFFFFFD0];
	v8 =	vsub.f32 v8, v3  }
0xa4: {  	v31 =	vld [tilespmem:s25+$0x10];
	[tilespmem:s17+$0x130] =	vst v7;
	vm1 =	vgt.f32 v25, $0.0e+00;
	v26 =	vmul.f32 v4, v16;
	(erf) = vpow2.f32 v14  }
0xa5: {  	v23 =	vld [tilespmem:s20+$0x60];
	v28 =	vmul.f32 $2.000000030e-01, v25;
	vm0 =	vgt.f32 v15, $0.0e+00;
	v8 =	vmul.f32 $1.442695020e+00, v8  }
0xa6: {  	v22 =	vld [tilespmem:s25+$0x20];
	vm0 =	vmmov vm0;
	[tilespmem:s17+$0x10] =	vst v26;
	v26 =	vmul.f32 $2.000000030e-01, v34;
	v16 =	vpop (erf);
	(erf) = vpow2.f32 v10  }
0xa7: {  	s18 =	simm.s32 $0x15CC0;
	v10 =	vunpack.i.l.bf16.f32 v19;
	v19 =	vsel vm1, v25, v28;
	(erf) = vpow2.f32 v8;
	v8 =	vld [tilespmem:s24+$0x10]  }
0xa8: {  	s19 =	simm.s32 $0x11A80;
	v61 =	vld [tilespmem:s24+$0xFFFFFFF0];
	v28 =	vunpack.i.l.bf16.f32 v20;
	v20 =	vunpack.i.u.bf16.f32 v20;
	v37 =	vunpack.i.u.bf16.f32 v24;
	[tilespmem:s18+$0x90] =	vst v16  }
0xa9: {  	v19 =	vsub.f32 v19, v3;
	v36 =	vmul.f32 v9, v20;
	v20 =	vunpack.i.l.bf16.f32 v24;
	v21 =	vld [tilespmem:s19+$0x20]  }
0xaa: {  	v25 =	vunpack.i.u.bf16.f32 v23;
	v39 =	vmul.f32 v37, v13;
	v38 =	vmul.f32 v20, v13;
	v13 =	vld [tilespmem:s25+$0xFFFFFFF0]  }
0xab: {  	v33 =	vld [tilespmem:s24+$0xFFFFFFD0];
	v22 =	vadd.f32 v30, v22;
	v32 =	vmul.f32 v10, v6;
	v19 =	vmul.f32 $1.442695020e+00, v19  }
0xac: {  	[tilespmem:s17+$0x80] =	vst v27;
	v14 =	vld [tilespmem:s25+$0xFFFFFFD0];
	v28 =	vmul.f32 v9, v28;
	v25 =	vmul.f32 v7, v25;
	v10 =	vpop (erf);
	v31 =	vadd.f32 v8, v31  }
0xad: {  	v23 =	vunpack.i.l.bf16.f32 v23;
	v60 =	vmul.f32 $2.000000030e-01, v22;
	[tilespmem:s18+$0xFFFFFFA0] =	vst v10;
	(erf) = vpow2.f32 v19;
	v19 =	vld [tilespmem:s25+$0x0]  }
0xae: {  	[tilespmem:s17+$0x0] =	vst v18;
	v30 =	vld [tilespmem:s19+$0xFFFFFFC0];
	v6 =	vunpack.i.l.bf16.f32 v21;
	v21 =	vunpack.i.u.bf16.f32 v21;
	v27 =	vmul.f32 $2.000000030e-01, v31  }
0xaf: {  	[tilespmem:s17+$0x70] =	vst v32;
	v41 =	vadd.f32 v61, v13;
	v6 =	vmul.f32 v16, v6;
	vm2 =	vgt.f32 v31, $0.0e+00  }
0xb0: {  	vm1 =	vgt.f32 v22, $0.0e+00;
	[tilespmem:s17+$0xFFFFFF10] =	vst v28;
	v21 =	vmul.f32 v16, v21;
	v27 =	vsel vm2, v31, v27  }
0xb1: {  	v28 =	vld [tilespmem:s25+$0xFFFFFFC0];
	v62 =	vsel vm1, v22, v60;
	vm3 =	vgt.f32 v41, $0.0e+00;
	[tilespmem:s18+$0x50] =	vst v6;
	v27 =	vsub.f32 v27, v3  }
0xb2: {  	[tilespmem:s18+$0x60] =	vst v21;
	v21 =	vadd.f32 v33, v14;
	vm2 =	vgt.f32 v34, $0.0e+00;
	v19 =	vadd.f32 v29, v19;
	v29 =	vld [tilespmem:s24+$0x30]  }
0xb3: {  	[tilespmem:s17+$0x100] =	vst v25;
	v20 =	vld [tilespmem:s19+$0x30];
	v18 =	vunpack.i.l.bf16.f32 v30;
	v26 =	vsel vm2, v34, v26;
	v6 =	vpop (erf);
	v27 =	vmul.f32 $1.442695020e+00, v27  }
0xb4: {  	(erf) = vpow2.f32 v17;
	v17 =	vld [tilespmem:s25+$0x30];
	v18 =	vmul.f32 v10, v18;
	v13 =	vsub.f32 v26, v3;
	[tilespmem:s18+$0x40] =	vst v6  }
0xb5: {  	[tilespmem:s17+$0xFFFFFF20] =	vst v36;
	v30 =	vunpack.i.u.bf16.f32 v30;
	v24 =	vmul.f32 $2.000000030e-01, v21;
	v8 =	vpop (erf);
	v22 =	vld [tilespmem:s19+$0x0];
	(erf) = vpow2.f32 v27  }
0xb6: {  	v32 =	vld [tilespmem:s20+$0x10];
	vm1 =	vgt.f32 v21, $0.0e+00;
	v14 =	vpop (erf);
	v25 =	vmul.f32 $1.442695020e+00, v13;
	[tilespmem:s18+$0xFFFFFF60] =	vst v18;
	v18 =	vmul.f32 $2.000000030e-01, v41  }
0xb7: {  	vm2 =	vgt.f32 v19, $0.0e+00;
	v31 =	vmul.f32 $2.000000030e-01, v19;
	v34 =	vmul.f32 v10, v30;
	[tilespmem:s17+$0xFFFFFF00] =	vst v14;
	v27 =	vld [tilespmem:s24+$0xFFFFFFC0]  }
0xb8: {  	[tilespmem:s17+$0xFFFFFF90] =	vst v39;
	v40 =	vld [tilespmem:s20+$0xFFFFFF80];
	v26 =	vunpack.i.u.bf16.f32 v20;
	v13 =	vpop (erf);
	(erf) = vpow2.f32 v25;
	v18 =	vsel vm3, v41, v18  }
0xb9: {  	[tilespmem:s17+$0xFFFFFF80] =	vst v38;
	v63 =	vmul.f32 v26, v16;
	v26 =	vadd.f32 v29, v17;
	v17 =	vsel vm2, v19, v31  }
0xba: {  	[tilespmem:s18+$0xFFFFFF50] =	vst v8;
	v19 =	vmul.f32 v7, v23;
	v25 =	vsub.f32 v17, v3;
	v17 =	vunpack.i.u.bf16.f32 v22  }
0xbb: {  	[tilespmem:s18+$0x130] =	vst v13;
	v31 =	vunpack.i.u.bf16.f32 v32;
	v36 =	vunpack.i.l.bf16.f32 v22;
	v22 =	vsub.f32 v18, v3  }
0xbc: {  	s13 =	simm.s32 $0x15F40;
	v29 =	vld [tilespmem:s19+$0xFFFFFFA0];
	[tilespmem:s18+$0x80] =	vst v63;
	v18 =	vsub.f32 v62, v3;
	v23 =	vadd.f32 v27, v28;
	v28 =	vmul.f32 $1.442695020e+00, v25  }
0xbd: {  	s8 =	simm.s32 $0x10;
	s12 =	simm.s32 $0x14AC0;
	s22 =	simm.s32 $0x13AC0;
	[tilespmem:s17+$0xF0] =	vst v19;
	v19 =	vld [tilespmem:s19+$0x60];
	v35 =	vmul.f32 v6, v17;
	v33 =	vunpack.i.u.bf16.f32 v40;
	v30 =	vunpack.i.l.bf16.f32 v40;
	v17 =	vpop (erf)  }
0xbe: {  	s21 =	simm.s32 $0x15F40;
	s25 =	simm.s32 $0x11B80;
	s24 =	simm.s32 $0x11B80;
	v27 =	vld [tilespmem:s20+$0xFFFFFFB0];
	vm2 =	vgt.f32 v23, $0.0e+00;
	(erf) = vpow2.f32 v28;
	v37 =	vmul.f32 v14, v30;
	[tilespmem:s17+$0xE0] =	vst v17;
	v25 =	vpop (erf)  }
.LBB2_5:
0xbf: {  	v21 =	vsel vm1, v21, v24;
	v24 =	vmul.f32 v6, v36  }
0xc0: {  	v28 =	vld [tilespmem:s12+$0x0];
	s8 =	sadd.s32 $0x8, s8;
	[tilespmem:s18+$0x10] =	vst v35;
	v31 =	vmul.f32 v31, v4;
	vm1 =	vmmov vm0;
	vm0 =	vmmov vm2  }
0xc1: {  	v33 =	vmul.f32 v14, v33;
	v32 =	vunpack.i.l.bf16.f32 v32;
	v30 =	vld [tilespmem:s22+$0x20];
	p1 =	slt.u32 s8, $0x78;
	[tilespmem:s18+$0xFFFFFF70] =	vst v34;
	v34 =	vmul.f32 $1.442695020e+00, v11;
	v11 =	vmovc v5;
	v5 =	vmovc v22  }
0xc2: {  	v21 =	vsub.f32 v21, v3;
	v22 =	vmul.f32 $2.000000030e-01, v15;
	v32 =	vmul.f32 v32, v4;
	v35 =	vld [tilespmem:s22+$0xFFFFFFD0];
	v36 =	vpop (erf);
	[tilespmem:s17+$0xFFFFFEC0] =	vst v37  }
0xc3: {  	v20 =	vunpack.i.l.bf16.f32 v20;
	v4 =	vmovc v6;
	v37 =	vld [tilespmem:s19+$0xFFFFFFD0];
	v38 =	vunpack.i.u.bf16.f32 v19;
	[tilespmem:s17+$0xFFFFFED0] =	vst v33;
	(erf) = vpow2.f32 v34  }
0xc4: {  	v20 =	vmul.f32 v20, v16;
	v6 =	vsel vm1, v15, v22;
	v15 =	vmovc v23;
	[tilespmem:s13+$0x90] =	vst v25;
	v22 =	vunpack.i.l.bf16.f32 v29;
	v33 =	vld [tilespmem:s20+$0xFFFFFF90]  }
0xc5: {  	v16 =	vmovc v25;
	v34 =	vmul.f32 $2.000000030e-01, v26;
	v41 =	vsub.f32 v6, v3;
	[tilespmem:s13+$0xFFFFFFA0] =	vst v36;
	v23 =	vld [tilespmem:s25+$0x20];
	v22 =	vmul.f32 v8, v22  }
0xc6: {  	v21 =	vmul.f32 $1.442695020e+00, v21;
	vm1 =	vgt.f32 v26, $0.0e+00;
	v25 =	vld [tilespmem:s12+$0xFFFFFFE0];
	[tilespmem:s18+$0x0] =	vst v24;
	v24 =	vunpack.i.l.bf16.f32 v27  }
0xc7: {  	v29 =	vunpack.i.u.bf16.f32 v29;
	v40 =	vmul.f32 $1.442695020e+00, v41;
	v27 =	vunpack.i.u.bf16.f32 v27;
	v39 =	vld [tilespmem:s12+$0x20];
	[tilespmem:s17+$0x20] =	vst v32  }
0xc8: {  	v26 =	vsel vm1, v26, v34;
	(erf) = vpow2.f32 v21;
	v6 =	vpop (erf);
	[tilespmem:s18+$0x70] =	vst v20;
	v20 =	vmul.f32 v27, v9;
	v21 =	vld [tilespmem:s20+$0x40]  }
0xc9: {  	v26 =	vsub.f32 v26, v3;
	[tilespmem:s18+$0xFFFFFF10] =	vst v22;
	(erf) = vpow2.f32 v40;
	v22 =	vunpack.i.u.bf16.f32 v33;
	v27 =	vld [tilespmem:s20+$0x70]  }
0xca: {  	v38 =	vmul.f32 v13, v38;
	v32 =	vld [tilespmem:s12+$0x10];
	[tilespmem:s13+$0x40] =	vst v6;
	v34 =	vunpack.i.l.bf16.f32 v23;
	v43 =	vmul.f32 v22, v14  }
0xcb: {  	v29 =	vmul.f32 v8, v29;
	v41 =	vmul.f32 v24, v9;
	v9 =	vmovc v8;
	v23 =	vunpack.i.u.bf16.f32 v23;
	v40 =	vld [tilespmem:s12+$0xFFFFFFD0];
	[tilespmem:s17+$0xFFFFFF40] =	vst v20  }
0xcc: {  	v8 =	vmul.f32 v16, v34;
	v23 =	vmul.f32 v16, v23;
	v42 =	vld [tilespmem:s22+$0x10];
	v20 =	vadd.f32 v39, v30;
	[tilespmem:s17+$0xFFFFFEF0] =	vst v43;
	v22 =	vpop (erf)  }
0xcd: {  	v24 =	vmul.f32 $1.442695020e+00, v26;
	v34 =	vld [tilespmem:s25+$0xFFFFFFC0];
	[tilespmem:s17+$0xFFFFFFF0] =	vst v22;
	v26 =	vunpack.i.u.bf16.f32 v21;
	v21 =	vunpack.i.l.bf16.f32 v21  }
0xce: {  	vm1 =	vgt.f32 v20, $0.0e+00;
	[tilespmem:s13+$0x50] =	vst v8;
	v39 =	vld [tilespmem:s20+$0xFFFFFFE0];
	v30 =	vmul.f32 v17, v21;
	v26 =	vmul.f32 v17, v26  }
0xcf: {  	v43 =	vld [tilespmem:s22+$0x0];
	[tilespmem:s13+$0x60] =	vst v23;
	(erf) = vpow2.f32 v24;
	v23 =	vunpack.i.u.bf16.f32 v37;
	v24 =	vunpack.i.l.bf16.f32 v37  }
0xd0: {  	v37 =	vmul.f32 $2.000000030e-01, v20;
	v21 =	vadd.f32 v40, v35;
	v35 =	vld [tilespmem:s22+$0xFFFFFFE0];
	[tilespmem:s17+$0xA0] =	vst v30;
	v40 =	vunpack.i.u.bf16.f32 v27  }
0xd1: {  	v45 =	vunpack.i.l.bf16.f32 v27;
	v44 =	vmul.f32 v24, v10;
	v30 =	vmul.f32 v23, v10;
	v8 =	vpop (erf);
	[tilespmem:s17+$0xB0] =	vst v26  }
0xd2: {  	v37 =	vsel vm1, v20, v37;
	v26 =	vmul.f32 v45, v7;
	v24 =	vmul.f32 $2.000000030e-01, v21;
	v20 =	vld [tilespmem:s25+$0x30];
	v23 =	vpop (erf);
	[tilespmem:s17+$0xFFFFFF30] =	vst v41  }
0xd3: {  	v27 =	vmul.f32 $1.442695020e+00, v12;
	v10 =	vmovc v36;
	v40 =	vmul.f32 v40, v7;
	v7 =	vmovc v13;
	[tilespmem:s13+$0xFFFFFF50] =	vst v8;
	v45 =	vunpack.i.u.bf16.f32 v39;
	v41 =	vld [tilespmem:s20+$0x50]  }
0xd4: {  	v12 =	vmovc v18;
	v13 =	vadd.f32 v32, v42;
	vm1 =	vgt.f32 v21, $0.0e+00;
	v36 =	vld [tilespmem:s22+$0xFFFFFFF0];
	[tilespmem:s18+$0x100] =	vst v38;
	v32 =	vmul.f32 v22, v45  }
0xd5: {  	v18 =	vadd.f32 v25, v35;
	v25 =	vunpack.i.l.bf16.f32 v34;
	v38 =	vld [tilespmem:s25+$0x0];
	v35 =	vunpack.i.l.bf16.f32 v39;
	[tilespmem:s17+$0x30] =	vst v31  }
0xd6: {  	v33 =	vunpack.i.l.bf16.f32 v33;
	v39 =	vmul.f32 $2.000000030e-01, v13;
	v31 =	vld [tilespmem:s12+$0xFFFFFFF0];
	v35 =	vmul.f32 v22, v35;
	[tilespmem:s17+$0xFFFFFFC0] =	vst v32  }
0xd7: {  	vm2 =	vgt.f32 v13, $0.0e+00;
	s13 =	sadd.s32 $0x280, s13;
	v25 =	vmul.f32 v10, v25;
	v32 =	vmul.f32 $2.000000030e-01, v18;
	[tilespmem:s18+$0xFFFFFF00] =	vst v23  }
0xd8: {  	s25 =	sadd.s32 $0x100, s25;
	vm3 =	vgt.f32 v18, $0.0e+00;
	v39 =	vsel vm2, v13, v39;
	v13 =	vpop (erf);
	v42 =	vld [tilespmem:s19+$0xFFFFFF80];
	(erf) = vpow2.f32 v27;
	[tilespmem:s17+$0xFFFFFFB0] =	vst v35  }
0xd9: {  	v34 =	vunpack.i.u.bf16.f32 v34;
	v27 =	vsub.f32 v39, v3;
	v39 =	vunpack.i.u.bf16.f32 v41;
	v35 =	vld [tilespmem:s20+$0xFFFFFFF0];
	[tilespmem:s17+$0x110] =	vst v26;
	s20 =	smov.u32 s19;
	s19 =	smov.u32 s24;
	s24 =	smov.u32 s25  }
0xda: {  	v28 =	vadd.f32 v28, v43;
	v18 =	vsel vm3, v18, v32;
	v45 =	vld [tilespmem:s22+$0xFFFFFFC0];
	[tilespmem:s21+$0xFFFFFF60] =	vst v25;
	v25 =	vmul.f32 v39, v17  }
0xdb: {  	v26 =	vmul.f32 $1.442695020e+00, v27;
	v27 =	vunpack.i.l.bf16.f32 v41;
	v36 =	vadd.f32 v31, v36;
	v31 =	vld [tilespmem:s22+$0x30];
	[tilespmem:s17+$0x120] =	vst v40  }
0xdc: {  	v19 =	vunpack.i.l.bf16.f32 v19;
	v33 =	vmul.f32 v33, v14;
	v14 =	vmovc v23;
	v18 =	vsub.f32 v18, v3;
	v39 =	vld [tilespmem:s12+$0x30];
	[tilespmem:s17+$0xD0] =	vst v25  }
0xdd: {  	vm3 =	vgt.f32 v28, $0.0e+00;
	v17 =	vmul.f32 v27, v17;
	(erf) = vpow2.f32 v26;
	[tilespmem:s18+$0xFFFFFF20] =	vst v29;
	v32 =	vld [tilespmem:s20+$0x10]  }
0xde: {  	v18 =	vmul.f32 $1.442695020e+00, v18;
	vm2 =	vgt.f32 v36, $0.0e+00;
	v27 =	vld [tilespmem:s20+$0xFFFFFFB0];
	[tilespmem:s17+$0xFFFFFEE0] =	vst v33;
	v23 =	vunpack.i.l.bf16.f32 v35  }
0xdf: {  	v29 =	vmul.f32 $2.000000030e-01, v36;
	v26 =	vunpack.i.u.bf16.f32 v20;
	v25 =	vld [tilespmem:s12+$0xFFFFFFC0];
	v23 =	vmul.f32 v23, v22;
	[tilespmem:s17+$0xC0] =	vst v17  }
0xe0: {  	v33 =	vmul.f32 $2.000000030e-01, v28;
	v40 =	vmul.f32 v26, v16;
	v35 =	vunpack.i.u.bf16.f32 v35;
	[tilespmem:s21+$0x130] =	vst v13  }
0xe1: {  	v26 =	vadd.f32 v39, v31;
	(erf) = vpow2.f32 v18;
	v17 =	vpop (erf);
	[tilespmem:s17+$0xFFFFFFD0] =	vst v23;
	v18 =	vmul.f32 v35, v22  }
0xe2: {  	v19 =	vmul.f32 v7, v19;
	v22 =	vsel vm3, v28, v33;
	v33 =	vunpack.i.u.bf16.f32 v42;
	[tilespmem:s21+$0x80] =	vst v40  }
.Ltmp1:
0xe3: {  	v34 =	vmul.f32 v10, v34;
	v28 =	vunpack.i.u.bf16.f32 v38;
	v22 =	vsub.f32 v22, v3;
	[tilespmem:s17+$0xFFFFFFE0] =	vst v18;
	s17 =	smov.u32 s18;
	s18 =	smov.u32 s21;
	(pc) =	sbr.rel @p1 .LBB2_5-.Ltmp1, $4  }
0xe4: {  	v35 =	vmul.f32 v6, v28;
	v31 =	vunpack.i.u.bf16.f32 v32;
	s21 =	smov.u32 s13;
	v23 =	vadd.f32 v25, v45;
	[tilespmem:s17+$0xFFFFFF80] =	vst v44  }
0xe5: {  	v18 =	vsel vm2, v36, v29;
	v36 =	vunpack.i.l.bf16.f32 v38;
	v28 =	vmul.f32 $1.442695020e+00, v22;
	[tilespmem:s17+$0xF0] =	vst v19  }
0xe6: {  	v22 =	vsub.f32 v18, v3;
	v18 =	vsub.f32 v37, v3;
	v37 =	vunpack.i.l.bf16.f32 v42;
	v25 =	vpop (erf);
	v19 =	vld [tilespmem:s19+$0x60];
	[tilespmem:s17+$0xE0] =	vst v17  }
0xe7: {  	s22 =	sadd.s32 $0x80, s22;
	s12 =	sadd.s32 $0x80, s12;
	v37 =	vmul.f32 v14, v37;
	vm2 =	vgt.f32 v23, $0.0e+00;
	(erf) = vpow2.f32 v28;
	v29 =	vld [tilespmem:s19+$0xFFFFFFA0];
	[tilespmem:s17+$0xFFFFFF90] =	vst v30  }
0xe8: {  	[tilespmem:s18+$0x10] =	vst v35;
	v28 =	vmul.f32 v14, v33  }
0xe9: {  	v11 =	vmul.f32 $1.442695020e+00, v11;
	v21 =	vsel vm1, v21, v24;
	v24 =	vunpack.i.l.bf16.f32 v32;
	[tilespmem:s13+$0x90] =	vst v25  }
0xea: {  	v20 =	vunpack.i.l.bf16.f32 v20;
	[tilespmem:s17+$0xFFFFFEC0] =	vst v37;
	v24 =	vmul.f32 v24, v4  }
0xeb: {  	v16 =	vmul.f32 v20, v16;
	v20 =	vld [tilespmem:s25+$0x20];
	[tilespmem:s17+$0xFFFFFED0] =	vst v28;
	(erf) = vpow2.f32 v11;
	v28 =	vsub.f32 v21, v3  }
0xec: {  	[tilespmem:s18+$0xFFFFFF70] =	vst v34;
	v49 =	vmul.f32 $2.000000030e-01, v15;
	v11 =	vmul.f32 v6, v36;
	v30 =	vld [tilespmem:s20+$0xFFFFFF90]  }
0xed: {  	vm0 =	vmmov vm0;
	[tilespmem:s17+$0x20] =	vst v24;
	v50 =	vunpack.i.l.bf16.f32 v29;
	v28 =	vmul.f32 $1.442695020e+00, v28  }
0xee: {  	v51 =	vunpack.i.u.bf16.f32 v27;
	[tilespmem:s18+$0x0] =	vst v11;
	v11 =	vsel vm0, v15, v49;
	v15 =	vmul.f32 v8, v50  }
0xef: {  	[tilespmem:s18+$0x70] =	vst v16;
	(erf) = vpow2.f32 v28;
	v28 =	vmul.f32 v51, v9  }
0xf0: {  	v4 =	vmul.f32 v31, v4;
	v16 =	vld [tilespmem:s20+$0x40];
	v52 =	vunpack.i.l.bf16.f32 v20;
	[tilespmem:s18+$0xFFFFFF10] =	vst v15  }
0xf1: {  	v15 =	vunpack.i.u.bf16.f32 v30;
	[tilespmem:s17+$0xFFFFFF40] =	vst v28;
	v28 =	vmul.f32 v25, v52  }
0xf2: {  	v21 =	vpop (erf);
	[tilespmem:s17+$0x30] =	vst v4;
	v24 =	vsub.f32 v11, v3;
	v15 =	vmul.f32 v15, v14  }
0xf3: {  	v11 =	vpop (erf);
	[tilespmem:s13+$0x50] =	vst v28  }
0xf4: {  	v20 =	vunpack.i.u.bf16.f32 v20;
	v24 =	vmul.f32 $1.442695020e+00, v24;
	[tilespmem:s17+$0xFFFFFEF0] =	vst v15;
	v53 =	vpop (erf)  }
0xf5: {  	v28 =	vmul.f32 $2.000000030e-01, v26;
	v15 =	vmul.f32 v25, v20;
	v20 =	vunpack.i.l.bf16.f32 v16;
	[tilespmem:s17+$0xFFFFFFF0] =	vst v53  }
0xf6: {  	[tilespmem:s13+$0xFFFFFFA0] =	vst v21;
	(erf) = vpow2.f32 v24;
	v16 =	vunpack.i.u.bf16.f32 v16;
	v20 =	vmul.f32 v17, v20;
	v24 =	vld [tilespmem:s20+$0xFFFFFFE0]  }
0xf7: {  	vm0 =	vgt.f32 v26, $0.0e+00;
	v16 =	vmul.f32 v17, v16;
	[tilespmem:s13+$0x60] =	vst v15  }
0xf8: {  	v27 =	vunpack.i.l.bf16.f32 v27;
	[tilespmem:s17+$0xA0] =	vst v20;
	v20 =	vsel vm0, v26, v28  }
0xf9: {  	v15 =	vmul.f32 v27, v9;
	v9 =	vunpack.i.u.bf16.f32 v19;
	v26 =	vld [tilespmem:s20+$0x70];
	[tilespmem:s17+$0xB0] =	vst v16;
	v16 =	vsub.f32 v20, v3  }
0xfa: {  	[tilespmem:s13+$0x40] =	vst v11;
	v20 =	vmul.f32 v13, v9  }
0xfb: {  	v27 =	vld [tilespmem:s25+$0xFFFFFFC0];
	[tilespmem:s17+$0xFFFFFF30] =	vst v15;
	v16 =	vmul.f32 $1.442695020e+00, v16;
	v15 =	vunpack.i.u.bf16.f32 v24  }
0xfc: {  	v28 =	vld [tilespmem:s20+$0x50];
	v9 =	vpop (erf);
	[tilespmem:s18+$0x100] =	vst v20;
	v24 =	vunpack.i.l.bf16.f32 v24;
	v20 =	vmul.f32 v53, v15  }
0xfd: {  	[tilespmem:s13+$0xFFFFFF50] =	vst v9;
	(erf) = vpow2.f32 v16;
	v16 =	vmul.f32 v53, v24  }
0xfe: {  	v12 =	vmul.f32 $1.442695020e+00, v12;
	v4 =	vunpack.i.l.bf16.f32 v26;
	v24 =	vunpack.i.u.bf16.f32 v26;
	[tilespmem:s17+$0xFFFFFFC0] =	vst v20  }
0xff: {  	v26 =	vld [tilespmem:s25+$0x30];
	v4 =	vmul.f32 v4, v7;
	v7 =	vmul.f32 v24, v7;
	v15 =	vpop (erf);
	[tilespmem:s17+$0xFFFFFFB0] =	vst v16  }
0x100: {  	v20 =	vunpack.i.l.bf16.f32 v27;
	[tilespmem:s18+$0xFFFFFF00] =	vst v15;
	v16 =	vld [tilespmem:s20+$0xFFFFFFF0]  }
0x101: {  	(erf) = vpow2.f32 v12;
	v12 =	vunpack.i.l.bf16.f32 v28;
	v20 =	vmul.f32 v21, v20;
	[tilespmem:s17+$0x120] =	vst v7;
	v7 =	vld [tilespmem:s19+$0xFFFFFFD0]  }
0x102: {  	v24 =	vunpack.i.u.bf16.f32 v28;
	[tilespmem:s17+$0x110] =	vst v4;
	v12 =	vmul.f32 v12, v17  }
0x103: {  	v4 =	vunpack.i.u.bf16.f32 v29;
	[tilespmem:s21+$0xFFFFFF60] =	vst v20;
	v20 =	vmul.f32 v24, v17;
	v24 =	vunpack.i.l.bf16.f32 v30  }
0x104: {  	v4 =	vmul.f32 v8, v4;
	v17 =	vunpack.i.u.bf16.f32 v26;
	[tilespmem:s17+$0xC0] =	vst v12;
	v14 =	vmul.f32 v24, v14  }
0x105: {  	v5 =	vmul.f32 $1.442695020e+00, v5;
	v17 =	vmul.f32 v17, v25;
	[tilespmem:s17+$0xD0] =	vst v20  }
0x106: {  	v19 =	vunpack.i.l.bf16.f32 v19;
	[tilespmem:s17+$0xFFFFFEE0] =	vst v14;
	v14 =	vunpack.i.l.bf16.f32 v16;
	v20 =	vunpack.i.l.bf16.f32 v7  }
0x107: {  	v12 =	vld [tilespmem:s19+$0xFFFFFF80];
	[tilespmem:s21+$0x80] =	vst v17;
	v17 =	vmul.f32 v13, v19;
	v7 =	vunpack.i.u.bf16.f32 v7;
	v14 =	vmul.f32 v14, v53  }
0x108: {  	[tilespmem:s18+$0xFFFFFF20] =	vst v4;
	v16 =	vunpack.i.u.bf16.f32 v16;
	v4 =	vpop (erf);
	(erf) = vpow2.f32 v5;
	v5 =	vmul.f32 v7, v10  }
0x109: {  	[tilespmem:s17+$0xFFFFFFD0] =	vst v14;
	v14 =	vmul.f32 v16, v53;
	v16 =	vmul.f32 v20, v10;
	v20 =	vld [tilespmem:s25+$0x0]  }
0x10a: {  	[tilespmem:s18+$0xF0] =	vst v17  }
0x10b: {  	[tilespmem:s18+$0xFFFFFF90] =	vst v5  }
0x10c: {  	v7 =	vld [tilespmem:s19+$0x10];
	v10 =	vpop (erf);
	[tilespmem:s17+$0xFFFFFFE0] =	vst v14;
	v14 =	vunpack.i.l.bf16.f32 v12  }
0x10d: {  	[tilespmem:s18+$0xE0] =	vst v10;
	v12 =	vunpack.i.u.bf16.f32 v12;
	v14 =	vmul.f32 v15, v14  }
0x10e: {  	[tilespmem:s18+$0xFFFFFF80] =	vst v16;
	v5 =	vmul.f32 v15, v12;
	v16 =	vunpack.i.u.bf16.f32 v20  }
0x10f: {  	v12 =	vunpack.i.u.bf16.f32 v27;
	[tilespmem:s18+$0xFFFFFEC0] =	vst v14;
	v16 =	vmul.f32 v11, v16  }
0x110: {  	vm0 =	vmmov vm2;
	v17 =	vld [tilespmem:s24+$0xFFFFFFA0];
	v12 =	vmul.f32 v21, v12;
	[tilespmem:s18+$0xFFFFFED0] =	vst v5  }
0x111: {  	v14 =	vld [tilespmem:s19+$0xFFFFFFB0];
	v19 =	vunpack.i.l.bf16.f32 v20;
	v20 =	vmul.f32 $2.000000030e-01, v23;
	[tilespmem:s21+$0x10] =	vst v16;
	v16 =	vunpack.i.l.bf16.f32 v7  }
0x112: {  	vm0 =	vmmov vm0;
	v5 =	vmul.f32 v11, v19;
	v19 =	vld [tilespmem:s19+$0xFFFFFF90];
	[tilespmem:s21+$0xFFFFFF70] =	vst v12;
	v12 =	vmul.f32 v16, v6  }
0x113: {  	[tilespmem:s21+$0x130] =	vst v4;
	v16 =	vsel vm0, v23, v20;
	v20 =	vld [tilespmem:s19+$0x40];
	v23 =	vunpack.i.l.bf16.f32 v26  }
0x114: {  	[tilespmem:s21+$0x0] =	vst v5;
	v16 =	vsub.f32 v16, v3;
	v23 =	vmul.f32 v23, v25  }
0x115: {  	v5 =	vunpack.i.l.bf16.f32 v17;
	[tilespmem:s18+$0x20] =	vst v12  }
0x116: {  	v5 =	vmul.f32 v9, v5;
	v25 =	vunpack.i.u.bf16.f32 v14;
	v16 =	vmul.f32 $1.442695020e+00, v16;
	[tilespmem:s21+$0x70] =	vst v23;
	v12 =	vpop (erf)  }
0x117: {  	v24 =	vld [tilespmem:s24+$0x60];
	v23 =	vmul.f32 v25, v8;
	v25 =	vunpack.i.u.bf16.f32 v19;
	[tilespmem:s18+$0xFFFFFFF0] =	vst v12  }
0x118: {  	[tilespmem:s21+$0xFFFFFF10] =	vst v5;
	v5 =	vmul.f32 v25, v15;
	(erf) = vpow2.f32 v16;
	v16 =	vunpack.i.l.bf16.f32 v20;
	v26 =	vld [tilespmem:s19+$0xFFFFFFE0]  }
0x119: {  	[tilespmem:s18+$0xFFFFFF40] =	vst v23;
	v20 =	vunpack.i.u.bf16.f32 v20;
	v16 =	vmul.f32 v10, v16  }
0x11a: {  	v14 =	vunpack.i.l.bf16.f32 v14;
	[tilespmem:s18+$0xFFFFFEF0] =	vst v5;
	v5 =	vmul.f32 v10, v20  }
0x11b: {  	v8 =	vmul.f32 v14, v8;
	v23 =	vld [tilespmem:s19+$0x70];
	[tilespmem:s18+$0xA0] =	vst v16  }
0x11c: {  	v20 =	vunpack.i.u.bf16.f32 v24;
	[tilespmem:s18+$0xB0] =	vst v5  }
0x11d: {  	[tilespmem:s18+$0xFFFFFF30] =	vst v8;
	v14 =	vmul.f32 v4, v20;
	v8 =	vld [tilespmem:s19+$0x50];
	v5 =	vunpack.i.u.bf16.f32 v26  }
0x11e: {  	v18 =	vmul.f32 $1.442695020e+00, v18;
	v16 =	vunpack.i.l.bf16.f32 v26;
	v5 =	vmul.f32 v12, v5  }
0x11f: {  	v7 =	vunpack.i.u.bf16.f32 v7;
	v17 =	vunpack.i.u.bf16.f32 v17;
	[tilespmem:s21+$0x100] =	vst v14;
	v14 =	vmul.f32 v12, v16  }
0x120: {  	v6 =	vmul.f32 v7, v6;
	v16 =	vmul.f32 $1.442695020e+00, v22;
	[tilespmem:s18+$0xFFFFFFC0] =	vst v5;
	v5 =	vunpack.i.l.bf16.f32 v23  }
0x121: {  	(erf) = vpow2.f32 v18;
	v7 =	vunpack.i.u.bf16.f32 v23;
	[tilespmem:s18+$0xFFFFFFB0] =	vst v14;
	v5 =	vmul.f32 v5, v13  }
0x122: {  	[tilespmem:s18+$0x30] =	vst v6;
	v7 =	vmul.f32 v7, v13;
	(erf) = vpow2.f32 v16;
	v6 =	vld [tilespmem:s19+$0xFFFFFFF0];
	v13 =	vunpack.i.u.bf16.f32 v8  }
0x123: {  	v16 =	vmul.f32 v9, v17;
	v17 =	vunpack.i.l.bf16.f32 v19;
	[tilespmem:s18+$0x110] =	vst v5;
	v5 =	vmul.f32 v13, v10;
	v13 =	vld [tilespmem:s24+$0xFFFFFFD0]  }
0x124: {  	[tilespmem:s18+$0x120] =	vst v7;
	v7 =	vunpack.i.l.bf16.f32 v8;
	v8 =	vmul.f32 v17, v15;
	v14 =	vpop (erf)  }
0x125: {  	[tilespmem:s21+$0xFFFFFF00] =	vst v14  }
0x126: {  	v7 =	vmul.f32 v7, v10;
	[tilespmem:s18+$0xFFFFFEE0] =	vst v8  }
0x127: {  	[tilespmem:s18+$0xD0] =	vst v5;
	v5 =	vld [tilespmem:s24+$0xFFFFFF80];
	v10 =	vunpack.i.l.bf16.f32 v6  }
0x128: {  	[tilespmem:s18+$0xC0] =	vst v7;
	v8 =	vmul.f32 v10, v12;
	v7 =	vunpack.i.l.bf16.f32 v13  }
0x129: {  	[tilespmem:s21+$0xFFFFFF20] =	vst v16;
	v6 =	vunpack.i.u.bf16.f32 v6;
	v7 =	vmul.f32 v7, v21  }
0x12a: {  	v6 =	vmul.f32 v6, v12;
	v10 =	vpop (erf);
	[tilespmem:s18+$0xFFFFFFD0] =	vst v8  }
0x12b: {  	v8 =	vld [tilespmem:s24+$0x10];
	[tilespmem:s21+$0xE0] =	vst v10  }
0x12c: {  	[tilespmem:s18+$0xFFFFFFE0] =	vst v6;
	v6 =	vunpack.i.l.bf16.f32 v5;
	v12 =	vld [tilespmem:s24+$0x40]  }
0x12d: {  	v5 =	vunpack.i.u.bf16.f32 v5;
	[tilespmem:s21+$0xFFFFFF80] =	vst v7;
	v6 =	vmul.f32 v14, v6;
	v7 =	vpop (erf)  }
0x12e: {  	v15 =	vunpack.i.l.bf16.f32 v24;
	v16 =	vld [tilespmem:s24+$0xFFFFFFB0];
	v5 =	vmul.f32 v14, v5;
	[tilespmem:s21+$0xFFFFFFF0] =	vst v7  }
0x12f: {  	v15 =	vmul.f32 v4, v15;
	v13 =	vunpack.i.u.bf16.f32 v13;
	[tilespmem:s21+$0xFFFFFEC0] =	vst v6;
	v6 =	vld [tilespmem:s24+$0xFFFFFFE0]  }
0x130: {  	v13 =	vmul.f32 v13, v21;
	[tilespmem:s21+$0xFFFFFED0] =	vst v5;
	v17 =	vunpack.i.l.bf16.f32 v8  }
0x131: {  	[tilespmem:s21+$0xF0] =	vst v15;
	v15 =	vld [tilespmem:s24+$0xFFFFFF90];
	v5 =	vmul.f32 v17, v11;
	v17 =	vunpack.i.l.bf16.f32 v12  }
0x132: {  	[tilespmem:s21+$0xFFFFFF90] =	vst v13;
	v12 =	vunpack.i.u.bf16.f32 v12;
	v13 =	vmul.f32 v10, v17  }
0x133: {  	v17 =	vunpack.i.u.bf16.f32 v16;
	[tilespmem:s21+$0x20] =	vst v5;
	v5 =	vmul.f32 v10, v12  }
0x134: {  	v12 =	vmul.f32 v17, v9;
	v17 =	vld [tilespmem:s24+$0x70];
	[tilespmem:s21+$0xA0] =	vst v13;
	v13 =	vunpack.i.u.bf16.f32 v6  }
0x135: {  	[tilespmem:s21+$0xB0] =	vst v5;
	v6 =	vunpack.i.l.bf16.f32 v6;
	v5 =	vmul.f32 v7, v13  }
0x136: {  	[tilespmem:s21+$0xFFFFFF40] =	vst v12;
	v12 =	vld [tilespmem:s24+$0x50];
	v13 =	vunpack.i.u.bf16.f32 v15;
	v6 =	vmul.f32 v7, v6  }
0x137: {  	v16 =	vunpack.i.l.bf16.f32 v16;
	v13 =	vmul.f32 v13, v14;
	[tilespmem:s21+$0xFFFFFFC0] =	vst v5  }
0x138: {  	v5 =	vunpack.i.u.bf16.f32 v8;
	v8 =	vmul.f32 v16, v9;
	[tilespmem:s21+$0xFFFFFFB0] =	vst v6  }
0x139: {  	v6 =	vunpack.i.l.bf16.f32 v17;
	v5 =	vmul.f32 v5, v11;
	[tilespmem:s21+$0xFFFFFEF0] =	vst v13;
	v9 =	vld [tilespmem:s24+$0xFFFFFFF0]  }
0x13a: {  	v11 =	vunpack.i.u.bf16.f32 v17;
	v6 =	vmul.f32 v6, v4;
	[tilespmem:s21+$0xFFFFFF30] =	vst v8  }
0x13b: {  	v4 =	vmul.f32 v11, v4;
	[tilespmem:s21+$0x30] =	vst v5;
	v5 =	vunpack.i.u.bf16.f32 v12  }
0x13c: {  	v8 =	vunpack.i.l.bf16.f32 v15;
	[tilespmem:s21+$0x110] =	vst v6;
	v5 =	vmul.f32 v5, v10  }
0x13d: {  	v6 =	vunpack.i.l.bf16.f32 v12;
	[tilespmem:s21+$0x120] =	vst v4;
	v4 =	vmul.f32 v8, v14  }
0x13e: {  	[tilespmem:s21+$0xD0] =	vst v5;
	v5 =	vmul.f32 v6, v10;
	v6 =	vunpack.i.l.bf16.f32 v9  }
0x13f: {  	[tilespmem:s21+$0xFFFFFEE0] =	vst v4;
	v4 =	vmul.f32 v6, v7;
	v6 =	vunpack.i.u.bf16.f32 v9  }
0x140: {  	[tilespmem:s21+$0xC0] =	vst v5;
	v5 =	vmul.f32 v6, v7  }
0x141: {  	s8 =	sand.u32 $0x3FFFFF00, s16;
	[tilespmem:s21+$0xFFFFFFD0] =	vst v4  }
0x142: {  	s8 =	sadd.s32 $0xF080, s8;
	[tilespmem:s21+$0xFFFFFFE0] =	vst v5  }
0x143: {  	[spmem:s2] =	stream.indirect.scatter.add.f32 [tilespmem:s9], [sflag:$0x3], $0x50, s8, s28, $0xb8;
	[tilespmem:$0x1BD10] =	vst v63  }
0x144: {  	s18 =	sadd.s32 $0xC900, s16  }
0x145: {  	[tilespmem:s29], [sflag:$0x1] =	stream.indirect.gather [hbm4b:s4+s28], $0x20, s18, s28, $0xb8;
	[tilespmem:$0x1BD10] =	vst v63  }
0x146: {  	_ = 	snop  }
0x147: {  	[tilespmem:s30], [sflag:$0x1] =	stream.indirect.gather [hbm4b:s5+s28], $0x10, s18, s28, $0xb8;
	[tilespmem:$0x1BD10] =	vst v63  }
0x148: {  	s19 =	sadd.s32 $0xF180, s16;
	s8 =	simm.s32 @!p0 $0x4  }
0x149: {  	[tilespmem:s31], [sflag:$0x1] =	stream.indirect.gather [hbm4b:s6+s28], $0x10, s19, s28, $0xb8;
	[tilespmem:$0x1BD10] =	vst v63  }
0x14a: {  	_ =	swait.ge @!p0 [sflag:s8], $0x2800  }
0x14b: {  	[sflag:s8] =	ssyncset.done @!p0 $0x0  }
0x14c: {  	[sflag:s8] =	ssyncadd.s32 @!p0 $0xFFFFD800  }
0x14d: {  	_ =	swait.ge [sflag:s10], $0x1000  }
0x14e: {  	[sflag:s10] =	ssyncset.done $0x0  }
0x14f: {  	[sflag:s10] =	ssyncadd.s32 $0xFFFFF000  }
0x150: {  	_ =	swait.ge [sflag:s10], $0x800  }
0x151: {  	[sflag:s10] =	ssyncset.done $0x0  }
0x152: {  	[sflag:s10] =	ssyncadd.s32 $0xFFFFF800  }
0x153: {  	_ =	swait.ge [sflag:s10], $0x800  }
0x154: {  	[sflag:s10] =	ssyncset.done $0x0  }
0x155: {  	s20 =	simm.s32 $0x15170;
	[sflag:s10] =	ssyncadd.s32 $0xFFFFF800  }
0x156: {  	s12 =	simm.s32 $0x14170;
	v4 =	vld [tilespmem:s20+$0xFFFFFFE0]  }
0x157: {  	v5 =	vld [tilespmem:s12+$0xFFFFFFE0];
	_ =	sdelay $0x3  }
0x158: {  	v7 =	vld [tilespmem:s12+$0xFFFFFFB0]  }
0x159: {  	v4 =	vadd.f32 v4, v5;
	v5 =	vld [tilespmem:s20+$0xFFFFFFB0]  }
0x15a: {  	v8 =	vld [tilespmem:s12+$0xFFFFFFF0]  }
0x15b: {  	v9 =	vld [tilespmem:s12+$0xFFFFFFD0];
	v6 =	vmul.f32 $2.000000030e-01, v4  }
0x15c: {  	v11 =	vld [tilespmem:s20+$0xFFFFFFA0];
	vm0 =	vgt.f32 v4, $0.0e+00  }
0x15d: {  	v12 =	vld [tilespmem:s12+$0xFFFFFFC0];
	v4 =	vsel vm0, v4, v6  }
0x15e: {  	v6 =	vld [tilespmem:s20+$0xFFFFFFD0];
	v4 =	vsub.f32 v4, v3;
	v5 =	vadd.f32 v5, v7  }
0x15f: {  	v13 =	vld [tilespmem:s12+$0x0]  }
0x160: {  	s22 =	simm.s32 $0x141F0;
	v15 =	vld [tilespmem:s20+$0x0];
	v4 =	vmul.f32 $1.442695020e+00, v4;
	v10 =	vmul.f32 $2.000000030e-01, v5  }
0x161: {  	v16 =	vld [tilespmem:s22+$0xFFFFFFF0];
	vm0 =	vgt.f32 v5, $0.0e+00  }
0x162: {  	s21 =	simm.s32 $0x151F0;
	(erf) = vpow2.f32 v4;
	v4 =	vld [tilespmem:s20+$0xFFFFFFF0];
	v5 =	vsel vm0, v5, v10  }
0x163: {  	v19 =	vld [tilespmem:s21+$0xFFFFFFF0];
	v6 =	vadd.f32 v6, v9;
	v5 =	vsub.f32 v5, v3  }
0x164: {  	v7 =	vld [tilespmem:s12+$0xFFFFFFA0]  }
0x165: {  	v10 =	vld [tilespmem:s20+$0xFFFFFFC0];
	v14 =	vmul.f32 $2.000000030e-01, v6;
	v5 =	vmul.f32 $1.442695020e+00, v5  }
0x166: {  	s24 =	simm.s32 $0x15270;
	v21 =	vld [tilespmem:s21+$0xFFFFFFA0];
	vm0 =	vgt.f32 v6, $0.0e+00  }
0x167: {  	s25 =	simm.s32 $0x14270;
	v56 =	vld [tilespmem:s24+$0xFFFFFFB0];
	v4 =	vadd.f32 v4, v8;
	(erf) = vpow2.f32 v5;
	v5 =	vsel vm0, v6, v14  }
0x168: {  	v57 =	vld [tilespmem:s25+$0xFFFFFFB0];
	v5 =	vsub.f32 v5, v3  }
0x169: {  	v9 =	vld [tilespmem:s12+$0xFFFFFF90];
	v7 =	vadd.f32 v11, v7;
	v11 =	vmul.f32 $2.000000030e-01, v4  }
0x16a: {  	v8 =	vld [tilespmem:s20+$0xFFFFFF90];
	v10 =	vadd.f32 v10, v12;
	vm0 =	vgt.f32 v4, $0.0e+00;
	v5 =	vmul.f32 $1.442695020e+00, v5  }
0x16b: {  	s16 =	simm.s32 $0x18370;
	v17 =	vmul.f32 $2.000000030e-01, v7;
	v6 =	vpop (erf);
	v4 =	vsel vm0, v4, v11;
	v11 =	vld [tilespmem:s21+$0xFFFFFFE0]  }
0x16c: {  	s19 =	simm.s32 $0x129F0;
	v15 =	vadd.f32 v15, v13;
	v18 =	vmul.f32 $2.000000030e-01, v10;
	[tilespmem:s16+$0xFFFFFF60] =	vst v6;
	(erf) = vpow2.f32 v5;
	v5 =	vld [tilespmem:s22+$0xFFFFFFE0]  }
0x16d: {  	v16 =	vadd.f32 v19, v16;
	vm1 =	vgt.f32 v10, $0.0e+00;
	vm0 =	vgt.f32 v7, $0.0e+00;
	v12 =	vld [tilespmem:s19+$0xFFFFFFB0]  }
0x16e: {  	v22 =	vld [tilespmem:s22+$0xFFFFFFB0];
	v10 =	vsel vm1, v10, v18;
	v7 =	vsel vm0, v7, v17;
	v17 =	vmul.f32 $2.000000030e-01, v15  }
0x16f: {  	v18 =	vld [tilespmem:s21+$0xFFFFFFB0];
	v8 =	vadd.f32 v8, v9;
	vm0 =	vgt.f32 v15, $0.0e+00;
	v7 =	vsub.f32 v7, v3  }
0x170: {  	v34 =	vadd.f32 v56, v57;
	v9 =	vld [tilespmem:s22+$0xFFFFFFA0];
	v15 =	vsel vm0, v15, v17;
	v17 =	vsub.f32 v4, v3  }
0x171: {  	v25 =	vld [tilespmem:s22+$0x0];
	vm0 =	vgt.f32 v8, $0.0e+00;
	v15 =	vsub.f32 v15, v3;
	v4 =	vmul.f32 $1.442695020e+00, v7  }
0x172: {  	v14 =	vld [tilespmem:s21+$0xFFFFFFD0];
	v13 =	vpop (erf);
	v5 =	vadd.f32 v11, v5;
	v11 =	vsub.f32 v10, v3;
	v20 =	vunpack.i.l.bf16.f32 v12  }
0x173: {  	[tilespmem:s16+$0xFFFFFE70] =	vst v13;
	v10 =	vmul.f32 $1.442695020e+00, v15;
	v15 =	vld [tilespmem:s22+$0xFFFFFFD0];
	v12 =	vunpack.i.u.bf16.f32 v12;
	v20 =	vmul.f32 v6, v20  }
0x174: {  	vm0 =	vmmov vm0;
	(erf) = vpow2.f32 v4;
	v7 =	vld [tilespmem:s19+$0xFFFFFF50];
	v12 =	vmul.f32 v6, v12  }
0x175: {  	v18 =	vadd.f32 v18, v22;
	(erf) = vpow2.f32 v10;
	v10 =	vadd.f32 v21, v9;
	v9 =	vld [tilespmem:s22+$0xFFFFFFC0];
	[tilespmem:s16+$0xFFFFFF20] =	vst v20  }
0x176: {  	vm0 =	vmmov vm0;
	v17 =	vmul.f32 $1.442695020e+00, v17;
	[tilespmem:s16+$0xFFFFFF30] =	vst v12;
	v12 =	vmul.f32 $2.000000030e-01, v5;
	v20 =	vld [tilespmem:s21+$0xFFFFFFC0]  }
0x177: {  	vm2 =	vgt.f32 v18, $0.0e+00;
	vm1 =	vgt.f32 v5, $0.0e+00;
	v21 =	vmul.f32 $2.000000030e-01, v10;
	v19 =	vld [tilespmem:s19+$0xFFFFFFC0]  }
0x178: {  	v14 =	vadd.f32 v14, v15;
	v15 =	vld [tilespmem:s21+$0x0];
	v5 =	vsel vm1, v5, v12;
	v12 =	vmul.f32 $2.000000030e-01, v16  }
0x179: {  	vm1 =	vgt.f32 v16, $0.0e+00;
	v24 =	vunpack.i.l.bf16.f32 v7;
	v5 =	vsub.f32 v5, v3  }
0x17a: {  	v12 =	vsel vm1, v16, v12;
	v16 =	vmul.f32 $2.000000030e-01, v18;
	vm1 =	vgt.f32 v10, $0.0e+00  }
0x17b: {  	v26 =	vmul.f32 $2.000000030e-01, v14;
	v5 =	vmul.f32 $1.442695020e+00, v5;
	v10 =	vsel vm1, v10, v21  }
0x17c: {  	v4 =	vpop (erf);
	v12 =	vsub.f32 v12, v3;
	v16 =	vsel vm2, v18, v16;
	v18 =	vadd.f32 v20, v9  }
0x17d: {  	v23 =	vld [tilespmem:s22+$0xFFFFFF90];
	[tilespmem:s16+$0xFFFFFF10] =	vst v4;
	vm2 =	vgt.f32 v14, $0.0e+00;
	v27 =	vunpack.i.u.bf16.f32 v19;
	v25 =	vadd.f32 v15, v25  }
0x17e: {  	v22 =	vld [tilespmem:s19+$0xFFFFFF90];
	v10 =	vsub.f32 v10, v3;
	(erf) = vpow2.f32 v5;
	v5 =	vmul.f32 v13, v24  }
0x17f: {  	v20 =	vld [tilespmem:s21+$0xFFFFFF90];
	v16 =	vsub.f32 v16, v3;
	v24 =	vunpack.i.u.bf16.f32 v7;
	v27 =	vmul.f32 v27, v6  }
0x180: {  	v14 =	vsel vm2, v14, v26;
	vm3 =	vgt.f32 v18, $0.0e+00;
	v28 =	vmul.f32 $2.000000030e-01, v18  }
0x181: {  	v9 =	vpop (erf);
	v14 =	vsub.f32 v14, v3;
	v24 =	vmul.f32 v13, v24;
	v16 =	vmul.f32 $1.442695020e+00, v16  }
0x182: {  	v29 =	vld [tilespmem:s24+$0xFFFFFFD0];
	v7 =	vpop (erf);
	[tilespmem:s16+$0xFFFFFE20] =	vst v9;
	v10 =	vmul.f32 $1.442695020e+00, v10;
	v18 =	vsel vm3, v18, v28;
	v28 =	vmul.f32 $2.000000030e-01, v8  }
0x183: {  	v30 =	vld [tilespmem:s24+$0xFFFFFFF0];
	v21 =	vunpack.i.l.bf16.f32 v22;
	[tilespmem:s16+$0x0] =	vst v7;
	v14 =	vmul.f32 $1.442695020e+00, v14;
	(erf) = vpow2.f32 v16  }
0x184: {  	[tilespmem:s16+$0xFFFFFE30] =	vst v5;
	v16 =	vunpack.i.u.bf16.f32 v22;
	v15 =	vadd.f32 v20, v23;
	v23 =	vld [tilespmem:s19+$0xFFFFFFF0];
	v8 =	vsel vm0, v8, v28  }
0x185: {  	[tilespmem:s16+$0xFFFFFE40] =	vst v24;
	v20 =	vld [tilespmem:s19+$0xFFFFFF30];
	v5 =	vsub.f32 v18, v3;
	v18 =	vmul.f32 v4, v21;
	v8 =	vsub.f32 v8, v3  }
0x186: {  	vm1 =	vgt.f32 v25, $0.0e+00;
	v24 =	vld [tilespmem:s19+$0xFFFFFF60];
	v26 =	vmul.f32 v4, v16;
	(erf) = vpow2.f32 v14  }
0x187: {  	v31 =	vld [tilespmem:s25+$0xFFFFFFE0];
	v28 =	vmul.f32 $2.000000030e-01, v25;
	vm0 =	vgt.f32 v15, $0.0e+00;
	v8 =	vmul.f32 $1.442695020e+00, v8  }
0x188: {  	v22 =	vld [tilespmem:s25+$0xFFFFFFF0];
	(erf) = vpow2.f32 v10;
	v10 =	vunpack.i.l.bf16.f32 v19;
	vm0 =	vmmov vm0  }
0x189: {  	s17 =	simm.s32 $0x185F0;
	v19 =	vsel vm1, v25, v28;
	v54 =	vmul.f32 v10, v6;
	[tilespmem:s16+$0xFFFFFEE0] =	vst v26;
	v16 =	vpop (erf);
	(erf) = vpow2.f32 v8;
	v8 =	vld [tilespmem:s24+$0xFFFFFFE0]  }
0x18a: {  	s18 =	simm.s32 $0x12AF0;
	v55 =	vld [tilespmem:s24+$0xFFFFFFA0];
	v26 =	vmul.f32 $2.000000030e-01, v34;
	v19 =	vsub.f32 v19, v3;
	v25 =	vunpack.i.u.bf16.f32 v23;
	[tilespmem:s17+$0xFFFFFF60] =	vst v16  }
0x18b: {  	v28 =	vunpack.i.l.bf16.f32 v20;
	v20 =	vunpack.i.u.bf16.f32 v20;
	v59 =	vunpack.i.u.bf16.f32 v24;
	v21 =	vld [tilespmem:s18+$0xFFFFFFB0]  }
0x18c: {  	v61 =	vld [tilespmem:s24+$0xFFFFFFC0];
	v19 =	vmul.f32 $1.442695020e+00, v19;
	v58 =	vmul.f32 v9, v20;
	v20 =	vunpack.i.l.bf16.f32 v24  }
0x18d: {  	v22 =	vadd.f32 v30, v22;
	v39 =	vmul.f32 v59, v13;
	v38 =	vmul.f32 v20, v13;
	v13 =	vld [tilespmem:s25+$0xFFFFFFC0]  }
0x18e: {  	[tilespmem:s16+$0xFFFFFF50] =	vst v27;
	v28 =	vmul.f32 v9, v28;
	v10 =	vpop (erf);
	(erf) = vpow2.f32 v19;
	v19 =	vld [tilespmem:s25+$0xFFFFFFD0];
	v31 =	vadd.f32 v8, v31  }
0x18f: {  	v14 =	vld [tilespmem:s25+$0xFFFFFFA0];
	v23 =	vunpack.i.l.bf16.f32 v23;
	v25 =	vmul.f32 v7, v25;
	v60 =	vmul.f32 $2.000000030e-01, v22;
	[tilespmem:s17+$0xFFFFFE70] =	vst v10  }
0x190: {  	[tilespmem:s16+$0xFFFFFED0] =	vst v18;
	vm1 =	vgt.f32 v22, $0.0e+00;
	v30 =	vld [tilespmem:s18+$0xFFFFFF50];
	v6 =	vunpack.i.l.bf16.f32 v21;
	v27 =	vmul.f32 $2.000000030e-01, v31  }
0x191: {  	[tilespmem:s16+$0xFFFFFF40] =	vst v54;
	v21 =	vunpack.i.u.bf16.f32 v21;
	v6 =	vmul.f32 v16, v6;
	vm2 =	vgt.f32 v31, $0.0e+00  }
0x192: {  	[tilespmem:s16+$0xFFFFFDE0] =	vst v28;
	v41 =	vadd.f32 v61, v13;
	v21 =	vmul.f32 v16, v21;
	v27 =	vsel vm2, v31, v27  }
0x193: {  	v32 =	vld [tilespmem:s19+$0xFFFFFFA0];
	v62 =	vsel vm1, v22, v60;
	v19 =	vadd.f32 v29, v19;
	[tilespmem:s17+$0xFFFFFF20] =	vst v6;
	v27 =	vsub.f32 v27, v3  }
0x194: {  	v29 =	vld [tilespmem:s24+$0x0];
	vm3 =	vgt.f32 v41, $0.0e+00;
	[tilespmem:s17+$0xFFFFFF30] =	vst v21;
	v21 =	vadd.f32 v55, v14;
	vm2 =	vgt.f32 v34, $0.0e+00  }
0x195: {  	[tilespmem:s16+$0xFFFFFFD0] =	vst v25;
	v20 =	vld [tilespmem:s18+$0xFFFFFFC0];
	v18 =	vunpack.i.l.bf16.f32 v30;
	v26 =	vsel vm2, v34, v26;
	v6 =	vpop (erf);
	v27 =	vmul.f32 $1.442695020e+00, v27  }
0x196: {  	(erf) = vpow2.f32 v17;
	v17 =	vld [tilespmem:s25+$0x0];
	v18 =	vmul.f32 v10, v18;
	v13 =	vsub.f32 v26, v3;
	[tilespmem:s17+$0xFFFFFF10] =	vst v6  }
0x197: {  	[tilespmem:s16+$0xFFFFFDF0] =	vst v58;
	v30 =	vunpack.i.u.bf16.f32 v30;
	v31 =	vmul.f32 $2.000000030e-01, v19;
	v8 =	vpop (erf);
	v22 =	vld [tilespmem:s18+$0xFFFFFF90];
	(erf) = vpow2.f32 v27  }
0x198: {  	v28 =	vld [tilespmem:s25+$0xFFFFFF90];
	vm2 =	vgt.f32 v19, $0.0e+00;
	v14 =	vpop (erf);
	v25 =	vmul.f32 $1.442695020e+00, v13;
	[tilespmem:s17+$0xFFFFFE30] =	vst v18;
	v18 =	vmul.f32 $2.000000030e-01, v41  }
0x199: {  	v24 =	vmul.f32 $2.000000030e-01, v21;
	vm1 =	vgt.f32 v21, $0.0e+00;
	v34 =	vmul.f32 v10, v30;
	[tilespmem:s16+$0xFFFFFDD0] =	vst v14;
	v27 =	vld [tilespmem:s24+$0xFFFFFF90]  }
0x19a: {  	[tilespmem:s16+$0xFFFFFE60] =	vst v39;
	v40 =	vld [tilespmem:s19+$0xFFFFFF10];
	v26 =	vunpack.i.u.bf16.f32 v20;
	v13 =	vpop (erf);
	(erf) = vpow2.f32 v25;
	v18 =	vsel vm3, v41, v18  }
0x19b: {  	[tilespmem:s16+$0xFFFFFE50] =	vst v38;
	v63 =	vmul.f32 v26, v16;
	v26 =	vadd.f32 v29, v17;
	v17 =	vsel vm2, v19, v31  }
0x19c: {  	[tilespmem:s17+$0xFFFFFE20] =	vst v8;
	v19 =	vmul.f32 v7, v23;
	v25 =	vsub.f32 v17, v3;
	v17 =	vunpack.i.u.bf16.f32 v22  }
0x19d: {  	[tilespmem:s17+$0x0] =	vst v13;
	v31 =	vunpack.i.u.bf16.f32 v32;
	v36 =	vunpack.i.l.bf16.f32 v22;
	v22 =	vsub.f32 v18, v3  }
0x19e: {  	s13 =	simm.s32 $0x18870;
	v29 =	vld [tilespmem:s18+$0xFFFFFF30];
	[tilespmem:s17+$0xFFFFFF50] =	vst v63;
	v18 =	vsub.f32 v62, v3;
	v23 =	vadd.f32 v27, v28;
	v28 =	vmul.f32 $1.442695020e+00, v25  }
0x19f: {  	s8 =	simm.s32 $0x10;
	s12 =	simm.s32 $0x142F0;
	s20 =	simm.s32 $0x18870;
	[tilespmem:s16+$0xFFFFFFC0] =	vst v19;
	v19 =	vld [tilespmem:s18+$0xFFFFFFF0];
	v35 =	vmul.f32 v6, v17;
	v33 =	vunpack.i.u.bf16.f32 v40;
	v30 =	vunpack.i.l.bf16.f32 v40;
	v17 =	vpop (erf)  }
0x1a0: {  	s22 =	simm.s32 $0x152F0;
	s21 =	simm.s32 $0x12BF0;
	s24 =	simm.s32 $0x12BF0;
	v27 =	vld [tilespmem:s19+$0xFFFFFF40];
	vm2 =	vgt.f32 v23, $0.0e+00;
	(erf) = vpow2.f32 v28;
	v37 =	vmul.f32 v14, v30;
	[tilespmem:s16+$0xFFFFFFB0] =	vst v17;
	v25 =	vpop (erf)  }
.LBB2_7:
0x1a1: {  	v21 =	vsel vm1, v21, v24;
	v24 =	vmul.f32 v6, v36  }
0x1a2: {  	v28 =	vld [tilespmem:s22+$0xFFFFFFD0];
	s8 =	sadd.s32 $0x8, s8;
	[tilespmem:s17+$0xFFFFFEE0] =	vst v35;
	v31 =	vmul.f32 v31, v4;
	vm1 =	vmmov vm0;
	vm0 =	vmmov vm2  }
0x1a3: {  	v33 =	vmul.f32 v14, v33;
	v32 =	vunpack.i.l.bf16.f32 v32;
	v30 =	vld [tilespmem:s12+$0xFFFFFFF0];
	p0 =	slt.u32 s8, $0x78;
	[tilespmem:s17+$0xFFFFFE40] =	vst v34;
	v34 =	vmul.f32 $1.442695020e+00, v11;
	v11 =	vmovc v5;
	v5 =	vmovc v22  }
0x1a4: {  	v21 =	vsub.f32 v21, v3;
	v22 =	vmul.f32 $2.000000030e-01, v15;
	v32 =	vmul.f32 v32, v4;
	v35 =	vld [tilespmem:s12+$0xFFFFFFA0];
	v36 =	vpop (erf);
	[tilespmem:s16+$0xFFFFFD90] =	vst v37  }
0x1a5: {  	v20 =	vunpack.i.l.bf16.f32 v20;
	v4 =	vmovc v6;
	v37 =	vld [tilespmem:s18+$0xFFFFFF60];
	v38 =	vunpack.i.u.bf16.f32 v19;
	[tilespmem:s16+$0xFFFFFDA0] =	vst v33;
	(erf) = vpow2.f32 v34  }
0x1a6: {  	v20 =	vmul.f32 v20, v16;
	v6 =	vsel vm1, v15, v22;
	v15 =	vmovc v23;
	[tilespmem:s13+$0xFFFFFF60] =	vst v25;
	v22 =	vunpack.i.l.bf16.f32 v29;
	v33 =	vld [tilespmem:s19+$0xFFFFFF20]  }
0x1a7: {  	v16 =	vmovc v25;
	v34 =	vmul.f32 $2.000000030e-01, v26;
	v41 =	vsub.f32 v6, v3;
	[tilespmem:s13+$0xFFFFFE70] =	vst v36;
	v23 =	vld [tilespmem:s24+$0xFFFFFFB0];
	v22 =	vmul.f32 v8, v22  }
0x1a8: {  	v21 =	vmul.f32 $1.442695020e+00, v21;
	vm1 =	vgt.f32 v26, $0.0e+00;
	v25 =	vld [tilespmem:s22+$0xFFFFFFB0];
	[tilespmem:s17+$0xFFFFFED0] =	vst v24;
	v24 =	vunpack.i.l.bf16.f32 v27  }
0x1a9: {  	v29 =	vunpack.i.u.bf16.f32 v29;
	v40 =	vmul.f32 $1.442695020e+00, v41;
	v27 =	vunpack.i.u.bf16.f32 v27;
	v39 =	vld [tilespmem:s22+$0xFFFFFFF0];
	[tilespmem:s16+$0xFFFFFEF0] =	vst v32  }
0x1aa: {  	v26 =	vsel vm1, v26, v34;
	(erf) = vpow2.f32 v21;
	v6 =	vpop (erf);
	[tilespmem:s17+$0xFFFFFF40] =	vst v20;
	v20 =	vmul.f32 v27, v9;
	v21 =	vld [tilespmem:s19+$0xFFFFFFD0]  }
0x1ab: {  	v26 =	vsub.f32 v26, v3;
	[tilespmem:s17+$0xFFFFFDE0] =	vst v22;
	(erf) = vpow2.f32 v40;
	v22 =	vunpack.i.u.bf16.f32 v33;
	v27 =	vld [tilespmem:s19+$0x0]  }
0x1ac: {  	v38 =	vmul.f32 v13, v38;
	v32 =	vld [tilespmem:s22+$0xFFFFFFE0];
	[tilespmem:s13+$0xFFFFFF10] =	vst v6;
	v34 =	vunpack.i.l.bf16.f32 v23;
	v43 =	vmul.f32 v22, v14  }
0x1ad: {  	v29 =	vmul.f32 v8, v29;
	v41 =	vmul.f32 v24, v9;
	v9 =	vmovc v8;
	v23 =	vunpack.i.u.bf16.f32 v23;
	v40 =	vld [tilespmem:s22+$0xFFFFFFA0];
	[tilespmem:s16+$0xFFFFFE10] =	vst v20  }
0x1ae: {  	v8 =	vmul.f32 v16, v34;
	v23 =	vmul.f32 v16, v23;
	v42 =	vld [tilespmem:s12+$0xFFFFFFE0];
	v20 =	vadd.f32 v39, v30;
	[tilespmem:s16+$0xFFFFFDC0] =	vst v43;
	v22 =	vpop (erf)  }
0x1af: {  	v24 =	vmul.f32 $1.442695020e+00, v26;
	v34 =	vld [tilespmem:s24+$0xFFFFFF50];
	[tilespmem:s16+$0xFFFFFEC0] =	vst v22;
	v26 =	vunpack.i.u.bf16.f32 v21;
	v21 =	vunpack.i.l.bf16.f32 v21  }
0x1b0: {  	vm1 =	vgt.f32 v20, $0.0e+00;
	[tilespmem:s13+$0xFFFFFF20] =	vst v8;
	v39 =	vld [tilespmem:s19+$0xFFFFFF70];
	v30 =	vmul.f32 v17, v21;
	v26 =	vmul.f32 v17, v26  }
0x1b1: {  	v43 =	vld [tilespmem:s12+$0xFFFFFFD0];
	[tilespmem:s13+$0xFFFFFF30] =	vst v23;
	(erf) = vpow2.f32 v24;
	v23 =	vunpack.i.u.bf16.f32 v37;
	v24 =	vunpack.i.l.bf16.f32 v37  }
0x1b2: {  	v37 =	vmul.f32 $2.000000030e-01, v20;
	v21 =	vadd.f32 v40, v35;
	v35 =	vld [tilespmem:s12+$0xFFFFFFB0];
	[tilespmem:s16+$0xFFFFFF70] =	vst v30;
	v40 =	vunpack.i.u.bf16.f32 v27  }
0x1b3: {  	v45 =	vunpack.i.l.bf16.f32 v27;
	v44 =	vmul.f32 v24, v10;
	v30 =	vmul.f32 v23, v10;
	v8 =	vpop (erf);
	[tilespmem:s16+$0xFFFFFF80] =	vst v26  }
0x1b4: {  	v37 =	vsel vm1, v20, v37;
	v26 =	vmul.f32 v45, v7;
	v24 =	vmul.f32 $2.000000030e-01, v21;
	v20 =	vld [tilespmem:s24+$0xFFFFFFC0];
	v23 =	vpop (erf);
	[tilespmem:s16+$0xFFFFFE00] =	vst v41  }
0x1b5: {  	v27 =	vmul.f32 $1.442695020e+00, v12;
	v10 =	vmovc v36;
	v40 =	vmul.f32 v40, v7;
	v7 =	vmovc v13;
	[tilespmem:s13+$0xFFFFFE20] =	vst v8;
	v45 =	vunpack.i.u.bf16.f32 v39;
	v41 =	vld [tilespmem:s19+$0xFFFFFFE0]  }
0x1b6: {  	v12 =	vmovc v18;
	v13 =	vadd.f32 v32, v42;
	vm1 =	vgt.f32 v21, $0.0e+00;
	v36 =	vld [tilespmem:s12+$0xFFFFFFC0];
	[tilespmem:s17+$0xFFFFFFD0] =	vst v38;
	v32 =	vmul.f32 v22, v45  }
0x1b7: {  	v18 =	vadd.f32 v25, v35;
	v25 =	vunpack.i.l.bf16.f32 v34;
	v38 =	vld [tilespmem:s24+$0xFFFFFF90];
	v35 =	vunpack.i.l.bf16.f32 v39;
	[tilespmem:s16+$0xFFFFFF00] =	vst v31  }
0x1b8: {  	v33 =	vunpack.i.l.bf16.f32 v33;
	v39 =	vmul.f32 $2.000000030e-01, v13;
	v31 =	vld [tilespmem:s22+$0xFFFFFFC0];
	v35 =	vmul.f32 v22, v35;
	[tilespmem:s16+$0xFFFFFE90] =	vst v32  }
0x1b9: {  	vm2 =	vgt.f32 v13, $0.0e+00;
	s13 =	sadd.s32 $0x280, s13;
	v25 =	vmul.f32 v10, v25;
	v32 =	vmul.f32 $2.000000030e-01, v18;
	[tilespmem:s17+$0xFFFFFDD0] =	vst v23  }
0x1ba: {  	s24 =	sadd.s32 $0x100, s24;
	vm3 =	vgt.f32 v18, $0.0e+00;
	v39 =	vsel vm2, v13, v39;
	v13 =	vpop (erf);
	v42 =	vld [tilespmem:s18+$0xFFFFFF10];
	(erf) = vpow2.f32 v27;
	[tilespmem:s16+$0xFFFFFE80] =	vst v35  }
0x1bb: {  	v34 =	vunpack.i.u.bf16.f32 v34;
	v27 =	vsub.f32 v39, v3;
	v39 =	vunpack.i.u.bf16.f32 v41;
	v35 =	vld [tilespmem:s19+$0xFFFFFF80];
	[tilespmem:s16+$0xFFFFFFE0] =	vst v26;
	s19 =	smov.u32 s18;
	s18 =	smov.u32 s21;
	s21 =	smov.u32 s24  }
0x1bc: {  	v28 =	vadd.f32 v28, v43;
	v18 =	vsel vm3, v18, v32;
	v45 =	vld [tilespmem:s12+$0xFFFFFF90];
	[tilespmem:s20+$0xFFFFFE30] =	vst v25;
	v25 =	vmul.f32 v39, v17  }
0x1bd: {  	v26 =	vmul.f32 $1.442695020e+00, v27;
	v27 =	vunpack.i.l.bf16.f32 v41;
	v36 =	vadd.f32 v31, v36;
	v31 =	vld [tilespmem:s12+$0x0];
	[tilespmem:s16+$0xFFFFFFF0] =	vst v40  }
0x1be: {  	v19 =	vunpack.i.l.bf16.f32 v19;
	v33 =	vmul.f32 v33, v14;
	v14 =	vmovc v23;
	v18 =	vsub.f32 v18, v3;
	v39 =	vld [tilespmem:s22+$0x0];
	[tilespmem:s16+$0xFFFFFFA0] =	vst v25  }
0x1bf: {  	vm3 =	vgt.f32 v28, $0.0e+00;
	v17 =	vmul.f32 v27, v17;
	(erf) = vpow2.f32 v26;
	[tilespmem:s17+$0xFFFFFDF0] =	vst v29;
	v32 =	vld [tilespmem:s19+$0xFFFFFFA0]  }
0x1c0: {  	v18 =	vmul.f32 $1.442695020e+00, v18;
	vm2 =	vgt.f32 v36, $0.0e+00;
	v27 =	vld [tilespmem:s19+$0xFFFFFF40];
	[tilespmem:s16+$0xFFFFFDB0] =	vst v33;
	v23 =	vunpack.i.l.bf16.f32 v35  }
0x1c1: {  	v29 =	vmul.f32 $2.000000030e-01, v36;
	v26 =	vunpack.i.u.bf16.f32 v20;
	v25 =	vld [tilespmem:s22+$0xFFFFFF90];
	v23 =	vmul.f32 v23, v22;
	[tilespmem:s16+$0xFFFFFF90] =	vst v17  }
0x1c2: {  	v33 =	vmul.f32 $2.000000030e-01, v28;
	v40 =	vmul.f32 v26, v16;
	v35 =	vunpack.i.u.bf16.f32 v35;
	[tilespmem:s20+$0x0] =	vst v13  }
0x1c3: {  	v26 =	vadd.f32 v39, v31;
	(erf) = vpow2.f32 v18;
	v17 =	vpop (erf);
	[tilespmem:s16+$0xFFFFFEA0] =	vst v23;
	v18 =	vmul.f32 v35, v22  }
0x1c4: {  	v19 =	vmul.f32 v7, v19;
	v22 =	vsel vm3, v28, v33;
	v33 =	vunpack.i.u.bf16.f32 v42;
	[tilespmem:s20+$0xFFFFFF50] =	vst v40  }
.Ltmp2:
0x1c5: {  	v34 =	vmul.f32 v10, v34;
	v28 =	vunpack.i.u.bf16.f32 v38;
	v22 =	vsub.f32 v22, v3;
	[tilespmem:s16+$0xFFFFFEB0] =	vst v18;
	s16 =	smov.u32 s17;
	s17 =	smov.u32 s20;
	(pc) =	sbr.rel @p0 .LBB2_7-.Ltmp2, $4  }
0x1c6: {  	v35 =	vmul.f32 v6, v28;
	v31 =	vunpack.i.u.bf16.f32 v32;
	s20 =	smov.u32 s13;
	v23 =	vadd.f32 v25, v45;
	[tilespmem:s16+$0xFFFFFE50] =	vst v44  }
0x1c7: {  	v18 =	vsel vm2, v36, v29;
	v36 =	vunpack.i.l.bf16.f32 v38;
	v28 =	vmul.f32 $1.442695020e+00, v22;
	[tilespmem:s16+$0xFFFFFFC0] =	vst v19  }
0x1c8: {  	v22 =	vsub.f32 v18, v3;
	v18 =	vsub.f32 v37, v3;
	v37 =	vunpack.i.l.bf16.f32 v42;
	v25 =	vpop (erf);
	v19 =	vld [tilespmem:s18+$0xFFFFFFF0];
	[tilespmem:s16+$0xFFFFFFB0] =	vst v17  }
0x1c9: {  	s12 =	sadd.s32 $0x80, s12;
	s22 =	sadd.s32 $0x80, s22;
	v37 =	vmul.f32 v14, v37;
	vm2 =	vgt.f32 v23, $0.0e+00;
	(erf) = vpow2.f32 v28;
	v29 =	vld [tilespmem:s18+$0xFFFFFF30];
	[tilespmem:s16+$0xFFFFFE60] =	vst v30  }
0x1ca: {  	[tilespmem:s17+$0xFFFFFEE0] =	vst v35  }
0x1cb: {  	[tilespmem:s17+$0xFFFFFE40] =	vst v34  }
0x1cc: {  	v28 =	vmul.f32 v14, v33;
	[tilespmem:s13+$0xFFFFFF60] =	vst v25  }
0x1cd: {  	v50 =	vmul.f32 v6, v36;
	v51 =	vunpack.i.l.bf16.f32 v32;
	[tilespmem:s16+$0xFFFFFD90] =	vst v37  }
0x1ce: {  	v21 =	vsel vm1, v21, v24;
	v20 =	vunpack.i.l.bf16.f32 v20;
	v24 =	vmul.f32 v51, v4;
	[tilespmem:s16+$0xFFFFFDA0] =	vst v28  }
0x1cf: {  	v59 =	vunpack.i.u.bf16.f32 v27;
	v16 =	vmul.f32 v20, v16;
	[tilespmem:s17+$0xFFFFFED0] =	vst v50  }
0x1d0: {  	v42 =	vunpack.i.l.bf16.f32 v27;
	v61 =	vmul.f32 v59, v9;
	[tilespmem:s16+$0xFFFFFEF0] =	vst v24  }
0x1d1: {  	v60 =	vld [tilespmem:s19+$0xFFFFFFD0];
	v43 =	vmul.f32 v42, v9;
	[tilespmem:s17+$0xFFFFFF40] =	vst v16  }
0x1d2: {  	v46 =	vld [tilespmem:s19+$0x0];
	v4 =	vmul.f32 v31, v4;
	[tilespmem:s16+$0xFFFFFE10] =	vst v61  }
0x1d3: {  	v44 =	vunpack.i.u.bf16.f32 v19;
	[tilespmem:s16+$0xFFFFFE00] =	vst v43  }
0x1d4: {  	v52 =	vsub.f32 v21, v3;
	v55 =	vld [tilespmem:s24+$0xFFFFFFB0];
	v21 =	vpop (erf);
	[tilespmem:s16+$0xFFFFFF00] =	vst v4;
	v34 =	vunpack.i.l.bf16.f32 v19;
	v48 =	vmul.f32 v13, v44  }
0x1d5: {  	v11 =	vmul.f32 $1.442695020e+00, v11;
	[tilespmem:s13+$0xFFFFFE70] =	vst v21;
	v54 =	vunpack.i.l.bf16.f32 v29;
	v35 =	vmul.f32 v13, v34  }
0x1d6: {  	v53 =	vmul.f32 $2.000000030e-01, v15;
	v57 =	vmul.f32 v8, v54;
	v16 =	vunpack.i.u.bf16.f32 v60;
	[tilespmem:s17+$0xFFFFFFD0] =	vst v48  }
0x1d7: {  	(erf) = vpow2.f32 v11;
	v4 =	vunpack.i.l.bf16.f32 v46;
	v16 =	vmul.f32 v17, v16;
	[tilespmem:s17+$0xFFFFFFC0] =	vst v35  }
0x1d8: {  	vm0 =	vmmov vm0;
	v30 =	vld [tilespmem:s19+$0xFFFFFF20];
	v4 =	vmul.f32 v4, v7;
	[tilespmem:s17+$0xFFFFFDE0] =	vst v57  }
0x1d9: {  	v56 =	vsel vm0, v15, v53;
	v28 =	vmul.f32 $1.442695020e+00, v52;
	v63 =	vunpack.i.l.bf16.f32 v55;
	[tilespmem:s16+$0xFFFFFF80] =	vst v16  }
0x1da: {  	v58 =	vsub.f32 v56, v3;
	v20 =	vunpack.i.u.bf16.f32 v55;
	v36 =	vmul.f32 v25, v63;
	v11 =	vpop (erf);
	[tilespmem:s16+$0xFFFFFFE0] =	vst v4  }
0x1db: {  	(erf) = vpow2.f32 v28;
	v39 =	vunpack.i.l.bf16.f32 v60;
	v38 =	vmul.f32 v25, v20;
	[tilespmem:s13+$0xFFFFFF10] =	vst v11  }
0x1dc: {  	v61 =	vld [tilespmem:s18+$0xFFFFFF60];
	v24 =	vmul.f32 $1.442695020e+00, v58;
	v55 =	vunpack.i.u.bf16.f32 v46;
	v20 =	vmul.f32 v17, v39;
	[tilespmem:s13+$0xFFFFFF20] =	vst v36  }
0x1dd: {  	v41 =	vmul.f32 $2.000000030e-01, v26;
	v49 =	vld [tilespmem:s24+$0xFFFFFF50];
	v56 =	vmul.f32 v55, v7;
	v62 =	vunpack.i.u.bf16.f32 v30;
	[tilespmem:s13+$0xFFFFFF30] =	vst v38  }
0x1de: {  	(erf) = vpow2.f32 v24;
	v15 =	vmul.f32 v62, v14;
	[tilespmem:s16+$0xFFFFFF70] =	vst v20  }
0x1df: {  	vm14 =	vgt.f32 v26, $0.0e+00;
	v4 =	vunpack.i.u.bf16.f32 v29;
	[tilespmem:s16+$0xFFFFFFF0] =	vst v56;
	v36 =	vld [tilespmem:s18+$0xFFFFFFA0]  }
0x1e0: {  	v45 =	vsel vm14, v26, v41;
	v60 =	vunpack.i.l.bf16.f32 v30;
	v4 =	vmul.f32 v8, v4;
	[tilespmem:s16+$0xFFFFFDC0] =	vst v15;
	v37 =	vpop (erf)  }
0x1e1: {  	v47 =	vsub.f32 v45, v3;
	v30 =	vunpack.i.l.bf16.f32 v61;
	v63 =	vmul.f32 v60, v14;
	v51 =	vld [tilespmem:s19+$0xFFFFFFE0];
	[tilespmem:s16+$0xFFFFFEC0] =	vst v37  }
0x1e2: {  	v32 =	vmul.f32 v30, v10;
	v54 =	vunpack.i.l.bf16.f32 v49;
	[tilespmem:s17+$0xFFFFFDF0] =	vst v4;
	v40 =	vld [tilespmem:s19+$0xFFFFFF70]  }
0x1e3: {  	v16 =	vmul.f32 $1.442695020e+00, v47;
	v20 =	vmul.f32 v21, v54;
	[tilespmem:s16+$0xFFFFFDB0] =	vst v63  }
0x1e4: {  	[tilespmem:s17+$0xFFFFFE50] =	vst v32;
	v45 =	vunpack.i.l.bf16.f32 v36  }
0x1e5: {  	v58 =	vld [tilespmem:s24+$0xFFFFFFC0];
	[tilespmem:s20+$0xFFFFFE30] =	vst v20;
	v9 =	vpop (erf);
	(erf) = vpow2.f32 v16;
	v47 =	vmul.f32 v45, v6  }
0x1e6: {  	[tilespmem:s13+$0xFFFFFE20] =	vst v9;
	v57 =	vunpack.i.u.bf16.f32 v51  }
0x1e7: {  	v12 =	vmul.f32 $1.442695020e+00, v12;
	v59 =	vmul.f32 v57, v17;
	v15 =	vpop (erf);
	[tilespmem:s17+$0xFFFFFEF0] =	vst v47;
	v50 =	vunpack.i.u.bf16.f32 v40  }
0x1e8: {  	vm15 =	vmmov vm2;
	v42 =	vld [tilespmem:s18+$0xFFFFFF40];
	v24 =	vunpack.i.l.bf16.f32 v40;
	[tilespmem:s17+$0xFFFFFDD0] =	vst v15;
	v52 =	vmul.f32 v37, v50  }
0x1e9: {  	v44 =	vmul.f32 $2.000000030e-01, v23;
	v62 =	vunpack.i.l.bf16.f32 v51;
	v41 =	vld [tilespmem:s21+$0xFFFFFF30];
	[tilespmem:s16+$0xFFFFFFA0] =	vst v59;
	v53 =	vmul.f32 v37, v24  }
0x1ea: {  	v28 =	vunpack.i.u.bf16.f32 v58;
	(erf) = vpow2.f32 v12;
	v12 =	vmul.f32 v62, v17;
	[tilespmem:s16+$0xFFFFFE90] =	vst v52  }
0x1eb: {  	vm0 =	vmmov vm15;
	v17 =	vmul.f32 v28, v25;
	v50 =	vunpack.i.l.bf16.f32 v58;
	[tilespmem:s16+$0xFFFFFE80] =	vst v53  }
0x1ec: {  	v48 =	vsel vm0, v23, v44;
	[tilespmem:s16+$0xFFFFFF90] =	vst v12;
	v23 =	vmul.f32 v50, v25;
	v16 =	vld [tilespmem:s19+$0xFFFFFF80]  }
0x1ed: {  	v29 =	vld [tilespmem:s18+$0xFFFFFF10];
	[tilespmem:s20+$0xFFFFFF50] =	vst v17;
	v53 =	vunpack.i.u.bf16.f32 v42  }
0x1ee: {  	v5 =	vmul.f32 $1.442695020e+00, v5;
	v17 =	vunpack.i.u.bf16.f32 v41;
	[tilespmem:s20+$0xFFFFFF40] =	vst v23;
	v54 =	vmul.f32 v53, v8;
	v4 =	vpop (erf)  }
0x1ef: {  	v7 =	vunpack.i.u.bf16.f32 v61;
	v32 =	vmul.f32 v9, v17;
	[tilespmem:s20+$0x0] =	vst v4  }
0x1f0: {  	v33 =	vld [tilespmem:s24+$0xFFFFFF90];
	(erf) = vpow2.f32 v5;
	v5 =	vmul.f32 v7, v10;
	v7 =	vunpack.i.u.bf16.f32 v36;
	[tilespmem:s17+$0xFFFFFE10] =	vst v54  }
0x1f1: {  	v59 =	vld [tilespmem:s18+$0x0];
	v25 =	vmul.f32 v7, v6;
	[tilespmem:s20+$0xFFFFFDF0] =	vst v32;
	v24 =	vunpack.i.l.bf16.f32 v16  }
0x1f2: {  	v12 =	vunpack.i.u.bf16.f32 v29;
	[tilespmem:s17+$0xFFFFFE60] =	vst v5;
	v14 =	vmul.f32 v24, v37  }
0x1f3: {  	v38 =	vunpack.i.l.bf16.f32 v29;
	v5 =	vmul.f32 v15, v12;
	[tilespmem:s17+$0xFFFFFF00] =	vst v25  }
0x1f4: {  	[tilespmem:s16+$0xFFFFFEA0] =	vst v14;
	v14 =	vmul.f32 v15, v38  }
0x1f5: {  	v39 =	vunpack.i.u.bf16.f32 v33;
	v16 =	vunpack.i.u.bf16.f32 v16;
	[tilespmem:s17+$0xFFFFFDA0] =	vst v5  }
0x1f6: {  	v26 =	vunpack.i.u.bf16.f32 v59;
	v31 =	vmul.f32 v16, v37;
	v37 =	vpop (erf);
	v16 =	vmul.f32 v11, v39;
	[tilespmem:s17+$0xFFFFFD90] =	vst v14  }
0x1f7: {  	v43 =	vunpack.i.l.bf16.f32 v33;
	v7 =	vmul.f32 v26, v13;
	[tilespmem:s17+$0xFFFFFFB0] =	vst v37;
	v46 =	vld [tilespmem:s18+$0xFFFFFF20]  }
0x1f8: {  	v40 =	vunpack.i.u.bf16.f32 v49;
	v5 =	vmul.f32 v11, v43;
	[tilespmem:s20+$0xFFFFFEE0] =	vst v16;
	v49 =	vld [tilespmem:s18+$0xFFFFFFD0];
	v16 =	vsub.f32 v48, v3  }
0x1f9: {  	v12 =	vmul.f32 v21, v40;
	[tilespmem:s17+$0xFFFFFFF0] =	vst v7  }
0x1fa: {  	v52 =	vld [tilespmem:s21+$0xFFFFFFF0];
	[tilespmem:s20+$0xFFFFFED0] =	vst v5;
	v5 =	vunpack.i.l.bf16.f32 v41;
	v16 =	vmul.f32 $1.442695020e+00, v16  }
0x1fb: {  	v18 =	vmul.f32 $1.442695020e+00, v18;
	[tilespmem:s20+$0xFFFFFE40] =	vst v12;
	v5 =	vmul.f32 v9, v5;
	v51 =	vpop (erf)  }
0x1fc: {  	[tilespmem:s17+$0xFFFFFEC0] =	vst v51;
	(erf) = vpow2.f32 v16;
	v55 =	vunpack.i.u.bf16.f32 v46  }
0x1fd: {  	[tilespmem:s20+$0xFFFFFDE0] =	vst v5;
	v56 =	vld [tilespmem:s18+$0xFFFFFF70];
	v57 =	vunpack.i.l.bf16.f32 v49;
	(erf) = vpow2.f32 v18;
	v5 =	vmul.f32 v55, v15  }
0x1fe: {  	[tilespmem:s16+$0xFFFFFEB0] =	vst v31;
	v20 =	vunpack.i.u.bf16.f32 v49;
	v16 =	vmul.f32 v37, v57  }
0x1ff: {  	v58 =	vunpack.i.u.bf16.f32 v52;
	[tilespmem:s17+$0xFFFFFDC0] =	vst v5;
	v5 =	vmul.f32 v37, v20  }
0x200: {  	v61 =	vmul.f32 v4, v58;
	v14 =	vunpack.i.l.bf16.f32 v42;
	[tilespmem:s17+$0xFFFFFF70] =	vst v16  }
0x201: {  	v60 =	vmul.f32 v14, v8;
	v33 =	vunpack.i.l.bf16.f32 v46;
	[tilespmem:s17+$0xFFFFFF80] =	vst v5  }
0x202: {  	[tilespmem:s20+$0xFFFFFFD0] =	vst v61;
	v35 =	vmul.f32 v33, v15;
	v5 =	vunpack.i.u.bf16.f32 v56;
	v62 =	vld [tilespmem:s18+$0xFFFFFFE0]  }
0x203: {  	v29 =	vmul.f32 $1.442695020e+00, v22;
	[tilespmem:s17+$0xFFFFFE00] =	vst v60;
	v63 =	vunpack.i.l.bf16.f32 v56;
	v5 =	vmul.f32 v51, v5  }
0x204: {  	v16 =	vld [tilespmem:s21+$0xFFFFFF40];
	v20 =	vmul.f32 v51, v63;
	[tilespmem:s17+$0xFFFFFDB0] =	vst v35  }
0x205: {  	v31 =	vld [tilespmem:s21+$0xFFFFFF60];
	v27 =	vpop (erf);
	(erf) = vpow2.f32 v29;
	[tilespmem:s17+$0xFFFFFE90] =	vst v5;
	v5 =	vunpack.i.l.bf16.f32 v59  }
0x206: {  	[tilespmem:s17+$0xFFFFFE80] =	vst v20;
	v39 =	vpop (erf);
	v5 =	vmul.f32 v5, v13  }
0x207: {  	[tilespmem:s20+$0xFFFFFFB0] =	vst v39;
	v30 =	vunpack.i.u.bf16.f32 v62  }
0x208: {  	v44 =	vunpack.i.l.bf16.f32 v52;
	[tilespmem:s17+$0xFFFFFFE0] =	vst v5;
	v5 =	vmul.f32 v30, v37  }
0x209: {  	v15 =	vmul.f32 v4, v44;
	v50 =	vunpack.i.u.bf16.f32 v16;
	v16 =	vunpack.i.l.bf16.f32 v16;
	[tilespmem:s20+$0xFFFFFDD0] =	vst v27;
	v42 =	vld [tilespmem:s21+$0xFFFFFFD0]  }
0x20a: {  	v56 =	vmul.f32 v16, v9;
	v13 =	vunpack.i.u.bf16.f32 v31;
	[tilespmem:s17+$0xFFFFFFA0] =	vst v5;
	v5 =	vld [tilespmem:s21+$0xFFFFFF10]  }
0x20b: {  	[tilespmem:s20+$0xFFFFFFC0] =	vst v15;
	v28 =	vld [tilespmem:s18+$0xFFFFFF80];
	v13 =	vmul.f32 v13, v21;
	v34 =	vunpack.i.l.bf16.f32 v62  }
0x20c: {  	v40 =	vld [tilespmem:s21+$0xFFFFFFA0];
	[tilespmem:s20+$0xFFFFFE00] =	vst v56;
	v7 =	vmul.f32 v34, v37  }
0x20d: {  	v38 =	vunpack.i.l.bf16.f32 v31;
	[tilespmem:s20+$0xFFFFFE60] =	vst v13  }
0x20e: {  	v48 =	vunpack.i.l.bf16.f32 v42;
	[tilespmem:s17+$0xFFFFFF90] =	vst v7;
	v7 =	vmul.f32 v38, v21;
	v43 =	vpop (erf)  }
0x20f: {  	v49 =	vmul.f32 v39, v48;
	[tilespmem:s20+$0xFFFFFEC0] =	vst v43;
	v41 =	vunpack.i.l.bf16.f32 v5;
	v5 =	vunpack.i.u.bf16.f32 v5  }
0x210: {  	v6 =	vunpack.i.u.bf16.f32 v28;
	[tilespmem:s20+$0xFFFFFE50] =	vst v7;
	v45 =	vld [tilespmem:s21+$0xFFFFFF70];
	v5 =	vmul.f32 v27, v5  }
0x211: {  	v46 =	vunpack.i.l.bf16.f32 v40;
	v6 =	vmul.f32 v6, v51;
	[tilespmem:s20+$0xFFFFFF70] =	vst v49  }
0x212: {  	[tilespmem:s20+$0xFFFFFDA0] =	vst v5;
	v5 =	vmul.f32 v46, v11  }
0x213: {  	v52 =	vld [tilespmem:s21+$0x0];
	v12 =	vunpack.i.u.bf16.f32 v42;
	[tilespmem:s17+$0xFFFFFEB0] =	vst v6;
	v6 =	vmul.f32 v27, v41  }
0x214: {  	v36 =	vunpack.i.l.bf16.f32 v28;
	[tilespmem:s20+$0xFFFFFEF0] =	vst v5;
	v5 =	vmul.f32 v39, v12  }
0x215: {  	v37 =	vmul.f32 v36, v51;
	[tilespmem:s20+$0xFFFFFD90] =	vst v6;
	v6 =	vunpack.i.l.bf16.f32 v45  }
0x216: {  	v53 =	vunpack.i.u.bf16.f32 v45;
	v47 =	vld [tilespmem:s21+$0xFFFFFF20];
	v6 =	vmul.f32 v43, v6;
	[tilespmem:s20+$0xFFFFFF80] =	vst v5  }
0x217: {  	[tilespmem:s17+$0xFFFFFEA0] =	vst v37;
	v5 =	vmul.f32 v43, v53;
	v55 =	vld [tilespmem:s21+$0xFFFFFFE0]  }
0x218: {  	v57 =	vunpack.i.l.bf16.f32 v52;
	v51 =	vmul.f32 v50, v9;
	[tilespmem:s20+$0xFFFFFE80] =	vst v6  }
0x219: {  	v6 =	vmul.f32 v57, v4;
	[tilespmem:s20+$0xFFFFFE90] =	vst v5;
	v5 =	vunpack.i.u.bf16.f32 v40  }
0x21a: {  	v59 =	vunpack.i.u.bf16.f32 v52;
	[tilespmem:s20+$0xFFFFFE10] =	vst v51;
	v5 =	vmul.f32 v5, v11;
	v58 =	vld [tilespmem:s21+$0xFFFFFF80]  }
0x21b: {  	v4 =	vmul.f32 v59, v4;
	[tilespmem:s20+$0xFFFFFFE0] =	vst v6;
	v54 =	vunpack.i.u.bf16.f32 v47  }
0x21c: {  	v13 =	vmul.f32 v54, v27;
	[tilespmem:s20+$0xFFFFFF00] =	vst v5;
	v5 =	vunpack.i.u.bf16.f32 v55  }
0x21d: {  	[tilespmem:s20+$0xFFFFFFF0] =	vst v4;
	v60 =	vunpack.i.l.bf16.f32 v47;
	v5 =	vmul.f32 v5, v39  }
0x21e: {  	s14 =	sadd.s32 $0x1, s14;
	v4 =	vmul.f32 v60, v27;
	[tilespmem:s20+$0xFFFFFDC0] =	vst v13;
	v61 =	vunpack.i.l.bf16.f32 v55  }
0x21f: {  	p0 =	sne.s32 s14, $0x28;
	v62 =	vunpack.i.l.bf16.f32 v58;
	[tilespmem:s20+$0xFFFFFFA0] =	vst v5;
	v5 =	vmul.f32 v61, v39  }
.Ltmp3:
0x220: {  	[tilespmem:s20+$0xFFFFFDB0] =	vst v4;
	v63 =	vunpack.i.u.bf16.f32 v58;
	v4 =	vmul.f32 v62, v43;
	(pc) =	sbr.rel @p0 .LBB2_4-.Ltmp3, $4  }
0x221: {  	[tilespmem:s20+$0xFFFFFF90] =	vst v5;
	v5 =	vmul.f32 v63, v43  }
0x222: {  	[tilespmem:s20+$0xFFFFFEA0] =	vst v4  }
0x223: {  	[tilespmem:s20+$0xFFFFFEB0] =	vst v5  }
0x224: {  	[spmem:s2] =	stream.indirect.scatter.add.f32 [tilespmem:s11], [sflag:$0x4], $0x50, s15, s28, $0xb8;
	[tilespmem:$0x1BD10] =	vst v63  }
0x225: {  	s22 =	simm.s32 $0x3  }
0x226: {  	_ =	swait.ge [sflag:s22], $0x2800  }
0x227: {  	[sflag:s22] =	ssyncset.done $0x0  }
0x228: {  	[sflag:s22] =	ssyncadd.s32 $0xFFFFD800  }
0x229: {  	_ =	swait.ge [sflag:s7], $0x1000  }
0x22a: {  	[sflag:s7] =	ssyncset.done $0x0  }
0x22b: {  	[sflag:s7] =	ssyncadd.s32 $0xFFFFF000  }
0x22c: {  	_ =	swait.ge [sflag:s7], $0x800  }
0x22d: {  	[sflag:s7] =	ssyncset.done $0x0  }
0x22e: {  	[sflag:s7] =	ssyncadd.s32 $0xFFFFF800  }
0x22f: {  	_ =	swait.ge [sflag:s7], $0x800  }
0x230: {  	[sflag:s7] =	ssyncset.done $0x0  }
0x231: {  	s8 =	simm.s32 $0x14940;
	[sflag:s7] =	ssyncadd.s32 $0xFFFFF800  }
0x232: {  	s12 =	simm.s32 $0x13940;
	v4 =	vld [tilespmem:s8+$0x10]  }
0x233: {  	v5 =	vld [tilespmem:s12+$0x10];
	_ =	sdelay $0x3  }
0x234: {  	v7 =	vld [tilespmem:s12+$0xFFFFFFE0]  }
0x235: {  	v4 =	vadd.f32 v4, v5;
	v5 =	vld [tilespmem:s8+$0xFFFFFFE0]  }
0x236: {  	v8 =	vld [tilespmem:s12+$0x20]  }
0x237: {  	v9 =	vld [tilespmem:s12+$0x0];
	v6 =	vmul.f32 $2.000000030e-01, v4  }
0x238: {  	v11 =	vld [tilespmem:s8+$0xFFFFFFD0];
	vm0 =	vgt.f32 v4, $0.0e+00  }
0x239: {  	v12 =	vld [tilespmem:s12+$0xFFFFFFF0];
	v4 =	vsel vm0, v4, v6  }
0x23a: {  	v6 =	vld [tilespmem:s8+$0x0];
	v4 =	vsub.f32 v4, v3;
	v5 =	vadd.f32 v5, v7  }
0x23b: {  	v13 =	vld [tilespmem:s12+$0x30]  }
0x23c: {  	s21 =	simm.s32 $0x139C0;
	v15 =	vld [tilespmem:s8+$0x30];
	v4 =	vmul.f32 $1.442695020e+00, v4;
	v10 =	vmul.f32 $2.000000030e-01, v5  }
0x23d: {  	v16 =	vld [tilespmem:s21+$0x20];
	vm0 =	vgt.f32 v5, $0.0e+00  }
0x23e: {  	s20 =	simm.s32 $0x149C0;
	(erf) = vpow2.f32 v4;
	v4 =	vld [tilespmem:s8+$0x20];
	v5 =	vsel vm0, v5, v10  }
0x23f: {  	v19 =	vld [tilespmem:s20+$0x20];
	v6 =	vadd.f32 v6, v9;
	v5 =	vsub.f32 v5, v3  }
0x240: {  	v7 =	vld [tilespmem:s12+$0xFFFFFFD0]  }
0x241: {  	v10 =	vld [tilespmem:s8+$0xFFFFFFF0];
	v14 =	vmul.f32 $2.000000030e-01, v6;
	v5 =	vmul.f32 $1.442695020e+00, v5  }
0x242: {  	s24 =	simm.s32 $0x14A40;
	v21 =	vld [tilespmem:s20+$0xFFFFFFD0];
	vm0 =	vgt.f32 v6, $0.0e+00  }
0x243: {  	s25 =	simm.s32 $0x13A40;
	v34 =	vld [tilespmem:s24+$0xFFFFFFE0];
	v4 =	vadd.f32 v4, v8;
	(erf) = vpow2.f32 v5;
	v5 =	vsel vm0, v6, v14  }
0x244: {  	v35 =	vld [tilespmem:s25+$0xFFFFFFE0];
	v5 =	vsub.f32 v5, v3  }
0x245: {  	v9 =	vld [tilespmem:s12+$0xFFFFFFC0];
	v7 =	vadd.f32 v11, v7;
	v11 =	vmul.f32 $2.000000030e-01, v4  }
0x246: {  	v8 =	vld [tilespmem:s8+$0xFFFFFFC0];
	v10 =	vadd.f32 v10, v12;
	vm0 =	vgt.f32 v4, $0.0e+00;
	v5 =	vmul.f32 $1.442695020e+00, v5  }
0x247: {  	s14 =	simm.s32 $0x15A40;
	v17 =	vmul.f32 $2.000000030e-01, v7;
	v6 =	vpop (erf);
	v4 =	vsel vm0, v4, v11;
	v11 =	vld [tilespmem:s20+$0x10]  }
0x248: {  	s17 =	simm.s32 $0x11980;
	v15 =	vadd.f32 v15, v13;
	v18 =	vmul.f32 $2.000000030e-01, v10;
	[tilespmem:s14+$0x90] =	vst v6;
	(erf) = vpow2.f32 v5;
	v5 =	vld [tilespmem:s21+$0x10]  }
0x249: {  	v16 =	vadd.f32 v19, v16;
	vm1 =	vgt.f32 v10, $0.0e+00;
	vm0 =	vgt.f32 v7, $0.0e+00;
	v12 =	vld [tilespmem:s17+$0x20]  }
0x24a: {  	v22 =	vld [tilespmem:s21+$0xFFFFFFE0];
	v10 =	vsel vm1, v10, v18;
	v7 =	vsel vm0, v7, v17;
	v17 =	vmul.f32 $2.000000030e-01, v15  }
0x24b: {  	v18 =	vld [tilespmem:s20+$0xFFFFFFE0];
	v8 =	vadd.f32 v8, v9;
	vm0 =	vgt.f32 v15, $0.0e+00;
	v7 =	vsub.f32 v7, v3  }
0x24c: {  	v34 =	vadd.f32 v34, v35;
	v9 =	vld [tilespmem:s21+$0xFFFFFFD0];
	v15 =	vsel vm0, v15, v17;
	v17 =	vsub.f32 v4, v3  }
0x24d: {  	v25 =	vld [tilespmem:s21+$0x30];
	vm0 =	vgt.f32 v8, $0.0e+00;
	v15 =	vsub.f32 v15, v3;
	v4 =	vmul.f32 $1.442695020e+00, v7  }
0x24e: {  	v14 =	vld [tilespmem:s20+$0x0];
	v13 =	vpop (erf);
	v5 =	vadd.f32 v11, v5;
	v11 =	vsub.f32 v10, v3;
	v20 =	vunpack.i.l.bf16.f32 v12  }
0x24f: {  	[tilespmem:s14+$0xFFFFFFA0] =	vst v13;
	v10 =	vmul.f32 $1.442695020e+00, v15;
	v15 =	vld [tilespmem:s21+$0x0];
	v12 =	vunpack.i.u.bf16.f32 v12;
	v20 =	vmul.f32 v6, v20  }
0x250: {  	vm0 =	vmmov vm0;
	(erf) = vpow2.f32 v4;
	v7 =	vld [tilespmem:s17+$0xFFFFFFC0];
	v12 =	vmul.f32 v6, v12  }
0x251: {  	v18 =	vadd.f32 v18, v22;
	(erf) = vpow2.f32 v10;
	v10 =	vadd.f32 v21, v9;
	v9 =	vld [tilespmem:s21+$0xFFFFFFF0];
	[tilespmem:s14+$0x50] =	vst v20  }
0x252: {  	vm0 =	vmmov vm0;
	v17 =	vmul.f32 $1.442695020e+00, v17;
	[tilespmem:s14+$0x60] =	vst v12;
	v12 =	vmul.f32 $2.000000030e-01, v5;
	v20 =	vld [tilespmem:s20+$0xFFFFFFF0]  }
0x253: {  	vm2 =	vgt.f32 v18, $0.0e+00;
	vm1 =	vgt.f32 v5, $0.0e+00;
	v21 =	vmul.f32 $2.000000030e-01, v10;
	v19 =	vld [tilespmem:s17+$0x30]  }
0x254: {  	v14 =	vadd.f32 v14, v15;
	v15 =	vld [tilespmem:s20+$0x30];
	v5 =	vsel vm1, v5, v12;
	v12 =	vmul.f32 $2.000000030e-01, v16  }
0x255: {  	vm1 =	vgt.f32 v16, $0.0e+00;
	v24 =	vunpack.i.l.bf16.f32 v7;
	v5 =	vsub.f32 v5, v3  }
0x256: {  	v12 =	vsel vm1, v16, v12;
	v16 =	vmul.f32 $2.000000030e-01, v18;
	vm1 =	vgt.f32 v10, $0.0e+00  }
0x257: {  	v26 =	vmul.f32 $2.000000030e-01, v14;
	v5 =	vmul.f32 $1.442695020e+00, v5;
	v10 =	vsel vm1, v10, v21  }
0x258: {  	v4 =	vpop (erf);
	v12 =	vsub.f32 v12, v3;
	v16 =	vsel vm2, v18, v16;
	v18 =	vadd.f32 v20, v9  }
0x259: {  	v23 =	vld [tilespmem:s21+$0xFFFFFFC0];
	[tilespmem:s14+$0x40] =	vst v4;
	vm2 =	vgt.f32 v14, $0.0e+00;
	v27 =	vunpack.i.u.bf16.f32 v19;
	v25 =	vadd.f32 v15, v25  }
0x25a: {  	v22 =	vld [tilespmem:s17+$0x0];
	v10 =	vsub.f32 v10, v3;
	(erf) = vpow2.f32 v5;
	v5 =	vmul.f32 v13, v24  }
0x25b: {  	v20 =	vld [tilespmem:s20+$0xFFFFFFC0];
	v16 =	vsub.f32 v16, v3;
	v24 =	vunpack.i.u.bf16.f32 v7;
	v27 =	vmul.f32 v27, v6  }
0x25c: {  	v14 =	vsel vm2, v14, v26;
	vm3 =	vgt.f32 v18, $0.0e+00;
	v28 =	vmul.f32 $2.000000030e-01, v18  }
0x25d: {  	v9 =	vpop (erf);
	v14 =	vsub.f32 v14, v3;
	v24 =	vmul.f32 v13, v24;
	v16 =	vmul.f32 $1.442695020e+00, v16  }
0x25e: {  	v29 =	vld [tilespmem:s24+$0x0];
	[tilespmem:s14+$0xFFFFFF50] =	vst v9;
	v10 =	vmul.f32 $1.442695020e+00, v10;
	v18 =	vsel vm3, v18, v28;
	v28 =	vmul.f32 $2.000000030e-01, v8  }
0x25f: {  	v30 =	vld [tilespmem:s24+$0x20];
	v21 =	vunpack.i.l.bf16.f32 v22;
	[tilespmem:s14+$0xFFFFFF60] =	vst v5;
	v14 =	vmul.f32 $1.442695020e+00, v14;
	(erf) = vpow2.f32 v16  }
0x260: {  	[tilespmem:s14+$0xFFFFFF70] =	vst v24;
	v16 =	vunpack.i.u.bf16.f32 v22;
	v15 =	vadd.f32 v20, v23;
	v20 =	vld [tilespmem:s17+$0xFFFFFFA0];
	v8 =	vsel vm0, v8, v28  }
0x261: {  	v7 =	vpop (erf);
	v5 =	vsub.f32 v18, v3;
	v18 =	vmul.f32 v4, v21;
	v24 =	vld [tilespmem:s17+$0xFFFFFFD0];
	v8 =	vsub.f32 v8, v3  }
0x262: {  	v31 =	vld [tilespmem:s25+$0x10];
	[tilespmem:s14+$0x130] =	vst v7;
	vm1 =	vgt.f32 v25, $0.0e+00;
	v26 =	vmul.f32 v4, v16;
	(erf) = vpow2.f32 v14  }
0x263: {  	v23 =	vld [tilespmem:s17+$0x60];
	v28 =	vmul.f32 $2.000000030e-01, v25;
	vm0 =	vgt.f32 v15, $0.0e+00;
	v8 =	vmul.f32 $1.442695020e+00, v8  }
0x264: {  	v22 =	vld [tilespmem:s25+$0x20];
	vm0 =	vmmov vm0;
	[tilespmem:s14+$0x10] =	vst v26;
	v26 =	vmul.f32 $2.000000030e-01, v34;
	v16 =	vpop (erf);
	(erf) = vpow2.f32 v10  }
0x265: {  	s15 =	simm.s32 $0x15CC0;
	v10 =	vunpack.i.l.bf16.f32 v19;
	v19 =	vsel vm1, v25, v28;
	(erf) = vpow2.f32 v8;
	v8 =	vld [tilespmem:s24+$0x10]  }
0x266: {  	s16 =	simm.s32 $0x11A80;
	v61 =	vld [tilespmem:s24+$0xFFFFFFF0];
	v28 =	vunpack.i.l.bf16.f32 v20;
	v20 =	vunpack.i.u.bf16.f32 v20;
	v37 =	vunpack.i.u.bf16.f32 v24;
	[tilespmem:s15+$0x90] =	vst v16  }
0x267: {  	v19 =	vsub.f32 v19, v3;
	v36 =	vmul.f32 v9, v20;
	v20 =	vunpack.i.l.bf16.f32 v24;
	v21 =	vld [tilespmem:s16+$0x20]  }
0x268: {  	v25 =	vunpack.i.u.bf16.f32 v23;
	v39 =	vmul.f32 v37, v13;
	v38 =	vmul.f32 v20, v13;
	v13 =	vld [tilespmem:s25+$0xFFFFFFF0]  }
0x269: {  	v33 =	vld [tilespmem:s24+$0xFFFFFFD0];
	v22 =	vadd.f32 v30, v22;
	v32 =	vmul.f32 v10, v6;
	v19 =	vmul.f32 $1.442695020e+00, v19  }
0x26a: {  	[tilespmem:s14+$0x80] =	vst v27;
	v14 =	vld [tilespmem:s25+$0xFFFFFFD0];
	v28 =	vmul.f32 v9, v28;
	v25 =	vmul.f32 v7, v25;
	v10 =	vpop (erf);
	v31 =	vadd.f32 v8, v31  }
0x26b: {  	v23 =	vunpack.i.l.bf16.f32 v23;
	v60 =	vmul.f32 $2.000000030e-01, v22;
	[tilespmem:s15+$0xFFFFFFA0] =	vst v10;
	(erf) = vpow2.f32 v19;
	v19 =	vld [tilespmem:s25+$0x0]  }
0x26c: {  	[tilespmem:s14+$0x0] =	vst v18;
	v30 =	vld [tilespmem:s16+$0xFFFFFFC0];
	v6 =	vunpack.i.l.bf16.f32 v21;
	v21 =	vunpack.i.u.bf16.f32 v21;
	v27 =	vmul.f32 $2.000000030e-01, v31  }
0x26d: {  	[tilespmem:s14+$0x70] =	vst v32;
	v41 =	vadd.f32 v61, v13;
	v6 =	vmul.f32 v16, v6;
	vm2 =	vgt.f32 v31, $0.0e+00  }
0x26e: {  	vm1 =	vgt.f32 v22, $0.0e+00;
	[tilespmem:s14+$0xFFFFFF10] =	vst v28;
	v21 =	vmul.f32 v16, v21;
	v27 =	vsel vm2, v31, v27  }
0x26f: {  	v28 =	vld [tilespmem:s25+$0xFFFFFFC0];
	v62 =	vsel vm1, v22, v60;
	vm3 =	vgt.f32 v41, $0.0e+00;
	[tilespmem:s15+$0x50] =	vst v6;
	v27 =	vsub.f32 v27, v3  }
0x270: {  	[tilespmem:s15+$0x60] =	vst v21;
	v21 =	vadd.f32 v33, v14;
	vm2 =	vgt.f32 v34, $0.0e+00;
	v19 =	vadd.f32 v29, v19;
	v29 =	vld [tilespmem:s24+$0x30]  }
0x271: {  	[tilespmem:s14+$0x100] =	vst v25;
	v20 =	vld [tilespmem:s16+$0x30];
	v18 =	vunpack.i.l.bf16.f32 v30;
	v26 =	vsel vm2, v34, v26;
	v6 =	vpop (erf);
	v27 =	vmul.f32 $1.442695020e+00, v27  }
0x272: {  	(erf) = vpow2.f32 v17;
	v17 =	vld [tilespmem:s25+$0x30];
	v18 =	vmul.f32 v10, v18;
	v13 =	vsub.f32 v26, v3;
	[tilespmem:s15+$0x40] =	vst v6  }
0x273: {  	[tilespmem:s14+$0xFFFFFF20] =	vst v36;
	v30 =	vunpack.i.u.bf16.f32 v30;
	v24 =	vmul.f32 $2.000000030e-01, v21;
	v8 =	vpop (erf);
	v22 =	vld [tilespmem:s16+$0x0];
	(erf) = vpow2.f32 v27  }
0x274: {  	v32 =	vld [tilespmem:s17+$0x10];
	vm1 =	vgt.f32 v21, $0.0e+00;
	v14 =	vpop (erf);
	v25 =	vmul.f32 $1.442695020e+00, v13;
	[tilespmem:s15+$0xFFFFFF60] =	vst v18;
	v18 =	vmul.f32 $2.000000030e-01, v41  }
0x275: {  	vm2 =	vgt.f32 v19, $0.0e+00;
	v31 =	vmul.f32 $2.000000030e-01, v19;
	v34 =	vmul.f32 v10, v30;
	[tilespmem:s14+$0xFFFFFF00] =	vst v14;
	v27 =	vld [tilespmem:s24+$0xFFFFFFC0]  }
0x276: {  	[tilespmem:s14+$0xFFFFFF90] =	vst v39;
	v40 =	vld [tilespmem:s17+$0xFFFFFF80];
	v26 =	vunpack.i.u.bf16.f32 v20;
	v13 =	vpop (erf);
	(erf) = vpow2.f32 v25;
	v18 =	vsel vm3, v41, v18  }
0x277: {  	[tilespmem:s14+$0xFFFFFF80] =	vst v38;
	v63 =	vmul.f32 v26, v16;
	v26 =	vadd.f32 v29, v17;
	v17 =	vsel vm2, v19, v31  }
0x278: {  	[tilespmem:s15+$0xFFFFFF50] =	vst v8;
	v19 =	vmul.f32 v7, v23;
	v25 =	vsub.f32 v17, v3;
	v17 =	vunpack.i.u.bf16.f32 v22  }
0x279: {  	[tilespmem:s15+$0x130] =	vst v13;
	v31 =	vunpack.i.u.bf16.f32 v32;
	v36 =	vunpack.i.l.bf16.f32 v22;
	v22 =	vsub.f32 v18, v3  }
0x27a: {  	s13 =	simm.s32 $0x15F40;
	v29 =	vld [tilespmem:s16+$0xFFFFFFA0];
	[tilespmem:s15+$0x80] =	vst v63;
	v18 =	vsub.f32 v62, v3;
	v23 =	vadd.f32 v27, v28;
	v28 =	vmul.f32 $1.442695020e+00, v25  }
0x27b: {  	s19 =	simm.s32 $0x11B80;
	s18 =	simm.s32 $0x15F40;
	s12 =	simm.s32 $0x14AC0;
	[tilespmem:s14+$0xF0] =	vst v19;
	v19 =	vld [tilespmem:s16+$0x60];
	v35 =	vmul.f32 v6, v17;
	v33 =	vunpack.i.u.bf16.f32 v40;
	v30 =	vunpack.i.l.bf16.f32 v40;
	v17 =	vpop (erf)  }
0x27c: {  	s8 =	simm.s32 $0x10;
	s21 =	simm.s32 $0x13AC0;
	s20 =	simm.s32 $0x11B80;
	v27 =	vld [tilespmem:s17+$0xFFFFFFB0];
	vm2 =	vgt.f32 v23, $0.0e+00;
	(erf) = vpow2.f32 v28;
	v37 =	vmul.f32 v14, v30;
	[tilespmem:s14+$0xE0] =	vst v17;
	v25 =	vpop (erf)  }
.LBB2_10:
0x27d: {  	v21 =	vsel vm1, v21, v24;
	v24 =	vmul.f32 v6, v36  }
0x27e: {  	v28 =	vld [tilespmem:s12+$0x0];
	s8 =	sadd.s32 $0x8, s8;
	[tilespmem:s15+$0x10] =	vst v35;
	v31 =	vmul.f32 v31, v4;
	vm1 =	vmmov vm0;
	vm0 =	vmmov vm2  }
0x27f: {  	v33 =	vmul.f32 v14, v33;
	v32 =	vunpack.i.l.bf16.f32 v32;
	v30 =	vld [tilespmem:s21+$0x20];
	p0 =	slt.u32 s8, $0x78;
	[tilespmem:s15+$0xFFFFFF70] =	vst v34;
	v34 =	vmul.f32 $1.442695020e+00, v11;
	v11 =	vmovc v5;
	v5 =	vmovc v22  }
0x280: {  	v21 =	vsub.f32 v21, v3;
	v22 =	vmul.f32 $2.000000030e-01, v15;
	v32 =	vmul.f32 v32, v4;
	v35 =	vld [tilespmem:s21+$0xFFFFFFD0];
	v36 =	vpop (erf);
	[tilespmem:s14+$0xFFFFFEC0] =	vst v37  }
0x281: {  	v20 =	vunpack.i.l.bf16.f32 v20;
	v4 =	vmovc v6;
	v37 =	vld [tilespmem:s16+$0xFFFFFFD0];
	v38 =	vunpack.i.u.bf16.f32 v19;
	[tilespmem:s14+$0xFFFFFED0] =	vst v33;
	(erf) = vpow2.f32 v34  }
0x282: {  	v20 =	vmul.f32 v20, v16;
	v6 =	vsel vm1, v15, v22;
	v15 =	vmovc v23;
	[tilespmem:s13+$0x90] =	vst v25;
	v22 =	vunpack.i.l.bf16.f32 v29;
	v33 =	vld [tilespmem:s17+$0xFFFFFF90]  }
0x283: {  	v16 =	vmovc v25;
	v34 =	vmul.f32 $2.000000030e-01, v26;
	v41 =	vsub.f32 v6, v3;
	[tilespmem:s13+$0xFFFFFFA0] =	vst v36;
	v23 =	vld [tilespmem:s20+$0x20];
	v22 =	vmul.f32 v8, v22  }
0x284: {  	v21 =	vmul.f32 $1.442695020e+00, v21;
	vm1 =	vgt.f32 v26, $0.0e+00;
	v25 =	vld [tilespmem:s12+$0xFFFFFFE0];
	[tilespmem:s15+$0x0] =	vst v24;
	v24 =	vunpack.i.l.bf16.f32 v27  }
0x285: {  	v29 =	vunpack.i.u.bf16.f32 v29;
	v40 =	vmul.f32 $1.442695020e+00, v41;
	v27 =	vunpack.i.u.bf16.f32 v27;
	v39 =	vld [tilespmem:s12+$0x20];
	[tilespmem:s14+$0x20] =	vst v32  }
0x286: {  	v26 =	vsel vm1, v26, v34;
	(erf) = vpow2.f32 v21;
	v6 =	vpop (erf);
	[tilespmem:s15+$0x70] =	vst v20;
	v20 =	vmul.f32 v27, v9;
	v21 =	vld [tilespmem:s17+$0x40]  }
0x287: {  	v26 =	vsub.f32 v26, v3;
	[tilespmem:s15+$0xFFFFFF10] =	vst v22;
	(erf) = vpow2.f32 v40;
	v22 =	vunpack.i.u.bf16.f32 v33;
	v27 =	vld [tilespmem:s17+$0x70]  }
0x288: {  	v38 =	vmul.f32 v13, v38;
	v32 =	vld [tilespmem:s12+$0x10];
	[tilespmem:s13+$0x40] =	vst v6;
	v34 =	vunpack.i.l.bf16.f32 v23;
	v43 =	vmul.f32 v22, v14  }
0x289: {  	v29 =	vmul.f32 v8, v29;
	v41 =	vmul.f32 v24, v9;
	v9 =	vmovc v8;
	v23 =	vunpack.i.u.bf16.f32 v23;
	v40 =	vld [tilespmem:s12+$0xFFFFFFD0];
	[tilespmem:s14+$0xFFFFFF40] =	vst v20  }
0x28a: {  	v8 =	vmul.f32 v16, v34;
	v23 =	vmul.f32 v16, v23;
	v42 =	vld [tilespmem:s21+$0x10];
	v20 =	vadd.f32 v39, v30;
	[tilespmem:s14+$0xFFFFFEF0] =	vst v43;
	v22 =	vpop (erf)  }
0x28b: {  	v24 =	vmul.f32 $1.442695020e+00, v26;
	v34 =	vld [tilespmem:s20+$0xFFFFFFC0];
	[tilespmem:s14+$0xFFFFFFF0] =	vst v22;
	v26 =	vunpack.i.u.bf16.f32 v21;
	v21 =	vunpack.i.l.bf16.f32 v21  }
0x28c: {  	vm1 =	vgt.f32 v20, $0.0e+00;
	[tilespmem:s13+$0x50] =	vst v8;
	v39 =	vld [tilespmem:s17+$0xFFFFFFE0];
	v30 =	vmul.f32 v17, v21;
	v26 =	vmul.f32 v17, v26  }
0x28d: {  	v43 =	vld [tilespmem:s21+$0x0];
	[tilespmem:s13+$0x60] =	vst v23;
	(erf) = vpow2.f32 v24;
	v23 =	vunpack.i.u.bf16.f32 v37;
	v24 =	vunpack.i.l.bf16.f32 v37  }
0x28e: {  	v37 =	vmul.f32 $2.000000030e-01, v20;
	v21 =	vadd.f32 v40, v35;
	v35 =	vld [tilespmem:s21+$0xFFFFFFE0];
	[tilespmem:s14+$0xA0] =	vst v30;
	v40 =	vunpack.i.u.bf16.f32 v27  }
0x28f: {  	v45 =	vunpack.i.l.bf16.f32 v27;
	v44 =	vmul.f32 v24, v10;
	v30 =	vmul.f32 v23, v10;
	v8 =	vpop (erf);
	[tilespmem:s14+$0xB0] =	vst v26  }
0x290: {  	v37 =	vsel vm1, v20, v37;
	v26 =	vmul.f32 v45, v7;
	v24 =	vmul.f32 $2.000000030e-01, v21;
	v20 =	vld [tilespmem:s20+$0x30];
	v23 =	vpop (erf);
	[tilespmem:s14+$0xFFFFFF30] =	vst v41  }
0x291: {  	v27 =	vmul.f32 $1.442695020e+00, v12;
	v10 =	vmovc v36;
	v40 =	vmul.f32 v40, v7;
	v7 =	vmovc v13;
	[tilespmem:s13+$0xFFFFFF50] =	vst v8;
	v45 =	vunpack.i.u.bf16.f32 v39;
	v41 =	vld [tilespmem:s17+$0x50]  }
0x292: {  	v12 =	vmovc v18;
	v13 =	vadd.f32 v32, v42;
	vm1 =	vgt.f32 v21, $0.0e+00;
	v36 =	vld [tilespmem:s21+$0xFFFFFFF0];
	[tilespmem:s15+$0x100] =	vst v38;
	v32 =	vmul.f32 v22, v45  }
0x293: {  	v18 =	vadd.f32 v25, v35;
	v25 =	vunpack.i.l.bf16.f32 v34;
	v38 =	vld [tilespmem:s20+$0x0];
	v35 =	vunpack.i.l.bf16.f32 v39;
	[tilespmem:s14+$0x30] =	vst v31  }
0x294: {  	v33 =	vunpack.i.l.bf16.f32 v33;
	v39 =	vmul.f32 $2.000000030e-01, v13;
	v31 =	vld [tilespmem:s12+$0xFFFFFFF0];
	v35 =	vmul.f32 v22, v35;
	[tilespmem:s14+$0xFFFFFFC0] =	vst v32  }
0x295: {  	vm2 =	vgt.f32 v13, $0.0e+00;
	s13 =	sadd.s32 $0x280, s13;
	v25 =	vmul.f32 v10, v25;
	v32 =	vmul.f32 $2.000000030e-01, v18;
	[tilespmem:s15+$0xFFFFFF00] =	vst v23  }
0x296: {  	s20 =	sadd.s32 $0x100, s20;
	vm3 =	vgt.f32 v18, $0.0e+00;
	v39 =	vsel vm2, v13, v39;
	v13 =	vpop (erf);
	v42 =	vld [tilespmem:s16+$0xFFFFFF80];
	(erf) = vpow2.f32 v27;
	[tilespmem:s14+$0xFFFFFFB0] =	vst v35  }
0x297: {  	v34 =	vunpack.i.u.bf16.f32 v34;
	v27 =	vsub.f32 v39, v3;
	v39 =	vunpack.i.u.bf16.f32 v41;
	v35 =	vld [tilespmem:s17+$0xFFFFFFF0];
	[tilespmem:s14+$0x110] =	vst v26;
	s17 =	smov.u32 s16;
	s16 =	smov.u32 s19;
	s19 =	smov.u32 s20  }
0x298: {  	v28 =	vadd.f32 v28, v43;
	v18 =	vsel vm3, v18, v32;
	v45 =	vld [tilespmem:s21+$0xFFFFFFC0];
	[tilespmem:s18+$0xFFFFFF60] =	vst v25;
	v25 =	vmul.f32 v39, v17  }
0x299: {  	v26 =	vmul.f32 $1.442695020e+00, v27;
	v27 =	vunpack.i.l.bf16.f32 v41;
	v36 =	vadd.f32 v31, v36;
	v31 =	vld [tilespmem:s21+$0x30];
	[tilespmem:s14+$0x120] =	vst v40  }
0x29a: {  	v19 =	vunpack.i.l.bf16.f32 v19;
	v33 =	vmul.f32 v33, v14;
	v14 =	vmovc v23;
	v18 =	vsub.f32 v18, v3;
	v39 =	vld [tilespmem:s12+$0x30];
	[tilespmem:s14+$0xD0] =	vst v25  }
0x29b: {  	vm3 =	vgt.f32 v28, $0.0e+00;
	v17 =	vmul.f32 v27, v17;
	(erf) = vpow2.f32 v26;
	[tilespmem:s15+$0xFFFFFF20] =	vst v29;
	v32 =	vld [tilespmem:s17+$0x10]  }
0x29c: {  	v18 =	vmul.f32 $1.442695020e+00, v18;
	vm2 =	vgt.f32 v36, $0.0e+00;
	v27 =	vld [tilespmem:s17+$0xFFFFFFB0];
	[tilespmem:s14+$0xFFFFFEE0] =	vst v33;
	v23 =	vunpack.i.l.bf16.f32 v35  }
0x29d: {  	v29 =	vmul.f32 $2.000000030e-01, v36;
	v26 =	vunpack.i.u.bf16.f32 v20;
	v25 =	vld [tilespmem:s12+$0xFFFFFFC0];
	v23 =	vmul.f32 v23, v22;
	[tilespmem:s14+$0xC0] =	vst v17  }
0x29e: {  	v33 =	vmul.f32 $2.000000030e-01, v28;
	v40 =	vmul.f32 v26, v16;
	v35 =	vunpack.i.u.bf16.f32 v35;
	[tilespmem:s18+$0x130] =	vst v13  }
0x29f: {  	v26 =	vadd.f32 v39, v31;
	(erf) = vpow2.f32 v18;
	v17 =	vpop (erf);
	[tilespmem:s14+$0xFFFFFFD0] =	vst v23;
	v18 =	vmul.f32 v35, v22  }
0x2a0: {  	v19 =	vmul.f32 v7, v19;
	v22 =	vsel vm3, v28, v33;
	v33 =	vunpack.i.u.bf16.f32 v42;
	[tilespmem:s18+$0x80] =	vst v40  }
.Ltmp4:
0x2a1: {  	v34 =	vmul.f32 v10, v34;
	v28 =	vunpack.i.u.bf16.f32 v38;
	v22 =	vsub.f32 v22, v3;
	[tilespmem:s14+$0xFFFFFFE0] =	vst v18;
	s14 =	smov.u32 s15;
	s15 =	smov.u32 s18;
	(pc) =	sbr.rel @p0 .LBB2_10-.Ltmp4, $4  }
0x2a2: {  	v35 =	vmul.f32 v6, v28;
	v31 =	vunpack.i.u.bf16.f32 v32;
	s18 =	smov.u32 s13;
	v23 =	vadd.f32 v25, v45;
	[tilespmem:s14+$0xFFFFFF80] =	vst v44  }
0x2a3: {  	v18 =	vsel vm2, v36, v29;
	v36 =	vunpack.i.l.bf16.f32 v38;
	v28 =	vmul.f32 $1.442695020e+00, v22;
	[tilespmem:s14+$0xF0] =	vst v19  }
0x2a4: {  	v22 =	vsub.f32 v18, v3;
	v18 =	vsub.f32 v37, v3;
	v37 =	vunpack.i.l.bf16.f32 v42;
	v25 =	vpop (erf);
	v19 =	vld [tilespmem:s16+$0x60];
	[tilespmem:s14+$0xE0] =	vst v17  }
0x2a5: {  	s21 =	sadd.s32 $0x80, s21;
	s12 =	sadd.s32 $0x80, s12;
	v37 =	vmul.f32 v14, v37;
	vm2 =	vgt.f32 v23, $0.0e+00;
	(erf) = vpow2.f32 v28;
	v29 =	vld [tilespmem:s16+$0xFFFFFFA0];
	[tilespmem:s14+$0xFFFFFF90] =	vst v30  }
0x2a6: {  	[tilespmem:s15+$0x10] =	vst v35  }
0x2a7: {  	[tilespmem:s15+$0xFFFFFF70] =	vst v34  }
0x2a8: {  	v28 =	vmul.f32 v14, v33;
	[tilespmem:s13+$0x90] =	vst v25  }
0x2a9: {  	v40 =	vmul.f32 v6, v36;
	[tilespmem:s14+$0xFFFFFEC0] =	vst v37  }
0x2aa: {  	v41 =	vunpack.i.l.bf16.f32 v32;
	v36 =	vmul.f32 v31, v4;
	[tilespmem:s14+$0xFFFFFED0] =	vst v28  }
0x2ab: {  	v21 =	vsel vm1, v21, v24;
	v20 =	vunpack.i.l.bf16.f32 v20;
	v24 =	vmul.f32 v41, v4;
	[tilespmem:s15+$0x0] =	vst v40  }
0x2ac: {  	v49 =	vunpack.i.u.bf16.f32 v27;
	v16 =	vmul.f32 v20, v16;
	[tilespmem:s14+$0x30] =	vst v36  }
0x2ad: {  	v50 =	vld [tilespmem:s17+$0x40];
	v59 =	vunpack.i.l.bf16.f32 v27;
	v51 =	vmul.f32 v49, v9;
	[tilespmem:s14+$0x20] =	vst v24  }
0x2ae: {  	v63 =	vld [tilespmem:s17+$0x70];
	v60 =	vmul.f32 v59, v9;
	[tilespmem:s15+$0x70] =	vst v16  }
0x2af: {  	v11 =	vmul.f32 $1.442695020e+00, v11;
	[tilespmem:s14+$0xFFFFFF40] =	vst v51;
	v61 =	vunpack.i.u.bf16.f32 v19  }
0x2b0: {  	v42 =	vsub.f32 v21, v3;
	v21 =	vpop (erf);
	[tilespmem:s14+$0xFFFFFF30] =	vst v60;
	v60 =	vunpack.i.l.bf16.f32 v19;
	v34 =	vmul.f32 v13, v61  }
0x2b1: {  	v43 =	vmul.f32 $2.000000030e-01, v15;
	v45 =	vld [tilespmem:s20+$0x20];
	[tilespmem:s13+$0xFFFFFFA0] =	vst v21;
	v44 =	vunpack.i.l.bf16.f32 v29;
	v61 =	vmul.f32 v13, v60  }
0x2b2: {  	vm0 =	vmmov vm0;
	v47 =	vmul.f32 v8, v44;
	v16 =	vunpack.i.u.bf16.f32 v50;
	[tilespmem:s15+$0x100] =	vst v34  }
0x2b3: {  	(erf) = vpow2.f32 v11;
	v40 =	vunpack.i.l.bf16.f32 v63;
	v16 =	vmul.f32 v17, v16;
	[tilespmem:s15+$0xF0] =	vst v61  }
0x2b4: {  	v46 =	vsel vm0, v15, v43;
	v43 =	vunpack.i.u.bf16.f32 v63;
	v4 =	vmul.f32 v40, v7;
	[tilespmem:s15+$0xFFFFFF10] =	vst v47  }
0x2b5: {  	v44 =	vmul.f32 v43, v7;
	[tilespmem:s14+$0xB0] =	vst v16  }
0x2b6: {  	v30 =	vld [tilespmem:s17+$0xFFFFFF90];
	v53 =	vunpack.i.l.bf16.f32 v45;
	[tilespmem:s14+$0x110] =	vst v4  }
0x2b7: {  	v48 =	vsub.f32 v46, v3;
	v20 =	vunpack.i.u.bf16.f32 v45;
	v54 =	vmul.f32 v25, v53;
	v11 =	vpop (erf);
	[tilespmem:s14+$0x120] =	vst v44  }
0x2b8: {  	v28 =	vmul.f32 $1.442695020e+00, v42;
	v56 =	vunpack.i.l.bf16.f32 v50;
	v35 =	vld [tilespmem:s20+$0xFFFFFFC0];
	v55 =	vmul.f32 v25, v20;
	[tilespmem:s13+$0x40] =	vst v11  }
0x2b9: {  	v46 =	vunpack.i.u.bf16.f32 v29;
	v24 =	vmul.f32 $1.442695020e+00, v48;
	v50 =	vld [tilespmem:s16+$0xFFFFFFD0];
	v20 =	vmul.f32 v17, v56;
	[tilespmem:s13+$0x50] =	vst v54  }
0x2ba: {  	(erf) = vpow2.f32 v28;
	v4 =	vmul.f32 v8, v46;
	[tilespmem:s13+$0x60] =	vst v55  }
0x2bb: {  	v63 =	vld [tilespmem:s16+$0x10];
	v52 =	vunpack.i.u.bf16.f32 v30;
	(erf) = vpow2.f32 v24;
	[tilespmem:s14+$0xA0] =	vst v20  }
0x2bc: {  	v49 =	vunpack.i.l.bf16.f32 v30;
	v15 =	vmul.f32 v52, v14;
	[tilespmem:s15+$0xFFFFFF20] =	vst v4;
	v32 =	vpop (erf)  }
0x2bd: {  	v58 =	vmul.f32 $2.000000030e-01, v26;
	v52 =	vmul.f32 v49, v14;
	v42 =	vunpack.i.l.bf16.f32 v35;
	[tilespmem:s14+$0xFFFFFFF0] =	vst v32  }
0x2be: {  	vm14 =	vgt.f32 v26, $0.0e+00;
	v56 =	vunpack.i.l.bf16.f32 v50;
	[tilespmem:s14+$0xFFFFFEF0] =	vst v15;
	v20 =	vmul.f32 v21, v42;
	v57 =	vld [tilespmem:s17+$0xFFFFFFE0]  }
0x2bf: {  	v62 =	vsel vm14, v26, v58;
	v7 =	vunpack.i.u.bf16.f32 v50;
	[tilespmem:s14+$0xFFFFFEE0] =	vst v52;
	v58 =	vmul.f32 v56, v10  }
0x2c0: {  	v33 =	vsub.f32 v62, v3;
	v38 =	vld [tilespmem:s17+$0x50];
	v62 =	vmul.f32 v7, v10;
	v7 =	vunpack.i.u.bf16.f32 v63;
	[tilespmem:s18+$0xFFFFFF60] =	vst v20  }
0x2c1: {  	v59 =	vld [tilespmem:s20+$0x0];
	v61 =	vmul.f32 v7, v6;
	[tilespmem:s15+$0xFFFFFF80] =	vst v58  }
0x2c2: {  	v16 =	vmul.f32 $1.442695020e+00, v33;
	v47 =	vld [tilespmem:s20+$0x30];
	[tilespmem:s15+$0xFFFFFF90] =	vst v62  }
0x2c3: {  	v9 =	vpop (erf);
	[tilespmem:s15+$0x30] =	vst v61;
	v37 =	vunpack.i.u.bf16.f32 v57  }
0x2c4: {  	(erf) = vpow2.f32 v16;
	[tilespmem:s13+$0xFFFFFF50] =	vst v9;
	v15 =	vpop (erf);
	v24 =	vunpack.i.l.bf16.f32 v57;
	v39 =	vmul.f32 v32, v37  }
0x2c5: {  	v33 =	vld [tilespmem:s16+$0xFFFFFFB0];
	v45 =	vunpack.i.u.bf16.f32 v38;
	[tilespmem:s15+$0xFFFFFF00] =	vst v15;
	v41 =	vmul.f32 v32, v24  }
0x2c6: {  	v34 =	vunpack.i.l.bf16.f32 v59;
	v48 =	vmul.f32 v45, v17;
	[tilespmem:s14+$0xFFFFFFC0] =	vst v39  }
0x2c7: {  	v12 =	vmul.f32 $1.442695020e+00, v12;
	v42 =	vunpack.i.l.bf16.f32 v47;
	v36 =	vmul.f32 v11, v34;
	[tilespmem:s14+$0xFFFFFFB0] =	vst v41  }
0x2c8: {  	v51 =	vunpack.i.l.bf16.f32 v38;
	v44 =	vmul.f32 v42, v25;
	[tilespmem:s14+$0xD0] =	vst v48;
	v16 =	vld [tilespmem:s17+$0xFFFFFFF0]  }
0x2c9: {  	v54 =	vunpack.i.u.bf16.f32 v47;
	(erf) = vpow2.f32 v12;
	v12 =	vmul.f32 v51, v17;
	[tilespmem:s18+$0x0] =	vst v36;
	v55 =	vld [tilespmem:s16+$0xFFFFFF80]  }
0x2ca: {  	v47 =	vunpack.i.u.bf16.f32 v33;
	v17 =	vmul.f32 v54, v25;
	[tilespmem:s18+$0x70] =	vst v44  }
0x2cb: {  	v5 =	vmul.f32 $1.442695020e+00, v5;
	v48 =	vmul.f32 v47, v8;
	[tilespmem:s14+$0xC0] =	vst v12;
	v37 =	vunpack.i.l.bf16.f32 v63  }
0x2cc: {  	[tilespmem:s18+$0x80] =	vst v17;
	v39 =	vmul.f32 v37, v6  }
0x2cd: {  	[tilespmem:s15+$0xFFFFFF40] =	vst v48;
	v4 =	vpop (erf);
	(erf) = vpow2.f32 v5;
	v53 =	vunpack.i.l.bf16.f32 v16  }
0x2ce: {  	[tilespmem:s15+$0x20] =	vst v39;
	v12 =	vunpack.i.u.bf16.f32 v55;
	v14 =	vmul.f32 v53, v32  }
0x2cf: {  	[tilespmem:s18+$0x130] =	vst v4;
	v28 =	vunpack.i.l.bf16.f32 v55;
	v30 =	vmul.f32 v15, v12  }
0x2d0: {  	vm15 =	vmmov vm2;
	v46 =	vld [tilespmem:s19+$0x60];
	[tilespmem:s14+$0xFFFFFFD0] =	vst v14;
	v14 =	vmul.f32 v15, v28  }
0x2d1: {  	v31 =	vunpack.i.u.bf16.f32 v35;
	v35 =	vmul.f32 $2.000000030e-01, v23;
	v16 =	vunpack.i.u.bf16.f32 v16;
	[tilespmem:s15+$0xFFFFFED0] =	vst v30  }
0x2d2: {  	vm0 =	vmmov vm15;
	v12 =	vmul.f32 v21, v31;
	v10 =	vpop (erf);
	v57 =	vmul.f32 v16, v32;
	v32 =	vld [tilespmem:s19+$0xFFFFFFA0];
	[tilespmem:s15+$0xFFFFFEC0] =	vst v14  }
0x2d3: {  	v40 =	vsel vm0, v23, v35;
	v29 =	vunpack.i.u.bf16.f32 v59;
	[tilespmem:s15+$0xE0] =	vst v10;
	v38 =	vld [tilespmem:s16+$0xFFFFFF90]  }
0x2d4: {  	v3 =	vsub.f32 v40, v3;
	[tilespmem:s18+$0xFFFFFF70] =	vst v12;
	v16 =	vmul.f32 v11, v29;
	v41 =	vld [tilespmem:s16+$0x40]  }
0x2d5: {  	[tilespmem:s14+$0xFFFFFFE0] =	vst v57;
	v53 =	vunpack.i.u.bf16.f32 v46  }
0x2d6: {  	v3 =	vmul.f32 $1.442695020e+00, v3;
	[tilespmem:s18+$0x10] =	vst v16;
	v56 =	vmul.f32 v4, v53;
	v45 =	vpop (erf);
	v14 =	vunpack.i.l.bf16.f32 v33  }
0x2d7: {  	v59 =	vmul.f32 $1.442695020e+00, v18;
	v27 =	vld [tilespmem:s19+$0xFFFFFFD0];
	v43 =	vunpack.i.l.bf16.f32 v32;
	[tilespmem:s15+$0xFFFFFFF0] =	vst v45;
	v55 =	vmul.f32 v14, v8  }
0x2d8: {  	(erf) = vpow2.f32 v3;
	[tilespmem:s18+$0x100] =	vst v56;
	v5 =	vmul.f32 v9, v43;
	v49 =	vunpack.i.u.bf16.f32 v38  }
0x2d9: {  	v51 =	vunpack.i.l.bf16.f32 v41;
	(erf) = vpow2.f32 v59;
	v50 =	vld [tilespmem:s16+$0xFFFFFFE0];
	[tilespmem:s15+$0xFFFFFF30] =	vst v55;
	v3 =	vmul.f32 v49, v15  }
0x2da: {  	v52 =	vunpack.i.u.bf16.f32 v41;
	[tilespmem:s18+$0xFFFFFF10] =	vst v5;
	v5 =	vmul.f32 v10, v51  }
0x2db: {  	v26 =	vunpack.i.u.bf16.f32 v32;
	[tilespmem:s15+$0xFFFFFEF0] =	vst v3;
	v3 =	vmul.f32 v10, v52  }
0x2dc: {  	v54 =	vld [tilespmem:s16+$0x70];
	v35 =	vunpack.i.l.bf16.f32 v27;
	v28 =	vmul.f32 v9, v26;
	[tilespmem:s15+$0xA0] =	vst v5  }
0x2dd: {  	v41 =	vunpack.i.l.bf16.f32 v46;
	v6 =	vmul.f32 v35, v21;
	[tilespmem:s15+$0xB0] =	vst v3  }
0x2de: {  	v14 =	vmul.f32 v4, v41;
	[tilespmem:s18+$0xFFFFFF20] =	vst v28;
	v3 =	vunpack.i.u.bf16.f32 v50;
	v57 =	vld [tilespmem:s16+$0x50]  }
0x2df: {  	v24 =	vmul.f32 $1.442695020e+00, v22;
	[tilespmem:s18+$0xFFFFFF80] =	vst v6;
	v58 =	vunpack.i.l.bf16.f32 v50;
	v3 =	vmul.f32 v45, v3  }
0x2e0: {  	[tilespmem:s18+$0xF0] =	vst v14;
	v60 =	vmul.f32 v45, v58  }
0x2e1: {  	v42 =	vld [tilespmem:s19+$0xFFFFFFB0];
	v63 =	vpop (erf);
	(erf) = vpow2.f32 v24;
	[tilespmem:s15+$0xFFFFFFC0] =	vst v3;
	v3 =	vunpack.i.l.bf16.f32 v54  }
0x2e2: {  	[tilespmem:s15+$0xFFFFFFB0] =	vst v60;
	v36 =	vpop (erf);
	v3 =	vmul.f32 v3, v13  }
0x2e3: {  	[tilespmem:s18+$0xE0] =	vst v36;
	v25 =	vunpack.i.u.bf16.f32 v57  }
0x2e4: {  	v62 =	vunpack.i.u.bf16.f32 v54;
	[tilespmem:s15+$0x110] =	vst v3;
	v3 =	vmul.f32 v25, v10  }
0x2e5: {  	v5 =	vmul.f32 v62, v13;
	v29 =	vunpack.i.l.bf16.f32 v38;
	[tilespmem:s18+$0xFFFFFF00] =	vst v63;
	v39 =	vld [tilespmem:s19+$0x40]  }
0x2e6: {  	v31 =	vmul.f32 v29, v15;
	v48 =	vunpack.i.u.bf16.f32 v42;
	[tilespmem:s15+$0xD0] =	vst v3;
	v3 =	vld [tilespmem:s19+$0xFFFFFF80]  }
0x2e7: {  	[tilespmem:s15+$0x120] =	vst v5;
	v15 =	vunpack.i.l.bf16.f32 v42;
	v49 =	vmul.f32 v48, v9;
	v20 =	vld [tilespmem:s16+$0xFFFFFFF0]  }
0x2e8: {  	v37 =	vld [tilespmem:s19+$0x10];
	[tilespmem:s15+$0xFFFFFEE0] =	vst v31;
	v54 =	vmul.f32 v15, v9  }
0x2e9: {  	[tilespmem:s18+$0xFFFFFF40] =	vst v49;
	v30 =	vunpack.i.l.bf16.f32 v57  }
0x2ea: {  	[tilespmem:s18+$0xFFFFFF30] =	vst v54;
	v46 =	vunpack.i.l.bf16.f32 v39;
	v5 =	vmul.f32 v30, v10;
	v40 =	vpop (erf)  }
0x2eb: {  	v47 =	vmul.f32 v36, v46;
	[tilespmem:s18+$0xFFFFFFF0] =	vst v40;
	v38 =	vunpack.i.l.bf16.f32 v3;
	v3 =	vunpack.i.u.bf16.f32 v3  }
0x2ec: {  	[tilespmem:s15+$0xC0] =	vst v5;
	v34 =	vunpack.i.u.bf16.f32 v20;
	v43 =	vld [tilespmem:s19+$0xFFFFFFE0];
	v3 =	vmul.f32 v63, v3  }
0x2ed: {  	v44 =	vunpack.i.l.bf16.f32 v37;
	[tilespmem:s18+$0xA0] =	vst v47;
	v5 =	vmul.f32 v34, v45  }
0x2ee: {  	[tilespmem:s18+$0xFFFFFED0] =	vst v3;
	v3 =	vmul.f32 v44, v11  }
0x2ef: {  	v50 =	vld [tilespmem:s19+$0x70];
	v12 =	vunpack.i.u.bf16.f32 v39;
	[tilespmem:s15+$0xFFFFFFE0] =	vst v5;
	v5 =	vmul.f32 v63, v38  }
0x2f0: {  	v13 =	vunpack.i.u.bf16.f32 v27;
	[tilespmem:s18+$0x20] =	vst v3;
	v3 =	vmul.f32 v36, v12  }
0x2f1: {  	v13 =	vmul.f32 v13, v21;
	v32 =	vunpack.i.l.bf16.f32 v20;
	[tilespmem:s18+$0xFFFFFEC0] =	vst v5;
	v5 =	vunpack.i.l.bf16.f32 v43  }
0x2f2: {  	v33 =	vmul.f32 v32, v45;
	v51 =	vunpack.i.u.bf16.f32 v43;
	v45 =	vld [tilespmem:s19+$0xFFFFFF90];
	v5 =	vmul.f32 v40, v5;
	[tilespmem:s18+$0xB0] =	vst v3  }
0x2f3: {  	[tilespmem:s18+$0xFFFFFF90] =	vst v13;
	v3 =	vmul.f32 v40, v51;
	v53 =	vld [tilespmem:s19+$0x50]  }
0x2f4: {  	v55 =	vunpack.i.l.bf16.f32 v50;
	[tilespmem:s18+$0xFFFFFFB0] =	vst v5  }
0x2f5: {  	v5 =	vmul.f32 v55, v4;
	[tilespmem:s18+$0xFFFFFFC0] =	vst v3;
	v3 =	vunpack.i.u.bf16.f32 v37  }
0x2f6: {  	v57 =	vunpack.i.u.bf16.f32 v50;
	[tilespmem:s15+$0xFFFFFFD0] =	vst v33;
	v3 =	vmul.f32 v3, v11;
	v56 =	vld [tilespmem:s19+$0xFFFFFFF0]  }
0x2f7: {  	v4 =	vmul.f32 v57, v4;
	[tilespmem:s18+$0x110] =	vst v5;
	v52 =	vunpack.i.u.bf16.f32 v45  }
0x2f8: {  	v13 =	vmul.f32 v52, v63;
	[tilespmem:s18+$0x30] =	vst v3;
	v3 =	vunpack.i.u.bf16.f32 v53  }
0x2f9: {  	[tilespmem:s18+$0x120] =	vst v4;
	v58 =	vunpack.i.l.bf16.f32 v45;
	v3 =	vmul.f32 v3, v36  }
0x2fa: {  	v60 =	vmul.f32 v58, v63;
	[tilespmem:s18+$0xFFFFFEF0] =	vst v13;
	v59 =	vunpack.i.l.bf16.f32 v53  }
0x2fb: {  	v61 =	vunpack.i.l.bf16.f32 v56;
	[tilespmem:s18+$0xD0] =	vst v3;
	v3 =	vmul.f32 v59, v36  }
0x2fc: {  	[tilespmem:s18+$0xFFFFFEE0] =	vst v60;
	v63 =	vunpack.i.u.bf16.f32 v56;
	v62 =	vmul.f32 v61, v40  }
0x2fd: {  	[tilespmem:s18+$0xC0] =	vst v3;
	v3 =	vmul.f32 v63, v40  }
0x2fe: {  	[tilespmem:s18+$0xFFFFFFD0] =	vst v62  }
0x2ff: {  	s8 =	simm.s32 $0x11880;
	s21 =	simm.s32 $0x4;
	[tilespmem:s18+$0xFFFFFFE0] =	vst v3  }
0x300: {  	[spmem:s2] =	stream.indirect.scatter.add.f32 [tilespmem:s9], [sflag:$0x3], $0x50, s8, s28, $0xb8;
	[tilespmem:$0x1BD10] =	vst v63  }
0x301: {  	_ =	swait.ge [sflag:s21], $0x2800  }
0x302: {  	[sflag:s21] =	ssyncset.done $0x0  }
0x303: {  	[sflag:s21] =	ssyncadd.s32 $0xFFFFD800  }
0x304: {  	_ =	swait.ge [sflag:s22], $0x2800  }
0x305: {  	[sflag:s22] =	ssyncset.done $0x0  }
0x306: {  	[sflag:s22] =	ssyncadd.s32 $0xFFFFD800  }
0x307: {  	s22 =	stileid.u32;
	[bflag:$0x0] =	sbarrier.arrive $0xFFFF  }
0x308: {  	s8 =	sshll.u32 s22, $0x6;
	s14 =	rddreg [dreg:$0x5]  }
0x309: {  	s8 =	sor.u32 $0x1C05, s8;
	s24 =	rddreg [dreg:$0x11];
	s12 =	sshrl.u32 s14, $0x3  }
0x30a: {  	[hbm:s24], [sflag:s8] =	dma.local [spmem:s12], $0x1900  }
0x30b: {  	_ =	swait.ge [sflag:s23], $0x1900  }
0x30c: {  	s3 =	sadd.s32 $0x1, s3;
	s25 =	rddreg [dreg:$0x12]  }
0x30d: {  	p0 =	sne.s32 s3, s25  }
.Ltmp5:
0x30e: {  	_ = 	snop;
	(pc) =	sbr.rel @p0 .LBB2_1-.Ltmp5, $3  }
0x30f: {  	_ =	sdelay $0x1  }
0x310: {  	[sflag:s23] =	ssyncset.done $0x0  }
0x311: {  	[sflag:s23] =	ssyncadd.s32 $0xFFFFE700  }
0x312: {  	_ =	sfence.sel $0x180000  }
0x313: {  	[bflag:$0x0] =	sbarrier.arrive $0xFFFF  }
0x314: {  	_ =	strace $0x90000047  }
0x315: {  	s0 =	stileid.u32;
	[bflag:$0x2] =	sbarrier.arrive $0xFFFF  }
0x316: {  	p0 =	sne.s32 s0, $0x0;
	s0 =	rddreg [dreg:$0x3]  }
0x317: {  	s0 =	sadd.s32 @!p0 $0x100000, s0  }
0x318: {  	[sflag:s0] =	ssyncadd.tile.s32 @!p0 $0x1;
	_ =	shalt  }
.Lfunc_end2:
_tile_overlayer_lowered:
.L_overlay_start_2:
0x319: {  	(tag) =	ssettag $0x2  }
0x31a: {  	s0 =	rddreg [dreg:$0x0];
	s2 =	stileid.u32  }
0x31b: {  	s1 =	rddreg [dreg:$0x1];
	p0 =	sne.s32 s2, $0x0  }
0x31c: {  	s3 =	rddreg [dreg:$0x2];
	[bflag:$0x3] =	sbarrier.arrive $0xFFFF;
	s2 =	simm.s32 @!p0 $0x1C05  }
0x31d: {  	[timem:s3], [sflag:s2] =	dma.local @!p0 [hbm:s0], s1  }
0x31e: {  	s0 =	simm.s32 @!p0 $0x5  }
0x31f: {  	_ =	swait.ge @!p0 [sflag:s0], s1  }
0x320: {  	s1 =	ssub.s32 @!p0 $0x0, s1;
	[sflag:s0] =	ssyncset.done @!p0 $0x0  }
0x321: {  	[sflag:s0] =	ssyncadd.s32 @!p0 s1  }
0x322: {  	[bflag:$0x3] =	sbarrier.arrive $0xFFFF  }
0x323: {  	_ =	shalt  }

</sc_bundles>
